<compile_context>
chip_gen: v7x
topology: tpu7x:2x2x1
jax: 0.10.2.dev20260603
libtpu: 0.0.44.dev20260713+nightly
codegen_flags: <defaults>
</compile_context>

<pallas_src>
import functools

import jax
import jax.numpy as jnp
from jax import lax
from jax.experimental import pallas as pl
from jax.experimental.pallas import tpu as pltpu
from jax.experimental.pallas import tpu_sc as plsc

_INFO = plsc.get_sparse_core_info()
_NC, _NS = _INFO.num_cores, _INFO.num_subcores
_NW = _NC * _NS
_L = _INFO.num_lanes

_CHUNK = 32
_REPL = 512


def _make_sc_kernel(batch, embed, nrows, dtype):
    b_per_w = batch // _NW
    max_chunks = b_per_w // _CHUNK
    n_groups = b_per_w // _L
    mesh = plsc.VectorSubcoreMesh(core_axis_name="c", subcore_axis_name="s")

    @functools.partial(
        pl.kernel,
        out_type=jax.ShapeDtypeStruct((batch, embed), dtype),
        mesh=mesh,
        compiler_params=pltpu.CompilerParams(needs_layout_passes=False),
        scratch_types=[
            pltpu.VMEM((b_per_w,), jnp.int32),
            pltpu.VMEM((2 * _CHUNK,), jnp.int32),
            pltpu.VMEM((b_per_w + _CHUNK,), jnp.int32),
            pltpu.VMEM((b_per_w + _CHUNK,), jnp.int32),
            pltpu.VMEM((max_chunks, _CHUNK), jnp.int32),
            pltpu.VMEM((max_chunks, _CHUNK), jnp.int32),
            pltpu.VMEM((_CHUNK, embed), dtype),
            pltpu.VMEM((_CHUNK, embed), dtype),
            pltpu.SemaphoreType.DMA,
            pltpu.SemaphoreType.DMA,
            pltpu.SemaphoreType.DMA,
        ],
    )
    def k(table_hbm, idx_hbm, out_hbm, idx_v, fill_i, p0f, p1f, p0, p1,
          src0, src1, fsem, ssem0, ssem1):
        wid = lax.axis_index("s") * _NC + lax.axis_index("c")
        base = wid * b_per_w
        lanes = lax.iota(jnp.int32, _L)

        pltpu.sync_copy(idx_hbm.at[pl.ds(base, b_per_w)], idx_v)

        for j in range(_CHUNK // _L):
            rep = (lanes + (wid * _CHUNK + j * _L)) & (_REPL - 1)
            fill_i[pl.ds(j * _L, _L)] = rep * nrows
            rep2 = (lanes + (wid * _CHUNK + j * _L + _REPL // 2)) & (_REPL - 1)
            fill_i[pl.ds(_CHUNK + j * _L, _L)] = rep2 * nrows + 1
        fill0 = pltpu.async_copy(
            table_hbm.at[fill_i.at[pl.ds(0, _CHUNK)]], src0, fsem)
        fill1 = pltpu.async_copy(
            table_hbm.at[fill_i.at[pl.ds(_CHUNK, _CHUNK)]], src1, fsem)

        n0 = jnp.int32(0)
        for j in range(n_groups):
            v = idx_v[pl.ds(j * _L, _L)]
            p = lanes + (base + j * _L)
            m0 = v == 0
            c0 = plsc.cumsum(jnp.where(m0, 1, 0))
            n1 = jnp.int32(j * _L) - n0
            plsc.store_scatter(p0f, [n0 + c0 - 1], p, mask=m0)
            plsc.store_scatter(p1f, [n1 + lanes - c0], p,
                               mask=jnp.logical_not(m0))
            n0 = n0 + jnp.max(c0)
        n1 = jnp.int32(b_per_w) - n0

        zero16 = jnp.zeros((_L,), jnp.int32)
        f0 = plsc.load_gather(p0f, [zero16])
        f1 = plsc.load_gather(p1f, [zero16])
        for t in range(_CHUNK // _L):
            p0f[pl.ds(n0 + t * _L, _L)] = f0
            p1f[pl.ds(n1 + t * _L, _L)] = f1

        for c in range(max_chunks):
            off0 = jnp.minimum(jnp.int32(c * _CHUNK),
                               jnp.maximum(n0 - _CHUNK, 0))
            off1 = jnp.minimum(jnp.int32(c * _CHUNK),
                               jnp.maximum(n1 - _CHUNK, 0))
            for q in range(_CHUNK // _L):
                p0[c, pl.ds(q * _L, _L)] = p0f[pl.ds(off0 + q * _L, _L)]
                p1[c, pl.ds(q * _L, _L)] = p1f[pl.ds(off1 + q * _L, _L)]

        k0 = lax.shift_right_logical(n0 + (_CHUNK - 1), 5)
        k1 = lax.shift_right_logical(n1 + (_CHUNK - 1), 5)

        fill0.wait()
        fill1.wait()

        for c in range(max_chunks):
            @pl.when(c < k0)
            def _s0():
                pltpu.async_copy(src0, out_hbm.at[p0.at[c]], ssem0)
            @pl.when(c < k1)
            def _s1():
                pltpu.async_copy(src1, out_hbm.at[p1.at[c]], ssem1)
        for c in range(max_chunks):
            @pl.when(c < k0)
            def _w0():
                pltpu.make_async_copy(src0, out_hbm.at[p0.at[c]], ssem0).wait()
            @pl.when(c < k1)
            def _w1():
                pltpu.make_async_copy(src1, out_hbm.at[p1.at[c]], ssem1).wait()

    return k


def kernel(indices, table):
    batch = indices.shape[0]
    nrows, embed = table.shape
    table_rep = jnp.broadcast_to(table[None, :, :], (_REPL, nrows, embed))
    table_rep = table_rep.reshape(_REPL * nrows, embed)
    k = _make_sc_kernel(batch, embed, nrows, table.dtype)
    return k(table_rep, indices.astype(jnp.int32))

# --- scband reference (transcript-rebuilt; emitter-appended) ---
"""Pipeline reference for scband-category-encoder-21534966022268 (READ-ONLY COPY).

The authoritative reference and input builder live on the scoring server;
editing this copy changes nothing except your own understanding.
"""

import jax, jax.numpy as jnp
import numpy as np

NB_CATEGORIES = 2
EMBED_DIM = 768
BATCH = 16384

def setup_inputs(seed: int = 0) -> dict:
    key = jax.random.key(seed)
    k_idx, k_tab = jax.random.split(key)
    indices = jax.random.randint(k_idx, (BATCH,), 0, NB_CATEGORIES, dtype=jnp.int64 if jax.config.jax_enable_x64 else jnp.int32)
    table = jax.random.normal(k_tab, (NB_CATEGORIES, EMBED_DIM), dtype=jnp.float32)
    return {"indices": indices, "table": table}

def reference(indices, table):
    # nn.Embedding lookup: out[i] = table[indices[i]]
    return jnp.take(table, indices, axis=0)

if __name__ == "__main__":
    import jax
    _d = setup_inputs()
    print(jax.jit(kernel)(*tuple(_d.values())))

</pallas_src>

<mosaic_0001>
#map = affine_map<(d0, d1) -> (0, 0)>
#map1 = affine_map<(d0, d1) -> (0)>
module attributes {stable_mosaic.version = 14 : i64} {
  func.func @k(%arg0: i32, %arg1: i32, %arg2: memref<1024x768xf32, #tpu.memory_space<hbm>>, %arg3: memref<16384xi32, #tpu.memory_space<hbm>>, %arg4: memref<16384x768xf32, #tpu.memory_space<hbm>>, %arg5: memref<512xi32, #tpu.memory_space<vmem>>, %arg6: memref<64xi32, #tpu.memory_space<vmem>>, %arg7: memref<544xi32, #tpu.memory_space<vmem>>, %arg8: memref<544xi32, #tpu.memory_space<vmem>>, %arg9: memref<16x32xi32, #tpu.memory_space<vmem>>, %arg10: memref<16x32xi32, #tpu.memory_space<vmem>>, %arg11: memref<32x768xf32, #tpu.memory_space<vmem>>, %arg12: memref<32x768xf32, #tpu.memory_space<vmem>>, %arg13: memref<!tpu.dma_semaphore, #tpu.memory_space<semaphore_mem>>, %arg14: memref<!tpu.dma_semaphore, #tpu.memory_space<semaphore_mem>>, %arg15: memref<!tpu.dma_semaphore, #tpu.memory_space<semaphore_mem>>) attributes {dimension_semantics = [#tpu.dimension_semantics<core_parallel>, #tpu.dimension_semantics<subcore_parallel>], iteration_bounds = array<i64: 2, 16>, scalar_prefetch = 0 : i64, scratch_operands = 11 : i64, tpu.core_type = #tpu.core_type<sc_vector_subcore>, window_params = [{transform_indices = #map}, {transform_indices = #map1}, {transform_indices = #map}]} {
    %mul3A = arith.constant 2 : i32
    %mul3A_0 = arith.muli %arg1, %mul3A : i32
    %add3A = arith.addi %mul3A_0, %arg0 : i32
    %mul3A_1 = arith.constant 512 : i32
    %mul3A_2 = arith.muli %add3A, %mul3A_1 : i32
    %iota3A = tpu.iota {dimensions = array<i32: 0>} : vector<16xi32>
    "tpu.region"() ({
      %run_scoped3A = tpu.sem_alloc : memref<!tpu.dma_semaphore, #tpu.memory_space<semaphore_mem>>
      %dma_start3A_2342 = tpu.memref_slice %arg3[%mul3A_2] : memref<16384xi32, #tpu.memory_space<hbm>> -> memref<512xi32, #tpu.memory_space<hbm>>
      %dma_start3A_2343 = tpu.memref_slice %arg3[%mul3A_2] : memref<16384xi32, #tpu.memory_space<hbm>> -> memref<512xi32, #tpu.memory_space<hbm>>
      tpu.enqueue_dma source(%dma_start3A_2343 : memref<512xi32, #tpu.memory_space<hbm>>) target(%arg5 : memref<512xi32, #tpu.memory_space<vmem>>) target_semaphore(%run_scoped3A : memref<!tpu.dma_semaphore, #tpu.memory_space<semaphore_mem>>)
      %dma_wait3A_2344 = tpu.memref_slice %arg3[%mul3A_2] : memref<16384xi32, #tpu.memory_space<hbm>> -> memref<512xi32, #tpu.memory_space<hbm>>
      %dma_wait3A_2345 = tpu.memref_slice %arg3[%mul3A_2] : memref<16384xi32, #tpu.memory_space<hbm>> -> memref<512xi32, #tpu.memory_space<hbm>>
      tpu.wait_dma2 semaphore(%run_scoped3A : memref<!tpu.dma_semaphore, #tpu.memory_space<semaphore_mem>>) src(%dma_wait3A_2345 : memref<512xi32, #tpu.memory_space<hbm>>) dst(%arg5 : memref<512xi32, #tpu.memory_space<vmem>>)
      tpu.yield
    }) : () -> ()
    %mul3A_3 = arith.constant 32 : i32
    %mul3A_4 = arith.muli %add3A, %mul3A_3 : i32
    %add3A_5 = arith.constant 0 : i32
    %add3A_6 = arith.addi %mul3A_4, %add3A_5 : i32
    %add3A_7 = vector.broadcast %add3A_6 : i32 to vector<16xi32>
    %add3A_8 = arith.addi %iota3A, %add3A_7 : vector<16xi32>
    %and3A = arith.constant 511 : i32
    %and3A_9 = vector.broadcast %and3A : i32 to vector<16xi32>
    %and3A_10 = arith.andi %add3A_8, %and3A_9 : vector<16xi32>
    %mul3A_11 = arith.constant 2 : i32
    %mul3A_12 = vector.broadcast %mul3A_11 : i32 to vector<16xi32>
    %mul3A_13 = arith.muli %and3A_10, %mul3A_12 : vector<16xi32>
    %swap3A = arith.constant 0 : index
    %swap3A_14 = tpu.vector_load %arg6[%swap3A] {strides = array<i32>} : memref<64xi32, #tpu.memory_space<vmem>>, vector<16xi32>,
    tpu.vector_store %arg6[%swap3A], %mul3A_13 {strides = array<i32>} : memref<64xi32, #tpu.memory_space<vmem>>, vector<16xi32>,
    %mul3A_15 = arith.constant 32 : i32
    %mul3A_16 = arith.muli %add3A, %mul3A_15 : i32
    %add3A_17 = arith.constant 0 : i32
    %add3A_18 = arith.addi %mul3A_16, %add3A_17 : i32
    %add3A_19 = arith.constant 256 : i32
    %add3A_20 = arith.addi %add3A_18, %add3A_19 : i32
    %add3A_21 = vector.broadcast %add3A_20 : i32 to vector<16xi32>
    %add3A_22 = arith.addi %iota3A, %add3A_21 : vector<16xi32>
    %and3A_23 = arith.constant 511 : i32
    %and3A_24 = vector.broadcast %and3A_23 : i32 to vector<16xi32>
    %and3A_25 = arith.andi %add3A_22, %and3A_24 : vector<16xi32>
    %mul3A_26 = arith.constant 2 : i32
    %mul3A_27 = vector.broadcast %mul3A_26 : i32 to vector<16xi32>
    %mul3A_28 = arith.muli %and3A_25, %mul3A_27 : vector<16xi32>
    %add3A_29 = arith.constant 1 : i32
    %add3A_30 = vector.broadcast %add3A_29 : i32 to vector<16xi32>
    %add3A_31 = arith.addi %mul3A_28, %add3A_30 : vector<16xi32>
    %swap3A_32 = arith.constant 32 : index
    %swap3A_33 = tpu.vector_load %arg6[%swap3A_32] {strides = array<i32>} : memref<64xi32, #tpu.memory_space<vmem>>, vector<16xi32>,
    tpu.vector_store %arg6[%swap3A_32], %add3A_31 {strides = array<i32>} : memref<64xi32, #tpu.memory_space<vmem>>, vector<16xi32>,
    %mul3A_34 = arith.constant 32 : i32
    %mul3A_35 = arith.muli %add3A, %mul3A_34 : i32
    %add3A_36 = arith.constant 16 : i32
    %add3A_37 = arith.addi %mul3A_35, %add3A_36 : i32
    %add3A_38 = vector.broadcast %add3A_37 : i32 to vector<16xi32>
    %add3A_39 = arith.addi %iota3A, %add3A_38 : vector<16xi32>
    %and3A_40 = arith.constant 511 : i32
    %and3A_41 = vector.broadcast %and3A_40 : i32 to vector<16xi32>
    %and3A_42 = arith.andi %add3A_39, %and3A_41 : vector<16xi32>
    %mul3A_43 = arith.constant 2 : i32
    %mul3A_44 = vector.broadcast %mul3A_43 : i32 to vector<16xi32>
    %mul3A_45 = arith.muli %and3A_42, %mul3A_44 : vector<16xi32>
    %swap3A_46 = arith.constant 16 : index
    %swap3A_47 = tpu.vector_load %arg6[%swap3A_46] {strides = array<i32>} : memref<64xi32, #tpu.memory_space<vmem>>, vector<16xi32>,
    tpu.vector_store %arg6[%swap3A_46], %mul3A_45 {strides = array<i32>} : memref<64xi32, #tpu.memory_space<vmem>>, vector<16xi32>,
    %mul3A_48 = arith.constant 32 : i32
    %mul3A_49 = arith.muli %add3A, %mul3A_48 : i32
    %add3A_50 = arith.constant 16 : i32
    %add3A_51 = arith.addi %mul3A_49, %add3A_50 : i32
    %add3A_52 = arith.constant 256 : i32
    %add3A_53 = arith.addi %add3A_51, %add3A_52 : i32
    %add3A_54 = vector.broadcast %add3A_53 : i32 to vector<16xi32>
    %add3A_55 = arith.addi %iota3A, %add3A_54 : vector<16xi32>
    %and3A_56 = arith.constant 511 : i32
    %and3A_57 = vector.broadcast %and3A_56 : i32 to vector<16xi32>
    %and3A_58 = arith.andi %add3A_55, %and3A_57 : vector<16xi32>
    %mul3A_59 = arith.constant 2 : i32
    %mul3A_60 = vector.broadcast %mul3A_59 : i32 to vector<16xi32>
    %mul3A_61 = arith.muli %and3A_58, %mul3A_60 : vector<16xi32>
    %add3A_62 = arith.constant 1 : i32
    %add3A_63 = vector.broadcast %add3A_62 : i32 to vector<16xi32>
    %add3A_64 = arith.addi %mul3A_61, %add3A_63 : vector<16xi32>
    %swap3A_65 = arith.constant 48 : index
    %swap3A_66 = tpu.vector_load %arg6[%swap3A_65] {strides = array<i32>} : memref<64xi32, #tpu.memory_space<vmem>>, vector<16xi32>,
    tpu.vector_store %arg6[%swap3A_65], %add3A_64 {strides = array<i32>} : memref<64xi32, #tpu.memory_space<vmem>>, vector<16xi32>,
    %dma_start3A = arith.constant 0 : i32
    %dma_start3A_67 = tpu.memref_slice %arg6[%dma_start3A] : memref<64xi32, #tpu.memory_space<vmem>> -> memref<32xi32, #tpu.memory_space<vmem>>
    %dma_start3A_68 = arith.constant 0 : i32
    %dma_start3A_69 = arith.constant 0 : i32
    %dma_start3A_70 = tpu.memref_slice %arg2[%dma_start3A_68, %dma_start3A_69] : memref<1024x768xf32, #tpu.memory_space<hbm>> -> memref<1024x768xf32, #tpu.memory_space<hbm>>
    tpu.enqueue_indirect_dma source(%dma_start3A_70 : memref<1024x768xf32, #tpu.memory_space<hbm>>) target(%arg11 : memref<32x768xf32, #tpu.memory_space<vmem>>) offsets(%dma_start3A_67 : memref<32xi32, #tpu.memory_space<vmem>>) semaphore(%arg13 : memref<!tpu.dma_semaphore, #tpu.memory_space<semaphore_mem>>)
    %dma_start3A_71 = arith.constant 32 : i32
    %dma_start3A_72 = tpu.memref_slice %arg6[%dma_start3A_71] : memref<64xi32, #tpu.memory_space<vmem>> -> memref<32xi32, #tpu.memory_space<vmem>>
    %dma_start3A_73 = arith.constant 0 : i32
    %dma_start3A_74 = arith.constant 0 : i32
    %dma_start3A_75 = tpu.memref_slice %arg2[%dma_start3A_73, %dma_start3A_74] : memref<1024x768xf32, #tpu.memory_space<hbm>> -> memref<1024x768xf32, #tpu.memory_space<hbm>>
    tpu.enqueue_indirect_dma source(%dma_start3A_75 : memref<1024x768xf32, #tpu.memory_space<hbm>>) target(%arg12 : memref<32x768xf32, #tpu.memory_space<vmem>>) offsets(%dma_start3A_72 : memref<32xi32, #tpu.memory_space<vmem>>) semaphore(%arg13 : memref<!tpu.dma_semaphore, #tpu.memory_space<semaphore_mem>>)
    %get3A = arith.constant 0 : index
    %get3A_76 = tpu.vector_load %arg5[%get3A] {strides = array<i32>} : memref<512xi32, #tpu.memory_space<vmem>>, vector<16xi32>,
    %add3A_77 = arith.constant 0 : i32
    %add3A_78 = arith.addi %mul3A_2, %add3A_77 : i32
    %add3A_79 = vector.broadcast %add3A_78 : i32 to vector<16xi32>
    %add3A_80 = arith.addi %iota3A, %add3A_79 : vector<16xi32>
    %eq3A = arith.constant 0 : i32
    %eq3A_81 = vector.broadcast %eq3A : i32 to vector<16xi32>
    %eq3A_82 = arith.cmpi eq, %get3A_76, %eq3A_81 : vector<16xi32>
    %jit3A = arith.constant 1 : i32
    %jit3A_83 = arith.constant 0 : i32
    %broadcast_in_dim3A = vector.broadcast %jit3A : i32 to vector<16xi32>
    %broadcast_in_dim3A_84 = vector.broadcast %jit3A_83 : i32 to vector<16xi32>
    %select_n3A = arith.select %eq3A_82, %broadcast_in_dim3A, %broadcast_in_dim3A_84 : vector<16xi1>, vector<16xi32>
    %broadcast_in_dim3A_85 = arith.constant true
    %broadcast_in_dim3A_86 = vector.broadcast %broadcast_in_dim3A_85 : i1 to vector<16xi1>
    %masked_cumsum3A = tpu.scan <sum>, %select_n3A masked %broadcast_in_dim3A_86 : vector<16xi32>, vector<16xi1> -> vector<16xi32>
    %sub3A = arith.constant 0 : i32
    %sub3A_87 = arith.constant 0 : i32
    %sub3A_88 = arith.subi %sub3A, %sub3A_87 : i32
    %add3A_89 = arith.constant 0 : i32
    %add3A_90 = vector.broadcast %add3A_89 : i32 to vector<16xi32>
    %add3A_91 = arith.addi %add3A_90, %masked_cumsum3A : vector<16xi32>
    %sub3A_92 = arith.constant 1 : i32
    %sub3A_93 = vector.broadcast %sub3A_92 : i32 to vector<16xi32>
    %sub3A_94 = arith.subi %add3A_91, %sub3A_93 : vector<16xi32>
    tpu.vector_store_idx %arg7[%sub3A_94], %add3A_80 masked %eq3A_82 : memref<544xi32, #tpu.memory_space<vmem>>[vector<16xi32>], vector<16xi32>, vector<16xi1>
    %add3A_95 = vector.broadcast %sub3A_88 : i32 to vector<16xi32>
    %add3A_96 = arith.addi %add3A_95, %iota3A : vector<16xi32>
    %sub3A_97 = arith.subi %add3A_96, %masked_cumsum3A : vector<16xi32>
    %not3A = arith.constant dense<true> : vector<16xi1>
    %not3A_98 = arith.xori %eq3A_82, %not3A : vector<16xi1>
    tpu.vector_store_idx %arg8[%sub3A_97], %add3A_80 masked %not3A_98 : memref<544xi32, #tpu.memory_space<vmem>>[vector<16xi32>], vector<16xi32>, vector<16xi1>
    %reduce_max3A = arith.constant true
    %reduce_max3A_99 = vector.broadcast %reduce_max3A : i1 to vector<16xi1>
    %reduce_max3A_100 = arith.constant -2147483648 : i32
    %reduce_max3A_101 = vector.broadcast %reduce_max3A_100 : i32 to vector<16xi32>
    %reduce_max3A_102 = arith.xori %masked_cumsum3A, %reduce_max3A_101 : vector<16xi32>
    %reduce_max3A_103 = tpu.scan <max>, %reduce_max3A_102 masked %reduce_max3A_99 : vector<16xi32>, vector<16xi1> -> vector<16xi32>
    %reduce_max3A_104 = arith.xori %reduce_max3A_103, %reduce_max3A_101 : vector<16xi32>
    %reduce_max3A_105 = vector.extract %reduce_max3A_104[15] : i32 from vector<16xi32>
    %add3A_106 = arith.constant 0 : i32
    %add3A_107 = arith.addi %add3A_106, %reduce_max3A_105 : i32
    %get3A_108 = arith.constant 16 : index
    %get3A_109 = tpu.vector_load %arg5[%get3A_108] {strides = array<i32>} : memref<512xi32, #tpu.memory_space<vmem>>, vector<16xi32>,
    %add3A_110 = arith.constant 16 : i32
    %add3A_111 = arith.addi %mul3A_2, %add3A_110 : i32
    %add3A_112 = vector.broadcast %add3A_111 : i32 to vector<16xi32>
    %add3A_113 = arith.addi %iota3A, %add3A_112 : vector<16xi32>
    %eq3A_114 = arith.constant 0 : i32
    %eq3A_115 = vector.broadcast %eq3A_114 : i32 to vector<16xi32>
    %eq3A_116 = arith.cmpi eq, %get3A_109, %eq3A_115 : vector<16xi32>
    %jit3A_117 = arith.constant 1 : i32
    %jit3A_118 = arith.constant 0 : i32
    %broadcast_in_dim3A_119 = vector.broadcast %jit3A_117 : i32 to vector<16xi32>
    %broadcast_in_dim3A_120 = vector.broadcast %jit3A_118 : i32 to vector<16xi32>
    %select_n3A_121 = arith.select %eq3A_116, %broadcast_in_dim3A_119, %broadcast_in_dim3A_120 : vector<16xi1>, vector<16xi32>
    %broadcast_in_dim3A_122 = arith.constant true
    %broadcast_in_dim3A_123 = vector.broadcast %broadcast_in_dim3A_122 : i1 to vector<16xi1>
    %masked_cumsum3A_124 = tpu.scan <sum>, %select_n3A_121 masked %broadcast_in_dim3A_123 : vector<16xi32>, vector<16xi1> -> vector<16xi32>
    %sub3A_125 = arith.constant 16 : i32
    %sub3A_126 = arith.subi %sub3A_125, %add3A_107 : i32
    %add3A_127 = vector.broadcast %add3A_107 : i32 to vector<16xi32>
    %add3A_128 = arith.addi %add3A_127, %masked_cumsum3A_124 : vector<16xi32>
    %sub3A_129 = arith.constant 1 : i32
    %sub3A_130 = vector.broadcast %sub3A_129 : i32 to vector<16xi32>
    %sub3A_131 = arith.subi %add3A_128, %sub3A_130 : vector<16xi32>
    tpu.vector_store_idx %arg7[%sub3A_131], %add3A_113 masked %eq3A_116 : memref<544xi32, #tpu.memory_space<vmem>>[vector<16xi32>], vector<16xi32>, vector<16xi1>
    %add3A_132 = vector.broadcast %sub3A_126 : i32 to vector<16xi32>
    %add3A_133 = arith.addi %add3A_132, %iota3A : vector<16xi32>
    %sub3A_134 = arith.subi %add3A_133, %masked_cumsum3A_124 : vector<16xi32>
    %not3A_135 = arith.constant dense<true> : vector<16xi1>
    %not3A_136 = arith.xori %eq3A_116, %not3A_135 : vector<16xi1>
    tpu.vector_store_idx %arg8[%sub3A_134], %add3A_113 masked %not3A_136 : memref<544xi32, #tpu.memory_space<vmem>>[vector<16xi32>], vector<16xi32>, vector<16xi1>
    %reduce_max3A_137 = arith.constant true
    %reduce_max3A_138 = vector.broadcast %reduce_max3A_137 : i1 to vector<16xi1>
    %reduce_max3A_139 = arith.constant -2147483648 : i32
    %reduce_max3A_140 = vector.broadcast %reduce_max3A_139 : i32 to vector<16xi32>
    %reduce_max3A_141 = arith.xori %masked_cumsum3A_124, %reduce_max3A_140 : vector<16xi32>
    %reduce_max3A_142 = tpu.scan <max>, %reduce_max3A_141 masked %reduce_max3A_138 : vector<16xi32>, vector<16xi1> -> vector<16xi32>
    %reduce_max3A_143 = arith.xori %reduce_max3A_142, %reduce_max3A_140 : vector<16xi32>
    %reduce_max3A_144 = vector.extract %reduce_max3A_143[15] : i32 from vector<16xi32>
    %add3A_145 = arith.addi %add3A_107, %reduce_max3A_144 : i32
    %get3A_146 = arith.constant 32 : index
    %get3A_147 = tpu.vector_load %arg5[%get3A_146] {strides = array<i32>} : memref<512xi32, #tpu.memory_space<vmem>>, vector<16xi32>,
    %add3A_148 = arith.constant 32 : i32
    %add3A_149 = arith.addi %mul3A_2, %add3A_148 : i32
    %add3A_150 = vector.broadcast %add3A_149 : i32 to vector<16xi32>
    %add3A_151 = arith.addi %iota3A, %add3A_150 : vector<16xi32>
    %eq3A_152 = arith.constant 0 : i32
    %eq3A_153 = vector.broadcast %eq3A_152 : i32 to vector<16xi32>
    %eq3A_154 = arith.cmpi eq, %get3A_147, %eq3A_153 : vector<16xi32>
    %jit3A_155 = arith.constant 1 : i32
    %jit3A_156 = arith.constant 0 : i32
    %broadcast_in_dim3A_157 = vector.broadcast %jit3A_155 : i32 to vector<16xi32>
    %broadcast_in_dim3A_158 = vector.broadcast %jit3A_156 : i32 to vector<16xi32>
    %select_n3A_159 = arith.select %eq3A_154, %broadcast_in_dim3A_157, %broadcast_in_dim3A_158 : vector<16xi1>, vector<16xi32>
    %broadcast_in_dim3A_160 = arith.constant true
    %broadcast_in_dim3A_161 = vector.broadcast %broadcast_in_dim3A_160 : i1 to vector<16xi1>
    %masked_cumsum3A_162 = tpu.scan <sum>, %select_n3A_159 masked %broadcast_in_dim3A_161 : vector<16xi32>, vector<16xi1> -> vector<16xi32>
    %sub3A_163 = arith.constant 32 : i32
    %sub3A_164 = arith.subi %sub3A_163, %add3A_145 : i32
    %add3A_165 = vector.broadcast %add3A_145 : i32 to vector<16xi32>
    %add3A_166 = arith.addi %add3A_165, %masked_cumsum3A_162 : vector<16xi32>
    %sub3A_167 = arith.constant 1 : i32
    %sub3A_168 = vector.broadcast %sub3A_167 : i32 to vector<16xi32>
    %sub3A_169 = arith.subi %add3A_166, %sub3A_168 : vector<16xi32>
    tpu.vector_store_idx %arg7[%sub3A_169], %add3A_151 masked %eq3A_154 : memref<544xi32, #tpu.memory_space<vmem>>[vector<16xi32>], vector<16xi32>, vector<16xi1>
    %add3A_170 = vector.broadcast %sub3A_164 : i32 to vector<16xi32>
    %add3A_171 = arith.addi %add3A_170, %iota3A : vector<16xi32>
    %sub3A_172 = arith.subi %add3A_171, %masked_cumsum3A_162 : vector<16xi32>
    %not3A_173 = arith.constant dense<true> : vector<16xi1>
    %not3A_174 = arith.xori %eq3A_154, %not3A_173 : vector<16xi1>
    tpu.vector_store_idx %arg8[%sub3A_172], %add3A_151 masked %not3A_174 : memref<544xi32, #tpu.memory_space<vmem>>[vector<16xi32>], vector<16xi32>, vector<16xi1>
    %reduce_max3A_175 = arith.constant true
    %reduce_max3A_176 = vector.broadcast %reduce_max3A_175 : i1 to vector<16xi1>
    %reduce_max3A_177 = arith.constant -2147483648 : i32
    %reduce_max3A_178 = vector.broadcast %reduce_max3A_177 : i32 to vector<16xi32>
    %reduce_max3A_179 = arith.xori %masked_cumsum3A_162, %reduce_max3A_178 : vector<16xi32>
    %reduce_max3A_180 = tpu.scan <max>, %reduce_max3A_179 masked %reduce_max3A_176 : vector<16xi32>, vector<16xi1> -> vector<16xi32>
    %reduce_max3A_181 = arith.xori %reduce_max3A_180, %reduce_max3A_178 : vector<16xi32>
    %reduce_max3A_182 = vector.extract %reduce_max3A_181[15] : i32 from vector<16xi32>
    %add3A_183 = arith.addi %add3A_145, %reduce_max3A_182 : i32
    %get3A_184 = arith.constant 48 : index
    %get3A_185 = tpu.vector_load %arg5[%get3A_184] {strides = array<i32>} : memref<512xi32, #tpu.memory_space<vmem>>, vector<16xi32>,
    %add3A_186 = arith.constant 48 : i32
    %add3A_187 = arith.addi %mul3A_2, %add3A_186 : i32
    %add3A_188 = vector.broadcast %add3A_187 : i32 to vector<16xi32>
    %add3A_189 = arith.addi %iota3A, %add3A_188 : vector<16xi32>
    %eq3A_190 = arith.constant 0 : i32
    %eq3A_191 = vector.broadcast %eq3A_190 : i32 to vector<16xi32>
    %eq3A_192 = arith.cmpi eq, %get3A_185, %eq3A_191 : vector<16xi32>
    %jit3A_193 = arith.constant 1 : i32
    %jit3A_194 = arith.constant 0 : i32
    %broadcast_in_dim3A_195 = vector.broadcast %jit3A_193 : i32 to vector<16xi32>
    %broadcast_in_dim3A_196 = vector.broadcast %jit3A_194 : i32 to vector<16xi32>
    %select_n3A_197 = arith.select %eq3A_192, %broadcast_in_dim3A_195, %broadcast_in_dim3A_196 : vector<16xi1>, vector<16xi32>
    %broadcast_in_dim3A_198 = arith.constant true
    %broadcast_in_dim3A_199 = vector.broadcast %broadcast_in_dim3A_198 : i1 to vector<16xi1>
    %masked_cumsum3A_200 = tpu.scan <sum>, %select_n3A_197 masked %broadcast_in_dim3A_199 : vector<16xi32>, vector<16xi1> -> vector<16xi32>
    %sub3A_201 = arith.constant 48 : i32
    %sub3A_202 = arith.subi %sub3A_201, %add3A_183 : i32
    %add3A_203 = vector.broadcast %add3A_183 : i32 to vector<16xi32>
    %add3A_204 = arith.addi %add3A_203, %masked_cumsum3A_200 : vector<16xi32>
    %sub3A_205 = arith.constant 1 : i32
    %sub3A_206 = vector.broadcast %sub3A_205 : i32 to vector<16xi32>
    %sub3A_207 = arith.subi %add3A_204, %sub3A_206 : vector<16xi32>
    tpu.vector_store_idx %arg7[%sub3A_207], %add3A_189 masked %eq3A_192 : memref<544xi32, #tpu.memory_space<vmem>>[vector<16xi32>], vector<16xi32>, vector<16xi1>
    %add3A_208 = vector.broadcast %sub3A_202 : i32 to vector<16xi32>
    %add3A_209 = arith.addi %add3A_208, %iota3A : vector<16xi32>
    %sub3A_210 = arith.subi %add3A_209, %masked_cumsum3A_200 : vector<16xi32>
    %not3A_211 = arith.constant dense<true> : vector<16xi1>
    %not3A_212 = arith.xori %eq3A_192, %not3A_211 : vector<16xi1>
    tpu.vector_store_idx %arg8[%sub3A_210], %add3A_189 masked %not3A_212 : memref<544xi32, #tpu.memory_space<vmem>>[vector<16xi32>], vector<16xi32>, vector<16xi1>
    %reduce_max3A_213 = arith.constant true
    %reduce_max3A_214 = vector.broadcast %reduce_max3A_213 : i1 to vector<16xi1>
    %reduce_max3A_215 = arith.constant -2147483648 : i32
    %reduce_max3A_216 = vector.broadcast %reduce_max3A_215 : i32 to vector<16xi32>
    %reduce_max3A_217 = arith.xori %masked_cumsum3A_200, %reduce_max3A_216 : vector<16xi32>
    %reduce_max3A_218 = tpu.scan <max>, %reduce_max3A_217 masked %reduce_max3A_214 : vector<16xi32>, vector<16xi1> -> vector<16xi32>
    %reduce_max3A_219 = arith.xori %reduce_max3A_218, %reduce_max3A_216 : vector<16xi32>
    %reduce_max3A_220 = vector.extract %reduce_max3A_219[15] : i32 from vector<16xi32>
    %add3A_221 = arith.addi %add3A_183, %reduce_max3A_220 : i32
    %get3A_222 = arith.constant 64 : index
    %get3A_223 = tpu.vector_load %arg5[%get3A_222] {strides = array<i32>} : memref<512xi32, #tpu.memory_space<vmem>>, vector<16xi32>,
    %add3A_224 = arith.constant 64 : i32
    %add3A_225 = arith.addi %mul3A_2, %add3A_224 : i32
    %add3A_226 = vector.broadcast %add3A_225 : i32 to vector<16xi32>
    %add3A_227 = arith.addi %iota3A, %add3A_226 : vector<16xi32>
    %eq3A_228 = arith.constant 0 : i32
    %eq3A_229 = vector.broadcast %eq3A_228 : i32 to vector<16xi32>
    %eq3A_230 = arith.cmpi eq, %get3A_223, %eq3A_229 : vector<16xi32>
    %jit3A_231 = arith.constant 1 : i32
    %jit3A_232 = arith.constant 0 : i32
    %broadcast_in_dim3A_233 = vector.broadcast %jit3A_231 : i32 to vector<16xi32>
    %broadcast_in_dim3A_234 = vector.broadcast %jit3A_232 : i32 to vector<16xi32>
    %select_n3A_235 = arith.select %eq3A_230, %broadcast_in_dim3A_233, %broadcast_in_dim3A_234 : vector<16xi1>, vector<16xi32>
    %broadcast_in_dim3A_236 = arith.constant true
    %broadcast_in_dim3A_237 = vector.broadcast %broadcast_in_dim3A_236 : i1 to vector<16xi1>
    %masked_cumsum3A_238 = tpu.scan <sum>, %select_n3A_235 masked %broadcast_in_dim3A_237 : vector<16xi32>, vector<16xi1> -> vector<16xi32>
    %sub3A_239 = arith.constant 64 : i32
    %sub3A_240 = arith.subi %sub3A_239, %add3A_221 : i32
    %add3A_241 = vector.broadcast %add3A_221 : i32 to vector<16xi32>
    %add3A_242 = arith.addi %add3A_241, %masked_cumsum3A_238 : vector<16xi32>
    %sub3A_243 = arith.constant 1 : i32
    %sub3A_244 = vector.broadcast %sub3A_243 : i32 to vector<16xi32>
    %sub3A_245 = arith.subi %add3A_242, %sub3A_244 : vector<16xi32>
    tpu.vector_store_idx %arg7[%sub3A_245], %add3A_227 masked %eq3A_230 : memref<544xi32, #tpu.memory_space<vmem>>[vector<16xi32>], vector<16xi32>, vector<16xi1>
    %add3A_246 = vector.broadcast %sub3A_240 : i32 to vector<16xi32>
    %add3A_247 = arith.addi %add3A_246, %iota3A : vector<16xi32>
    %sub3A_248 = arith.subi %add3A_247, %masked_cumsum3A_238 : vector<16xi32>
    %not3A_249 = arith.constant dense<true> : vector<16xi1>
    %not3A_250 = arith.xori %eq3A_230, %not3A_249 : vector<16xi1>
    tpu.vector_store_idx %arg8[%sub3A_248], %add3A_227 masked %not3A_250 : memref<544xi32, #tpu.memory_space<vmem>>[vector<16xi32>], vector<16xi32>, vector<16xi1>
    %reduce_max3A_251 = arith.constant true
    %reduce_max3A_252 = vector.broadcast %reduce_max3A_251 : i1 to vector<16xi1>
    %reduce_max3A_253 = arith.constant -2147483648 : i32
    %reduce_max3A_254 = vector.broadcast %reduce_max3A_253 : i32 to vector<16xi32>
    %reduce_max3A_255 = arith.xori %masked_cumsum3A_238, %reduce_max3A_254 : vector<16xi32>
    %reduce_max3A_256 = tpu.scan <max>, %reduce_max3A_255 masked %reduce_max3A_252 : vector<16xi32>, vector<16xi1> -> vector<16xi32>
    %reduce_max3A_257 = arith.xori %reduce_max3A_256, %reduce_max3A_254 : vector<16xi32>
    %reduce_max3A_258 = vector.extract %reduce_max3A_257[15] : i32 from vector<16xi32>
    %add3A_259 = arith.addi %add3A_221, %reduce_max3A_258 : i32
    %get3A_260 = arith.constant 80 : index
    %get3A_261 = tpu.vector_load %arg5[%get3A_260] {strides = array<i32>} : memref<512xi32, #tpu.memory_space<vmem>>, vector<16xi32>,
    %add3A_262 = arith.constant 80 : i32
    %add3A_263 = arith.addi %mul3A_2, %add3A_262 : i32
    %add3A_264 = vector.broadcast %add3A_263 : i32 to vector<16xi32>
    %add3A_265 = arith.addi %iota3A, %add3A_264 : vector<16xi32>
    %eq3A_266 = arith.constant 0 : i32
    %eq3A_267 = vector.broadcast %eq3A_266 : i32 to vector<16xi32>
    %eq3A_268 = arith.cmpi eq, %get3A_261, %eq3A_267 : vector<16xi32>
    %jit3A_269 = arith.constant 1 : i32
    %jit3A_270 = arith.constant 0 : i32
    %broadcast_in_dim3A_271 = vector.broadcast %jit3A_269 : i32 to vector<16xi32>
    %broadcast_in_dim3A_272 = vector.broadcast %jit3A_270 : i32 to vector<16xi32>
    %select_n3A_273 = arith.select %eq3A_268, %broadcast_in_dim3A_271, %broadcast_in_dim3A_272 : vector<16xi1>, vector<16xi32>
    %broadcast_in_dim3A_274 = arith.constant true
    %broadcast_in_dim3A_275 = vector.broadcast %broadcast_in_dim3A_274 : i1 to vector<16xi1>
    %masked_cumsum3A_276 = tpu.scan <sum>, %select_n3A_273 masked %broadcast_in_dim3A_275 : vector<16xi32>, vector<16xi1> -> vector<16xi32>
    %sub3A_277 = arith.constant 80 : i32
    %sub3A_278 = arith.subi %sub3A_277, %add3A_259 : i32
    %add3A_279 = vector.broadcast %add3A_259 : i32 to vector<16xi32>
    %add3A_280 = arith.addi %add3A_279, %masked_cumsum3A_276 : vector<16xi32>
    %sub3A_281 = arith.constant 1 : i32
    %sub3A_282 = vector.broadcast %sub3A_281 : i32 to vector<16xi32>
    %sub3A_283 = arith.subi %add3A_280, %sub3A_282 : vector<16xi32>
    tpu.vector_store_idx %arg7[%sub3A_283], %add3A_265 masked %eq3A_268 : memref<544xi32, #tpu.memory_space<vmem>>[vector<16xi32>], vector<16xi32>, vector<16xi1>
    %add3A_284 = vector.broadcast %sub3A_278 : i32 to vector<16xi32>
    %add3A_285 = arith.addi %add3A_284, %iota3A : vector<16xi32>
    %sub3A_286 = arith.subi %add3A_285, %masked_cumsum3A_276 : vector<16xi32>
    %not3A_287 = arith.constant dense<true> : vector<16xi1>
    %not3A_288 = arith.xori %eq3A_268, %not3A_287 : vector<16xi1>
    tpu.vector_store_idx %arg8[%sub3A_286], %add3A_265 masked %not3A_288 : memref<544xi32, #tpu.memory_space<vmem>>[vector<16xi32>], vector<16xi32>, vector<16xi1>
    %reduce_max3A_289 = arith.constant true
    %reduce_max3A_290 = vector.broadcast %reduce_max3A_289 : i1 to vector<16xi1>
    %reduce_max3A_291 = arith.constant -2147483648 : i32
    %reduce_max3A_292 = vector.broadcast %reduce_max3A_291 : i32 to vector<16xi32>
    %reduce_max3A_293 = arith.xori %masked_cumsum3A_276, %reduce_max3A_292 : vector<16xi32>
    %reduce_max3A_294 = tpu.scan <max>, %reduce_max3A_293 masked %reduce_max3A_290 : vector<16xi32>, vector<16xi1> -> vector<16xi32>
    %reduce_max3A_295 = arith.xori %reduce_max3A_294, %reduce_max3A_292 : vector<16xi32>
    %reduce_max3A_296 = vector.extract %reduce_max3A_295[15] : i32 from vector<16xi32>
    %add3A_297 = arith.addi %add3A_259, %reduce_max3A_296 : i32
    %get3A_298 = arith.constant 96 : index
    %get3A_299 = tpu.vector_load %arg5[%get3A_298] {strides = array<i32>} : memref<512xi32, #tpu.memory_space<vmem>>, vector<16xi32>,
    %add3A_300 = arith.constant 96 : i32
    %add3A_301 = arith.addi %mul3A_2, %add3A_300 : i32
    %add3A_302 = vector.broadcast %add3A_301 : i32 to vector<16xi32>
    %add3A_303 = arith.addi %iota3A, %add3A_302 : vector<16xi32>
    %eq3A_304 = arith.constant 0 : i32
    %eq3A_305 = vector.broadcast %eq3A_304 : i32 to vector<16xi32>
    %eq3A_306 = arith.cmpi eq, %get3A_299, %eq3A_305 : vector<16xi32>
    %jit3A_307 = arith.constant 1 : i32
    %jit3A_308 = arith.constant 0 : i32
    %broadcast_in_dim3A_309 = vector.broadcast %jit3A_307 : i32 to vector<16xi32>
    %broadcast_in_dim3A_310 = vector.broadcast %jit3A_308 : i32 to vector<16xi32>
    %select_n3A_311 = arith.select %eq3A_306, %broadcast_in_dim3A_309, %broadcast_in_dim3A_310 : vector<16xi1>, vector<16xi32>
    %broadcast_in_dim3A_312 = arith.constant true
    %broadcast_in_dim3A_313 = vector.broadcast %broadcast_in_dim3A_312 : i1 to vector<16xi1>
    %masked_cumsum3A_314 = tpu.scan <sum>, %select_n3A_311 masked %broadcast_in_dim3A_313 : vector<16xi32>, vector<16xi1> -> vector<16xi32>
    %sub3A_315 = arith.constant 96 : i32
    %sub3A_316 = arith.subi %sub3A_315, %add3A_297 : i32
    %add3A_317 = vector.broadcast %add3A_297 : i32 to vector<16xi32>
    %add3A_318 = arith.addi %add3A_317, %masked_cumsum3A_314 : vector<16xi32>
    %sub3A_319 = arith.constant 1 : i32
    %sub3A_320 = vector.broadcast %sub3A_319 : i32 to vector<16xi32>
    %sub3A_321 = arith.subi %add3A_318, %sub3A_320 : vector<16xi32>
    tpu.vector_store_idx %arg7[%sub3A_321], %add3A_303 masked %eq3A_306 : memref<544xi32, #tpu.memory_space<vmem>>[vector<16xi32>], vector<16xi32>, vector<16xi1>
    %add3A_322 = vector.broadcast %sub3A_316 : i32 to vector<16xi32>
    %add3A_323 = arith.addi %add3A_322, %iota3A : vector<16xi32>
    %sub3A_324 = arith.subi %add3A_323, %masked_cumsum3A_314 : vector<16xi32>
    %not3A_325 = arith.constant dense<true> : vector<16xi1>
    %not3A_326 = arith.xori %eq3A_306, %not3A_325 : vector<16xi1>
    tpu.vector_store_idx %arg8[%sub3A_324], %add3A_303 masked %not3A_326 : memref<544xi32, #tpu.memory_space<vmem>>[vector<16xi32>], vector<16xi32>, vector<16xi1>
    %reduce_max3A_327 = arith.constant true
    %reduce_max3A_328 = vector.broadcast %reduce_max3A_327 : i1 to vector<16xi1>
    %reduce_max3A_329 = arith.constant -2147483648 : i32
    %reduce_max3A_330 = vector.broadcast %reduce_max3A_329 : i32 to vector<16xi32>
    %reduce_max3A_331 = arith.xori %masked_cumsum3A_314, %reduce_max3A_330 : vector<16xi32>
    %reduce_max3A_332 = tpu.scan <max>, %reduce_max3A_331 masked %reduce_max3A_328 : vector<16xi32>, vector<16xi1> -> vector<16xi32>
    %reduce_max3A_333 = arith.xori %reduce_max3A_332, %reduce_max3A_330 : vector<16xi32>
    %reduce_max3A_334 = vector.extract %reduce_max3A_333[15] : i32 from vector<16xi32>
    %add3A_335 = arith.addi %add3A_297, %reduce_max3A_334 : i32
    %get3A_336 = arith.constant 112 : index
    %get3A_337 = tpu.vector_load %arg5[%get3A_336] {strides = array<i32>} : memref<512xi32, #tpu.memory_space<vmem>>, vector<16xi32>,
    %add3A_338 = arith.constant 112 : i32
    %add3A_339 = arith.addi %mul3A_2, %add3A_338 : i32
    %add3A_340 = vector.broadcast %add3A_339 : i32 to vector<16xi32>
    %add3A_341 = arith.addi %iota3A, %add3A_340 : vector<16xi32>
    %eq3A_342 = arith.constant 0 : i32
    %eq3A_343 = vector.broadcast %eq3A_342 : i32 to vector<16xi32>
    %eq3A_344 = arith.cmpi eq, %get3A_337, %eq3A_343 : vector<16xi32>
    %jit3A_345 = arith.constant 1 : i32
    %jit3A_346 = arith.constant 0 : i32
    %broadcast_in_dim3A_347 = vector.broadcast %jit3A_345 : i32 to vector<16xi32>
    %broadcast_in_dim3A_348 = vector.broadcast %jit3A_346 : i32 to vector<16xi32>
    %select_n3A_349 = arith.select %eq3A_344, %broadcast_in_dim3A_347, %broadcast_in_dim3A_348 : vector<16xi1>, vector<16xi32>
    %broadcast_in_dim3A_350 = arith.constant true
    %broadcast_in_dim3A_351 = vector.broadcast %broadcast_in_dim3A_350 : i1 to vector<16xi1>
    %masked_cumsum3A_352 = tpu.scan <sum>, %select_n3A_349 masked %broadcast_in_dim3A_351 : vector<16xi32>, vector<16xi1> -> vector<16xi32>
    %sub3A_353 = arith.constant 112 : i32
    %sub3A_354 = arith.subi %sub3A_353, %add3A_335 : i32
    %add3A_355 = vector.broadcast %add3A_335 : i32 to vector<16xi32>
    %add3A_356 = arith.addi %add3A_355, %masked_cumsum3A_352 : vector<16xi32>
    %sub3A_357 = arith.constant 1 : i32
    %sub3A_358 = vector.broadcast %sub3A_357 : i32 to vector<16xi32>
    %sub3A_359 = arith.subi %add3A_356, %sub3A_358 : vector<16xi32>
    tpu.vector_store_idx %arg7[%sub3A_359], %add3A_341 masked %eq3A_344 : memref<544xi32, #tpu.memory_space<vmem>>[vector<16xi32>], vector<16xi32>, vector<16xi1>
    %add3A_360 = vector.broadcast %sub3A_354 : i32 to vector<16xi32>
    %add3A_361 = arith.addi %add3A_360, %iota3A : vector<16xi32>
    %sub3A_362 = arith.subi %add3A_361, %masked_cumsum3A_352 : vector<16xi32>
    %not3A_363 = arith.constant dense<true> : vector<16xi1>
    %not3A_364 = arith.xori %eq3A_344, %not3A_363 : vector<16xi1>
    tpu.vector_store_idx %arg8[%sub3A_362], %add3A_341 masked %not3A_364 : memref<544xi32, #tpu.memory_space<vmem>>[vector<16xi32>], vector<16xi32>, vector<16xi1>
    %reduce_max3A_365 = arith.constant true
    %reduce_max3A_366 = vector.broadcast %reduce_max3A_365 : i1 to vector<16xi1>
    %reduce_max3A_367 = arith.constant -2147483648 : i32
    %reduce_max3A_368 = vector.broadcast %reduce_max3A_367 : i32 to vector<16xi32>
    %reduce_max3A_369 = arith.xori %masked_cumsum3A_352, %reduce_max3A_368 : vector<16xi32>
    %reduce_max3A_370 = tpu.scan <max>, %reduce_max3A_369 masked %reduce_max3A_366 : vector<16xi32>, vector<16xi1> -> vector<16xi32>
    %reduce_max3A_371 = arith.xori %reduce_max3A_370, %reduce_max3A_368 : vector<16xi32>
    %reduce_max3A_372 = vector.extract %reduce_max3A_371[15] : i32 from vector<16xi32>
    %add3A_373 = arith.addi %add3A_335, %reduce_max3A_372 : i32
    %get3A_374 = arith.constant 128 : index
    %get3A_375 = tpu.vector_load %arg5[%get3A_374] {strides = array<i32>} : memref<512xi32, #tpu.memory_space<vmem>>, vector<16xi32>,
    %add3A_376 = arith.constant 128 : i32
    %add3A_377 = arith.addi %mul3A_2, %add3A_376 : i32
    %add3A_378 = vector.broadcast %add3A_377 : i32 to vector<16xi32>
    %add3A_379 = arith.addi %iota3A, %add3A_378 : vector<16xi32>
    %eq3A_380 = arith.constant 0 : i32
    %eq3A_381 = vector.broadcast %eq3A_380 : i32 to vector<16xi32>
    %eq3A_382 = arith.cmpi eq, %get3A_375, %eq3A_381 : vector<16xi32>
    %jit3A_383 = arith.constant 1 : i32
    %jit3A_384 = arith.constant 0 : i32
    %broadcast_in_dim3A_385 = vector.broadcast %jit3A_383 : i32 to vector<16xi32>
    %broadcast_in_dim3A_386 = vector.broadcast %jit3A_384 : i32 to vector<16xi32>
    %select_n3A_387 = arith.select %eq3A_382, %broadcast_in_dim3A_385, %broadcast_in_dim3A_386 : vector<16xi1>, vector<16xi32>
    %broadcast_in_dim3A_388 = arith.constant true
    %broadcast_in_dim3A_389 = vector.broadcast %broadcast_in_dim3A_388 : i1 to vector<16xi1>
    %masked_cumsum3A_390 = tpu.scan <sum>, %select_n3A_387 masked %broadcast_in_dim3A_389 : vector<16xi32>, vector<16xi1> -> vector<16xi32>
    %sub3A_391 = arith.constant 128 : i32
    %sub3A_392 = arith.subi %sub3A_391, %add3A_373 : i32
    %add3A_393 = vector.broadcast %add3A_373 : i32 to vector<16xi32>
    %add3A_394 = arith.addi %add3A_393, %masked_cumsum3A_390 : vector<16xi32>
    %sub3A_395 = arith.constant 1 : i32
    %sub3A_396 = vector.broadcast %sub3A_395 : i32 to vector<16xi32>
    %sub3A_397 = arith.subi %add3A_394, %sub3A_396 : vector<16xi32>
    tpu.vector_store_idx %arg7[%sub3A_397], %add3A_379 masked %eq3A_382 : memref<544xi32, #tpu.memory_space<vmem>>[vector<16xi32>], vector<16xi32>, vector<16xi1>
    %add3A_398 = vector.broadcast %sub3A_392 : i32 to vector<16xi32>
    %add3A_399 = arith.addi %add3A_398, %iota3A : vector<16xi32>
    %sub3A_400 = arith.subi %add3A_399, %masked_cumsum3A_390 : vector<16xi32>
    %not3A_401 = arith.constant dense<true> : vector<16xi1>
    %not3A_402 = arith.xori %eq3A_382, %not3A_401 : vector<16xi1>
    tpu.vector_store_idx %arg8[%sub3A_400], %add3A_379 masked %not3A_402 : memref<544xi32, #tpu.memory_space<vmem>>[vector<16xi32>], vector<16xi32>, vector<16xi1>
    %reduce_max3A_403 = arith.constant true
    %reduce_max3A_404 = vector.broadcast %reduce_max3A_403 : i1 to vector<16xi1>
    %reduce_max3A_405 = arith.constant -2147483648 : i32
    %reduce_max3A_406 = vector.broadcast %reduce_max3A_405 : i32 to vector<16xi32>
    %reduce_max3A_407 = arith.xori %masked_cumsum3A_390, %reduce_max3A_406 : vector<16xi32>
    %reduce_max3A_408 = tpu.scan <max>, %reduce_max3A_407 masked %reduce_max3A_404 : vector<16xi32>, vector<16xi1> -> vector<16xi32>
    %reduce_max3A_409 = arith.xori %reduce_max3A_408, %reduce_max3A_406 : vector<16xi32>
    %reduce_max3A_410 = vector.extract %reduce_max3A_409[15] : i32 from vector<16xi32>
    %add3A_411 = arith.addi %add3A_373, %reduce_max3A_410 : i32
    %get3A_412 = arith.constant 144 : index
    %get3A_413 = tpu.vector_load %arg5[%get3A_412] {strides = array<i32>} : memref<512xi32, #tpu.memory_space<vmem>>, vector<16xi32>,
    %add3A_414 = arith.constant 144 : i32
    %add3A_415 = arith.addi %mul3A_2, %add3A_414 : i32
    %add3A_416 = vector.broadcast %add3A_415 : i32 to vector<16xi32>
    %add3A_417 = arith.addi %iota3A, %add3A_416 : vector<16xi32>
    %eq3A_418 = arith.constant 0 : i32
    %eq3A_419 = vector.broadcast %eq3A_418 : i32 to vector<16xi32>
    %eq3A_420 = arith.cmpi eq, %get3A_413, %eq3A_419 : vector<16xi32>
    %jit3A_421 = arith.constant 1 : i32
    %jit3A_422 = arith.constant 0 : i32
    %broadcast_in_dim3A_423 = vector.broadcast %jit3A_421 : i32 to vector<16xi32>
    %broadcast_in_dim3A_424 = vector.broadcast %jit3A_422 : i32 to vector<16xi32>
    %select_n3A_425 = arith.select %eq3A_420, %broadcast_in_dim3A_423, %broadcast_in_dim3A_424 : vector<16xi1>, vector<16xi32>
    %broadcast_in_dim3A_426 = arith.constant true
    %broadcast_in_dim3A_427 = vector.broadcast %broadcast_in_dim3A_426 : i1 to vector<16xi1>
    %masked_cumsum3A_428 = tpu.scan <sum>, %select_n3A_425 masked %broadcast_in_dim3A_427 : vector<16xi32>, vector<16xi1> -> vector<16xi32>
    %sub3A_429 = arith.constant 144 : i32
    %sub3A_430 = arith.subi %sub3A_429, %add3A_411 : i32
    %add3A_431 = vector.broadcast %add3A_411 : i32 to vector<16xi32>
    %add3A_432 = arith.addi %add3A_431, %masked_cumsum3A_428 : vector<16xi32>
    %sub3A_433 = arith.constant 1 : i32
    %sub3A_434 = vector.broadcast %sub3A_433 : i32 to vector<16xi32>
    %sub3A_435 = arith.subi %add3A_432, %sub3A_434 : vector<16xi32>
    tpu.vector_store_idx %arg7[%sub3A_435], %add3A_417 masked %eq3A_420 : memref<544xi32, #tpu.memory_space<vmem>>[vector<16xi32>], vector<16xi32>, vector<16xi1>
    %add3A_436 = vector.broadcast %sub3A_430 : i32 to vector<16xi32>
    %add3A_437 = arith.addi %add3A_436, %iota3A : vector<16xi32>
    %sub3A_438 = arith.subi %add3A_437, %masked_cumsum3A_428 : vector<16xi32>
    %not3A_439 = arith.constant dense<true> : vector<16xi1>
    %not3A_440 = arith.xori %eq3A_420, %not3A_439 : vector<16xi1>
    tpu.vector_store_idx %arg8[%sub3A_438], %add3A_417 masked %not3A_440 : memref<544xi32, #tpu.memory_space<vmem>>[vector<16xi32>], vector<16xi32>, vector<16xi1>
    %reduce_max3A_441 = arith.constant true
    %reduce_max3A_442 = vector.broadcast %reduce_max3A_441 : i1 to vector<16xi1>
    %reduce_max3A_443 = arith.constant -2147483648 : i32
    %reduce_max3A_444 = vector.broadcast %reduce_max3A_443 : i32 to vector<16xi32>
    %reduce_max3A_445 = arith.xori %masked_cumsum3A_428, %reduce_max3A_444 : vector<16xi32>
    %reduce_max3A_446 = tpu.scan <max>, %reduce_max3A_445 masked %reduce_max3A_442 : vector<16xi32>, vector<16xi1> -> vector<16xi32>
    %reduce_max3A_447 = arith.xori %reduce_max3A_446, %reduce_max3A_444 : vector<16xi32>
    %reduce_max3A_448 = vector.extract %reduce_max3A_447[15] : i32 from vector<16xi32>
    %add3A_449 = arith.addi %add3A_411, %reduce_max3A_448 : i32
    %get3A_450 = arith.constant 160 : index
    %get3A_451 = tpu.vector_load %arg5[%get3A_450] {strides = array<i32>} : memref<512xi32, #tpu.memory_space<vmem>>, vector<16xi32>,
    %add3A_452 = arith.constant 160 : i32
    %add3A_453 = arith.addi %mul3A_2, %add3A_452 : i32
    %add3A_454 = vector.broadcast %add3A_453 : i32 to vector<16xi32>
    %add3A_455 = arith.addi %iota3A, %add3A_454 : vector<16xi32>
    %eq3A_456 = arith.constant 0 : i32
    %eq3A_457 = vector.broadcast %eq3A_456 : i32 to vector<16xi32>
    %eq3A_458 = arith.cmpi eq, %get3A_451, %eq3A_457 : vector<16xi32>
    %jit3A_459 = arith.constant 1 : i32
    %jit3A_460 = arith.constant 0 : i32
    %broadcast_in_dim3A_461 = vector.broadcast %jit3A_459 : i32 to vector<16xi32>
    %broadcast_in_dim3A_462 = vector.broadcast %jit3A_460 : i32 to vector<16xi32>
    %select_n3A_463 = arith.select %eq3A_458, %broadcast_in_dim3A_461, %broadcast_in_dim3A_462 : vector<16xi1>, vector<16xi32>
    %broadcast_in_dim3A_464 = arith.constant true
    %broadcast_in_dim3A_465 = vector.broadcast %broadcast_in_dim3A_464 : i1 to vector<16xi1>
    %masked_cumsum3A_466 = tpu.scan <sum>, %select_n3A_463 masked %broadcast_in_dim3A_465 : vector<16xi32>, vector<16xi1> -> vector<16xi32>
    %sub3A_467 = arith.constant 160 : i32
    %sub3A_468 = arith.subi %sub3A_467, %add3A_449 : i32
    %add3A_469 = vector.broadcast %add3A_449 : i32 to vector<16xi32>
    %add3A_470 = arith.addi %add3A_469, %masked_cumsum3A_466 : vector<16xi32>
    %sub3A_471 = arith.constant 1 : i32
    %sub3A_472 = vector.broadcast %sub3A_471 : i32 to vector<16xi32>
    %sub3A_473 = arith.subi %add3A_470, %sub3A_472 : vector<16xi32>
    tpu.vector_store_idx %arg7[%sub3A_473], %add3A_455 masked %eq3A_458 : memref<544xi32, #tpu.memory_space<vmem>>[vector<16xi32>], vector<16xi32>, vector<16xi1>
    %add3A_474 = vector.broadcast %sub3A_468 : i32 to vector<16xi32>
    %add3A_475 = arith.addi %add3A_474, %iota3A : vector<16xi32>
    %sub3A_476 = arith.subi %add3A_475, %masked_cumsum3A_466 : vector<16xi32>
    %not3A_477 = arith.constant dense<true> : vector<16xi1>
    %not3A_478 = arith.xori %eq3A_458, %not3A_477 : vector<16xi1>
    tpu.vector_store_idx %arg8[%sub3A_476], %add3A_455 masked %not3A_478 : memref<544xi32, #tpu.memory_space<vmem>>[vector<16xi32>], vector<16xi32>, vector<16xi1>
    %reduce_max3A_479 = arith.constant true
    %reduce_max3A_480 = vector.broadcast %reduce_max3A_479 : i1 to vector<16xi1>
    %reduce_max3A_481 = arith.constant -2147483648 : i32
    %reduce_max3A_482 = vector.broadcast %reduce_max3A_481 : i32 to vector<16xi32>
    %reduce_max3A_483 = arith.xori %masked_cumsum3A_466, %reduce_max3A_482 : vector<16xi32>
    %reduce_max3A_484 = tpu.scan <max>, %reduce_max3A_483 masked %reduce_max3A_480 : vector<16xi32>, vector<16xi1> -> vector<16xi32>
    %reduce_max3A_485 = arith.xori %reduce_max3A_484, %reduce_max3A_482 : vector<16xi32>
    %reduce_max3A_486 = vector.extract %reduce_max3A_485[15] : i32 from vector<16xi32>
    %add3A_487 = arith.addi %add3A_449, %reduce_max3A_486 : i32
    %get3A_488 = arith.constant 176 : index
    %get3A_489 = tpu.vector_load %arg5[%get3A_488] {strides = array<i32>} : memref<512xi32, #tpu.memory_space<vmem>>, vector<16xi32>,
    %add3A_490 = arith.constant 176 : i32
    %add3A_491 = arith.addi %mul3A_2, %add3A_490 : i32
    %add3A_492 = vector.broadcast %add3A_491 : i32 to vector<16xi32>
    %add3A_493 = arith.addi %iota3A, %add3A_492 : vector<16xi32>
    %eq3A_494 = arith.constant 0 : i32
    %eq3A_495 = vector.broadcast %eq3A_494 : i32 to vector<16xi32>
    %eq3A_496 = arith.cmpi eq, %get3A_489, %eq3A_495 : vector<16xi32>
    %jit3A_497 = arith.constant 1 : i32
    %jit3A_498 = arith.constant 0 : i32
    %broadcast_in_dim3A_499 = vector.broadcast %jit3A_497 : i32 to vector<16xi32>
    %broadcast_in_dim3A_500 = vector.broadcast %jit3A_498 : i32 to vector<16xi32>
    %select_n3A_501 = arith.select %eq3A_496, %broadcast_in_dim3A_499, %broadcast_in_dim3A_500 : vector<16xi1>, vector<16xi32>
    %broadcast_in_dim3A_502 = arith.constant true
    %broadcast_in_dim3A_503 = vector.broadcast %broadcast_in_dim3A_502 : i1 to vector<16xi1>
    %masked_cumsum3A_504 = tpu.scan <sum>, %select_n3A_501 masked %broadcast_in_dim3A_503 : vector<16xi32>, vector<16xi1> -> vector<16xi32>
    %sub3A_505 = arith.constant 176 : i32
    %sub3A_506 = arith.subi %sub3A_505, %add3A_487 : i32
    %add3A_507 = vector.broadcast %add3A_487 : i32 to vector<16xi32>
    %add3A_508 = arith.addi %add3A_507, %masked_cumsum3A_504 : vector<16xi32>
    %sub3A_509 = arith.constant 1 : i32
    %sub3A_510 = vector.broadcast %sub3A_509 : i32 to vector<16xi32>
    %sub3A_511 = arith.subi %add3A_508, %sub3A_510 : vector<16xi32>
    tpu.vector_store_idx %arg7[%sub3A_511], %add3A_493 masked %eq3A_496 : memref<544xi32, #tpu.memory_space<vmem>>[vector<16xi32>], vector<16xi32>, vector<16xi1>
    %add3A_512 = vector.broadcast %sub3A_506 : i32 to vector<16xi32>
    %add3A_513 = arith.addi %add3A_512, %iota3A : vector<16xi32>
    %sub3A_514 = arith.subi %add3A_513, %masked_cumsum3A_504 : vector<16xi32>
    %not3A_515 = arith.constant dense<true> : vector<16xi1>
    %not3A_516 = arith.xori %eq3A_496, %not3A_515 : vector<16xi1>
    tpu.vector_store_idx %arg8[%sub3A_514], %add3A_493 masked %not3A_516 : memref<544xi32, #tpu.memory_space<vmem>>[vector<16xi32>], vector<16xi32>, vector<16xi1>
    %reduce_max3A_517 = arith.constant true
    %reduce_max3A_518 = vector.broadcast %reduce_max3A_517 : i1 to vector<16xi1>
    %reduce_max3A_519 = arith.constant -2147483648 : i32
    %reduce_max3A_520 = vector.broadcast %reduce_max3A_519 : i32 to vector<16xi32>
    %reduce_max3A_521 = arith.xori %masked_cumsum3A_504, %reduce_max3A_520 : vector<16xi32>
    %reduce_max3A_522 = tpu.scan <max>, %reduce_max3A_521 masked %reduce_max3A_518 : vector<16xi32>, vector<16xi1> -> vector<16xi32>
    %reduce_max3A_523 = arith.xori %reduce_max3A_522, %reduce_max3A_520 : vector<16xi32>
    %reduce_max3A_524 = vector.extract %reduce_max3A_523[15] : i32 from vector<16xi32>
    %add3A_525 = arith.addi %add3A_487, %reduce_max3A_524 : i32
    %get3A_526 = arith.constant 192 : index
    %get3A_527 = tpu.vector_load %arg5[%get3A_526] {strides = array<i32>} : memref<512xi32, #tpu.memory_space<vmem>>, vector<16xi32>,
    %add3A_528 = arith.constant 192 : i32
    %add3A_529 = arith.addi %mul3A_2, %add3A_528 : i32
    %add3A_530 = vector.broadcast %add3A_529 : i32 to vector<16xi32>
    %add3A_531 = arith.addi %iota3A, %add3A_530 : vector<16xi32>
    %eq3A_532 = arith.constant 0 : i32
    %eq3A_533 = vector.broadcast %eq3A_532 : i32 to vector<16xi32>
    %eq3A_534 = arith.cmpi eq, %get3A_527, %eq3A_533 : vector<16xi32>
    %jit3A_535 = arith.constant 1 : i32
    %jit3A_536 = arith.constant 0 : i32
    %broadcast_in_dim3A_537 = vector.broadcast %jit3A_535 : i32 to vector<16xi32>
    %broadcast_in_dim3A_538 = vector.broadcast %jit3A_536 : i32 to vector<16xi32>
    %select_n3A_539 = arith.select %eq3A_534, %broadcast_in_dim3A_537, %broadcast_in_dim3A_538 : vector<16xi1>, vector<16xi32>
    %broadcast_in_dim3A_540 = arith.constant true
    %broadcast_in_dim3A_541 = vector.broadcast %broadcast_in_dim3A_540 : i1 to vector<16xi1>
    %masked_cumsum3A_542 = tpu.scan <sum>, %select_n3A_539 masked %broadcast_in_dim3A_541 : vector<16xi32>, vector<16xi1> -> vector<16xi32>
    %sub3A_543 = arith.constant 192 : i32
    %sub3A_544 = arith.subi %sub3A_543, %add3A_525 : i32
    %add3A_545 = vector.broadcast %add3A_525 : i32 to vector<16xi32>
    %add3A_546 = arith.addi %add3A_545, %masked_cumsum3A_542 : vector<16xi32>
    %sub3A_547 = arith.constant 1 : i32
    %sub3A_548 = vector.broadcast %sub3A_547 : i32 to vector<16xi32>
    %sub3A_549 = arith.subi %add3A_546, %sub3A_548 : vector<16xi32>
    tpu.vector_store_idx %arg7[%sub3A_549], %add3A_531 masked %eq3A_534 : memref<544xi32, #tpu.memory_space<vmem>>[vector<16xi32>], vector<16xi32>, vector<16xi1>
    %add3A_550 = vector.broadcast %sub3A_544 : i32 to vector<16xi32>
    %add3A_551 = arith.addi %add3A_550, %iota3A : vector<16xi32>
    %sub3A_552 = arith.subi %add3A_551, %masked_cumsum3A_542 : vector<16xi32>
    %not3A_553 = arith.constant dense<true> : vector<16xi1>
    %not3A_554 = arith.xori %eq3A_534, %not3A_553 : vector<16xi1>
    tpu.vector_store_idx %arg8[%sub3A_552], %add3A_531 masked %not3A_554 : memref<544xi32, #tpu.memory_space<vmem>>[vector<16xi32>], vector<16xi32>, vector<16xi1>
    %reduce_max3A_555 = arith.constant true
    %reduce_max3A_556 = vector.broadcast %reduce_max3A_555 : i1 to vector<16xi1>
    %reduce_max3A_557 = arith.constant -2147483648 : i32
    %reduce_max3A_558 = vector.broadcast %reduce_max3A_557 : i32 to vector<16xi32>
    %reduce_max3A_559 = arith.xori %masked_cumsum3A_542, %reduce_max3A_558 : vector<16xi32>
    %reduce_max3A_560 = tpu.scan <max>, %reduce_max3A_559 masked %reduce_max3A_556 : vector<16xi32>, vector<16xi1> -> vector<16xi32>
    %reduce_max3A_561 = arith.xori %reduce_max3A_560, %reduce_max3A_558 : vector<16xi32>
    %reduce_max3A_562 = vector.extract %reduce_max3A_561[15] : i32 from vector<16xi32>
    %add3A_563 = arith.addi %add3A_525, %reduce_max3A_562 : i32
    %get3A_564 = arith.constant 208 : index
    %get3A_565 = tpu.vector_load %arg5[%get3A_564] {strides = array<i32>} : memref<512xi32, #tpu.memory_space<vmem>>, vector<16xi32>,
    %add3A_566 = arith.constant 208 : i32
    %add3A_567 = arith.addi %mul3A_2, %add3A_566 : i32
    %add3A_568 = vector.broadcast %add3A_567 : i32 to vector<16xi32>
    %add3A_569 = arith.addi %iota3A, %add3A_568 : vector<16xi32>
    %eq3A_570 = arith.constant 0 : i32
    %eq3A_571 = vector.broadcast %eq3A_570 : i32 to vector<16xi32>
    %eq3A_572 = arith.cmpi eq, %get3A_565, %eq3A_571 : vector<16xi32>
    %jit3A_573 = arith.constant 1 : i32
    %jit3A_574 = arith.constant 0 : i32
    %broadcast_in_dim3A_575 = vector.broadcast %jit3A_573 : i32 to vector<16xi32>
    %broadcast_in_dim3A_576 = vector.broadcast %jit3A_574 : i32 to vector<16xi32>
    %select_n3A_577 = arith.select %eq3A_572, %broadcast_in_dim3A_575, %broadcast_in_dim3A_576 : vector<16xi1>, vector<16xi32>
    %broadcast_in_dim3A_578 = arith.constant true
    %broadcast_in_dim3A_579 = vector.broadcast %broadcast_in_dim3A_578 : i1 to vector<16xi1>
    %masked_cumsum3A_580 = tpu.scan <sum>, %select_n3A_577 masked %broadcast_in_dim3A_579 : vector<16xi32>, vector<16xi1> -> vector<16xi32>
    %sub3A_581 = arith.constant 208 : i32
    %sub3A_582 = arith.subi %sub3A_581, %add3A_563 : i32
    %add3A_583 = vector.broadcast %add3A_563 : i32 to vector<16xi32>
    %add3A_584 = arith.addi %add3A_583, %masked_cumsum3A_580 : vector<16xi32>
    %sub3A_585 = arith.constant 1 : i32
    %sub3A_586 = vector.broadcast %sub3A_585 : i32 to vector<16xi32>
    %sub3A_587 = arith.subi %add3A_584, %sub3A_586 : vector<16xi32>
    tpu.vector_store_idx %arg7[%sub3A_587], %add3A_569 masked %eq3A_572 : memref<544xi32, #tpu.memory_space<vmem>>[vector<16xi32>], vector<16xi32>, vector<16xi1>
    %add3A_588 = vector.broadcast %sub3A_582 : i32 to vector<16xi32>
    %add3A_589 = arith.addi %add3A_588, %iota3A : vector<16xi32>
    %sub3A_590 = arith.subi %add3A_589, %masked_cumsum3A_580 : vector<16xi32>
    %not3A_591 = arith.constant dense<true> : vector<16xi1>
    %not3A_592 = arith.xori %eq3A_572, %not3A_591 : vector<16xi1>
    tpu.vector_store_idx %arg8[%sub3A_590], %add3A_569 masked %not3A_592 : memref<544xi32, #tpu.memory_space<vmem>>[vector<16xi32>], vector<16xi32>, vector<16xi1>
    %reduce_max3A_593 = arith.constant true
    %reduce_max3A_594 = vector.broadcast %reduce_max3A_593 : i1 to vector<16xi1>
    %reduce_max3A_595 = arith.constant -2147483648 : i32
    %reduce_max3A_596 = vector.broadcast %reduce_max3A_595 : i32 to vector<16xi32>
    %reduce_max3A_597 = arith.xori %masked_cumsum3A_580, %reduce_max3A_596 : vector<16xi32>
    %reduce_max3A_598 = tpu.scan <max>, %reduce_max3A_597 masked %reduce_max3A_594 : vector<16xi32>, vector<16xi1> -> vector<16xi32>
    %reduce_max3A_599 = arith.xori %reduce_max3A_598, %reduce_max3A_596 : vector<16xi32>
    %reduce_max3A_600 = vector.extract %reduce_max3A_599[15] : i32 from vector<16xi32>
    %add3A_601 = arith.addi %add3A_563, %reduce_max3A_600 : i32
    %get3A_602 = arith.constant 224 : index
    %get3A_603 = tpu.vector_load %arg5[%get3A_602] {strides = array<i32>} : memref<512xi32, #tpu.memory_space<vmem>>, vector<16xi32>,
    %add3A_604 = arith.constant 224 : i32
    %add3A_605 = arith.addi %mul3A_2, %add3A_604 : i32
    %add3A_606 = vector.broadcast %add3A_605 : i32 to vector<16xi32>
    %add3A_607 = arith.addi %iota3A, %add3A_606 : vector<16xi32>
    %eq3A_608 = arith.constant 0 : i32
    %eq3A_609 = vector.broadcast %eq3A_608 : i32 to vector<16xi32>
    %eq3A_610 = arith.cmpi eq, %get3A_603, %eq3A_609 : vector<16xi32>
    %jit3A_611 = arith.constant 1 : i32
    %jit3A_612 = arith.constant 0 : i32
    %broadcast_in_dim3A_613 = vector.broadcast %jit3A_611 : i32 to vector<16xi32>
    %broadcast_in_dim3A_614 = vector.broadcast %jit3A_612 : i32 to vector<16xi32>
    %select_n3A_615 = arith.select %eq3A_610, %broadcast_in_dim3A_613, %broadcast_in_dim3A_614 : vector<16xi1>, vector<16xi32>
    %broadcast_in_dim3A_616 = arith.constant true
    %broadcast_in_dim3A_617 = vector.broadcast %broadcast_in_dim3A_616 : i1 to vector<16xi1>
    %masked_cumsum3A_618 = tpu.scan <sum>, %select_n3A_615 masked %broadcast_in_dim3A_617 : vector<16xi32>, vector<16xi1> -> vector<16xi32>
    %sub3A_619 = arith.constant 224 : i32
    %sub3A_620 = arith.subi %sub3A_619, %add3A_601 : i32
    %add3A_621 = vector.broadcast %add3A_601 : i32 to vector<16xi32>
    %add3A_622 = arith.addi %add3A_621, %masked_cumsum3A_618 : vector<16xi32>
    %sub3A_623 = arith.constant 1 : i32
    %sub3A_624 = vector.broadcast %sub3A_623 : i32 to vector<16xi32>
    %sub3A_625 = arith.subi %add3A_622, %sub3A_624 : vector<16xi32>
    tpu.vector_store_idx %arg7[%sub3A_625], %add3A_607 masked %eq3A_610 : memref<544xi32, #tpu.memory_space<vmem>>[vector<16xi32>], vector<16xi32>, vector<16xi1>
    %add3A_626 = vector.broadcast %sub3A_620 : i32 to vector<16xi32>
    %add3A_627 = arith.addi %add3A_626, %iota3A : vector<16xi32>
    %sub3A_628 = arith.subi %add3A_627, %masked_cumsum3A_618 : vector<16xi32>
    %not3A_629 = arith.constant dense<true> : vector<16xi1>
    %not3A_630 = arith.xori %eq3A_610, %not3A_629 : vector<16xi1>
    tpu.vector_store_idx %arg8[%sub3A_628], %add3A_607 masked %not3A_630 : memref<544xi32, #tpu.memory_space<vmem>>[vector<16xi32>], vector<16xi32>, vector<16xi1>
    %reduce_max3A_631 = arith.constant true
    %reduce_max3A_632 = vector.broadcast %reduce_max3A_631 : i1 to vector<16xi1>
    %reduce_max3A_633 = arith.constant -2147483648 : i32
    %reduce_max3A_634 = vector.broadcast %reduce_max3A_633 : i32 to vector<16xi32>
    %reduce_max3A_635 = arith.xori %masked_cumsum3A_618, %reduce_max3A_634 : vector<16xi32>
    %reduce_max3A_636 = tpu.scan <max>, %reduce_max3A_635 masked %reduce_max3A_632 : vector<16xi32>, vector<16xi1> -> vector<16xi32>
    %reduce_max3A_637 = arith.xori %reduce_max3A_636, %reduce_max3A_634 : vector<16xi32>
    %reduce_max3A_638 = vector.extract %reduce_max3A_637[15] : i32 from vector<16xi32>
    %add3A_639 = arith.addi %add3A_601, %reduce_max3A_638 : i32
    %get3A_640 = arith.constant 240 : index
    %get3A_641 = tpu.vector_load %arg5[%get3A_640] {strides = array<i32>} : memref<512xi32, #tpu.memory_space<vmem>>, vector<16xi32>,
    %add3A_642 = arith.constant 240 : i32
    %add3A_643 = arith.addi %mul3A_2, %add3A_642 : i32
    %add3A_644 = vector.broadcast %add3A_643 : i32 to vector<16xi32>
    %add3A_645 = arith.addi %iota3A, %add3A_644 : vector<16xi32>
    %eq3A_646 = arith.constant 0 : i32
    %eq3A_647 = vector.broadcast %eq3A_646 : i32 to vector<16xi32>
    %eq3A_648 = arith.cmpi eq, %get3A_641, %eq3A_647 : vector<16xi32>
    %jit3A_649 = arith.constant 1 : i32
    %jit3A_650 = arith.constant 0 : i32
    %broadcast_in_dim3A_651 = vector.broadcast %jit3A_649 : i32 to vector<16xi32>
    %broadcast_in_dim3A_652 = vector.broadcast %jit3A_650 : i32 to vector<16xi32>
    %select_n3A_653 = arith.select %eq3A_648, %broadcast_in_dim3A_651, %broadcast_in_dim3A_652 : vector<16xi1>, vector<16xi32>
    %broadcast_in_dim3A_654 = arith.constant true
    %broadcast_in_dim3A_655 = vector.broadcast %broadcast_in_dim3A_654 : i1 to vector<16xi1>
    %masked_cumsum3A_656 = tpu.scan <sum>, %select_n3A_653 masked %broadcast_in_dim3A_655 : vector<16xi32>, vector<16xi1> -> vector<16xi32>
    %sub3A_657 = arith.constant 240 : i32
    %sub3A_658 = arith.subi %sub3A_657, %add3A_639 : i32
    %add3A_659 = vector.broadcast %add3A_639 : i32 to vector<16xi32>
    %add3A_660 = arith.addi %add3A_659, %masked_cumsum3A_656 : vector<16xi32>
    %sub3A_661 = arith.constant 1 : i32
    %sub3A_662 = vector.broadcast %sub3A_661 : i32 to vector<16xi32>
    %sub3A_663 = arith.subi %add3A_660, %sub3A_662 : vector<16xi32>
    tpu.vector_store_idx %arg7[%sub3A_663], %add3A_645 masked %eq3A_648 : memref<544xi32, #tpu.memory_space<vmem>>[vector<16xi32>], vector<16xi32>, vector<16xi1>
    %add3A_664 = vector.broadcast %sub3A_658 : i32 to vector<16xi32>
    %add3A_665 = arith.addi %add3A_664, %iota3A : vector<16xi32>
    %sub3A_666 = arith.subi %add3A_665, %masked_cumsum3A_656 : vector<16xi32>
    %not3A_667 = arith.constant dense<true> : vector<16xi1>
    %not3A_668 = arith.xori %eq3A_648, %not3A_667 : vector<16xi1>
    tpu.vector_store_idx %arg8[%sub3A_666], %add3A_645 masked %not3A_668 : memref<544xi32, #tpu.memory_space<vmem>>[vector<16xi32>], vector<16xi32>, vector<16xi1>
    %reduce_max3A_669 = arith.constant true
    %reduce_max3A_670 = vector.broadcast %reduce_max3A_669 : i1 to vector<16xi1>
    %reduce_max3A_671 = arith.constant -2147483648 : i32
    %reduce_max3A_672 = vector.broadcast %reduce_max3A_671 : i32 to vector<16xi32>
    %reduce_max3A_673 = arith.xori %masked_cumsum3A_656, %reduce_max3A_672 : vector<16xi32>
    %reduce_max3A_674 = tpu.scan <max>, %reduce_max3A_673 masked %reduce_max3A_670 : vector<16xi32>, vector<16xi1> -> vector<16xi32>
    %reduce_max3A_675 = arith.xori %reduce_max3A_674, %reduce_max3A_672 : vector<16xi32>
    %reduce_max3A_676 = vector.extract %reduce_max3A_675[15] : i32 from vector<16xi32>
    %add3A_677 = arith.addi %add3A_639, %reduce_max3A_676 : i32
    %get3A_678 = arith.constant 256 : index
    %get3A_679 = tpu.vector_load %arg5[%get3A_678] {strides = array<i32>} : memref<512xi32, #tpu.memory_space<vmem>>, vector<16xi32>,
    %add3A_680 = arith.constant 256 : i32
    %add3A_681 = arith.addi %mul3A_2, %add3A_680 : i32
    %add3A_682 = vector.broadcast %add3A_681 : i32 to vector<16xi32>
    %add3A_683 = arith.addi %iota3A, %add3A_682 : vector<16xi32>
    %eq3A_684 = arith.constant 0 : i32
    %eq3A_685 = vector.broadcast %eq3A_684 : i32 to vector<16xi32>
    %eq3A_686 = arith.cmpi eq, %get3A_679, %eq3A_685 : vector<16xi32>
    %jit3A_687 = arith.constant 1 : i32
    %jit3A_688 = arith.constant 0 : i32
    %broadcast_in_dim3A_689 = vector.broadcast %jit3A_687 : i32 to vector<16xi32>
    %broadcast_in_dim3A_690 = vector.broadcast %jit3A_688 : i32 to vector<16xi32>
    %select_n3A_691 = arith.select %eq3A_686, %broadcast_in_dim3A_689, %broadcast_in_dim3A_690 : vector<16xi1>, vector<16xi32>
    %broadcast_in_dim3A_692 = arith.constant true
    %broadcast_in_dim3A_693 = vector.broadcast %broadcast_in_dim3A_692 : i1 to vector<16xi1>
    %masked_cumsum3A_694 = tpu.scan <sum>, %select_n3A_691 masked %broadcast_in_dim3A_693 : vector<16xi32>, vector<16xi1> -> vector<16xi32>
    %sub3A_695 = arith.constant 256 : i32
    %sub3A_696 = arith.subi %sub3A_695, %add3A_677 : i32
    %add3A_697 = vector.broadcast %add3A_677 : i32 to vector<16xi32>
    %add3A_698 = arith.addi %add3A_697, %masked_cumsum3A_694 : vector<16xi32>
    %sub3A_699 = arith.constant 1 : i32
    %sub3A_700 = vector.broadcast %sub3A_699 : i32 to vector<16xi32>
    %sub3A_701 = arith.subi %add3A_698, %sub3A_700 : vector<16xi32>
    tpu.vector_store_idx %arg7[%sub3A_701], %add3A_683 masked %eq3A_686 : memref<544xi32, #tpu.memory_space<vmem>>[vector<16xi32>], vector<16xi32>, vector<16xi1>
    %add3A_702 = vector.broadcast %sub3A_696 : i32 to vector<16xi32>
    %add3A_703 = arith.addi %add3A_702, %iota3A : vector<16xi32>
    %sub3A_704 = arith.subi %add3A_703, %masked_cumsum3A_694 : vector<16xi32>
    %not3A_705 = arith.constant dense<true> : vector<16xi1>
    %not3A_706 = arith.xori %eq3A_686, %not3A_705 : vector<16xi1>
    tpu.vector_store_idx %arg8[%sub3A_704], %add3A_683 masked %not3A_706 : memref<544xi32, #tpu.memory_space<vmem>>[vector<16xi32>], vector<16xi32>, vector<16xi1>
    %reduce_max3A_707 = arith.constant true
    %reduce_max3A_708 = vector.broadcast %reduce_max3A_707 : i1 to vector<16xi1>
    %reduce_max3A_709 = arith.constant -2147483648 : i32
    %reduce_max3A_710 = vector.broadcast %reduce_max3A_709 : i32 to vector<16xi32>
    %reduce_max3A_711 = arith.xori %masked_cumsum3A_694, %reduce_max3A_710 : vector<16xi32>
    %reduce_max3A_712 = tpu.scan <max>, %reduce_max3A_711 masked %reduce_max3A_708 : vector<16xi32>, vector<16xi1> -> vector<16xi32>
    %reduce_max3A_713 = arith.xori %reduce_max3A_712, %reduce_max3A_710 : vector<16xi32>
    %reduce_max3A_714 = vector.extract %reduce_max3A_713[15] : i32 from vector<16xi32>
    %add3A_715 = arith.addi %add3A_677, %reduce_max3A_714 : i32
    %get3A_716 = arith.constant 272 : index
    %get3A_717 = tpu.vector_load %arg5[%get3A_716] {strides = array<i32>} : memref<512xi32, #tpu.memory_space<vmem>>, vector<16xi32>,
    %add3A_718 = arith.constant 272 : i32
    %add3A_719 = arith.addi %mul3A_2, %add3A_718 : i32
    %add3A_720 = vector.broadcast %add3A_719 : i32 to vector<16xi32>
    %add3A_721 = arith.addi %iota3A, %add3A_720 : vector<16xi32>
    %eq3A_722 = arith.constant 0 : i32
    %eq3A_723 = vector.broadcast %eq3A_722 : i32 to vector<16xi32>
    %eq3A_724 = arith.cmpi eq, %get3A_717, %eq3A_723 : vector<16xi32>
    %jit3A_725 = arith.constant 1 : i32
    %jit3A_726 = arith.constant 0 : i32
    %broadcast_in_dim3A_727 = vector.broadcast %jit3A_725 : i32 to vector<16xi32>
    %broadcast_in_dim3A_728 = vector.broadcast %jit3A_726 : i32 to vector<16xi32>
    %select_n3A_729 = arith.select %eq3A_724, %broadcast_in_dim3A_727, %broadcast_in_dim3A_728 : vector<16xi1>, vector<16xi32>
    %broadcast_in_dim3A_730 = arith.constant true
    %broadcast_in_dim3A_731 = vector.broadcast %broadcast_in_dim3A_730 : i1 to vector<16xi1>
    %masked_cumsum3A_732 = tpu.scan <sum>, %select_n3A_729 masked %broadcast_in_dim3A_731 : vector<16xi32>, vector<16xi1> -> vector<16xi32>
    %sub3A_733 = arith.constant 272 : i32
    %sub3A_734 = arith.subi %sub3A_733, %add3A_715 : i32
    %add3A_735 = vector.broadcast %add3A_715 : i32 to vector<16xi32>
    %add3A_736 = arith.addi %add3A_735, %masked_cumsum3A_732 : vector<16xi32>
    %sub3A_737 = arith.constant 1 : i32
    %sub3A_738 = vector.broadcast %sub3A_737 : i32 to vector<16xi32>
    %sub3A_739 = arith.subi %add3A_736, %sub3A_738 : vector<16xi32>
    tpu.vector_store_idx %arg7[%sub3A_739], %add3A_721 masked %eq3A_724 : memref<544xi32, #tpu.memory_space<vmem>>[vector<16xi32>], vector<16xi32>, vector<16xi1>
    %add3A_740 = vector.broadcast %sub3A_734 : i32 to vector<16xi32>
    %add3A_741 = arith.addi %add3A_740, %iota3A : vector<16xi32>
    %sub3A_742 = arith.subi %add3A_741, %masked_cumsum3A_732 : vector<16xi32>
    %not3A_743 = arith.constant dense<true> : vector<16xi1>
    %not3A_744 = arith.xori %eq3A_724, %not3A_743 : vector<16xi1>
    tpu.vector_store_idx %arg8[%sub3A_742], %add3A_721 masked %not3A_744 : memref<544xi32, #tpu.memory_space<vmem>>[vector<16xi32>], vector<16xi32>, vector<16xi1>
    %reduce_max3A_745 = arith.constant true
    %reduce_max3A_746 = vector.broadcast %reduce_max3A_745 : i1 to vector<16xi1>
    %reduce_max3A_747 = arith.constant -2147483648 : i32
    %reduce_max3A_748 = vector.broadcast %reduce_max3A_747 : i32 to vector<16xi32>
    %reduce_max3A_749 = arith.xori %masked_cumsum3A_732, %reduce_max3A_748 : vector<16xi32>
    %reduce_max3A_750 = tpu.scan <max>, %reduce_max3A_749 masked %reduce_max3A_746 : vector<16xi32>, vector<16xi1> -> vector<16xi32>
    %reduce_max3A_751 = arith.xori %reduce_max3A_750, %reduce_max3A_748 : vector<16xi32>
    %reduce_max3A_752 = vector.extract %reduce_max3A_751[15] : i32 from vector<16xi32>
    %add3A_753 = arith.addi %add3A_715, %reduce_max3A_752 : i32
    %get3A_754 = arith.constant 288 : index
    %get3A_755 = tpu.vector_load %arg5[%get3A_754] {strides = array<i32>} : memref<512xi32, #tpu.memory_space<vmem>>, vector<16xi32>,
    %add3A_756 = arith.constant 288 : i32
    %add3A_757 = arith.addi %mul3A_2, %add3A_756 : i32
    %add3A_758 = vector.broadcast %add3A_757 : i32 to vector<16xi32>
    %add3A_759 = arith.addi %iota3A, %add3A_758 : vector<16xi32>
    %eq3A_760 = arith.constant 0 : i32
    %eq3A_761 = vector.broadcast %eq3A_760 : i32 to vector<16xi32>
    %eq3A_762 = arith.cmpi eq, %get3A_755, %eq3A_761 : vector<16xi32>
    %jit3A_763 = arith.constant 1 : i32
    %jit3A_764 = arith.constant 0 : i32
    %broadcast_in_dim3A_765 = vector.broadcast %jit3A_763 : i32 to vector<16xi32>
    %broadcast_in_dim3A_766 = vector.broadcast %jit3A_764 : i32 to vector<16xi32>
    %select_n3A_767 = arith.select %eq3A_762, %broadcast_in_dim3A_765, %broadcast_in_dim3A_766 : vector<16xi1>, vector<16xi32>
    %broadcast_in_dim3A_768 = arith.constant true
    %broadcast_in_dim3A_769 = vector.broadcast %broadcast_in_dim3A_768 : i1 to vector<16xi1>
    %masked_cumsum3A_770 = tpu.scan <sum>, %select_n3A_767 masked %broadcast_in_dim3A_769 : vector<16xi32>, vector<16xi1> -> vector<16xi32>
    %sub3A_771 = arith.constant 288 : i32
    %sub3A_772 = arith.subi %sub3A_771, %add3A_753 : i32
    %add3A_773 = vector.broadcast %add3A_753 : i32 to vector<16xi32>
    %add3A_774 = arith.addi %add3A_773, %masked_cumsum3A_770 : vector<16xi32>
    %sub3A_775 = arith.constant 1 : i32
    %sub3A_776 = vector.broadcast %sub3A_775 : i32 to vector<16xi32>
    %sub3A_777 = arith.subi %add3A_774, %sub3A_776 : vector<16xi32>
    tpu.vector_store_idx %arg7[%sub3A_777], %add3A_759 masked %eq3A_762 : memref<544xi32, #tpu.memory_space<vmem>>[vector<16xi32>], vector<16xi32>, vector<16xi1>
    %add3A_778 = vector.broadcast %sub3A_772 : i32 to vector<16xi32>
    %add3A_779 = arith.addi %add3A_778, %iota3A : vector<16xi32>
    %sub3A_780 = arith.subi %add3A_779, %masked_cumsum3A_770 : vector<16xi32>
    %not3A_781 = arith.constant dense<true> : vector<16xi1>
    %not3A_782 = arith.xori %eq3A_762, %not3A_781 : vector<16xi1>
    tpu.vector_store_idx %arg8[%sub3A_780], %add3A_759 masked %not3A_782 : memref<544xi32, #tpu.memory_space<vmem>>[vector<16xi32>], vector<16xi32>, vector<16xi1>
    %reduce_max3A_783 = arith.constant true
    %reduce_max3A_784 = vector.broadcast %reduce_max3A_783 : i1 to vector<16xi1>
    %reduce_max3A_785 = arith.constant -2147483648 : i32
    %reduce_max3A_786 = vector.broadcast %reduce_max3A_785 : i32 to vector<16xi32>
    %reduce_max3A_787 = arith.xori %masked_cumsum3A_770, %reduce_max3A_786 : vector<16xi32>
    %reduce_max3A_788 = tpu.scan <max>, %reduce_max3A_787 masked %reduce_max3A_784 : vector<16xi32>, vector<16xi1> -> vector<16xi32>
    %reduce_max3A_789 = arith.xori %reduce_max3A_788, %reduce_max3A_786 : vector<16xi32>
    %reduce_max3A_790 = vector.extract %reduce_max3A_789[15] : i32 from vector<16xi32>
    %add3A_791 = arith.addi %add3A_753, %reduce_max3A_790 : i32
    %get3A_792 = arith.constant 304 : index
    %get3A_793 = tpu.vector_load %arg5[%get3A_792] {strides = array<i32>} : memref<512xi32, #tpu.memory_space<vmem>>, vector<16xi32>,
    %add3A_794 = arith.constant 304 : i32
    %add3A_795 = arith.addi %mul3A_2, %add3A_794 : i32
    %add3A_796 = vector.broadcast %add3A_795 : i32 to vector<16xi32>
    %add3A_797 = arith.addi %iota3A, %add3A_796 : vector<16xi32>
    %eq3A_798 = arith.constant 0 : i32
    %eq3A_799 = vector.broadcast %eq3A_798 : i32 to vector<16xi32>
    %eq3A_800 = arith.cmpi eq, %get3A_793, %eq3A_799 : vector<16xi32>
    %jit3A_801 = arith.constant 1 : i32
    %jit3A_802 = arith.constant 0 : i32
    %broadcast_in_dim3A_803 = vector.broadcast %jit3A_801 : i32 to vector<16xi32>
    %broadcast_in_dim3A_804 = vector.broadcast %jit3A_802 : i32 to vector<16xi32>
    %select_n3A_805 = arith.select %eq3A_800, %broadcast_in_dim3A_803, %broadcast_in_dim3A_804 : vector<16xi1>, vector<16xi32>
    %broadcast_in_dim3A_806 = arith.constant true
    %broadcast_in_dim3A_807 = vector.broadcast %broadcast_in_dim3A_806 : i1 to vector<16xi1>
    %masked_cumsum3A_808 = tpu.scan <sum>, %select_n3A_805 masked %broadcast_in_dim3A_807 : vector<16xi32>, vector<16xi1> -> vector<16xi32>
    %sub3A_809 = arith.constant 304 : i32
    %sub3A_810 = arith.subi %sub3A_809, %add3A_791 : i32
    %add3A_811 = vector.broadcast %add3A_791 : i32 to vector<16xi32>
    %add3A_812 = arith.addi %add3A_811, %masked_cumsum3A_808 : vector<16xi32>
    %sub3A_813 = arith.constant 1 : i32
    %sub3A_814 = vector.broadcast %sub3A_813 : i32 to vector<16xi32>
    %sub3A_815 = arith.subi %add3A_812, %sub3A_814 : vector<16xi32>
    tpu.vector_store_idx %arg7[%sub3A_815], %add3A_797 masked %eq3A_800 : memref<544xi32, #tpu.memory_space<vmem>>[vector<16xi32>], vector<16xi32>, vector<16xi1>
    %add3A_816 = vector.broadcast %sub3A_810 : i32 to vector<16xi32>
    %add3A_817 = arith.addi %add3A_816, %iota3A : vector<16xi32>
    %sub3A_818 = arith.subi %add3A_817, %masked_cumsum3A_808 : vector<16xi32>
    %not3A_819 = arith.constant dense<true> : vector<16xi1>
    %not3A_820 = arith.xori %eq3A_800, %not3A_819 : vector<16xi1>
    tpu.vector_store_idx %arg8[%sub3A_818], %add3A_797 masked %not3A_820 : memref<544xi32, #tpu.memory_space<vmem>>[vector<16xi32>], vector<16xi32>, vector<16xi1>
    %reduce_max3A_821 = arith.constant true
    %reduce_max3A_822 = vector.broadcast %reduce_max3A_821 : i1 to vector<16xi1>
    %reduce_max3A_823 = arith.constant -2147483648 : i32
    %reduce_max3A_824 = vector.broadcast %reduce_max3A_823 : i32 to vector<16xi32>
    %reduce_max3A_825 = arith.xori %masked_cumsum3A_808, %reduce_max3A_824 : vector<16xi32>
    %reduce_max3A_826 = tpu.scan <max>, %reduce_max3A_825 masked %reduce_max3A_822 : vector<16xi32>, vector<16xi1> -> vector<16xi32>
    %reduce_max3A_827 = arith.xori %reduce_max3A_826, %reduce_max3A_824 : vector<16xi32>
    %reduce_max3A_828 = vector.extract %reduce_max3A_827[15] : i32 from vector<16xi32>
    %add3A_829 = arith.addi %add3A_791, %reduce_max3A_828 : i32
    %get3A_830 = arith.constant 320 : index
    %get3A_831 = tpu.vector_load %arg5[%get3A_830] {strides = array<i32>} : memref<512xi32, #tpu.memory_space<vmem>>, vector<16xi32>,
    %add3A_832 = arith.constant 320 : i32
    %add3A_833 = arith.addi %mul3A_2, %add3A_832 : i32
    %add3A_834 = vector.broadcast %add3A_833 : i32 to vector<16xi32>
    %add3A_835 = arith.addi %iota3A, %add3A_834 : vector<16xi32>
    %eq3A_836 = arith.constant 0 : i32
    %eq3A_837 = vector.broadcast %eq3A_836 : i32 to vector<16xi32>
    %eq3A_838 = arith.cmpi eq, %get3A_831, %eq3A_837 : vector<16xi32>
    %jit3A_839 = arith.constant 1 : i32
    %jit3A_840 = arith.constant 0 : i32
    %broadcast_in_dim3A_841 = vector.broadcast %jit3A_839 : i32 to vector<16xi32>
    %broadcast_in_dim3A_842 = vector.broadcast %jit3A_840 : i32 to vector<16xi32>
    %select_n3A_843 = arith.select %eq3A_838, %broadcast_in_dim3A_841, %broadcast_in_dim3A_842 : vector<16xi1>, vector<16xi32>
    %broadcast_in_dim3A_844 = arith.constant true
    %broadcast_in_dim3A_845 = vector.broadcast %broadcast_in_dim3A_844 : i1 to vector<16xi1>
    %masked_cumsum3A_846 = tpu.scan <sum>, %select_n3A_843 masked %broadcast_in_dim3A_845 : vector<16xi32>, vector<16xi1> -> vector<16xi32>
    %sub3A_847 = arith.constant 320 : i32
    %sub3A_848 = arith.subi %sub3A_847, %add3A_829 : i32
    %add3A_849 = vector.broadcast %add3A_829 : i32 to vector<16xi32>
    %add3A_850 = arith.addi %add3A_849, %masked_cumsum3A_846 : vector<16xi32>
    %sub3A_851 = arith.constant 1 : i32
    %sub3A_852 = vector.broadcast %sub3A_851 : i32 to vector<16xi32>
    %sub3A_853 = arith.subi %add3A_850, %sub3A_852 : vector<16xi32>
    tpu.vector_store_idx %arg7[%sub3A_853], %add3A_835 masked %eq3A_838 : memref<544xi32, #tpu.memory_space<vmem>>[vector<16xi32>], vector<16xi32>, vector<16xi1>
    %add3A_854 = vector.broadcast %sub3A_848 : i32 to vector<16xi32>
    %add3A_855 = arith.addi %add3A_854, %iota3A : vector<16xi32>
    %sub3A_856 = arith.subi %add3A_855, %masked_cumsum3A_846 : vector<16xi32>
    %not3A_857 = arith.constant dense<true> : vector<16xi1>
    %not3A_858 = arith.xori %eq3A_838, %not3A_857 : vector<16xi1>
    tpu.vector_store_idx %arg8[%sub3A_856], %add3A_835 masked %not3A_858 : memref<544xi32, #tpu.memory_space<vmem>>[vector<16xi32>], vector<16xi32>, vector<16xi1>
    %reduce_max3A_859 = arith.constant true
    %reduce_max3A_860 = vector.broadcast %reduce_max3A_859 : i1 to vector<16xi1>
    %reduce_max3A_861 = arith.constant -2147483648 : i32
    %reduce_max3A_862 = vector.broadcast %reduce_max3A_861 : i32 to vector<16xi32>
    %reduce_max3A_863 = arith.xori %masked_cumsum3A_846, %reduce_max3A_862 : vector<16xi32>
    %reduce_max3A_864 = tpu.scan <max>, %reduce_max3A_863 masked %reduce_max3A_860 : vector<16xi32>, vector<16xi1> -> vector<16xi32>
    %reduce_max3A_865 = arith.xori %reduce_max3A_864, %reduce_max3A_862 : vector<16xi32>
    %reduce_max3A_866 = vector.extract %reduce_max3A_865[15] : i32 from vector<16xi32>
    %add3A_867 = arith.addi %add3A_829, %reduce_max3A_866 : i32
    %get3A_868 = arith.constant 336 : index
    %get3A_869 = tpu.vector_load %arg5[%get3A_868] {strides = array<i32>} : memref<512xi32, #tpu.memory_space<vmem>>, vector<16xi32>,
    %add3A_870 = arith.constant 336 : i32
    %add3A_871 = arith.addi %mul3A_2, %add3A_870 : i32
    %add3A_872 = vector.broadcast %add3A_871 : i32 to vector<16xi32>
    %add3A_873 = arith.addi %iota3A, %add3A_872 : vector<16xi32>
    %eq3A_874 = arith.constant 0 : i32
    %eq3A_875 = vector.broadcast %eq3A_874 : i32 to vector<16xi32>
    %eq3A_876 = arith.cmpi eq, %get3A_869, %eq3A_875 : vector<16xi32>
    %jit3A_877 = arith.constant 1 : i32
    %jit3A_878 = arith.constant 0 : i32
    %broadcast_in_dim3A_879 = vector.broadcast %jit3A_877 : i32 to vector<16xi32>
    %broadcast_in_dim3A_880 = vector.broadcast %jit3A_878 : i32 to vector<16xi32>
    %select_n3A_881 = arith.select %eq3A_876, %broadcast_in_dim3A_879, %broadcast_in_dim3A_880 : vector<16xi1>, vector<16xi32>
    %broadcast_in_dim3A_882 = arith.constant true
    %broadcast_in_dim3A_883 = vector.broadcast %broadcast_in_dim3A_882 : i1 to vector<16xi1>
    %masked_cumsum3A_884 = tpu.scan <sum>, %select_n3A_881 masked %broadcast_in_dim3A_883 : vector<16xi32>, vector<16xi1> -> vector<16xi32>
    %sub3A_885 = arith.constant 336 : i32
    %sub3A_886 = arith.subi %sub3A_885, %add3A_867 : i32
    %add3A_887 = vector.broadcast %add3A_867 : i32 to vector<16xi32>
    %add3A_888 = arith.addi %add3A_887, %masked_cumsum3A_884 : vector<16xi32>
    %sub3A_889 = arith.constant 1 : i32
    %sub3A_890 = vector.broadcast %sub3A_889 : i32 to vector<16xi32>
    %sub3A_891 = arith.subi %add3A_888, %sub3A_890 : vector<16xi32>
    tpu.vector_store_idx %arg7[%sub3A_891], %add3A_873 masked %eq3A_876 : memref<544xi32, #tpu.memory_space<vmem>>[vector<16xi32>], vector<16xi32>, vector<16xi1>
    %add3A_892 = vector.broadcast %sub3A_886 : i32 to vector<16xi32>
    %add3A_893 = arith.addi %add3A_892, %iota3A : vector<16xi32>
    %sub3A_894 = arith.subi %add3A_893, %masked_cumsum3A_884 : vector<16xi32>
    %not3A_895 = arith.constant dense<true> : vector<16xi1>
    %not3A_896 = arith.xori %eq3A_876, %not3A_895 : vector<16xi1>
    tpu.vector_store_idx %arg8[%sub3A_894], %add3A_873 masked %not3A_896 : memref<544xi32, #tpu.memory_space<vmem>>[vector<16xi32>], vector<16xi32>, vector<16xi1>
    %reduce_max3A_897 = arith.constant true
    %reduce_max3A_898 = vector.broadcast %reduce_max3A_897 : i1 to vector<16xi1>
    %reduce_max3A_899 = arith.constant -2147483648 : i32
    %reduce_max3A_900 = vector.broadcast %reduce_max3A_899 : i32 to vector<16xi32>
    %reduce_max3A_901 = arith.xori %masked_cumsum3A_884, %reduce_max3A_900 : vector<16xi32>
    %reduce_max3A_902 = tpu.scan <max>, %reduce_max3A_901 masked %reduce_max3A_898 : vector<16xi32>, vector<16xi1> -> vector<16xi32>
    %reduce_max3A_903 = arith.xori %reduce_max3A_902, %reduce_max3A_900 : vector<16xi32>
    %reduce_max3A_904 = vector.extract %reduce_max3A_903[15] : i32 from vector<16xi32>
    %add3A_905 = arith.addi %add3A_867, %reduce_max3A_904 : i32
    %get3A_906 = arith.constant 352 : index
    %get3A_907 = tpu.vector_load %arg5[%get3A_906] {strides = array<i32>} : memref<512xi32, #tpu.memory_space<vmem>>, vector<16xi32>,
    %add3A_908 = arith.constant 352 : i32
    %add3A_909 = arith.addi %mul3A_2, %add3A_908 : i32
    %add3A_910 = vector.broadcast %add3A_909 : i32 to vector<16xi32>
    %add3A_911 = arith.addi %iota3A, %add3A_910 : vector<16xi32>
    %eq3A_912 = arith.constant 0 : i32
    %eq3A_913 = vector.broadcast %eq3A_912 : i32 to vector<16xi32>
    %eq3A_914 = arith.cmpi eq, %get3A_907, %eq3A_913 : vector<16xi32>
    %jit3A_915 = arith.constant 1 : i32
    %jit3A_916 = arith.constant 0 : i32
    %broadcast_in_dim3A_917 = vector.broadcast %jit3A_915 : i32 to vector<16xi32>
    %broadcast_in_dim3A_918 = vector.broadcast %jit3A_916 : i32 to vector<16xi32>
    %select_n3A_919 = arith.select %eq3A_914, %broadcast_in_dim3A_917, %broadcast_in_dim3A_918 : vector<16xi1>, vector<16xi32>
    %broadcast_in_dim3A_920 = arith.constant true
    %broadcast_in_dim3A_921 = vector.broadcast %broadcast_in_dim3A_920 : i1 to vector<16xi1>
    %masked_cumsum3A_922 = tpu.scan <sum>, %select_n3A_919 masked %broadcast_in_dim3A_921 : vector<16xi32>, vector<16xi1> -> vector<16xi32>
    %sub3A_923 = arith.constant 352 : i32
    %sub3A_924 = arith.subi %sub3A_923, %add3A_905 : i32
    %add3A_925 = vector.broadcast %add3A_905 : i32 to vector<16xi32>
    %add3A_926 = arith.addi %add3A_925, %masked_cumsum3A_922 : vector<16xi32>
    %sub3A_927 = arith.constant 1 : i32
    %sub3A_928 = vector.broadcast %sub3A_927 : i32 to vector<16xi32>
    %sub3A_929 = arith.subi %add3A_926, %sub3A_928 : vector<16xi32>
    tpu.vector_store_idx %arg7[%sub3A_929], %add3A_911 masked %eq3A_914 : memref<544xi32, #tpu.memory_space<vmem>>[vector<16xi32>], vector<16xi32>, vector<16xi1>
    %add3A_930 = vector.broadcast %sub3A_924 : i32 to vector<16xi32>
    %add3A_931 = arith.addi %add3A_930, %iota3A : vector<16xi32>
    %sub3A_932 = arith.subi %add3A_931, %masked_cumsum3A_922 : vector<16xi32>
    %not3A_933 = arith.constant dense<true> : vector<16xi1>
    %not3A_934 = arith.xori %eq3A_914, %not3A_933 : vector<16xi1>
    tpu.vector_store_idx %arg8[%sub3A_932], %add3A_911 masked %not3A_934 : memref<544xi32, #tpu.memory_space<vmem>>[vector<16xi32>], vector<16xi32>, vector<16xi1>
    %reduce_max3A_935 = arith.constant true
    %reduce_max3A_936 = vector.broadcast %reduce_max3A_935 : i1 to vector<16xi1>
    %reduce_max3A_937 = arith.constant -2147483648 : i32
    %reduce_max3A_938 = vector.broadcast %reduce_max3A_937 : i32 to vector<16xi32>
    %reduce_max3A_939 = arith.xori %masked_cumsum3A_922, %reduce_max3A_938 : vector<16xi32>
    %reduce_max3A_940 = tpu.scan <max>, %reduce_max3A_939 masked %reduce_max3A_936 : vector<16xi32>, vector<16xi1> -> vector<16xi32>
    %reduce_max3A_941 = arith.xori %reduce_max3A_940, %reduce_max3A_938 : vector<16xi32>
    %reduce_max3A_942 = vector.extract %reduce_max3A_941[15] : i32 from vector<16xi32>
    %add3A_943 = arith.addi %add3A_905, %reduce_max3A_942 : i32
    %get3A_944 = arith.constant 368 : index
    %get3A_945 = tpu.vector_load %arg5[%get3A_944] {strides = array<i32>} : memref<512xi32, #tpu.memory_space<vmem>>, vector<16xi32>,
    %add3A_946 = arith.constant 368 : i32
    %add3A_947 = arith.addi %mul3A_2, %add3A_946 : i32
    %add3A_948 = vector.broadcast %add3A_947 : i32 to vector<16xi32>
    %add3A_949 = arith.addi %iota3A, %add3A_948 : vector<16xi32>
    %eq3A_950 = arith.constant 0 : i32
    %eq3A_951 = vector.broadcast %eq3A_950 : i32 to vector<16xi32>
    %eq3A_952 = arith.cmpi eq, %get3A_945, %eq3A_951 : vector<16xi32>
    %jit3A_953 = arith.constant 1 : i32
    %jit3A_954 = arith.constant 0 : i32
    %broadcast_in_dim3A_955 = vector.broadcast %jit3A_953 : i32 to vector<16xi32>
    %broadcast_in_dim3A_956 = vector.broadcast %jit3A_954 : i32 to vector<16xi32>
    %select_n3A_957 = arith.select %eq3A_952, %broadcast_in_dim3A_955, %broadcast_in_dim3A_956 : vector<16xi1>, vector<16xi32>
    %broadcast_in_dim3A_958 = arith.constant true
    %broadcast_in_dim3A_959 = vector.broadcast %broadcast_in_dim3A_958 : i1 to vector<16xi1>
    %masked_cumsum3A_960 = tpu.scan <sum>, %select_n3A_957 masked %broadcast_in_dim3A_959 : vector<16xi32>, vector<16xi1> -> vector<16xi32>
    %sub3A_961 = arith.constant 368 : i32
    %sub3A_962 = arith.subi %sub3A_961, %add3A_943 : i32
    %add3A_963 = vector.broadcast %add3A_943 : i32 to vector<16xi32>
    %add3A_964 = arith.addi %add3A_963, %masked_cumsum3A_960 : vector<16xi32>
    %sub3A_965 = arith.constant 1 : i32
    %sub3A_966 = vector.broadcast %sub3A_965 : i32 to vector<16xi32>
    %sub3A_967 = arith.subi %add3A_964, %sub3A_966 : vector<16xi32>
    tpu.vector_store_idx %arg7[%sub3A_967], %add3A_949 masked %eq3A_952 : memref<544xi32, #tpu.memory_space<vmem>>[vector<16xi32>], vector<16xi32>, vector<16xi1>
    %add3A_968 = vector.broadcast %sub3A_962 : i32 to vector<16xi32>
    %add3A_969 = arith.addi %add3A_968, %iota3A : vector<16xi32>
    %sub3A_970 = arith.subi %add3A_969, %masked_cumsum3A_960 : vector<16xi32>
    %not3A_971 = arith.constant dense<true> : vector<16xi1>
    %not3A_972 = arith.xori %eq3A_952, %not3A_971 : vector<16xi1>
    tpu.vector_store_idx %arg8[%sub3A_970], %add3A_949 masked %not3A_972 : memref<544xi32, #tpu.memory_space<vmem>>[vector<16xi32>], vector<16xi32>, vector<16xi1>
    %reduce_max3A_973 = arith.constant true
    %reduce_max3A_974 = vector.broadcast %reduce_max3A_973 : i1 to vector<16xi1>
    %reduce_max3A_975 = arith.constant -2147483648 : i32
    %reduce_max3A_976 = vector.broadcast %reduce_max3A_975 : i32 to vector<16xi32>
    %reduce_max3A_977 = arith.xori %masked_cumsum3A_960, %reduce_max3A_976 : vector<16xi32>
    %reduce_max3A_978 = tpu.scan <max>, %reduce_max3A_977 masked %reduce_max3A_974 : vector<16xi32>, vector<16xi1> -> vector<16xi32>
    %reduce_max3A_979 = arith.xori %reduce_max3A_978, %reduce_max3A_976 : vector<16xi32>
    %reduce_max3A_980 = vector.extract %reduce_max3A_979[15] : i32 from vector<16xi32>
    %add3A_981 = arith.addi %add3A_943, %reduce_max3A_980 : i32
    %get3A_982 = arith.constant 384 : index
    %get3A_983 = tpu.vector_load %arg5[%get3A_982] {strides = array<i32>} : memref<512xi32, #tpu.memory_space<vmem>>, vector<16xi32>,
    %add3A_984 = arith.constant 384 : i32
    %add3A_985 = arith.addi %mul3A_2, %add3A_984 : i32
    %add3A_986 = vector.broadcast %add3A_985 : i32 to vector<16xi32>
    %add3A_987 = arith.addi %iota3A, %add3A_986 : vector<16xi32>
    %eq3A_988 = arith.constant 0 : i32
    %eq3A_989 = vector.broadcast %eq3A_988 : i32 to vector<16xi32>
    %eq3A_990 = arith.cmpi eq, %get3A_983, %eq3A_989 : vector<16xi32>
    %jit3A_991 = arith.constant 1 : i32
    %jit3A_992 = arith.constant 0 : i32
    %broadcast_in_dim3A_993 = vector.broadcast %jit3A_991 : i32 to vector<16xi32>
    %broadcast_in_dim3A_994 = vector.broadcast %jit3A_992 : i32 to vector<16xi32>
    %select_n3A_995 = arith.select %eq3A_990, %broadcast_in_dim3A_993, %broadcast_in_dim3A_994 : vector<16xi1>, vector<16xi32>
    %broadcast_in_dim3A_996 = arith.constant true
    %broadcast_in_dim3A_997 = vector.broadcast %broadcast_in_dim3A_996 : i1 to vector<16xi1>
    %masked_cumsum3A_998 = tpu.scan <sum>, %select_n3A_995 masked %broadcast_in_dim3A_997 : vector<16xi32>, vector<16xi1> -> vector<16xi32>
    %sub3A_999 = arith.constant 384 : i32
    %sub3A_1000 = arith.subi %sub3A_999, %add3A_981 : i32
    %add3A_1001 = vector.broadcast %add3A_981 : i32 to vector<16xi32>
    %add3A_1002 = arith.addi %add3A_1001, %masked_cumsum3A_998 : vector<16xi32>
    %sub3A_1003 = arith.constant 1 : i32
    %sub3A_1004 = vector.broadcast %sub3A_1003 : i32 to vector<16xi32>
    %sub3A_1005 = arith.subi %add3A_1002, %sub3A_1004 : vector<16xi32>
    tpu.vector_store_idx %arg7[%sub3A_1005], %add3A_987 masked %eq3A_990 : memref<544xi32, #tpu.memory_space<vmem>>[vector<16xi32>], vector<16xi32>, vector<16xi1>
    %add3A_1006 = vector.broadcast %sub3A_1000 : i32 to vector<16xi32>
    %add3A_1007 = arith.addi %add3A_1006, %iota3A : vector<16xi32>
    %sub3A_1008 = arith.subi %add3A_1007, %masked_cumsum3A_998 : vector<16xi32>
    %not3A_1009 = arith.constant dense<true> : vector<16xi1>
    %not3A_1010 = arith.xori %eq3A_990, %not3A_1009 : vector<16xi1>
    tpu.vector_store_idx %arg8[%sub3A_1008], %add3A_987 masked %not3A_1010 : memref<544xi32, #tpu.memory_space<vmem>>[vector<16xi32>], vector<16xi32>, vector<16xi1>
    %reduce_max3A_1011 = arith.constant true
    %reduce_max3A_1012 = vector.broadcast %reduce_max3A_1011 : i1 to vector<16xi1>
    %reduce_max3A_1013 = arith.constant -2147483648 : i32
    %reduce_max3A_1014 = vector.broadcast %reduce_max3A_1013 : i32 to vector<16xi32>
    %reduce_max3A_1015 = arith.xori %masked_cumsum3A_998, %reduce_max3A_1014 : vector<16xi32>
    %reduce_max3A_1016 = tpu.scan <max>, %reduce_max3A_1015 masked %reduce_max3A_1012 : vector<16xi32>, vector<16xi1> -> vector<16xi32>
    %reduce_max3A_1017 = arith.xori %reduce_max3A_1016, %reduce_max3A_1014 : vector<16xi32>
    %reduce_max3A_1018 = vector.extract %reduce_max3A_1017[15] : i32 from vector<16xi32>
    %add3A_1019 = arith.addi %add3A_981, %reduce_max3A_1018 : i32
    %get3A_1020 = arith.constant 400 : index
    %get3A_1021 = tpu.vector_load %arg5[%get3A_1020] {strides = array<i32>} : memref<512xi32, #tpu.memory_space<vmem>>, vector<16xi32>,
    %add3A_1022 = arith.constant 400 : i32
    %add3A_1023 = arith.addi %mul3A_2, %add3A_1022 : i32
    %add3A_1024 = vector.broadcast %add3A_1023 : i32 to vector<16xi32>
    %add3A_1025 = arith.addi %iota3A, %add3A_1024 : vector<16xi32>
    %eq3A_1026 = arith.constant 0 : i32
    %eq3A_1027 = vector.broadcast %eq3A_1026 : i32 to vector<16xi32>
    %eq3A_1028 = arith.cmpi eq, %get3A_1021, %eq3A_1027 : vector<16xi32>
    %jit3A_1029 = arith.constant 1 : i32
    %jit3A_1030 = arith.constant 0 : i32
    %broadcast_in_dim3A_1031 = vector.broadcast %jit3A_1029 : i32 to vector<16xi32>
    %broadcast_in_dim3A_1032 = vector.broadcast %jit3A_1030 : i32 to vector<16xi32>
    %select_n3A_1033 = arith.select %eq3A_1028, %broadcast_in_dim3A_1031, %broadcast_in_dim3A_1032 : vector<16xi1>, vector<16xi32>
    %broadcast_in_dim3A_1034 = arith.constant true
    %broadcast_in_dim3A_1035 = vector.broadcast %broadcast_in_dim3A_1034 : i1 to vector<16xi1>
    %masked_cumsum3A_1036 = tpu.scan <sum>, %select_n3A_1033 masked %broadcast_in_dim3A_1035 : vector<16xi32>, vector<16xi1> -> vector<16xi32>
    %sub3A_1037 = arith.constant 400 : i32
    %sub3A_1038 = arith.subi %sub3A_1037, %add3A_1019 : i32
    %add3A_1039 = vector.broadcast %add3A_1019 : i32 to vector<16xi32>
    %add3A_1040 = arith.addi %add3A_1039, %masked_cumsum3A_1036 : vector<16xi32>
    %sub3A_1041 = arith.constant 1 : i32
    %sub3A_1042 = vector.broadcast %sub3A_1041 : i32 to vector<16xi32>
    %sub3A_1043 = arith.subi %add3A_1040, %sub3A_1042 : vector<16xi32>
    tpu.vector_store_idx %arg7[%sub3A_1043], %add3A_1025 masked %eq3A_1028 : memref<544xi32, #tpu.memory_space<vmem>>[vector<16xi32>], vector<16xi32>, vector<16xi1>
    %add3A_1044 = vector.broadcast %sub3A_1038 : i32 to vector<16xi32>
    %add3A_1045 = arith.addi %add3A_1044, %iota3A : vector<16xi32>
    %sub3A_1046 = arith.subi %add3A_1045, %masked_cumsum3A_1036 : vector<16xi32>
    %not3A_1047 = arith.constant dense<true> : vector<16xi1>
    %not3A_1048 = arith.xori %eq3A_1028, %not3A_1047 : vector<16xi1>
    tpu.vector_store_idx %arg8[%sub3A_1046], %add3A_1025 masked %not3A_1048 : memref<544xi32, #tpu.memory_space<vmem>>[vector<16xi32>], vector<16xi32>, vector<16xi1>
    %reduce_max3A_1049 = arith.constant true
    %reduce_max3A_1050 = vector.broadcast %reduce_max3A_1049 : i1 to vector<16xi1>
    %reduce_max3A_1051 = arith.constant -2147483648 : i32
    %reduce_max3A_1052 = vector.broadcast %reduce_max3A_1051 : i32 to vector<16xi32>
    %reduce_max3A_1053 = arith.xori %masked_cumsum3A_1036, %reduce_max3A_1052 : vector<16xi32>
    %reduce_max3A_1054 = tpu.scan <max>, %reduce_max3A_1053 masked %reduce_max3A_1050 : vector<16xi32>, vector<16xi1> -> vector<16xi32>
    %reduce_max3A_1055 = arith.xori %reduce_max3A_1054, %reduce_max3A_1052 : vector<16xi32>
    %reduce_max3A_1056 = vector.extract %reduce_max3A_1055[15] : i32 from vector<16xi32>
    %add3A_1057 = arith.addi %add3A_1019, %reduce_max3A_1056 : i32
    %get3A_1058 = arith.constant 416 : index
    %get3A_1059 = tpu.vector_load %arg5[%get3A_1058] {strides = array<i32>} : memref<512xi32, #tpu.memory_space<vmem>>, vector<16xi32>,
    %add3A_1060 = arith.constant 416 : i32
    %add3A_1061 = arith.addi %mul3A_2, %add3A_1060 : i32
    %add3A_1062 = vector.broadcast %add3A_1061 : i32 to vector<16xi32>
    %add3A_1063 = arith.addi %iota3A, %add3A_1062 : vector<16xi32>
    %eq3A_1064 = arith.constant 0 : i32
    %eq3A_1065 = vector.broadcast %eq3A_1064 : i32 to vector<16xi32>
    %eq3A_1066 = arith.cmpi eq, %get3A_1059, %eq3A_1065 : vector<16xi32>
    %jit3A_1067 = arith.constant 1 : i32
    %jit3A_1068 = arith.constant 0 : i32
    %broadcast_in_dim3A_1069 = vector.broadcast %jit3A_1067 : i32 to vector<16xi32>
    %broadcast_in_dim3A_1070 = vector.broadcast %jit3A_1068 : i32 to vector<16xi32>
    %select_n3A_1071 = arith.select %eq3A_1066, %broadcast_in_dim3A_1069, %broadcast_in_dim3A_1070 : vector<16xi1>, vector<16xi32>
    %broadcast_in_dim3A_1072 = arith.constant true
    %broadcast_in_dim3A_1073 = vector.broadcast %broadcast_in_dim3A_1072 : i1 to vector<16xi1>
    %masked_cumsum3A_1074 = tpu.scan <sum>, %select_n3A_1071 masked %broadcast_in_dim3A_1073 : vector<16xi32>, vector<16xi1> -> vector<16xi32>
    %sub3A_1075 = arith.constant 416 : i32
    %sub3A_1076 = arith.subi %sub3A_1075, %add3A_1057 : i32
    %add3A_1077 = vector.broadcast %add3A_1057 : i32 to vector<16xi32>
    %add3A_1078 = arith.addi %add3A_1077, %masked_cumsum3A_1074 : vector<16xi32>
    %sub3A_1079 = arith.constant 1 : i32
    %sub3A_1080 = vector.broadcast %sub3A_1079 : i32 to vector<16xi32>
    %sub3A_1081 = arith.subi %add3A_1078, %sub3A_1080 : vector<16xi32>
    tpu.vector_store_idx %arg7[%sub3A_1081], %add3A_1063 masked %eq3A_1066 : memref<544xi32, #tpu.memory_space<vmem>>[vector<16xi32>], vector<16xi32>, vector<16xi1>
    %add3A_1082 = vector.broadcast %sub3A_1076 : i32 to vector<16xi32>
    %add3A_1083 = arith.addi %add3A_1082, %iota3A : vector<16xi32>
    %sub3A_1084 = arith.subi %add3A_1083, %masked_cumsum3A_1074 : vector<16xi32>
    %not3A_1085 = arith.constant dense<true> : vector<16xi1>
    %not3A_1086 = arith.xori %eq3A_1066, %not3A_1085 : vector<16xi1>
    tpu.vector_store_idx %arg8[%sub3A_1084], %add3A_1063 masked %not3A_1086 : memref<544xi32, #tpu.memory_space<vmem>>[vector<16xi32>], vector<16xi32>, vector<16xi1>
    %reduce_max3A_1087 = arith.constant true
    %reduce_max3A_1088 = vector.broadcast %reduce_max3A_1087 : i1 to vector<16xi1>
    %reduce_max3A_1089 = arith.constant -2147483648 : i32
    %reduce_max3A_1090 = vector.broadcast %reduce_max3A_1089 : i32 to vector<16xi32>
    %reduce_max3A_1091 = arith.xori %masked_cumsum3A_1074, %reduce_max3A_1090 : vector<16xi32>
    %reduce_max3A_1092 = tpu.scan <max>, %reduce_max3A_1091 masked %reduce_max3A_1088 : vector<16xi32>, vector<16xi1> -> vector<16xi32>
    %reduce_max3A_1093 = arith.xori %reduce_max3A_1092, %reduce_max3A_1090 : vector<16xi32>
    %reduce_max3A_1094 = vector.extract %reduce_max3A_1093[15] : i32 from vector<16xi32>
    %add3A_1095 = arith.addi %add3A_1057, %reduce_max3A_1094 : i32
    %get3A_1096 = arith.constant 432 : index
    %get3A_1097 = tpu.vector_load %arg5[%get3A_1096] {strides = array<i32>} : memref<512xi32, #tpu.memory_space<vmem>>, vector<16xi32>,
    %add3A_1098 = arith.constant 432 : i32
    %add3A_1099 = arith.addi %mul3A_2, %add3A_1098 : i32
    %add3A_1100 = vector.broadcast %add3A_1099 : i32 to vector<16xi32>
    %add3A_1101 = arith.addi %iota3A, %add3A_1100 : vector<16xi32>
    %eq3A_1102 = arith.constant 0 : i32
    %eq3A_1103 = vector.broadcast %eq3A_1102 : i32 to vector<16xi32>
    %eq3A_1104 = arith.cmpi eq, %get3A_1097, %eq3A_1103 : vector<16xi32>
    %jit3A_1105 = arith.constant 1 : i32
    %jit3A_1106 = arith.constant 0 : i32
    %broadcast_in_dim3A_1107 = vector.broadcast %jit3A_1105 : i32 to vector<16xi32>
    %broadcast_in_dim3A_1108 = vector.broadcast %jit3A_1106 : i32 to vector<16xi32>
    %select_n3A_1109 = arith.select %eq3A_1104, %broadcast_in_dim3A_1107, %broadcast_in_dim3A_1108 : vector<16xi1>, vector<16xi32>
    %broadcast_in_dim3A_1110 = arith.constant true
    %broadcast_in_dim3A_1111 = vector.broadcast %broadcast_in_dim3A_1110 : i1 to vector<16xi1>
    %masked_cumsum3A_1112 = tpu.scan <sum>, %select_n3A_1109 masked %broadcast_in_dim3A_1111 : vector<16xi32>, vector<16xi1> -> vector<16xi32>
    %sub3A_1113 = arith.constant 432 : i32
    %sub3A_1114 = arith.subi %sub3A_1113, %add3A_1095 : i32
    %add3A_1115 = vector.broadcast %add3A_1095 : i32 to vector<16xi32>
    %add3A_1116 = arith.addi %add3A_1115, %masked_cumsum3A_1112 : vector<16xi32>
    %sub3A_1117 = arith.constant 1 : i32
    %sub3A_1118 = vector.broadcast %sub3A_1117 : i32 to vector<16xi32>
    %sub3A_1119 = arith.subi %add3A_1116, %sub3A_1118 : vector<16xi32>
    tpu.vector_store_idx %arg7[%sub3A_1119], %add3A_1101 masked %eq3A_1104 : memref<544xi32, #tpu.memory_space<vmem>>[vector<16xi32>], vector<16xi32>, vector<16xi1>
    %add3A_1120 = vector.broadcast %sub3A_1114 : i32 to vector<16xi32>
    %add3A_1121 = arith.addi %add3A_1120, %iota3A : vector<16xi32>
    %sub3A_1122 = arith.subi %add3A_1121, %masked_cumsum3A_1112 : vector<16xi32>
    %not3A_1123 = arith.constant dense<true> : vector<16xi1>
    %not3A_1124 = arith.xori %eq3A_1104, %not3A_1123 : vector<16xi1>
    tpu.vector_store_idx %arg8[%sub3A_1122], %add3A_1101 masked %not3A_1124 : memref<544xi32, #tpu.memory_space<vmem>>[vector<16xi32>], vector<16xi32>, vector<16xi1>
    %reduce_max3A_1125 = arith.constant true
    %reduce_max3A_1126 = vector.broadcast %reduce_max3A_1125 : i1 to vector<16xi1>
    %reduce_max3A_1127 = arith.constant -2147483648 : i32
    %reduce_max3A_1128 = vector.broadcast %reduce_max3A_1127 : i32 to vector<16xi32>
    %reduce_max3A_1129 = arith.xori %masked_cumsum3A_1112, %reduce_max3A_1128 : vector<16xi32>
    %reduce_max3A_1130 = tpu.scan <max>, %reduce_max3A_1129 masked %reduce_max3A_1126 : vector<16xi32>, vector<16xi1> -> vector<16xi32>
    %reduce_max3A_1131 = arith.xori %reduce_max3A_1130, %reduce_max3A_1128 : vector<16xi32>
    %reduce_max3A_1132 = vector.extract %reduce_max3A_1131[15] : i32 from vector<16xi32>
    %add3A_1133 = arith.addi %add3A_1095, %reduce_max3A_1132 : i32
    %get3A_1134 = arith.constant 448 : index
    %get3A_1135 = tpu.vector_load %arg5[%get3A_1134] {strides = array<i32>} : memref<512xi32, #tpu.memory_space<vmem>>, vector<16xi32>,
    %add3A_1136 = arith.constant 448 : i32
    %add3A_1137 = arith.addi %mul3A_2, %add3A_1136 : i32
    %add3A_1138 = vector.broadcast %add3A_1137 : i32 to vector<16xi32>
    %add3A_1139 = arith.addi %iota3A, %add3A_1138 : vector<16xi32>
    %eq3A_1140 = arith.constant 0 : i32
    %eq3A_1141 = vector.broadcast %eq3A_1140 : i32 to vector<16xi32>
    %eq3A_1142 = arith.cmpi eq, %get3A_1135, %eq3A_1141 : vector<16xi32>
    %jit3A_1143 = arith.constant 1 : i32
    %jit3A_1144 = arith.constant 0 : i32
    %broadcast_in_dim3A_1145 = vector.broadcast %jit3A_1143 : i32 to vector<16xi32>
    %broadcast_in_dim3A_1146 = vector.broadcast %jit3A_1144 : i32 to vector<16xi32>
    %select_n3A_1147 = arith.select %eq3A_1142, %broadcast_in_dim3A_1145, %broadcast_in_dim3A_1146 : vector<16xi1>, vector<16xi32>
    %broadcast_in_dim3A_1148 = arith.constant true
    %broadcast_in_dim3A_1149 = vector.broadcast %broadcast_in_dim3A_1148 : i1 to vector<16xi1>
    %masked_cumsum3A_1150 = tpu.scan <sum>, %select_n3A_1147 masked %broadcast_in_dim3A_1149 : vector<16xi32>, vector<16xi1> -> vector<16xi32>
    %sub3A_1151 = arith.constant 448 : i32
    %sub3A_1152 = arith.subi %sub3A_1151, %add3A_1133 : i32
    %add3A_1153 = vector.broadcast %add3A_1133 : i32 to vector<16xi32>
    %add3A_1154 = arith.addi %add3A_1153, %masked_cumsum3A_1150 : vector<16xi32>
    %sub3A_1155 = arith.constant 1 : i32
    %sub3A_1156 = vector.broadcast %sub3A_1155 : i32 to vector<16xi32>
    %sub3A_1157 = arith.subi %add3A_1154, %sub3A_1156 : vector<16xi32>
    tpu.vector_store_idx %arg7[%sub3A_1157], %add3A_1139 masked %eq3A_1142 : memref<544xi32, #tpu.memory_space<vmem>>[vector<16xi32>], vector<16xi32>, vector<16xi1>
    %add3A_1158 = vector.broadcast %sub3A_1152 : i32 to vector<16xi32>
    %add3A_1159 = arith.addi %add3A_1158, %iota3A : vector<16xi32>
    %sub3A_1160 = arith.subi %add3A_1159, %masked_cumsum3A_1150 : vector<16xi32>
    %not3A_1161 = arith.constant dense<true> : vector<16xi1>
    %not3A_1162 = arith.xori %eq3A_1142, %not3A_1161 : vector<16xi1>
    tpu.vector_store_idx %arg8[%sub3A_1160], %add3A_1139 masked %not3A_1162 : memref<544xi32, #tpu.memory_space<vmem>>[vector<16xi32>], vector<16xi32>, vector<16xi1>
    %reduce_max3A_1163 = arith.constant true
    %reduce_max3A_1164 = vector.broadcast %reduce_max3A_1163 : i1 to vector<16xi1>
    %reduce_max3A_1165 = arith.constant -2147483648 : i32
    %reduce_max3A_1166 = vector.broadcast %reduce_max3A_1165 : i32 to vector<16xi32>
    %reduce_max3A_1167 = arith.xori %masked_cumsum3A_1150, %reduce_max3A_1166 : vector<16xi32>
    %reduce_max3A_1168 = tpu.scan <max>, %reduce_max3A_1167 masked %reduce_max3A_1164 : vector<16xi32>, vector<16xi1> -> vector<16xi32>
    %reduce_max3A_1169 = arith.xori %reduce_max3A_1168, %reduce_max3A_1166 : vector<16xi32>
    %reduce_max3A_1170 = vector.extract %reduce_max3A_1169[15] : i32 from vector<16xi32>
    %add3A_1171 = arith.addi %add3A_1133, %reduce_max3A_1170 : i32
    %get3A_1172 = arith.constant 464 : index
    %get3A_1173 = tpu.vector_load %arg5[%get3A_1172] {strides = array<i32>} : memref<512xi32, #tpu.memory_space<vmem>>, vector<16xi32>,
    %add3A_1174 = arith.constant 464 : i32
    %add3A_1175 = arith.addi %mul3A_2, %add3A_1174 : i32
    %add3A_1176 = vector.broadcast %add3A_1175 : i32 to vector<16xi32>
    %add3A_1177 = arith.addi %iota3A, %add3A_1176 : vector<16xi32>
    %eq3A_1178 = arith.constant 0 : i32
    %eq3A_1179 = vector.broadcast %eq3A_1178 : i32 to vector<16xi32>
    %eq3A_1180 = arith.cmpi eq, %get3A_1173, %eq3A_1179 : vector<16xi32>
    %jit3A_1181 = arith.constant 1 : i32
    %jit3A_1182 = arith.constant 0 : i32
    %broadcast_in_dim3A_1183 = vector.broadcast %jit3A_1181 : i32 to vector<16xi32>
    %broadcast_in_dim3A_1184 = vector.broadcast %jit3A_1182 : i32 to vector<16xi32>
    %select_n3A_1185 = arith.select %eq3A_1180, %broadcast_in_dim3A_1183, %broadcast_in_dim3A_1184 : vector<16xi1>, vector<16xi32>
    %broadcast_in_dim3A_1186 = arith.constant true
    %broadcast_in_dim3A_1187 = vector.broadcast %broadcast_in_dim3A_1186 : i1 to vector<16xi1>
    %masked_cumsum3A_1188 = tpu.scan <sum>, %select_n3A_1185 masked %broadcast_in_dim3A_1187 : vector<16xi32>, vector<16xi1> -> vector<16xi32>
    %sub3A_1189 = arith.constant 464 : i32
    %sub3A_1190 = arith.subi %sub3A_1189, %add3A_1171 : i32
    %add3A_1191 = vector.broadcast %add3A_1171 : i32 to vector<16xi32>
    %add3A_1192 = arith.addi %add3A_1191, %masked_cumsum3A_1188 : vector<16xi32>
    %sub3A_1193 = arith.constant 1 : i32
    %sub3A_1194 = vector.broadcast %sub3A_1193 : i32 to vector<16xi32>
    %sub3A_1195 = arith.subi %add3A_1192, %sub3A_1194 : vector<16xi32>
    tpu.vector_store_idx %arg7[%sub3A_1195], %add3A_1177 masked %eq3A_1180 : memref<544xi32, #tpu.memory_space<vmem>>[vector<16xi32>], vector<16xi32>, vector<16xi1>
    %add3A_1196 = vector.broadcast %sub3A_1190 : i32 to vector<16xi32>
    %add3A_1197 = arith.addi %add3A_1196, %iota3A : vector<16xi32>
    %sub3A_1198 = arith.subi %add3A_1197, %masked_cumsum3A_1188 : vector<16xi32>
    %not3A_1199 = arith.constant dense<true> : vector<16xi1>
    %not3A_1200 = arith.xori %eq3A_1180, %not3A_1199 : vector<16xi1>
    tpu.vector_store_idx %arg8[%sub3A_1198], %add3A_1177 masked %not3A_1200 : memref<544xi32, #tpu.memory_space<vmem>>[vector<16xi32>], vector<16xi32>, vector<16xi1>
    %reduce_max3A_1201 = arith.constant true
    %reduce_max3A_1202 = vector.broadcast %reduce_max3A_1201 : i1 to vector<16xi1>
    %reduce_max3A_1203 = arith.constant -2147483648 : i32
    %reduce_max3A_1204 = vector.broadcast %reduce_max3A_1203 : i32 to vector<16xi32>
    %reduce_max3A_1205 = arith.xori %masked_cumsum3A_1188, %reduce_max3A_1204 : vector<16xi32>
    %reduce_max3A_1206 = tpu.scan <max>, %reduce_max3A_1205 masked %reduce_max3A_1202 : vector<16xi32>, vector<16xi1> -> vector<16xi32>
    %reduce_max3A_1207 = arith.xori %reduce_max3A_1206, %reduce_max3A_1204 : vector<16xi32>
    %reduce_max3A_1208 = vector.extract %reduce_max3A_1207[15] : i32 from vector<16xi32>
    %add3A_1209 = arith.addi %add3A_1171, %reduce_max3A_1208 : i32
    %get3A_1210 = arith.constant 480 : index
    %get3A_1211 = tpu.vector_load %arg5[%get3A_1210] {strides = array<i32>} : memref<512xi32, #tpu.memory_space<vmem>>, vector<16xi32>,
    %add3A_1212 = arith.constant 480 : i32
    %add3A_1213 = arith.addi %mul3A_2, %add3A_1212 : i32
    %add3A_1214 = vector.broadcast %add3A_1213 : i32 to vector<16xi32>
    %add3A_1215 = arith.addi %iota3A, %add3A_1214 : vector<16xi32>
    %eq3A_1216 = arith.constant 0 : i32
    %eq3A_1217 = vector.broadcast %eq3A_1216 : i32 to vector<16xi32>
    %eq3A_1218 = arith.cmpi eq, %get3A_1211, %eq3A_1217 : vector<16xi32>
    %jit3A_1219 = arith.constant 1 : i32
    %jit3A_1220 = arith.constant 0 : i32
    %broadcast_in_dim3A_1221 = vector.broadcast %jit3A_1219 : i32 to vector<16xi32>
    %broadcast_in_dim3A_1222 = vector.broadcast %jit3A_1220 : i32 to vector<16xi32>
    %select_n3A_1223 = arith.select %eq3A_1218, %broadcast_in_dim3A_1221, %broadcast_in_dim3A_1222 : vector<16xi1>, vector<16xi32>
    %broadcast_in_dim3A_1224 = arith.constant true
    %broadcast_in_dim3A_1225 = vector.broadcast %broadcast_in_dim3A_1224 : i1 to vector<16xi1>
    %masked_cumsum3A_1226 = tpu.scan <sum>, %select_n3A_1223 masked %broadcast_in_dim3A_1225 : vector<16xi32>, vector<16xi1> -> vector<16xi32>
    %sub3A_1227 = arith.constant 480 : i32
    %sub3A_1228 = arith.subi %sub3A_1227, %add3A_1209 : i32
    %add3A_1229 = vector.broadcast %add3A_1209 : i32 to vector<16xi32>
    %add3A_1230 = arith.addi %add3A_1229, %masked_cumsum3A_1226 : vector<16xi32>
    %sub3A_1231 = arith.constant 1 : i32
    %sub3A_1232 = vector.broadcast %sub3A_1231 : i32 to vector<16xi32>
    %sub3A_1233 = arith.subi %add3A_1230, %sub3A_1232 : vector<16xi32>
    tpu.vector_store_idx %arg7[%sub3A_1233], %add3A_1215 masked %eq3A_1218 : memref<544xi32, #tpu.memory_space<vmem>>[vector<16xi32>], vector<16xi32>, vector<16xi1>
    %add3A_1234 = vector.broadcast %sub3A_1228 : i32 to vector<16xi32>
    %add3A_1235 = arith.addi %add3A_1234, %iota3A : vector<16xi32>
    %sub3A_1236 = arith.subi %add3A_1235, %masked_cumsum3A_1226 : vector<16xi32>
    %not3A_1237 = arith.constant dense<true> : vector<16xi1>
    %not3A_1238 = arith.xori %eq3A_1218, %not3A_1237 : vector<16xi1>
    tpu.vector_store_idx %arg8[%sub3A_1236], %add3A_1215 masked %not3A_1238 : memref<544xi32, #tpu.memory_space<vmem>>[vector<16xi32>], vector<16xi32>, vector<16xi1>
    %reduce_max3A_1239 = arith.constant true
    %reduce_max3A_1240 = vector.broadcast %reduce_max3A_1239 : i1 to vector<16xi1>
    %reduce_max3A_1241 = arith.constant -2147483648 : i32
    %reduce_max3A_1242 = vector.broadcast %reduce_max3A_1241 : i32 to vector<16xi32>
    %reduce_max3A_1243 = arith.xori %masked_cumsum3A_1226, %reduce_max3A_1242 : vector<16xi32>
    %reduce_max3A_1244 = tpu.scan <max>, %reduce_max3A_1243 masked %reduce_max3A_1240 : vector<16xi32>, vector<16xi1> -> vector<16xi32>
    %reduce_max3A_1245 = arith.xori %reduce_max3A_1244, %reduce_max3A_1242 : vector<16xi32>
    %reduce_max3A_1246 = vector.extract %reduce_max3A_1245[15] : i32 from vector<16xi32>
    %add3A_1247 = arith.addi %add3A_1209, %reduce_max3A_1246 : i32
    %get3A_1248 = arith.constant 496 : index
    %get3A_1249 = tpu.vector_load %arg5[%get3A_1248] {strides = array<i32>} : memref<512xi32, #tpu.memory_space<vmem>>, vector<16xi32>,
    %add3A_1250 = arith.constant 496 : i32
    %add3A_1251 = arith.addi %mul3A_2, %add3A_1250 : i32
    %add3A_1252 = vector.broadcast %add3A_1251 : i32 to vector<16xi32>
    %add3A_1253 = arith.addi %iota3A, %add3A_1252 : vector<16xi32>
    %eq3A_1254 = arith.constant 0 : i32
    %eq3A_1255 = vector.broadcast %eq3A_1254 : i32 to vector<16xi32>
    %eq3A_1256 = arith.cmpi eq, %get3A_1249, %eq3A_1255 : vector<16xi32>
    %jit3A_1257 = arith.constant 1 : i32
    %jit3A_1258 = arith.constant 0 : i32
    %broadcast_in_dim3A_1259 = vector.broadcast %jit3A_1257 : i32 to vector<16xi32>
    %broadcast_in_dim3A_1260 = vector.broadcast %jit3A_1258 : i32 to vector<16xi32>
    %select_n3A_1261 = arith.select %eq3A_1256, %broadcast_in_dim3A_1259, %broadcast_in_dim3A_1260 : vector<16xi1>, vector<16xi32>
    %broadcast_in_dim3A_1262 = arith.constant true
    %broadcast_in_dim3A_1263 = vector.broadcast %broadcast_in_dim3A_1262 : i1 to vector<16xi1>
    %masked_cumsum3A_1264 = tpu.scan <sum>, %select_n3A_1261 masked %broadcast_in_dim3A_1263 : vector<16xi32>, vector<16xi1> -> vector<16xi32>
    %sub3A_1265 = arith.constant 496 : i32
    %sub3A_1266 = arith.subi %sub3A_1265, %add3A_1247 : i32
    %add3A_1267 = vector.broadcast %add3A_1247 : i32 to vector<16xi32>
    %add3A_1268 = arith.addi %add3A_1267, %masked_cumsum3A_1264 : vector<16xi32>
    %sub3A_1269 = arith.constant 1 : i32
    %sub3A_1270 = vector.broadcast %sub3A_1269 : i32 to vector<16xi32>
    %sub3A_1271 = arith.subi %add3A_1268, %sub3A_1270 : vector<16xi32>
    tpu.vector_store_idx %arg7[%sub3A_1271], %add3A_1253 masked %eq3A_1256 : memref<544xi32, #tpu.memory_space<vmem>>[vector<16xi32>], vector<16xi32>, vector<16xi1>
    %add3A_1272 = vector.broadcast %sub3A_1266 : i32 to vector<16xi32>
    %add3A_1273 = arith.addi %add3A_1272, %iota3A : vector<16xi32>
    %sub3A_1274 = arith.subi %add3A_1273, %masked_cumsum3A_1264 : vector<16xi32>
    %not3A_1275 = arith.constant dense<true> : vector<16xi1>
    %not3A_1276 = arith.xori %eq3A_1256, %not3A_1275 : vector<16xi1>
    tpu.vector_store_idx %arg8[%sub3A_1274], %add3A_1253 masked %not3A_1276 : memref<544xi32, #tpu.memory_space<vmem>>[vector<16xi32>], vector<16xi32>, vector<16xi1>
    %reduce_max3A_1277 = arith.constant true
    %reduce_max3A_1278 = vector.broadcast %reduce_max3A_1277 : i1 to vector<16xi1>
    %reduce_max3A_1279 = arith.constant -2147483648 : i32
    %reduce_max3A_1280 = vector.broadcast %reduce_max3A_1279 : i32 to vector<16xi32>
    %reduce_max3A_1281 = arith.xori %masked_cumsum3A_1264, %reduce_max3A_1280 : vector<16xi32>
    %reduce_max3A_1282 = tpu.scan <max>, %reduce_max3A_1281 masked %reduce_max3A_1278 : vector<16xi32>, vector<16xi1> -> vector<16xi32>
    %reduce_max3A_1283 = arith.xori %reduce_max3A_1282, %reduce_max3A_1280 : vector<16xi32>
    %reduce_max3A_1284 = vector.extract %reduce_max3A_1283[15] : i32 from vector<16xi32>
    %add3A_1285 = arith.addi %add3A_1247, %reduce_max3A_1284 : i32
    %sub3A_1286 = arith.constant 512 : i32
    %sub3A_1287 = arith.subi %sub3A_1286, %add3A_1285 : i32
    %broadcast_in_dim3A_1288 = arith.constant 0 : i32
    %broadcast_in_dim3A_1289 = vector.broadcast %broadcast_in_dim3A_1288 : i32 to vector<16xi32>
    %gather3A = tpu.vector_load_idx %arg7[%broadcast_in_dim3A_1289] : memref<544xi32, #tpu.memory_space<vmem>>[vector<16xi32>], vector<16xi32>,
    %gather3A_1290 = tpu.vector_load_idx %arg8[%broadcast_in_dim3A_1289] : memref<544xi32, #tpu.memory_space<vmem>>[vector<16xi32>], vector<16xi32>,
    %add3A_1291 = arith.constant 0 : i32
    %add3A_1292 = arith.addi %add3A_1285, %add3A_1291 : i32
    %swap3A_1293 = arith.index_cast %add3A_1292 : i32 to index
    %swap3A_1294 = tpu.vector_load %arg7[%swap3A_1293] {strides = array<i32>} : memref<544xi32, #tpu.memory_space<vmem>>, vector<16xi32>,
    tpu.vector_store %arg7[%swap3A_1293], %gather3A {strides = array<i32>} : memref<544xi32, #tpu.memory_space<vmem>>, vector<16xi32>,
    %add3A_1295 = arith.constant 0 : i32
    %add3A_1296 = arith.addi %sub3A_1287, %add3A_1295 : i32
    %swap3A_1297 = arith.index_cast %add3A_1296 : i32 to index
    %swap3A_1298 = tpu.vector_load %arg8[%swap3A_1297] {strides = array<i32>} : memref<544xi32, #tpu.memory_space<vmem>>, vector<16xi32>,
    tpu.vector_store %arg8[%swap3A_1297], %gather3A_1290 {strides = array<i32>} : memref<544xi32, #tpu.memory_space<vmem>>, vector<16xi32>,
    %add3A_1299 = arith.constant 16 : i32
    %add3A_1300 = arith.addi %add3A_1285, %add3A_1299 : i32
    %swap3A_1301 = arith.index_cast %add3A_1300 : i32 to index
    %swap3A_1302 = tpu.vector_load %arg7[%swap3A_1301] {strides = array<i32>} : memref<544xi32, #tpu.memory_space<vmem>>, vector<16xi32>,
    tpu.vector_store %arg7[%swap3A_1301], %gather3A {strides = array<i32>} : memref<544xi32, #tpu.memory_space<vmem>>, vector<16xi32>,
    %add3A_1303 = arith.constant 16 : i32
    %add3A_1304 = arith.addi %sub3A_1287, %add3A_1303 : i32
    %swap3A_1305 = arith.index_cast %add3A_1304 : i32 to index
    %swap3A_1306 = tpu.vector_load %arg8[%swap3A_1305] {strides = array<i32>} : memref<544xi32, #tpu.memory_space<vmem>>, vector<16xi32>,
    tpu.vector_store %arg8[%swap3A_1305], %gather3A_1290 {strides = array<i32>} : memref<544xi32, #tpu.memory_space<vmem>>, vector<16xi32>,
    %sub3A_1307 = arith.constant 32 : i32
    %sub3A_1308 = arith.subi %add3A_1285, %sub3A_1307 : i32
    %max3A = arith.constant 0 : i32
    %max3A_1309 = arith.maxsi %sub3A_1308, %max3A : i32
    %min3A = arith.constant 0 : i32
    %min3A_1310 = arith.minsi %min3A, %max3A_1309 : i32
    %sub3A_1311 = arith.constant 32 : i32
    %sub3A_1312 = arith.subi %sub3A_1287, %sub3A_1311 : i32
    %max3A_1313 = arith.constant 0 : i32
    %max3A_1314 = arith.maxsi %sub3A_1312, %max3A_1313 : i32
    %min3A_1315 = arith.constant 0 : i32
    %min3A_1316 = arith.minsi %min3A_1315, %max3A_1314 : i32
    %add3A_1317 = arith.constant 0 : i32
    %add3A_1318 = arith.addi %min3A_1310, %add3A_1317 : i32
    %get3A_1319 = arith.index_cast %add3A_1318 : i32 to index
    %get3A_1320 = tpu.vector_load %arg7[%get3A_1319] {strides = array<i32>} : memref<544xi32, #tpu.memory_space<vmem>>, vector<16xi32>,
    %swap3A_1321 = arith.constant 0 : i32
    %swap3A_1322 = arith.index_cast %swap3A_1321 : i32 to index
    %swap3A_1323 = arith.constant 0 : index
    %swap3A_1324 = tpu.vector_load %arg9[%swap3A_1322, %swap3A_1323] {strides = array<i32>} : memref<16x32xi32, #tpu.memory_space<vmem>>, vector<16xi32>,
    tpu.vector_store %arg9[%swap3A_1322, %swap3A_1323], %get3A_1320 {strides = array<i32>} : memref<16x32xi32, #tpu.memory_space<vmem>>, vector<16xi32>,
    %add3A_1325 = arith.constant 0 : i32
    %add3A_1326 = arith.addi %min3A_1316, %add3A_1325 : i32
    %get3A_1327 = arith.index_cast %add3A_1326 : i32 to index
    %get3A_1328 = tpu.vector_load %arg8[%get3A_1327] {strides = array<i32>} : memref<544xi32, #tpu.memory_space<vmem>>, vector<16xi32>,
    %swap3A_1329 = arith.constant 0 : i32
    %swap3A_1330 = arith.index_cast %swap3A_1329 : i32 to index
    %swap3A_1331 = arith.constant 0 : index
    %swap3A_1332 = tpu.vector_load %arg10[%swap3A_1330, %swap3A_1331] {strides = array<i32>} : memref<16x32xi32, #tpu.memory_space<vmem>>, vector<16xi32>,
    tpu.vector_store %arg10[%swap3A_1330, %swap3A_1331], %get3A_1328 {strides = array<i32>} : memref<16x32xi32, #tpu.memory_space<vmem>>, vector<16xi32>,
    %add3A_1333 = arith.constant 16 : i32
    %add3A_1334 = arith.addi %min3A_1310, %add3A_1333 : i32
    %get3A_1335 = arith.index_cast %add3A_1334 : i32 to index
    %get3A_1336 = tpu.vector_load %arg7[%get3A_1335] {strides = array<i32>} : memref<544xi32, #tpu.memory_space<vmem>>, vector<16xi32>,
    %swap3A_1337 = arith.constant 0 : i32
    %swap3A_1338 = arith.index_cast %swap3A_1337 : i32 to index
    %swap3A_1339 = arith.constant 16 : index
    %swap3A_1340 = tpu.vector_load %arg9[%swap3A_1338, %swap3A_1339] {strides = array<i32>} : memref<16x32xi32, #tpu.memory_space<vmem>>, vector<16xi32>,
    tpu.vector_store %arg9[%swap3A_1338, %swap3A_1339], %get3A_1336 {strides = array<i32>} : memref<16x32xi32, #tpu.memory_space<vmem>>, vector<16xi32>,
    %add3A_1341 = arith.constant 16 : i32
    %add3A_1342 = arith.addi %min3A_1316, %add3A_1341 : i32
    %get3A_1343 = arith.index_cast %add3A_1342 : i32 to index
    %get3A_1344 = tpu.vector_load %arg8[%get3A_1343] {strides = array<i32>} : memref<544xi32, #tpu.memory_space<vmem>>, vector<16xi32>,
    %swap3A_1345 = arith.constant 0 : i32
    %swap3A_1346 = arith.index_cast %swap3A_1345 : i32 to index
    %swap3A_1347 = arith.constant 16 : index
    %swap3A_1348 = tpu.vector_load %arg10[%swap3A_1346, %swap3A_1347] {strides = array<i32>} : memref<16x32xi32, #tpu.memory_space<vmem>>, vector<16xi32>,
    tpu.vector_store %arg10[%swap3A_1346, %swap3A_1347], %get3A_1344 {strides = array<i32>} : memref<16x32xi32, #tpu.memory_space<vmem>>, vector<16xi32>,
    %sub3A_1349 = arith.constant 32 : i32
    %sub3A_1350 = arith.subi %add3A_1285, %sub3A_1349 : i32
    %max3A_1351 = arith.constant 0 : i32
    %max3A_1352 = arith.maxsi %sub3A_1350, %max3A_1351 : i32
    %min3A_1353 = arith.constant 32 : i32
    %min3A_1354 = arith.minsi %min3A_1353, %max3A_1352 : i32
    %sub3A_1355 = arith.constant 32 : i32
    %sub3A_1356 = arith.subi %sub3A_1287, %sub3A_1355 : i32
    %max3A_1357 = arith.constant 0 : i32
    %max3A_1358 = arith.maxsi %sub3A_1356, %max3A_1357 : i32
    %min3A_1359 = arith.constant 32 : i32
    %min3A_1360 = arith.minsi %min3A_1359, %max3A_1358 : i32
    %add3A_1361 = arith.constant 0 : i32
    %add3A_1362 = arith.addi %min3A_1354, %add3A_1361 : i32
    %get3A_1363 = arith.index_cast %add3A_1362 : i32 to index
    %get3A_1364 = tpu.vector_load %arg7[%get3A_1363] {strides = array<i32>} : memref<544xi32, #tpu.memory_space<vmem>>, vector<16xi32>,
    %swap3A_1365 = arith.constant 1 : i32
    %swap3A_1366 = arith.index_cast %swap3A_1365 : i32 to index
    %swap3A_1367 = arith.constant 0 : index
    %swap3A_1368 = tpu.vector_load %arg9[%swap3A_1366, %swap3A_1367] {strides = array<i32>} : memref<16x32xi32, #tpu.memory_space<vmem>>, vector<16xi32>,
    tpu.vector_store %arg9[%swap3A_1366, %swap3A_1367], %get3A_1364 {strides = array<i32>} : memref<16x32xi32, #tpu.memory_space<vmem>>, vector<16xi32>,
    %add3A_1369 = arith.constant 0 : i32
    %add3A_1370 = arith.addi %min3A_1360, %add3A_1369 : i32
    %get3A_1371 = arith.index_cast %add3A_1370 : i32 to index
    %get3A_1372 = tpu.vector_load %arg8[%get3A_1371] {strides = array<i32>} : memref<544xi32, #tpu.memory_space<vmem>>, vector<16xi32>,
    %swap3A_1373 = arith.constant 1 : i32
    %swap3A_1374 = arith.index_cast %swap3A_1373 : i32 to index
    %swap3A_1375 = arith.constant 0 : index
    %swap3A_1376 = tpu.vector_load %arg10[%swap3A_1374, %swap3A_1375] {strides = array<i32>} : memref<16x32xi32, #tpu.memory_space<vmem>>, vector<16xi32>,
    tpu.vector_store %arg10[%swap3A_1374, %swap3A_1375], %get3A_1372 {strides = array<i32>} : memref<16x32xi32, #tpu.memory_space<vmem>>, vector<16xi32>,
    %add3A_1377 = arith.constant 16 : i32
    %add3A_1378 = arith.addi %min3A_1354, %add3A_1377 : i32
    %get3A_1379 = arith.index_cast %add3A_1378 : i32 to index
    %get3A_1380 = tpu.vector_load %arg7[%get3A_1379] {strides = array<i32>} : memref<544xi32, #tpu.memory_space<vmem>>, vector<16xi32>,
    %swap3A_1381 = arith.constant 1 : i32
    %swap3A_1382 = arith.index_cast %swap3A_1381 : i32 to index
    %swap3A_1383 = arith.constant 16 : index
    %swap3A_1384 = tpu.vector_load %arg9[%swap3A_1382, %swap3A_1383] {strides = array<i32>} : memref<16x32xi32, #tpu.memory_space<vmem>>, vector<16xi32>,
    tpu.vector_store %arg9[%swap3A_1382, %swap3A_1383], %get3A_1380 {strides = array<i32>} : memref<16x32xi32, #tpu.memory_space<vmem>>, vector<16xi32>,
    %add3A_1385 = arith.constant 16 : i32
    %add3A_1386 = arith.addi %min3A_1360, %add3A_1385 : i32
    %get3A_1387 = arith.index_cast %add3A_1386 : i32 to index
    %get3A_1388 = tpu.vector_load %arg8[%get3A_1387] {strides = array<i32>} : memref<544xi32, #tpu.memory_space<vmem>>, vector<16xi32>,
    %swap3A_1389 = arith.constant 1 : i32
    %swap3A_1390 = arith.index_cast %swap3A_1389 : i32 to index
    %swap3A_1391 = arith.constant 16 : index
    %swap3A_1392 = tpu.vector_load %arg10[%swap3A_1390, %swap3A_1391] {strides = array<i32>} : memref<16x32xi32, #tpu.memory_space<vmem>>, vector<16xi32>,
    tpu.vector_store %arg10[%swap3A_1390, %swap3A_1391], %get3A_1388 {strides = array<i32>} : memref<16x32xi32, #tpu.memory_space<vmem>>, vector<16xi32>,
    %sub3A_1393 = arith.constant 32 : i32
    %sub3A_1394 = arith.subi %add3A_1285, %sub3A_1393 : i32
    %max3A_1395 = arith.constant 0 : i32
    %max3A_1396 = arith.maxsi %sub3A_1394, %max3A_1395 : i32
    %min3A_1397 = arith.constant 64 : i32
    %min3A_1398 = arith.minsi %min3A_1397, %max3A_1396 : i32
    %sub3A_1399 = arith.constant 32 : i32
    %sub3A_1400 = arith.subi %sub3A_1287, %sub3A_1399 : i32
    %max3A_1401 = arith.constant 0 : i32
    %max3A_1402 = arith.maxsi %sub3A_1400, %max3A_1401 : i32
    %min3A_1403 = arith.constant 64 : i32
    %min3A_1404 = arith.minsi %min3A_1403, %max3A_1402 : i32
    %add3A_1405 = arith.constant 0 : i32
    %add3A_1406 = arith.addi %min3A_1398, %add3A_1405 : i32
    %get3A_1407 = arith.index_cast %add3A_1406 : i32 to index
    %get3A_1408 = tpu.vector_load %arg7[%get3A_1407] {strides = array<i32>} : memref<544xi32, #tpu.memory_space<vmem>>, vector<16xi32>,
    %swap3A_1409 = arith.constant 2 : i32
    %swap3A_1410 = arith.index_cast %swap3A_1409 : i32 to index
    %swap3A_1411 = arith.constant 0 : index
    %swap3A_1412 = tpu.vector_load %arg9[%swap3A_1410, %swap3A_1411] {strides = array<i32>} : memref<16x32xi32, #tpu.memory_space<vmem>>, vector<16xi32>,
    tpu.vector_store %arg9[%swap3A_1410, %swap3A_1411], %get3A_1408 {strides = array<i32>} : memref<16x32xi32, #tpu.memory_space<vmem>>, vector<16xi32>,
    %add3A_1413 = arith.constant 0 : i32
    %add3A_1414 = arith.addi %min3A_1404, %add3A_1413 : i32
    %get3A_1415 = arith.index_cast %add3A_1414 : i32 to index
    %get3A_1416 = tpu.vector_load %arg8[%get3A_1415] {strides = array<i32>} : memref<544xi32, #tpu.memory_space<vmem>>, vector<16xi32>,
    %swap3A_1417 = arith.constant 2 : i32
    %swap3A_1418 = arith.index_cast %swap3A_1417 : i32 to index
    %swap3A_1419 = arith.constant 0 : index
    %swap3A_1420 = tpu.vector_load %arg10[%swap3A_1418, %swap3A_1419] {strides = array<i32>} : memref<16x32xi32, #tpu.memory_space<vmem>>, vector<16xi32>,
    tpu.vector_store %arg10[%swap3A_1418, %swap3A_1419], %get3A_1416 {strides = array<i32>} : memref<16x32xi32, #tpu.memory_space<vmem>>, vector<16xi32>,
    %add3A_1421 = arith.constant 16 : i32
    %add3A_1422 = arith.addi %min3A_1398, %add3A_1421 : i32
    %get3A_1423 = arith.index_cast %add3A_1422 : i32 to index
    %get3A_1424 = tpu.vector_load %arg7[%get3A_1423] {strides = array<i32>} : memref<544xi32, #tpu.memory_space<vmem>>, vector<16xi32>,
    %swap3A_1425 = arith.constant 2 : i32
    %swap3A_1426 = arith.index_cast %swap3A_1425 : i32 to index
    %swap3A_1427 = arith.constant 16 : index
    %swap3A_1428 = tpu.vector_load %arg9[%swap3A_1426, %swap3A_1427] {strides = array<i32>} : memref<16x32xi32, #tpu.memory_space<vmem>>, vector<16xi32>,
    tpu.vector_store %arg9[%swap3A_1426, %swap3A_1427], %get3A_1424 {strides = array<i32>} : memref<16x32xi32, #tpu.memory_space<vmem>>, vector<16xi32>,
    %add3A_1429 = arith.constant 16 : i32
    %add3A_1430 = arith.addi %min3A_1404, %add3A_1429 : i32
    %get3A_1431 = arith.index_cast %add3A_1430 : i32 to index
    %get3A_1432 = tpu.vector_load %arg8[%get3A_1431] {strides = array<i32>} : memref<544xi32, #tpu.memory_space<vmem>>, vector<16xi32>,
    %swap3A_1433 = arith.constant 2 : i32
    %swap3A_1434 = arith.index_cast %swap3A_1433 : i32 to index
    %swap3A_1435 = arith.constant 16 : index
    %swap3A_1436 = tpu.vector_load %arg10[%swap3A_1434, %swap3A_1435] {strides = array<i32>} : memref<16x32xi32, #tpu.memory_space<vmem>>, vector<16xi32>,
    tpu.vector_store %arg10[%swap3A_1434, %swap3A_1435], %get3A_1432 {strides = array<i32>} : memref<16x32xi32, #tpu.memory_space<vmem>>, vector<16xi32>,
    %sub3A_1437 = arith.constant 32 : i32
    %sub3A_1438 = arith.subi %add3A_1285, %sub3A_1437 : i32
    %max3A_1439 = arith.constant 0 : i32
    %max3A_1440 = arith.maxsi %sub3A_1438, %max3A_1439 : i32
    %min3A_1441 = arith.constant 96 : i32
    %min3A_1442 = arith.minsi %min3A_1441, %max3A_1440 : i32
    %sub3A_1443 = arith.constant 32 : i32
    %sub3A_1444 = arith.subi %sub3A_1287, %sub3A_1443 : i32
    %max3A_1445 = arith.constant 0 : i32
    %max3A_1446 = arith.maxsi %sub3A_1444, %max3A_1445 : i32
    %min3A_1447 = arith.constant 96 : i32
    %min3A_1448 = arith.minsi %min3A_1447, %max3A_1446 : i32
    %add3A_1449 = arith.constant 0 : i32
    %add3A_1450 = arith.addi %min3A_1442, %add3A_1449 : i32
    %get3A_1451 = arith.index_cast %add3A_1450 : i32 to index
    %get3A_1452 = tpu.vector_load %arg7[%get3A_1451] {strides = array<i32>} : memref<544xi32, #tpu.memory_space<vmem>>, vector<16xi32>,
    %swap3A_1453 = arith.constant 3 : i32
    %swap3A_1454 = arith.index_cast %swap3A_1453 : i32 to index
    %swap3A_1455 = arith.constant 0 : index
    %swap3A_1456 = tpu.vector_load %arg9[%swap3A_1454, %swap3A_1455] {strides = array<i32>} : memref<16x32xi32, #tpu.memory_space<vmem>>, vector<16xi32>,
    tpu.vector_store %arg9[%swap3A_1454, %swap3A_1455], %get3A_1452 {strides = array<i32>} : memref<16x32xi32, #tpu.memory_space<vmem>>, vector<16xi32>,
    %add3A_1457 = arith.constant 0 : i32
    %add3A_1458 = arith.addi %min3A_1448, %add3A_1457 : i32
    %get3A_1459 = arith.index_cast %add3A_1458 : i32 to index
    %get3A_1460 = tpu.vector_load %arg8[%get3A_1459] {strides = array<i32>} : memref<544xi32, #tpu.memory_space<vmem>>, vector<16xi32>,
    %swap3A_1461 = arith.constant 3 : i32
    %swap3A_1462 = arith.index_cast %swap3A_1461 : i32 to index
    %swap3A_1463 = arith.constant 0 : index
    %swap3A_1464 = tpu.vector_load %arg10[%swap3A_1462, %swap3A_1463] {strides = array<i32>} : memref<16x32xi32, #tpu.memory_space<vmem>>, vector<16xi32>,
    tpu.vector_store %arg10[%swap3A_1462, %swap3A_1463], %get3A_1460 {strides = array<i32>} : memref<16x32xi32, #tpu.memory_space<vmem>>, vector<16xi32>,
    %add3A_1465 = arith.constant 16 : i32
    %add3A_1466 = arith.addi %min3A_1442, %add3A_1465 : i32
    %get3A_1467 = arith.index_cast %add3A_1466 : i32 to index
    %get3A_1468 = tpu.vector_load %arg7[%get3A_1467] {strides = array<i32>} : memref<544xi32, #tpu.memory_space<vmem>>, vector<16xi32>,
    %swap3A_1469 = arith.constant 3 : i32
    %swap3A_1470 = arith.index_cast %swap3A_1469 : i32 to index
    %swap3A_1471 = arith.constant 16 : index
    %swap3A_1472 = tpu.vector_load %arg9[%swap3A_1470, %swap3A_1471] {strides = array<i32>} : memref<16x32xi32, #tpu.memory_space<vmem>>, vector<16xi32>,
    tpu.vector_store %arg9[%swap3A_1470, %swap3A_1471], %get3A_1468 {strides = array<i32>} : memref<16x32xi32, #tpu.memory_space<vmem>>, vector<16xi32>,
    %add3A_1473 = arith.constant 16 : i32
    %add3A_1474 = arith.addi %min3A_1448, %add3A_1473 : i32
    %get3A_1475 = arith.index_cast %add3A_1474 : i32 to index
    %get3A_1476 = tpu.vector_load %arg8[%get3A_1475] {strides = array<i32>} : memref<544xi32, #tpu.memory_space<vmem>>, vector<16xi32>,
    %swap3A_1477 = arith.constant 3 : i32
    %swap3A_1478 = arith.index_cast %swap3A_1477 : i32 to index
    %swap3A_1479 = arith.constant 16 : index
    %swap3A_1480 = tpu.vector_load %arg10[%swap3A_1478, %swap3A_1479] {strides = array<i32>} : memref<16x32xi32, #tpu.memory_space<vmem>>, vector<16xi32>,
    tpu.vector_store %arg10[%swap3A_1478, %swap3A_1479], %get3A_1476 {strides = array<i32>} : memref<16x32xi32, #tpu.memory_space<vmem>>, vector<16xi32>,
    %sub3A_1481 = arith.constant 32 : i32
    %sub3A_1482 = arith.subi %add3A_1285, %sub3A_1481 : i32
    %max3A_1483 = arith.constant 0 : i32
    %max3A_1484 = arith.maxsi %sub3A_1482, %max3A_1483 : i32
    %min3A_1485 = arith.constant 128 : i32
    %min3A_1486 = arith.minsi %min3A_1485, %max3A_1484 : i32
    %sub3A_1487 = arith.constant 32 : i32
    %sub3A_1488 = arith.subi %sub3A_1287, %sub3A_1487 : i32
    %max3A_1489 = arith.constant 0 : i32
    %max3A_1490 = arith.maxsi %sub3A_1488, %max3A_1489 : i32
    %min3A_1491 = arith.constant 128 : i32
    %min3A_1492 = arith.minsi %min3A_1491, %max3A_1490 : i32
    %add3A_1493 = arith.constant 0 : i32
    %add3A_1494 = arith.addi %min3A_1486, %add3A_1493 : i32
    %get3A_1495 = arith.index_cast %add3A_1494 : i32 to index
    %get3A_1496 = tpu.vector_load %arg7[%get3A_1495] {strides = array<i32>} : memref<544xi32, #tpu.memory_space<vmem>>, vector<16xi32>,
    %swap3A_1497 = arith.constant 4 : i32
    %swap3A_1498 = arith.index_cast %swap3A_1497 : i32 to index
    %swap3A_1499 = arith.constant 0 : index
    %swap3A_1500 = tpu.vector_load %arg9[%swap3A_1498, %swap3A_1499] {strides = array<i32>} : memref<16x32xi32, #tpu.memory_space<vmem>>, vector<16xi32>,
    tpu.vector_store %arg9[%swap3A_1498, %swap3A_1499], %get3A_1496 {strides = array<i32>} : memref<16x32xi32, #tpu.memory_space<vmem>>, vector<16xi32>,
    %add3A_1501 = arith.constant 0 : i32
    %add3A_1502 = arith.addi %min3A_1492, %add3A_1501 : i32
    %get3A_1503 = arith.index_cast %add3A_1502 : i32 to index
    %get3A_1504 = tpu.vector_load %arg8[%get3A_1503] {strides = array<i32>} : memref<544xi32, #tpu.memory_space<vmem>>, vector<16xi32>,
    %swap3A_1505 = arith.constant 4 : i32
    %swap3A_1506 = arith.index_cast %swap3A_1505 : i32 to index
    %swap3A_1507 = arith.constant 0 : index
    %swap3A_1508 = tpu.vector_load %arg10[%swap3A_1506, %swap3A_1507] {strides = array<i32>} : memref<16x32xi32, #tpu.memory_space<vmem>>, vector<16xi32>,
    tpu.vector_store %arg10[%swap3A_1506, %swap3A_1507], %get3A_1504 {strides = array<i32>} : memref<16x32xi32, #tpu.memory_space<vmem>>, vector<16xi32>,
    %add3A_1509 = arith.constant 16 : i32
    %add3A_1510 = arith.addi %min3A_1486, %add3A_1509 : i32
    %get3A_1511 = arith.index_cast %add3A_1510 : i32 to index
    %get3A_1512 = tpu.vector_load %arg7[%get3A_1511] {strides = array<i32>} : memref<544xi32, #tpu.memory_space<vmem>>, vector<16xi32>,
    %swap3A_1513 = arith.constant 4 : i32
    %swap3A_1514 = arith.index_cast %swap3A_1513 : i32 to index
    %swap3A_1515 = arith.constant 16 : index
    %swap3A_1516 = tpu.vector_load %arg9[%swap3A_1514, %swap3A_1515] {strides = array<i32>} : memref<16x32xi32, #tpu.memory_space<vmem>>, vector<16xi32>,
    tpu.vector_store %arg9[%swap3A_1514, %swap3A_1515], %get3A_1512 {strides = array<i32>} : memref<16x32xi32, #tpu.memory_space<vmem>>, vector<16xi32>,
    %add3A_1517 = arith.constant 16 : i32
    %add3A_1518 = arith.addi %min3A_1492, %add3A_1517 : i32
    %get3A_1519 = arith.index_cast %add3A_1518 : i32 to index
    %get3A_1520 = tpu.vector_load %arg8[%get3A_1519] {strides = array<i32>} : memref<544xi32, #tpu.memory_space<vmem>>, vector<16xi32>,
    %swap3A_1521 = arith.constant 4 : i32
    %swap3A_1522 = arith.index_cast %swap3A_1521 : i32 to index
    %swap3A_1523 = arith.constant 16 : index
    %swap3A_1524 = tpu.vector_load %arg10[%swap3A_1522, %swap3A_1523] {strides = array<i32>} : memref<16x32xi32, #tpu.memory_space<vmem>>, vector<16xi32>,
    tpu.vector_store %arg10[%swap3A_1522, %swap3A_1523], %get3A_1520 {strides = array<i32>} : memref<16x32xi32, #tpu.memory_space<vmem>>, vector<16xi32>,
    %sub3A_1525 = arith.constant 32 : i32
    %sub3A_1526 = arith.subi %add3A_1285, %sub3A_1525 : i32
    %max3A_1527 = arith.constant 0 : i32
    %max3A_1528 = arith.maxsi %sub3A_1526, %max3A_1527 : i32
    %min3A_1529 = arith.constant 160 : i32
    %min3A_1530 = arith.minsi %min3A_1529, %max3A_1528 : i32
    %sub3A_1531 = arith.constant 32 : i32
    %sub3A_1532 = arith.subi %sub3A_1287, %sub3A_1531 : i32
    %max3A_1533 = arith.constant 0 : i32
    %max3A_1534 = arith.maxsi %sub3A_1532, %max3A_1533 : i32
    %min3A_1535 = arith.constant 160 : i32
    %min3A_1536 = arith.minsi %min3A_1535, %max3A_1534 : i32
    %add3A_1537 = arith.constant 0 : i32
    %add3A_1538 = arith.addi %min3A_1530, %add3A_1537 : i32
    %get3A_1539 = arith.index_cast %add3A_1538 : i32 to index
    %get3A_1540 = tpu.vector_load %arg7[%get3A_1539] {strides = array<i32>} : memref<544xi32, #tpu.memory_space<vmem>>, vector<16xi32>,
    %swap3A_1541 = arith.constant 5 : i32
    %swap3A_1542 = arith.index_cast %swap3A_1541 : i32 to index
    %swap3A_1543 = arith.constant 0 : index
    %swap3A_1544 = tpu.vector_load %arg9[%swap3A_1542, %swap3A_1543] {strides = array<i32>} : memref<16x32xi32, #tpu.memory_space<vmem>>, vector<16xi32>,
    tpu.vector_store %arg9[%swap3A_1542, %swap3A_1543], %get3A_1540 {strides = array<i32>} : memref<16x32xi32, #tpu.memory_space<vmem>>, vector<16xi32>,
    %add3A_1545 = arith.constant 0 : i32
    %add3A_1546 = arith.addi %min3A_1536, %add3A_1545 : i32
    %get3A_1547 = arith.index_cast %add3A_1546 : i32 to index
    %get3A_1548 = tpu.vector_load %arg8[%get3A_1547] {strides = array<i32>} : memref<544xi32, #tpu.memory_space<vmem>>, vector<16xi32>,
    %swap3A_1549 = arith.constant 5 : i32
    %swap3A_1550 = arith.index_cast %swap3A_1549 : i32 to index
    %swap3A_1551 = arith.constant 0 : index
    %swap3A_1552 = tpu.vector_load %arg10[%swap3A_1550, %swap3A_1551] {strides = array<i32>} : memref<16x32xi32, #tpu.memory_space<vmem>>, vector<16xi32>,
    tpu.vector_store %arg10[%swap3A_1550, %swap3A_1551], %get3A_1548 {strides = array<i32>} : memref<16x32xi32, #tpu.memory_space<vmem>>, vector<16xi32>,
    %add3A_1553 = arith.constant 16 : i32
    %add3A_1554 = arith.addi %min3A_1530, %add3A_1553 : i32
    %get3A_1555 = arith.index_cast %add3A_1554 : i32 to index
    %get3A_1556 = tpu.vector_load %arg7[%get3A_1555] {strides = array<i32>} : memref<544xi32, #tpu.memory_space<vmem>>, vector<16xi32>,
    %swap3A_1557 = arith.constant 5 : i32
    %swap3A_1558 = arith.index_cast %swap3A_1557 : i32 to index
    %swap3A_1559 = arith.constant 16 : index
    %swap3A_1560 = tpu.vector_load %arg9[%swap3A_1558, %swap3A_1559] {strides = array<i32>} : memref<16x32xi32, #tpu.memory_space<vmem>>, vector<16xi32>,
    tpu.vector_store %arg9[%swap3A_1558, %swap3A_1559], %get3A_1556 {strides = array<i32>} : memref<16x32xi32, #tpu.memory_space<vmem>>, vector<16xi32>,
    %add3A_1561 = arith.constant 16 : i32
    %add3A_1562 = arith.addi %min3A_1536, %add3A_1561 : i32
    %get3A_1563 = arith.index_cast %add3A_1562 : i32 to index
    %get3A_1564 = tpu.vector_load %arg8[%get3A_1563] {strides = array<i32>} : memref<544xi32, #tpu.memory_space<vmem>>, vector<16xi32>,
    %swap3A_1565 = arith.constant 5 : i32
    %swap3A_1566 = arith.index_cast %swap3A_1565 : i32 to index
    %swap3A_1567 = arith.constant 16 : index
    %swap3A_1568 = tpu.vector_load %arg10[%swap3A_1566, %swap3A_1567] {strides = array<i32>} : memref<16x32xi32, #tpu.memory_space<vmem>>, vector<16xi32>,
    tpu.vector_store %arg10[%swap3A_1566, %swap3A_1567], %get3A_1564 {strides = array<i32>} : memref<16x32xi32, #tpu.memory_space<vmem>>, vector<16xi32>,
    %sub3A_1569 = arith.constant 32 : i32
    %sub3A_1570 = arith.subi %add3A_1285, %sub3A_1569 : i32
    %max3A_1571 = arith.constant 0 : i32
    %max3A_1572 = arith.maxsi %sub3A_1570, %max3A_1571 : i32
    %min3A_1573 = arith.constant 192 : i32
    %min3A_1574 = arith.minsi %min3A_1573, %max3A_1572 : i32
    %sub3A_1575 = arith.constant 32 : i32
    %sub3A_1576 = arith.subi %sub3A_1287, %sub3A_1575 : i32
    %max3A_1577 = arith.constant 0 : i32
    %max3A_1578 = arith.maxsi %sub3A_1576, %max3A_1577 : i32
    %min3A_1579 = arith.constant 192 : i32
    %min3A_1580 = arith.minsi %min3A_1579, %max3A_1578 : i32
    %add3A_1581 = arith.constant 0 : i32
    %add3A_1582 = arith.addi %min3A_1574, %add3A_1581 : i32
    %get3A_1583 = arith.index_cast %add3A_1582 : i32 to index
    %get3A_1584 = tpu.vector_load %arg7[%get3A_1583] {strides = array<i32>} : memref<544xi32, #tpu.memory_space<vmem>>, vector<16xi32>,
    %swap3A_1585 = arith.constant 6 : i32
    %swap3A_1586 = arith.index_cast %swap3A_1585 : i32 to index
    %swap3A_1587 = arith.constant 0 : index
    %swap3A_1588 = tpu.vector_load %arg9[%swap3A_1586, %swap3A_1587] {strides = array<i32>} : memref<16x32xi32, #tpu.memory_space<vmem>>, vector<16xi32>,
    tpu.vector_store %arg9[%swap3A_1586, %swap3A_1587], %get3A_1584 {strides = array<i32>} : memref<16x32xi32, #tpu.memory_space<vmem>>, vector<16xi32>,
    %add3A_1589 = arith.constant 0 : i32
    %add3A_1590 = arith.addi %min3A_1580, %add3A_1589 : i32
    %get3A_1591 = arith.index_cast %add3A_1590 : i32 to index
    %get3A_1592 = tpu.vector_load %arg8[%get3A_1591] {strides = array<i32>} : memref<544xi32, #tpu.memory_space<vmem>>, vector<16xi32>,
    %swap3A_1593 = arith.constant 6 : i32
    %swap3A_1594 = arith.index_cast %swap3A_1593 : i32 to index
    %swap3A_1595 = arith.constant 0 : index
    %swap3A_1596 = tpu.vector_load %arg10[%swap3A_1594, %swap3A_1595] {strides = array<i32>} : memref<16x32xi32, #tpu.memory_space<vmem>>, vector<16xi32>,
    tpu.vector_store %arg10[%swap3A_1594, %swap3A_1595], %get3A_1592 {strides = array<i32>} : memref<16x32xi32, #tpu.memory_space<vmem>>, vector<16xi32>,
    %add3A_1597 = arith.constant 16 : i32
    %add3A_1598 = arith.addi %min3A_1574, %add3A_1597 : i32
    %get3A_1599 = arith.index_cast %add3A_1598 : i32 to index
    %get3A_1600 = tpu.vector_load %arg7[%get3A_1599] {strides = array<i32>} : memref<544xi32, #tpu.memory_space<vmem>>, vector<16xi32>,
    %swap3A_1601 = arith.constant 6 : i32
    %swap3A_1602 = arith.index_cast %swap3A_1601 : i32 to index
    %swap3A_1603 = arith.constant 16 : index
    %swap3A_1604 = tpu.vector_load %arg9[%swap3A_1602, %swap3A_1603] {strides = array<i32>} : memref<16x32xi32, #tpu.memory_space<vmem>>, vector<16xi32>,
    tpu.vector_store %arg9[%swap3A_1602, %swap3A_1603], %get3A_1600 {strides = array<i32>} : memref<16x32xi32, #tpu.memory_space<vmem>>, vector<16xi32>,
    %add3A_1605 = arith.constant 16 : i32
    %add3A_1606 = arith.addi %min3A_1580, %add3A_1605 : i32
    %get3A_1607 = arith.index_cast %add3A_1606 : i32 to index
    %get3A_1608 = tpu.vector_load %arg8[%get3A_1607] {strides = array<i32>} : memref<544xi32, #tpu.memory_space<vmem>>, vector<16xi32>,
    %swap3A_1609 = arith.constant 6 : i32
    %swap3A_1610 = arith.index_cast %swap3A_1609 : i32 to index
    %swap3A_1611 = arith.constant 16 : index
    %swap3A_1612 = tpu.vector_load %arg10[%swap3A_1610, %swap3A_1611] {strides = array<i32>} : memref<16x32xi32, #tpu.memory_space<vmem>>, vector<16xi32>,
    tpu.vector_store %arg10[%swap3A_1610, %swap3A_1611], %get3A_1608 {strides = array<i32>} : memref<16x32xi32, #tpu.memory_space<vmem>>, vector<16xi32>,
    %sub3A_1613 = arith.constant 32 : i32
    %sub3A_1614 = arith.subi %add3A_1285, %sub3A_1613 : i32
    %max3A_1615 = arith.constant 0 : i32
    %max3A_1616 = arith.maxsi %sub3A_1614, %max3A_1615 : i32
    %min3A_1617 = arith.constant 224 : i32
    %min3A_1618 = arith.minsi %min3A_1617, %max3A_1616 : i32
    %sub3A_1619 = arith.constant 32 : i32
    %sub3A_1620 = arith.subi %sub3A_1287, %sub3A_1619 : i32
    %max3A_1621 = arith.constant 0 : i32
    %max3A_1622 = arith.maxsi %sub3A_1620, %max3A_1621 : i32
    %min3A_1623 = arith.constant 224 : i32
    %min3A_1624 = arith.minsi %min3A_1623, %max3A_1622 : i32
    %add3A_1625 = arith.constant 0 : i32
    %add3A_1626 = arith.addi %min3A_1618, %add3A_1625 : i32
    %get3A_1627 = arith.index_cast %add3A_1626 : i32 to index
    %get3A_1628 = tpu.vector_load %arg7[%get3A_1627] {strides = array<i32>} : memref<544xi32, #tpu.memory_space<vmem>>, vector<16xi32>,
    %swap3A_1629 = arith.constant 7 : i32
    %swap3A_1630 = arith.index_cast %swap3A_1629 : i32 to index
    %swap3A_1631 = arith.constant 0 : index
    %swap3A_1632 = tpu.vector_load %arg9[%swap3A_1630, %swap3A_1631] {strides = array<i32>} : memref<16x32xi32, #tpu.memory_space<vmem>>, vector<16xi32>,
    tpu.vector_store %arg9[%swap3A_1630, %swap3A_1631], %get3A_1628 {strides = array<i32>} : memref<16x32xi32, #tpu.memory_space<vmem>>, vector<16xi32>,
    %add3A_1633 = arith.constant 0 : i32
    %add3A_1634 = arith.addi %min3A_1624, %add3A_1633 : i32
    %get3A_1635 = arith.index_cast %add3A_1634 : i32 to index
    %get3A_1636 = tpu.vector_load %arg8[%get3A_1635] {strides = array<i32>} : memref<544xi32, #tpu.memory_space<vmem>>, vector<16xi32>,
    %swap3A_1637 = arith.constant 7 : i32
    %swap3A_1638 = arith.index_cast %swap3A_1637 : i32 to index
    %swap3A_1639 = arith.constant 0 : index
    %swap3A_1640 = tpu.vector_load %arg10[%swap3A_1638, %swap3A_1639] {strides = array<i32>} : memref<16x32xi32, #tpu.memory_space<vmem>>, vector<16xi32>,
    tpu.vector_store %arg10[%swap3A_1638, %swap3A_1639], %get3A_1636 {strides = array<i32>} : memref<16x32xi32, #tpu.memory_space<vmem>>, vector<16xi32>,
    %add3A_1641 = arith.constant 16 : i32
    %add3A_1642 = arith.addi %min3A_1618, %add3A_1641 : i32
    %get3A_1643 = arith.index_cast %add3A_1642 : i32 to index
    %get3A_1644 = tpu.vector_load %arg7[%get3A_1643] {strides = array<i32>} : memref<544xi32, #tpu.memory_space<vmem>>, vector<16xi32>,
    %swap3A_1645 = arith.constant 7 : i32
    %swap3A_1646 = arith.index_cast %swap3A_1645 : i32 to index
    %swap3A_1647 = arith.constant 16 : index
    %swap3A_1648 = tpu.vector_load %arg9[%swap3A_1646, %swap3A_1647] {strides = array<i32>} : memref<16x32xi32, #tpu.memory_space<vmem>>, vector<16xi32>,
    tpu.vector_store %arg9[%swap3A_1646, %swap3A_1647], %get3A_1644 {strides = array<i32>} : memref<16x32xi32, #tpu.memory_space<vmem>>, vector<16xi32>,
    %add3A_1649 = arith.constant 16 : i32
    %add3A_1650 = arith.addi %min3A_1624, %add3A_1649 : i32
    %get3A_1651 = arith.index_cast %add3A_1650 : i32 to index
    %get3A_1652 = tpu.vector_load %arg8[%get3A_1651] {strides = array<i32>} : memref<544xi32, #tpu.memory_space<vmem>>, vector<16xi32>,
    %swap3A_1653 = arith.constant 7 : i32
    %swap3A_1654 = arith.index_cast %swap3A_1653 : i32 to index
    %swap3A_1655 = arith.constant 16 : index
    %swap3A_1656 = tpu.vector_load %arg10[%swap3A_1654, %swap3A_1655] {strides = array<i32>} : memref<16x32xi32, #tpu.memory_space<vmem>>, vector<16xi32>,
    tpu.vector_store %arg10[%swap3A_1654, %swap3A_1655], %get3A_1652 {strides = array<i32>} : memref<16x32xi32, #tpu.memory_space<vmem>>, vector<16xi32>,
    %sub3A_1657 = arith.constant 32 : i32
    %sub3A_1658 = arith.subi %add3A_1285, %sub3A_1657 : i32
    %max3A_1659 = arith.constant 0 : i32
    %max3A_1660 = arith.maxsi %sub3A_1658, %max3A_1659 : i32
    %min3A_1661 = arith.constant 256 : i32
    %min3A_1662 = arith.minsi %min3A_1661, %max3A_1660 : i32
    %sub3A_1663 = arith.constant 32 : i32
    %sub3A_1664 = arith.subi %sub3A_1287, %sub3A_1663 : i32
    %max3A_1665 = arith.constant 0 : i32
    %max3A_1666 = arith.maxsi %sub3A_1664, %max3A_1665 : i32
    %min3A_1667 = arith.constant 256 : i32
    %min3A_1668 = arith.minsi %min3A_1667, %max3A_1666 : i32
    %add3A_1669 = arith.constant 0 : i32
    %add3A_1670 = arith.addi %min3A_1662, %add3A_1669 : i32
    %get3A_1671 = arith.index_cast %add3A_1670 : i32 to index
    %get3A_1672 = tpu.vector_load %arg7[%get3A_1671] {strides = array<i32>} : memref<544xi32, #tpu.memory_space<vmem>>, vector<16xi32>,
    %swap3A_1673 = arith.constant 8 : i32
    %swap3A_1674 = arith.index_cast %swap3A_1673 : i32 to index
    %swap3A_1675 = arith.constant 0 : index
    %swap3A_1676 = tpu.vector_load %arg9[%swap3A_1674, %swap3A_1675] {strides = array<i32>} : memref<16x32xi32, #tpu.memory_space<vmem>>, vector<16xi32>,
    tpu.vector_store %arg9[%swap3A_1674, %swap3A_1675], %get3A_1672 {strides = array<i32>} : memref<16x32xi32, #tpu.memory_space<vmem>>, vector<16xi32>,
    %add3A_1677 = arith.constant 0 : i32
    %add3A_1678 = arith.addi %min3A_1668, %add3A_1677 : i32
    %get3A_1679 = arith.index_cast %add3A_1678 : i32 to index
    %get3A_1680 = tpu.vector_load %arg8[%get3A_1679] {strides = array<i32>} : memref<544xi32, #tpu.memory_space<vmem>>, vector<16xi32>,
    %swap3A_1681 = arith.constant 8 : i32
    %swap3A_1682 = arith.index_cast %swap3A_1681 : i32 to index
    %swap3A_1683 = arith.constant 0 : index
    %swap3A_1684 = tpu.vector_load %arg10[%swap3A_1682, %swap3A_1683] {strides = array<i32>} : memref<16x32xi32, #tpu.memory_space<vmem>>, vector<16xi32>,
    tpu.vector_store %arg10[%swap3A_1682, %swap3A_1683], %get3A_1680 {strides = array<i32>} : memref<16x32xi32, #tpu.memory_space<vmem>>, vector<16xi32>,
    %add3A_1685 = arith.constant 16 : i32
    %add3A_1686 = arith.addi %min3A_1662, %add3A_1685 : i32
    %get3A_1687 = arith.index_cast %add3A_1686 : i32 to index
    %get3A_1688 = tpu.vector_load %arg7[%get3A_1687] {strides = array<i32>} : memref<544xi32, #tpu.memory_space<vmem>>, vector<16xi32>,
    %swap3A_1689 = arith.constant 8 : i32
    %swap3A_1690 = arith.index_cast %swap3A_1689 : i32 to index
    %swap3A_1691 = arith.constant 16 : index
    %swap3A_1692 = tpu.vector_load %arg9[%swap3A_1690, %swap3A_1691] {strides = array<i32>} : memref<16x32xi32, #tpu.memory_space<vmem>>, vector<16xi32>,
    tpu.vector_store %arg9[%swap3A_1690, %swap3A_1691], %get3A_1688 {strides = array<i32>} : memref<16x32xi32, #tpu.memory_space<vmem>>, vector<16xi32>,
    %add3A_1693 = arith.constant 16 : i32
    %add3A_1694 = arith.addi %min3A_1668, %add3A_1693 : i32
    %get3A_1695 = arith.index_cast %add3A_1694 : i32 to index
    %get3A_1696 = tpu.vector_load %arg8[%get3A_1695] {strides = array<i32>} : memref<544xi32, #tpu.memory_space<vmem>>, vector<16xi32>,
    %swap3A_1697 = arith.constant 8 : i32
    %swap3A_1698 = arith.index_cast %swap3A_1697 : i32 to index
    %swap3A_1699 = arith.constant 16 : index
    %swap3A_1700 = tpu.vector_load %arg10[%swap3A_1698, %swap3A_1699] {strides = array<i32>} : memref<16x32xi32, #tpu.memory_space<vmem>>, vector<16xi32>,
    tpu.vector_store %arg10[%swap3A_1698, %swap3A_1699], %get3A_1696 {strides = array<i32>} : memref<16x32xi32, #tpu.memory_space<vmem>>, vector<16xi32>,
    %sub3A_1701 = arith.constant 32 : i32
    %sub3A_1702 = arith.subi %add3A_1285, %sub3A_1701 : i32
    %max3A_1703 = arith.constant 0 : i32
    %max3A_1704 = arith.maxsi %sub3A_1702, %max3A_1703 : i32
    %min3A_1705 = arith.constant 288 : i32
    %min3A_1706 = arith.minsi %min3A_1705, %max3A_1704 : i32
    %sub3A_1707 = arith.constant 32 : i32
    %sub3A_1708 = arith.subi %sub3A_1287, %sub3A_1707 : i32
    %max3A_1709 = arith.constant 0 : i32
    %max3A_1710 = arith.maxsi %sub3A_1708, %max3A_1709 : i32
    %min3A_1711 = arith.constant 288 : i32
    %min3A_1712 = arith.minsi %min3A_1711, %max3A_1710 : i32
    %add3A_1713 = arith.constant 0 : i32
    %add3A_1714 = arith.addi %min3A_1706, %add3A_1713 : i32
    %get3A_1715 = arith.index_cast %add3A_1714 : i32 to index
    %get3A_1716 = tpu.vector_load %arg7[%get3A_1715] {strides = array<i32>} : memref<544xi32, #tpu.memory_space<vmem>>, vector<16xi32>,
    %swap3A_1717 = arith.constant 9 : i32
    %swap3A_1718 = arith.index_cast %swap3A_1717 : i32 to index
    %swap3A_1719 = arith.constant 0 : index
    %swap3A_1720 = tpu.vector_load %arg9[%swap3A_1718, %swap3A_1719] {strides = array<i32>} : memref<16x32xi32, #tpu.memory_space<vmem>>, vector<16xi32>,
    tpu.vector_store %arg9[%swap3A_1718, %swap3A_1719], %get3A_1716 {strides = array<i32>} : memref<16x32xi32, #tpu.memory_space<vmem>>, vector<16xi32>,
    %add3A_1721 = arith.constant 0 : i32
    %add3A_1722 = arith.addi %min3A_1712, %add3A_1721 : i32
    %get3A_1723 = arith.index_cast %add3A_1722 : i32 to index
    %get3A_1724 = tpu.vector_load %arg8[%get3A_1723] {strides = array<i32>} : memref<544xi32, #tpu.memory_space<vmem>>, vector<16xi32>,
    %swap3A_1725 = arith.constant 9 : i32
    %swap3A_1726 = arith.index_cast %swap3A_1725 : i32 to index
    %swap3A_1727 = arith.constant 0 : index
    %swap3A_1728 = tpu.vector_load %arg10[%swap3A_1726, %swap3A_1727] {strides = array<i32>} : memref<16x32xi32, #tpu.memory_space<vmem>>, vector<16xi32>,
    tpu.vector_store %arg10[%swap3A_1726, %swap3A_1727], %get3A_1724 {strides = array<i32>} : memref<16x32xi32, #tpu.memory_space<vmem>>, vector<16xi32>,
    %add3A_1729 = arith.constant 16 : i32
    %add3A_1730 = arith.addi %min3A_1706, %add3A_1729 : i32
    %get3A_1731 = arith.index_cast %add3A_1730 : i32 to index
    %get3A_1732 = tpu.vector_load %arg7[%get3A_1731] {strides = array<i32>} : memref<544xi32, #tpu.memory_space<vmem>>, vector<16xi32>,
    %swap3A_1733 = arith.constant 9 : i32
    %swap3A_1734 = arith.index_cast %swap3A_1733 : i32 to index
    %swap3A_1735 = arith.constant 16 : index
    %swap3A_1736 = tpu.vector_load %arg9[%swap3A_1734, %swap3A_1735] {strides = array<i32>} : memref<16x32xi32, #tpu.memory_space<vmem>>, vector<16xi32>,
    tpu.vector_store %arg9[%swap3A_1734, %swap3A_1735], %get3A_1732 {strides = array<i32>} : memref<16x32xi32, #tpu.memory_space<vmem>>, vector<16xi32>,
    %add3A_1737 = arith.constant 16 : i32
    %add3A_1738 = arith.addi %min3A_1712, %add3A_1737 : i32
    %get3A_1739 = arith.index_cast %add3A_1738 : i32 to index
    %get3A_1740 = tpu.vector_load %arg8[%get3A_1739] {strides = array<i32>} : memref<544xi32, #tpu.memory_space<vmem>>, vector<16xi32>,
    %swap3A_1741 = arith.constant 9 : i32
    %swap3A_1742 = arith.index_cast %swap3A_1741 : i32 to index
    %swap3A_1743 = arith.constant 16 : index
    %swap3A_1744 = tpu.vector_load %arg10[%swap3A_1742, %swap3A_1743] {strides = array<i32>} : memref<16x32xi32, #tpu.memory_space<vmem>>, vector<16xi32>,
    tpu.vector_store %arg10[%swap3A_1742, %swap3A_1743], %get3A_1740 {strides = array<i32>} : memref<16x32xi32, #tpu.memory_space<vmem>>, vector<16xi32>,
    %sub3A_1745 = arith.constant 32 : i32
    %sub3A_1746 = arith.subi %add3A_1285, %sub3A_1745 : i32
    %max3A_1747 = arith.constant 0 : i32
    %max3A_1748 = arith.maxsi %sub3A_1746, %max3A_1747 : i32
    %min3A_1749 = arith.constant 320 : i32
    %min3A_1750 = arith.minsi %min3A_1749, %max3A_1748 : i32
    %sub3A_1751 = arith.constant 32 : i32
    %sub3A_1752 = arith.subi %sub3A_1287, %sub3A_1751 : i32
    %max3A_1753 = arith.constant 0 : i32
    %max3A_1754 = arith.maxsi %sub3A_1752, %max3A_1753 : i32
    %min3A_1755 = arith.constant 320 : i32
    %min3A_1756 = arith.minsi %min3A_1755, %max3A_1754 : i32
    %add3A_1757 = arith.constant 0 : i32
    %add3A_1758 = arith.addi %min3A_1750, %add3A_1757 : i32
    %get3A_1759 = arith.index_cast %add3A_1758 : i32 to index
    %get3A_1760 = tpu.vector_load %arg7[%get3A_1759] {strides = array<i32>} : memref<544xi32, #tpu.memory_space<vmem>>, vector<16xi32>,
    %swap3A_1761 = arith.constant 10 : i32
    %swap3A_1762 = arith.index_cast %swap3A_1761 : i32 to index
    %swap3A_1763 = arith.constant 0 : index
    %swap3A_1764 = tpu.vector_load %arg9[%swap3A_1762, %swap3A_1763] {strides = array<i32>} : memref<16x32xi32, #tpu.memory_space<vmem>>, vector<16xi32>,
    tpu.vector_store %arg9[%swap3A_1762, %swap3A_1763], %get3A_1760 {strides = array<i32>} : memref<16x32xi32, #tpu.memory_space<vmem>>, vector<16xi32>,
    %add3A_1765 = arith.constant 0 : i32
    %add3A_1766 = arith.addi %min3A_1756, %add3A_1765 : i32
    %get3A_1767 = arith.index_cast %add3A_1766 : i32 to index
    %get3A_1768 = tpu.vector_load %arg8[%get3A_1767] {strides = array<i32>} : memref<544xi32, #tpu.memory_space<vmem>>, vector<16xi32>,
    %swap3A_1769 = arith.constant 10 : i32
    %swap3A_1770 = arith.index_cast %swap3A_1769 : i32 to index
    %swap3A_1771 = arith.constant 0 : index
    %swap3A_1772 = tpu.vector_load %arg10[%swap3A_1770, %swap3A_1771] {strides = array<i32>} : memref<16x32xi32, #tpu.memory_space<vmem>>, vector<16xi32>,
    tpu.vector_store %arg10[%swap3A_1770, %swap3A_1771], %get3A_1768 {strides = array<i32>} : memref<16x32xi32, #tpu.memory_space<vmem>>, vector<16xi32>,
    %add3A_1773 = arith.constant 16 : i32
    %add3A_1774 = arith.addi %min3A_1750, %add3A_1773 : i32
    %get3A_1775 = arith.index_cast %add3A_1774 : i32 to index
    %get3A_1776 = tpu.vector_load %arg7[%get3A_1775] {strides = array<i32>} : memref<544xi32, #tpu.memory_space<vmem>>, vector<16xi32>,
    %swap3A_1777 = arith.constant 10 : i32
    %swap3A_1778 = arith.index_cast %swap3A_1777 : i32 to index
    %swap3A_1779 = arith.constant 16 : index
    %swap3A_1780 = tpu.vector_load %arg9[%swap3A_1778, %swap3A_1779] {strides = array<i32>} : memref<16x32xi32, #tpu.memory_space<vmem>>, vector<16xi32>,
    tpu.vector_store %arg9[%swap3A_1778, %swap3A_1779], %get3A_1776 {strides = array<i32>} : memref<16x32xi32, #tpu.memory_space<vmem>>, vector<16xi32>,
    %add3A_1781 = arith.constant 16 : i32
    %add3A_1782 = arith.addi %min3A_1756, %add3A_1781 : i32
    %get3A_1783 = arith.index_cast %add3A_1782 : i32 to index
    %get3A_1784 = tpu.vector_load %arg8[%get3A_1783] {strides = array<i32>} : memref<544xi32, #tpu.memory_space<vmem>>, vector<16xi32>,
    %swap3A_1785 = arith.constant 10 : i32
    %swap3A_1786 = arith.index_cast %swap3A_1785 : i32 to index
    %swap3A_1787 = arith.constant 16 : index
    %swap3A_1788 = tpu.vector_load %arg10[%swap3A_1786, %swap3A_1787] {strides = array<i32>} : memref<16x32xi32, #tpu.memory_space<vmem>>, vector<16xi32>,
    tpu.vector_store %arg10[%swap3A_1786, %swap3A_1787], %get3A_1784 {strides = array<i32>} : memref<16x32xi32, #tpu.memory_space<vmem>>, vector<16xi32>,
    %sub3A_1789 = arith.constant 32 : i32
    %sub3A_1790 = arith.subi %add3A_1285, %sub3A_1789 : i32
    %max3A_1791 = arith.constant 0 : i32
    %max3A_1792 = arith.maxsi %sub3A_1790, %max3A_1791 : i32
    %min3A_1793 = arith.constant 352 : i32
    %min3A_1794 = arith.minsi %min3A_1793, %max3A_1792 : i32
    %sub3A_1795 = arith.constant 32 : i32
    %sub3A_1796 = arith.subi %sub3A_1287, %sub3A_1795 : i32
    %max3A_1797 = arith.constant 0 : i32
    %max3A_1798 = arith.maxsi %sub3A_1796, %max3A_1797 : i32
    %min3A_1799 = arith.constant 352 : i32
    %min3A_1800 = arith.minsi %min3A_1799, %max3A_1798 : i32
    %add3A_1801 = arith.constant 0 : i32
    %add3A_1802 = arith.addi %min3A_1794, %add3A_1801 : i32
    %get3A_1803 = arith.index_cast %add3A_1802 : i32 to index
    %get3A_1804 = tpu.vector_load %arg7[%get3A_1803] {strides = array<i32>} : memref<544xi32, #tpu.memory_space<vmem>>, vector<16xi32>,
    %swap3A_1805 = arith.constant 11 : i32
    %swap3A_1806 = arith.index_cast %swap3A_1805 : i32 to index
    %swap3A_1807 = arith.constant 0 : index
    %swap3A_1808 = tpu.vector_load %arg9[%swap3A_1806, %swap3A_1807] {strides = array<i32>} : memref<16x32xi32, #tpu.memory_space<vmem>>, vector<16xi32>,
    tpu.vector_store %arg9[%swap3A_1806, %swap3A_1807], %get3A_1804 {strides = array<i32>} : memref<16x32xi32, #tpu.memory_space<vmem>>, vector<16xi32>,
    %add3A_1809 = arith.constant 0 : i32
    %add3A_1810 = arith.addi %min3A_1800, %add3A_1809 : i32
    %get3A_1811 = arith.index_cast %add3A_1810 : i32 to index
    %get3A_1812 = tpu.vector_load %arg8[%get3A_1811] {strides = array<i32>} : memref<544xi32, #tpu.memory_space<vmem>>, vector<16xi32>,
    %swap3A_1813 = arith.constant 11 : i32
    %swap3A_1814 = arith.index_cast %swap3A_1813 : i32 to index
    %swap3A_1815 = arith.constant 0 : index
    %swap3A_1816 = tpu.vector_load %arg10[%swap3A_1814, %swap3A_1815] {strides = array<i32>} : memref<16x32xi32, #tpu.memory_space<vmem>>, vector<16xi32>,
    tpu.vector_store %arg10[%swap3A_1814, %swap3A_1815], %get3A_1812 {strides = array<i32>} : memref<16x32xi32, #tpu.memory_space<vmem>>, vector<16xi32>,
    %add3A_1817 = arith.constant 16 : i32
    %add3A_1818 = arith.addi %min3A_1794, %add3A_1817 : i32
    %get3A_1819 = arith.index_cast %add3A_1818 : i32 to index
    %get3A_1820 = tpu.vector_load %arg7[%get3A_1819] {strides = array<i32>} : memref<544xi32, #tpu.memory_space<vmem>>, vector<16xi32>,
    %swap3A_1821 = arith.constant 11 : i32
    %swap3A_1822 = arith.index_cast %swap3A_1821 : i32 to index
    %swap3A_1823 = arith.constant 16 : index
    %swap3A_1824 = tpu.vector_load %arg9[%swap3A_1822, %swap3A_1823] {strides = array<i32>} : memref<16x32xi32, #tpu.memory_space<vmem>>, vector<16xi32>,
    tpu.vector_store %arg9[%swap3A_1822, %swap3A_1823], %get3A_1820 {strides = array<i32>} : memref<16x32xi32, #tpu.memory_space<vmem>>, vector<16xi32>,
    %add3A_1825 = arith.constant 16 : i32
    %add3A_1826 = arith.addi %min3A_1800, %add3A_1825 : i32
    %get3A_1827 = arith.index_cast %add3A_1826 : i32 to index
    %get3A_1828 = tpu.vector_load %arg8[%get3A_1827] {strides = array<i32>} : memref<544xi32, #tpu.memory_space<vmem>>, vector<16xi32>,
    %swap3A_1829 = arith.constant 11 : i32
    %swap3A_1830 = arith.index_cast %swap3A_1829 : i32 to index
    %swap3A_1831 = arith.constant 16 : index
    %swap3A_1832 = tpu.vector_load %arg10[%swap3A_1830, %swap3A_1831] {strides = array<i32>} : memref<16x32xi32, #tpu.memory_space<vmem>>, vector<16xi32>,
    tpu.vector_store %arg10[%swap3A_1830, %swap3A_1831], %get3A_1828 {strides = array<i32>} : memref<16x32xi32, #tpu.memory_space<vmem>>, vector<16xi32>,
    %sub3A_1833 = arith.constant 32 : i32
    %sub3A_1834 = arith.subi %add3A_1285, %sub3A_1833 : i32
    %max3A_1835 = arith.constant 0 : i32
    %max3A_1836 = arith.maxsi %sub3A_1834, %max3A_1835 : i32
    %min3A_1837 = arith.constant 384 : i32
    %min3A_1838 = arith.minsi %min3A_1837, %max3A_1836 : i32
    %sub3A_1839 = arith.constant 32 : i32
    %sub3A_1840 = arith.subi %sub3A_1287, %sub3A_1839 : i32
    %max3A_1841 = arith.constant 0 : i32
    %max3A_1842 = arith.maxsi %sub3A_1840, %max3A_1841 : i32
    %min3A_1843 = arith.constant 384 : i32
    %min3A_1844 = arith.minsi %min3A_1843, %max3A_1842 : i32
    %add3A_1845 = arith.constant 0 : i32
    %add3A_1846 = arith.addi %min3A_1838, %add3A_1845 : i32
    %get3A_1847 = arith.index_cast %add3A_1846 : i32 to index
    %get3A_1848 = tpu.vector_load %arg7[%get3A_1847] {strides = array<i32>} : memref<544xi32, #tpu.memory_space<vmem>>, vector<16xi32>,
    %swap3A_1849 = arith.constant 12 : i32
    %swap3A_1850 = arith.index_cast %swap3A_1849 : i32 to index
    %swap3A_1851 = arith.constant 0 : index
    %swap3A_1852 = tpu.vector_load %arg9[%swap3A_1850, %swap3A_1851] {strides = array<i32>} : memref<16x32xi32, #tpu.memory_space<vmem>>, vector<16xi32>,
    tpu.vector_store %arg9[%swap3A_1850, %swap3A_1851], %get3A_1848 {strides = array<i32>} : memref<16x32xi32, #tpu.memory_space<vmem>>, vector<16xi32>,
    %add3A_1853 = arith.constant 0 : i32
    %add3A_1854 = arith.addi %min3A_1844, %add3A_1853 : i32
    %get3A_1855 = arith.index_cast %add3A_1854 : i32 to index
    %get3A_1856 = tpu.vector_load %arg8[%get3A_1855] {strides = array<i32>} : memref<544xi32, #tpu.memory_space<vmem>>, vector<16xi32>,
    %swap3A_1857 = arith.constant 12 : i32
    %swap3A_1858 = arith.index_cast %swap3A_1857 : i32 to index
    %swap3A_1859 = arith.constant 0 : index
    %swap3A_1860 = tpu.vector_load %arg10[%swap3A_1858, %swap3A_1859] {strides = array<i32>} : memref<16x32xi32, #tpu.memory_space<vmem>>, vector<16xi32>,
    tpu.vector_store %arg10[%swap3A_1858, %swap3A_1859], %get3A_1856 {strides = array<i32>} : memref<16x32xi32, #tpu.memory_space<vmem>>, vector<16xi32>,
    %add3A_1861 = arith.constant 16 : i32
    %add3A_1862 = arith.addi %min3A_1838, %add3A_1861 : i32
    %get3A_1863 = arith.index_cast %add3A_1862 : i32 to index
    %get3A_1864 = tpu.vector_load %arg7[%get3A_1863] {strides = array<i32>} : memref<544xi32, #tpu.memory_space<vmem>>, vector<16xi32>,
    %swap3A_1865 = arith.constant 12 : i32
    %swap3A_1866 = arith.index_cast %swap3A_1865 : i32 to index
    %swap3A_1867 = arith.constant 16 : index
    %swap3A_1868 = tpu.vector_load %arg9[%swap3A_1866, %swap3A_1867] {strides = array<i32>} : memref<16x32xi32, #tpu.memory_space<vmem>>, vector<16xi32>,
    tpu.vector_store %arg9[%swap3A_1866, %swap3A_1867], %get3A_1864 {strides = array<i32>} : memref<16x32xi32, #tpu.memory_space<vmem>>, vector<16xi32>,
    %add3A_1869 = arith.constant 16 : i32
    %add3A_1870 = arith.addi %min3A_1844, %add3A_1869 : i32
    %get3A_1871 = arith.index_cast %add3A_1870 : i32 to index
    %get3A_1872 = tpu.vector_load %arg8[%get3A_1871] {strides = array<i32>} : memref<544xi32, #tpu.memory_space<vmem>>, vector<16xi32>,
    %swap3A_1873 = arith.constant 12 : i32
    %swap3A_1874 = arith.index_cast %swap3A_1873 : i32 to index
    %swap3A_1875 = arith.constant 16 : index
    %swap3A_1876 = tpu.vector_load %arg10[%swap3A_1874, %swap3A_1875] {strides = array<i32>} : memref<16x32xi32, #tpu.memory_space<vmem>>, vector<16xi32>,
    tpu.vector_store %arg10[%swap3A_1874, %swap3A_1875], %get3A_1872 {strides = array<i32>} : memref<16x32xi32, #tpu.memory_space<vmem>>, vector<16xi32>,
    %sub3A_1877 = arith.constant 32 : i32
    %sub3A_1878 = arith.subi %add3A_1285, %sub3A_1877 : i32
    %max3A_1879 = arith.constant 0 : i32
    %max3A_1880 = arith.maxsi %sub3A_1878, %max3A_1879 : i32
    %min3A_1881 = arith.constant 416 : i32
    %min3A_1882 = arith.minsi %min3A_1881, %max3A_1880 : i32
    %sub3A_1883 = arith.constant 32 : i32
    %sub3A_1884 = arith.subi %sub3A_1287, %sub3A_1883 : i32
    %max3A_1885 = arith.constant 0 : i32
    %max3A_1886 = arith.maxsi %sub3A_1884, %max3A_1885 : i32
    %min3A_1887 = arith.constant 416 : i32
    %min3A_1888 = arith.minsi %min3A_1887, %max3A_1886 : i32
    %add3A_1889 = arith.constant 0 : i32
    %add3A_1890 = arith.addi %min3A_1882, %add3A_1889 : i32
    %get3A_1891 = arith.index_cast %add3A_1890 : i32 to index
    %get3A_1892 = tpu.vector_load %arg7[%get3A_1891] {strides = array<i32>} : memref<544xi32, #tpu.memory_space<vmem>>, vector<16xi32>,
    %swap3A_1893 = arith.constant 13 : i32
    %swap3A_1894 = arith.index_cast %swap3A_1893 : i32 to index
    %swap3A_1895 = arith.constant 0 : index
    %swap3A_1896 = tpu.vector_load %arg9[%swap3A_1894, %swap3A_1895] {strides = array<i32>} : memref<16x32xi32, #tpu.memory_space<vmem>>, vector<16xi32>,
    tpu.vector_store %arg9[%swap3A_1894, %swap3A_1895], %get3A_1892 {strides = array<i32>} : memref<16x32xi32, #tpu.memory_space<vmem>>, vector<16xi32>,
    %add3A_1897 = arith.constant 0 : i32
    %add3A_1898 = arith.addi %min3A_1888, %add3A_1897 : i32
    %get3A_1899 = arith.index_cast %add3A_1898 : i32 to index
    %get3A_1900 = tpu.vector_load %arg8[%get3A_1899] {strides = array<i32>} : memref<544xi32, #tpu.memory_space<vmem>>, vector<16xi32>,
    %swap3A_1901 = arith.constant 13 : i32
    %swap3A_1902 = arith.index_cast %swap3A_1901 : i32 to index
    %swap3A_1903 = arith.constant 0 : index
    %swap3A_1904 = tpu.vector_load %arg10[%swap3A_1902, %swap3A_1903] {strides = array<i32>} : memref<16x32xi32, #tpu.memory_space<vmem>>, vector<16xi32>,
    tpu.vector_store %arg10[%swap3A_1902, %swap3A_1903], %get3A_1900 {strides = array<i32>} : memref<16x32xi32, #tpu.memory_space<vmem>>, vector<16xi32>,
    %add3A_1905 = arith.constant 16 : i32
    %add3A_1906 = arith.addi %min3A_1882, %add3A_1905 : i32
    %get3A_1907 = arith.index_cast %add3A_1906 : i32 to index
    %get3A_1908 = tpu.vector_load %arg7[%get3A_1907] {strides = array<i32>} : memref<544xi32, #tpu.memory_space<vmem>>, vector<16xi32>,
    %swap3A_1909 = arith.constant 13 : i32
    %swap3A_1910 = arith.index_cast %swap3A_1909 : i32 to index
    %swap3A_1911 = arith.constant 16 : index
    %swap3A_1912 = tpu.vector_load %arg9[%swap3A_1910, %swap3A_1911] {strides = array<i32>} : memref<16x32xi32, #tpu.memory_space<vmem>>, vector<16xi32>,
    tpu.vector_store %arg9[%swap3A_1910, %swap3A_1911], %get3A_1908 {strides = array<i32>} : memref<16x32xi32, #tpu.memory_space<vmem>>, vector<16xi32>,
    %add3A_1913 = arith.constant 16 : i32
    %add3A_1914 = arith.addi %min3A_1888, %add3A_1913 : i32
    %get3A_1915 = arith.index_cast %add3A_1914 : i32 to index
    %get3A_1916 = tpu.vector_load %arg8[%get3A_1915] {strides = array<i32>} : memref<544xi32, #tpu.memory_space<vmem>>, vector<16xi32>,
    %swap3A_1917 = arith.constant 13 : i32
    %swap3A_1918 = arith.index_cast %swap3A_1917 : i32 to index
    %swap3A_1919 = arith.constant 16 : index
    %swap3A_1920 = tpu.vector_load %arg10[%swap3A_1918, %swap3A_1919] {strides = array<i32>} : memref<16x32xi32, #tpu.memory_space<vmem>>, vector<16xi32>,
    tpu.vector_store %arg10[%swap3A_1918, %swap3A_1919], %get3A_1916 {strides = array<i32>} : memref<16x32xi32, #tpu.memory_space<vmem>>, vector<16xi32>,
    %sub3A_1921 = arith.constant 32 : i32
    %sub3A_1922 = arith.subi %add3A_1285, %sub3A_1921 : i32
    %max3A_1923 = arith.constant 0 : i32
    %max3A_1924 = arith.maxsi %sub3A_1922, %max3A_1923 : i32
    %min3A_1925 = arith.constant 448 : i32
    %min3A_1926 = arith.minsi %min3A_1925, %max3A_1924 : i32
    %sub3A_1927 = arith.constant 32 : i32
    %sub3A_1928 = arith.subi %sub3A_1287, %sub3A_1927 : i32
    %max3A_1929 = arith.constant 0 : i32
    %max3A_1930 = arith.maxsi %sub3A_1928, %max3A_1929 : i32
    %min3A_1931 = arith.constant 448 : i32
    %min3A_1932 = arith.minsi %min3A_1931, %max3A_1930 : i32
    %add3A_1933 = arith.constant 0 : i32
    %add3A_1934 = arith.addi %min3A_1926, %add3A_1933 : i32
    %get3A_1935 = arith.index_cast %add3A_1934 : i32 to index
    %get3A_1936 = tpu.vector_load %arg7[%get3A_1935] {strides = array<i32>} : memref<544xi32, #tpu.memory_space<vmem>>, vector<16xi32>,
    %swap3A_1937 = arith.constant 14 : i32
    %swap3A_1938 = arith.index_cast %swap3A_1937 : i32 to index
    %swap3A_1939 = arith.constant 0 : index
    %swap3A_1940 = tpu.vector_load %arg9[%swap3A_1938, %swap3A_1939] {strides = array<i32>} : memref<16x32xi32, #tpu.memory_space<vmem>>, vector<16xi32>,
    tpu.vector_store %arg9[%swap3A_1938, %swap3A_1939], %get3A_1936 {strides = array<i32>} : memref<16x32xi32, #tpu.memory_space<vmem>>, vector<16xi32>,
    %add3A_1941 = arith.constant 0 : i32
    %add3A_1942 = arith.addi %min3A_1932, %add3A_1941 : i32
    %get3A_1943 = arith.index_cast %add3A_1942 : i32 to index
    %get3A_1944 = tpu.vector_load %arg8[%get3A_1943] {strides = array<i32>} : memref<544xi32, #tpu.memory_space<vmem>>, vector<16xi32>,
    %swap3A_1945 = arith.constant 14 : i32
    %swap3A_1946 = arith.index_cast %swap3A_1945 : i32 to index
    %swap3A_1947 = arith.constant 0 : index
    %swap3A_1948 = tpu.vector_load %arg10[%swap3A_1946, %swap3A_1947] {strides = array<i32>} : memref<16x32xi32, #tpu.memory_space<vmem>>, vector<16xi32>,
    tpu.vector_store %arg10[%swap3A_1946, %swap3A_1947], %get3A_1944 {strides = array<i32>} : memref<16x32xi32, #tpu.memory_space<vmem>>, vector<16xi32>,
    %add3A_1949 = arith.constant 16 : i32
    %add3A_1950 = arith.addi %min3A_1926, %add3A_1949 : i32
    %get3A_1951 = arith.index_cast %add3A_1950 : i32 to index
    %get3A_1952 = tpu.vector_load %arg7[%get3A_1951] {strides = array<i32>} : memref<544xi32, #tpu.memory_space<vmem>>, vector<16xi32>,
    %swap3A_1953 = arith.constant 14 : i32
    %swap3A_1954 = arith.index_cast %swap3A_1953 : i32 to index
    %swap3A_1955 = arith.constant 16 : index
    %swap3A_1956 = tpu.vector_load %arg9[%swap3A_1954, %swap3A_1955] {strides = array<i32>} : memref<16x32xi32, #tpu.memory_space<vmem>>, vector<16xi32>,
    tpu.vector_store %arg9[%swap3A_1954, %swap3A_1955], %get3A_1952 {strides = array<i32>} : memref<16x32xi32, #tpu.memory_space<vmem>>, vector<16xi32>,
    %add3A_1957 = arith.constant 16 : i32
    %add3A_1958 = arith.addi %min3A_1932, %add3A_1957 : i32
    %get3A_1959 = arith.index_cast %add3A_1958 : i32 to index
    %get3A_1960 = tpu.vector_load %arg8[%get3A_1959] {strides = array<i32>} : memref<544xi32, #tpu.memory_space<vmem>>, vector<16xi32>,
    %swap3A_1961 = arith.constant 14 : i32
    %swap3A_1962 = arith.index_cast %swap3A_1961 : i32 to index
    %swap3A_1963 = arith.constant 16 : index
    %swap3A_1964 = tpu.vector_load %arg10[%swap3A_1962, %swap3A_1963] {strides = array<i32>} : memref<16x32xi32, #tpu.memory_space<vmem>>, vector<16xi32>,
    tpu.vector_store %arg10[%swap3A_1962, %swap3A_1963], %get3A_1960 {strides = array<i32>} : memref<16x32xi32, #tpu.memory_space<vmem>>, vector<16xi32>,
    %sub3A_1965 = arith.constant 32 : i32
    %sub3A_1966 = arith.subi %add3A_1285, %sub3A_1965 : i32
    %max3A_1967 = arith.constant 0 : i32
    %max3A_1968 = arith.maxsi %sub3A_1966, %max3A_1967 : i32
    %min3A_1969 = arith.constant 480 : i32
    %min3A_1970 = arith.minsi %min3A_1969, %max3A_1968 : i32
    %sub3A_1971 = arith.constant 32 : i32
    %sub3A_1972 = arith.subi %sub3A_1287, %sub3A_1971 : i32
    %max3A_1973 = arith.constant 0 : i32
    %max3A_1974 = arith.maxsi %sub3A_1972, %max3A_1973 : i32
    %min3A_1975 = arith.constant 480 : i32
    %min3A_1976 = arith.minsi %min3A_1975, %max3A_1974 : i32
    %add3A_1977 = arith.constant 0 : i32
    %add3A_1978 = arith.addi %min3A_1970, %add3A_1977 : i32
    %get3A_1979 = arith.index_cast %add3A_1978 : i32 to index
    %get3A_1980 = tpu.vector_load %arg7[%get3A_1979] {strides = array<i32>} : memref<544xi32, #tpu.memory_space<vmem>>, vector<16xi32>,
    %swap3A_1981 = arith.constant 15 : i32
    %swap3A_1982 = arith.index_cast %swap3A_1981 : i32 to index
    %swap3A_1983 = arith.constant 0 : index
    %swap3A_1984 = tpu.vector_load %arg9[%swap3A_1982, %swap3A_1983] {strides = array<i32>} : memref<16x32xi32, #tpu.memory_space<vmem>>, vector<16xi32>,
    tpu.vector_store %arg9[%swap3A_1982, %swap3A_1983], %get3A_1980 {strides = array<i32>} : memref<16x32xi32, #tpu.memory_space<vmem>>, vector<16xi32>,
    %add3A_1985 = arith.constant 0 : i32
    %add3A_1986 = arith.addi %min3A_1976, %add3A_1985 : i32
    %get3A_1987 = arith.index_cast %add3A_1986 : i32 to index
    %get3A_1988 = tpu.vector_load %arg8[%get3A_1987] {strides = array<i32>} : memref<544xi32, #tpu.memory_space<vmem>>, vector<16xi32>,
    %swap3A_1989 = arith.constant 15 : i32
    %swap3A_1990 = arith.index_cast %swap3A_1989 : i32 to index
    %swap3A_1991 = arith.constant 0 : index
    %swap3A_1992 = tpu.vector_load %arg10[%swap3A_1990, %swap3A_1991] {strides = array<i32>} : memref<16x32xi32, #tpu.memory_space<vmem>>, vector<16xi32>,
    tpu.vector_store %arg10[%swap3A_1990, %swap3A_1991], %get3A_1988 {strides = array<i32>} : memref<16x32xi32, #tpu.memory_space<vmem>>, vector<16xi32>,
    %add3A_1993 = arith.constant 16 : i32
    %add3A_1994 = arith.addi %min3A_1970, %add3A_1993 : i32
    %get3A_1995 = arith.index_cast %add3A_1994 : i32 to index
    %get3A_1996 = tpu.vector_load %arg7[%get3A_1995] {strides = array<i32>} : memref<544xi32, #tpu.memory_space<vmem>>, vector<16xi32>,
    %swap3A_1997 = arith.constant 15 : i32
    %swap3A_1998 = arith.index_cast %swap3A_1997 : i32 to index
    %swap3A_1999 = arith.constant 16 : index
    %swap3A_2000 = tpu.vector_load %arg9[%swap3A_1998, %swap3A_1999] {strides = array<i32>} : memref<16x32xi32, #tpu.memory_space<vmem>>, vector<16xi32>,
    tpu.vector_store %arg9[%swap3A_1998, %swap3A_1999], %get3A_1996 {strides = array<i32>} : memref<16x32xi32, #tpu.memory_space<vmem>>, vector<16xi32>,
    %add3A_2001 = arith.constant 16 : i32
    %add3A_2002 = arith.addi %min3A_1976, %add3A_2001 : i32
    %get3A_2003 = arith.index_cast %add3A_2002 : i32 to index
    %get3A_2004 = tpu.vector_load %arg8[%get3A_2003] {strides = array<i32>} : memref<544xi32, #tpu.memory_space<vmem>>, vector<16xi32>,
    %swap3A_2005 = arith.constant 15 : i32
    %swap3A_2006 = arith.index_cast %swap3A_2005 : i32 to index
    %swap3A_2007 = arith.constant 16 : index
    %swap3A_2008 = tpu.vector_load %arg10[%swap3A_2006, %swap3A_2007] {strides = array<i32>} : memref<16x32xi32, #tpu.memory_space<vmem>>, vector<16xi32>,
    tpu.vector_store %arg10[%swap3A_2006, %swap3A_2007], %get3A_2004 {strides = array<i32>} : memref<16x32xi32, #tpu.memory_space<vmem>>, vector<16xi32>,
    %add3A_2009 = arith.constant 31 : i32
    %add3A_2010 = arith.addi %add3A_1285, %add3A_2009 : i32
    %shift_right_logical3A = arith.constant 5 : i32
    %shift_right_logical3A_2011 = arith.shrui %add3A_2010, %shift_right_logical3A : i32
    %add3A_2012 = arith.constant 31 : i32
    %add3A_2013 = arith.addi %sub3A_1287, %add3A_2012 : i32
    %shift_right_logical3A_2014 = arith.constant 5 : i32
    %shift_right_logical3A_2015 = arith.shrui %add3A_2013, %shift_right_logical3A_2014 : i32
    %dma_wait3A = arith.constant 0 : i32
    %dma_wait3A_2016 = tpu.memref_slice %arg6[%dma_wait3A] : memref<64xi32, #tpu.memory_space<vmem>> -> memref<32xi32, #tpu.memory_space<vmem>>
    %dma_wait3A_2017 = arith.constant 0 : i32
    %dma_wait3A_2018 = arith.constant 0 : i32
    %dma_wait3A_2019 = tpu.memref_slice %arg2[%dma_wait3A_2017, %dma_wait3A_2018] : memref<1024x768xf32, #tpu.memory_space<hbm>> -> memref<1024x768xf32, #tpu.memory_space<hbm>>
    tpu.wait_indirect_dma semaphore(%arg13 : memref<!tpu.dma_semaphore, #tpu.memory_space<semaphore_mem>>) src(%dma_wait3A_2019 : memref<1024x768xf32, #tpu.memory_space<hbm>>) dst(%arg11 : memref<32x768xf32, #tpu.memory_space<vmem>>)
    %dma_wait3A_2020 = arith.constant 32 : i32
    %dma_wait3A_2021 = tpu.memref_slice %arg6[%dma_wait3A_2020] : memref<64xi32, #tpu.memory_space<vmem>> -> memref<32xi32, #tpu.memory_space<vmem>>
    %dma_wait3A_2022 = arith.constant 0 : i32
    %dma_wait3A_2023 = arith.constant 0 : i32
    %dma_wait3A_2024 = tpu.memref_slice %arg2[%dma_wait3A_2022, %dma_wait3A_2023] : memref<1024x768xf32, #tpu.memory_space<hbm>> -> memref<1024x768xf32, #tpu.memory_space<hbm>>
    tpu.wait_indirect_dma semaphore(%arg13 : memref<!tpu.dma_semaphore, #tpu.memory_space<semaphore_mem>>) src(%dma_wait3A_2024 : memref<1024x768xf32, #tpu.memory_space<hbm>>) dst(%arg12 : memref<32x768xf32, #tpu.memory_space<vmem>>)
    %gt3A = arith.constant 0 : i32
    %gt3A_2025 = arith.cmpi sgt, %shift_right_logical3A_2011, %gt3A : i32
    %convert_element_type3A = arith.extui %gt3A_2025 : i1 to i32
    %cond3A = arith.constant 0 : i32
    %cond3A_2026 = arith.cmpi ne, %convert_element_type3A, %cond3A : i32
    scf.if %cond3A_2026 {
      %dma_start3A_2342 = arith.constant 0 : i32
      %dma_start3A_2343 = arith.constant 0 : i32
      %dma_start3A_2344 = tpu.memref_slice %arg9[%dma_start3A_2342, %dma_start3A_2343] : memref<16x32xi32, #tpu.memory_space<vmem>> -> memref<1x32xi32, #tpu.memory_space<vmem>>
      %dma_start3A_2345 = tpu.memref_squeeze %dma_start3A_2344 : memref<1x32xi32, #tpu.memory_space<vmem>> -> memref<32xi32, #tpu.memory_space<vmem>>
      %dma_start3A_2346 = arith.constant 0 : i32
      %dma_start3A_2347 = arith.constant 0 : i32
      %dma_start3A_2348 = tpu.memref_slice %arg4[%dma_start3A_2346, %dma_start3A_2347] : memref<16384x768xf32, #tpu.memory_space<hbm>> -> memref<16384x768xf32, #tpu.memory_space<hbm>>
      tpu.enqueue_indirect_dma source(%arg11 : memref<32x768xf32, #tpu.memory_space<vmem>>) target(%dma_start3A_2348 : memref<16384x768xf32, #tpu.memory_space<hbm>>) offsets(%dma_start3A_2345 : memref<32xi32, #tpu.memory_space<vmem>>) semaphore(%arg14 : memref<!tpu.dma_semaphore, #tpu.memory_space<semaphore_mem>>)
    } else {
    }
    %gt3A_2027 = arith.constant 0 : i32
    %gt3A_2028 = arith.cmpi sgt, %shift_right_logical3A_2015, %gt3A_2027 : i32
    %convert_element_type3A_2029 = arith.extui %gt3A_2028 : i1 to i32
    %cond3A_2030 = arith.constant 0 : i32
    %cond3A_2031 = arith.cmpi ne, %convert_element_type3A_2029, %cond3A_2030 : i32
    scf.if %cond3A_2031 {
      %dma_start3A_2342 = arith.constant 0 : i32
      %dma_start3A_2343 = arith.constant 0 : i32
      %dma_start3A_2344 = tpu.memref_slice %arg10[%dma_start3A_2342, %dma_start3A_2343] : memref<16x32xi32, #tpu.memory_space<vmem>> -> memref<1x32xi32, #tpu.memory_space<vmem>>
      %dma_start3A_2345 = tpu.memref_squeeze %dma_start3A_2344 : memref<1x32xi32, #tpu.memory_space<vmem>> -> memref<32xi32, #tpu.memory_space<vmem>>
      %dma_start3A_2346 = arith.constant 0 : i32
      %dma_start3A_2347 = arith.constant 0 : i32
      %dma_start3A_2348 = tpu.memref_slice %arg4[%dma_start3A_2346, %dma_start3A_2347] : memref<16384x768xf32, #tpu.memory_space<hbm>> -> memref<16384x768xf32, #tpu.memory_space<hbm>>
      tpu.enqueue_indirect_dma source(%arg12 : memref<32x768xf32, #tpu.memory_space<vmem>>) target(%dma_start3A_2348 : memref<16384x768xf32, #tpu.memory_space<hbm>>) offsets(%dma_start3A_2345 : memref<32xi32, #tpu.memory_space<vmem>>) semaphore(%arg15 : memref<!tpu.dma_semaphore, #tpu.memory_space<semaphore_mem>>)
    } else {
    }
    %gt3A_2032 = arith.constant 1 : i32
    %gt3A_2033 = arith.cmpi sgt, %shift_right_logical3A_2011, %gt3A_2032 : i32
    %convert_element_type3A_2034 = arith.extui %gt3A_2033 : i1 to i32
    %cond3A_2035 = arith.constant 0 : i32
    %cond3A_2036 = arith.cmpi ne, %convert_element_type3A_2034, %cond3A_2035 : i32
    scf.if %cond3A_2036 {
      %dma_start3A_2342 = arith.constant 1 : i32
      %dma_start3A_2343 = arith.constant 0 : i32
      %dma_start3A_2344 = tpu.memref_slice %arg9[%dma_start3A_2342, %dma_start3A_2343] : memref<16x32xi32, #tpu.memory_space<vmem>> -> memref<1x32xi32, #tpu.memory_space<vmem>>
      %dma_start3A_2345 = tpu.memref_squeeze %dma_start3A_2344 : memref<1x32xi32, #tpu.memory_space<vmem>> -> memref<32xi32, #tpu.memory_space<vmem>>
      %dma_start3A_2346 = arith.constant 0 : i32
      %dma_start3A_2347 = arith.constant 0 : i32
      %dma_start3A_2348 = tpu.memref_slice %arg4[%dma_start3A_2346, %dma_start3A_2347] : memref<16384x768xf32, #tpu.memory_space<hbm>> -> memref<16384x768xf32, #tpu.memory_space<hbm>>
      tpu.enqueue_indirect_dma source(%arg11 : memref<32x768xf32, #tpu.memory_space<vmem>>) target(%dma_start3A_2348 : memref<16384x768xf32, #tpu.memory_space<hbm>>) offsets(%dma_start3A_2345 : memref<32xi32, #tpu.memory_space<vmem>>) semaphore(%arg14 : memref<!tpu.dma_semaphore, #tpu.memory_space<semaphore_mem>>)
    } else {
    }
    %gt3A_2037 = arith.constant 1 : i32
    %gt3A_2038 = arith.cmpi sgt, %shift_right_logical3A_2015, %gt3A_2037 : i32
    %convert_element_type3A_2039 = arith.extui %gt3A_2038 : i1 to i32
    %cond3A_2040 = arith.constant 0 : i32
    %cond3A_2041 = arith.cmpi ne, %convert_element_type3A_2039, %cond3A_2040 : i32
    scf.if %cond3A_2041 {
      %dma_start3A_2342 = arith.constant 1 : i32
      %dma_start3A_2343 = arith.constant 0 : i32
      %dma_start3A_2344 = tpu.memref_slice %arg10[%dma_start3A_2342, %dma_start3A_2343] : memref<16x32xi32, #tpu.memory_space<vmem>> -> memref<1x32xi32, #tpu.memory_space<vmem>>
      %dma_start3A_2345 = tpu.memref_squeeze %dma_start3A_2344 : memref<1x32xi32, #tpu.memory_space<vmem>> -> memref<32xi32, #tpu.memory_space<vmem>>
      %dma_start3A_2346 = arith.constant 0 : i32
      %dma_start3A_2347 = arith.constant 0 : i32
      %dma_start3A_2348 = tpu.memref_slice %arg4[%dma_start3A_2346, %dma_start3A_2347] : memref<16384x768xf32, #tpu.memory_space<hbm>> -> memref<16384x768xf32, #tpu.memory_space<hbm>>
      tpu.enqueue_indirect_dma source(%arg12 : memref<32x768xf32, #tpu.memory_space<vmem>>) target(%dma_start3A_2348 : memref<16384x768xf32, #tpu.memory_space<hbm>>) offsets(%dma_start3A_2345 : memref<32xi32, #tpu.memory_space<vmem>>) semaphore(%arg15 : memref<!tpu.dma_semaphore, #tpu.memory_space<semaphore_mem>>)
    } else {
    }
    %gt3A_2042 = arith.constant 2 : i32
    %gt3A_2043 = arith.cmpi sgt, %shift_right_logical3A_2011, %gt3A_2042 : i32
    %convert_element_type3A_2044 = arith.extui %gt3A_2043 : i1 to i32
    %cond3A_2045 = arith.constant 0 : i32
    %cond3A_2046 = arith.cmpi ne, %convert_element_type3A_2044, %cond3A_2045 : i32
    scf.if %cond3A_2046 {
      %dma_start3A_2342 = arith.constant 2 : i32
      %dma_start3A_2343 = arith.constant 0 : i32
      %dma_start3A_2344 = tpu.memref_slice %arg9[%dma_start3A_2342, %dma_start3A_2343] : memref<16x32xi32, #tpu.memory_space<vmem>> -> memref<1x32xi32, #tpu.memory_space<vmem>>
      %dma_start3A_2345 = tpu.memref_squeeze %dma_start3A_2344 : memref<1x32xi32, #tpu.memory_space<vmem>> -> memref<32xi32, #tpu.memory_space<vmem>>
      %dma_start3A_2346 = arith.constant 0 : i32
      %dma_start3A_2347 = arith.constant 0 : i32
      %dma_start3A_2348 = tpu.memref_slice %arg4[%dma_start3A_2346, %dma_start3A_2347] : memref<16384x768xf32, #tpu.memory_space<hbm>> -> memref<16384x768xf32, #tpu.memory_space<hbm>>
      tpu.enqueue_indirect_dma source(%arg11 : memref<32x768xf32, #tpu.memory_space<vmem>>) target(%dma_start3A_2348 : memref<16384x768xf32, #tpu.memory_space<hbm>>) offsets(%dma_start3A_2345 : memref<32xi32, #tpu.memory_space<vmem>>) semaphore(%arg14 : memref<!tpu.dma_semaphore, #tpu.memory_space<semaphore_mem>>)
    } else {
    }
    %gt3A_2047 = arith.constant 2 : i32
    %gt3A_2048 = arith.cmpi sgt, %shift_right_logical3A_2015, %gt3A_2047 : i32
    %convert_element_type3A_2049 = arith.extui %gt3A_2048 : i1 to i32
    %cond3A_2050 = arith.constant 0 : i32
    %cond3A_2051 = arith.cmpi ne, %convert_element_type3A_2049, %cond3A_2050 : i32
    scf.if %cond3A_2051 {
      %dma_start3A_2342 = arith.constant 2 : i32
      %dma_start3A_2343 = arith.constant 0 : i32
      %dma_start3A_2344 = tpu.memref_slice %arg10[%dma_start3A_2342, %dma_start3A_2343] : memref<16x32xi32, #tpu.memory_space<vmem>> -> memref<1x32xi32, #tpu.memory_space<vmem>>
      %dma_start3A_2345 = tpu.memref_squeeze %dma_start3A_2344 : memref<1x32xi32, #tpu.memory_space<vmem>> -> memref<32xi32, #tpu.memory_space<vmem>>
      %dma_start3A_2346 = arith.constant 0 : i32
      %dma_start3A_2347 = arith.constant 0 : i32
      %dma_start3A_2348 = tpu.memref_slice %arg4[%dma_start3A_2346, %dma_start3A_2347] : memref<16384x768xf32, #tpu.memory_space<hbm>> -> memref<16384x768xf32, #tpu.memory_space<hbm>>
      tpu.enqueue_indirect_dma source(%arg12 : memref<32x768xf32, #tpu.memory_space<vmem>>) target(%dma_start3A_2348 : memref<16384x768xf32, #tpu.memory_space<hbm>>) offsets(%dma_start3A_2345 : memref<32xi32, #tpu.memory_space<vmem>>) semaphore(%arg15 : memref<!tpu.dma_semaphore, #tpu.memory_space<semaphore_mem>>)
    } else {
    }
    %gt3A_2052 = arith.constant 3 : i32
    %gt3A_2053 = arith.cmpi sgt, %shift_right_logical3A_2011, %gt3A_2052 : i32
    %convert_element_type3A_2054 = arith.extui %gt3A_2053 : i1 to i32
    %cond3A_2055 = arith.constant 0 : i32
    %cond3A_2056 = arith.cmpi ne, %convert_element_type3A_2054, %cond3A_2055 : i32
    scf.if %cond3A_2056 {
      %dma_start3A_2342 = arith.constant 3 : i32
      %dma_start3A_2343 = arith.constant 0 : i32
      %dma_start3A_2344 = tpu.memref_slice %arg9[%dma_start3A_2342, %dma_start3A_2343] : memref<16x32xi32, #tpu.memory_space<vmem>> -> memref<1x32xi32, #tpu.memory_space<vmem>>
      %dma_start3A_2345 = tpu.memref_squeeze %dma_start3A_2344 : memref<1x32xi32, #tpu.memory_space<vmem>> -> memref<32xi32, #tpu.memory_space<vmem>>
      %dma_start3A_2346 = arith.constant 0 : i32
      %dma_start3A_2347 = arith.constant 0 : i32
      %dma_start3A_2348 = tpu.memref_slice %arg4[%dma_start3A_2346, %dma_start3A_2347] : memref<16384x768xf32, #tpu.memory_space<hbm>> -> memref<16384x768xf32, #tpu.memory_space<hbm>>
      tpu.enqueue_indirect_dma source(%arg11 : memref<32x768xf32, #tpu.memory_space<vmem>>) target(%dma_start3A_2348 : memref<16384x768xf32, #tpu.memory_space<hbm>>) offsets(%dma_start3A_2345 : memref<32xi32, #tpu.memory_space<vmem>>) semaphore(%arg14 : memref<!tpu.dma_semaphore, #tpu.memory_space<semaphore_mem>>)
    } else {
    }
    %gt3A_2057 = arith.constant 3 : i32
    %gt3A_2058 = arith.cmpi sgt, %shift_right_logical3A_2015, %gt3A_2057 : i32
    %convert_element_type3A_2059 = arith.extui %gt3A_2058 : i1 to i32
    %cond3A_2060 = arith.constant 0 : i32
    %cond3A_2061 = arith.cmpi ne, %convert_element_type3A_2059, %cond3A_2060 : i32
    scf.if %cond3A_2061 {
      %dma_start3A_2342 = arith.constant 3 : i32
      %dma_start3A_2343 = arith.constant 0 : i32
      %dma_start3A_2344 = tpu.memref_slice %arg10[%dma_start3A_2342, %dma_start3A_2343] : memref<16x32xi32, #tpu.memory_space<vmem>> -> memref<1x32xi32, #tpu.memory_space<vmem>>
      %dma_start3A_2345 = tpu.memref_squeeze %dma_start3A_2344 : memref<1x32xi32, #tpu.memory_space<vmem>> -> memref<32xi32, #tpu.memory_space<vmem>>
      %dma_start3A_2346 = arith.constant 0 : i32
      %dma_start3A_2347 = arith.constant 0 : i32
      %dma_start3A_2348 = tpu.memref_slice %arg4[%dma_start3A_2346, %dma_start3A_2347] : memref<16384x768xf32, #tpu.memory_space<hbm>> -> memref<16384x768xf32, #tpu.memory_space<hbm>>
      tpu.enqueue_indirect_dma source(%arg12 : memref<32x768xf32, #tpu.memory_space<vmem>>) target(%dma_start3A_2348 : memref<16384x768xf32, #tpu.memory_space<hbm>>) offsets(%dma_start3A_2345 : memref<32xi32, #tpu.memory_space<vmem>>) semaphore(%arg15 : memref<!tpu.dma_semaphore, #tpu.memory_space<semaphore_mem>>)
    } else {
    }
    %gt3A_2062 = arith.constant 4 : i32
    %gt3A_2063 = arith.cmpi sgt, %shift_right_logical3A_2011, %gt3A_2062 : i32
    %convert_element_type3A_2064 = arith.extui %gt3A_2063 : i1 to i32
    %cond3A_2065 = arith.constant 0 : i32
    %cond3A_2066 = arith.cmpi ne, %convert_element_type3A_2064, %cond3A_2065 : i32
    scf.if %cond3A_2066 {
      %dma_start3A_2342 = arith.constant 4 : i32
      %dma_start3A_2343 = arith.constant 0 : i32
      %dma_start3A_2344 = tpu.memref_slice %arg9[%dma_start3A_2342, %dma_start3A_2343] : memref<16x32xi32, #tpu.memory_space<vmem>> -> memref<1x32xi32, #tpu.memory_space<vmem>>
      %dma_start3A_2345 = tpu.memref_squeeze %dma_start3A_2344 : memref<1x32xi32, #tpu.memory_space<vmem>> -> memref<32xi32, #tpu.memory_space<vmem>>
      %dma_start3A_2346 = arith.constant 0 : i32
      %dma_start3A_2347 = arith.constant 0 : i32
      %dma_start3A_2348 = tpu.memref_slice %arg4[%dma_start3A_2346, %dma_start3A_2347] : memref<16384x768xf32, #tpu.memory_space<hbm>> -> memref<16384x768xf32, #tpu.memory_space<hbm>>
      tpu.enqueue_indirect_dma source(%arg11 : memref<32x768xf32, #tpu.memory_space<vmem>>) target(%dma_start3A_2348 : memref<16384x768xf32, #tpu.memory_space<hbm>>) offsets(%dma_start3A_2345 : memref<32xi32, #tpu.memory_space<vmem>>) semaphore(%arg14 : memref<!tpu.dma_semaphore, #tpu.memory_space<semaphore_mem>>)
    } else {
    }
    %gt3A_2067 = arith.constant 4 : i32
    %gt3A_2068 = arith.cmpi sgt, %shift_right_logical3A_2015, %gt3A_2067 : i32
    %convert_element_type3A_2069 = arith.extui %gt3A_2068 : i1 to i32
    %cond3A_2070 = arith.constant 0 : i32
    %cond3A_2071 = arith.cmpi ne, %convert_element_type3A_2069, %cond3A_2070 : i32
    scf.if %cond3A_2071 {
      %dma_start3A_2342 = arith.constant 4 : i32
      %dma_start3A_2343 = arith.constant 0 : i32
      %dma_start3A_2344 = tpu.memref_slice %arg10[%dma_start3A_2342, %dma_start3A_2343] : memref<16x32xi32, #tpu.memory_space<vmem>> -> memref<1x32xi32, #tpu.memory_space<vmem>>
      %dma_start3A_2345 = tpu.memref_squeeze %dma_start3A_2344 : memref<1x32xi32, #tpu.memory_space<vmem>> -> memref<32xi32, #tpu.memory_space<vmem>>
      %dma_start3A_2346 = arith.constant 0 : i32
      %dma_start3A_2347 = arith.constant 0 : i32
      %dma_start3A_2348 = tpu.memref_slice %arg4[%dma_start3A_2346, %dma_start3A_2347] : memref<16384x768xf32, #tpu.memory_space<hbm>> -> memref<16384x768xf32, #tpu.memory_space<hbm>>
      tpu.enqueue_indirect_dma source(%arg12 : memref<32x768xf32, #tpu.memory_space<vmem>>) target(%dma_start3A_2348 : memref<16384x768xf32, #tpu.memory_space<hbm>>) offsets(%dma_start3A_2345 : memref<32xi32, #tpu.memory_space<vmem>>) semaphore(%arg15 : memref<!tpu.dma_semaphore, #tpu.memory_space<semaphore_mem>>)
    } else {
    }
    %gt3A_2072 = arith.constant 5 : i32
    %gt3A_2073 = arith.cmpi sgt, %shift_right_logical3A_2011, %gt3A_2072 : i32
    %convert_element_type3A_2074 = arith.extui %gt3A_2073 : i1 to i32
    %cond3A_2075 = arith.constant 0 : i32
    %cond3A_2076 = arith.cmpi ne, %convert_element_type3A_2074, %cond3A_2075 : i32
    scf.if %cond3A_2076 {
      %dma_start3A_2342 = arith.constant 5 : i32
      %dma_start3A_2343 = arith.constant 0 : i32
      %dma_start3A_2344 = tpu.memref_slice %arg9[%dma_start3A_2342, %dma_start3A_2343] : memref<16x32xi32, #tpu.memory_space<vmem>> -> memref<1x32xi32, #tpu.memory_space<vmem>>
      %dma_start3A_2345 = tpu.memref_squeeze %dma_start3A_2344 : memref<1x32xi32, #tpu.memory_space<vmem>> -> memref<32xi32, #tpu.memory_space<vmem>>
      %dma_start3A_2346 = arith.constant 0 : i32
      %dma_start3A_2347 = arith.constant 0 : i32
      %dma_start3A_2348 = tpu.memref_slice %arg4[%dma_start3A_2346, %dma_start3A_2347] : memref<16384x768xf32, #tpu.memory_space<hbm>> -> memref<16384x768xf32, #tpu.memory_space<hbm>>
      tpu.enqueue_indirect_dma source(%arg11 : memref<32x768xf32, #tpu.memory_space<vmem>>) target(%dma_start3A_2348 : memref<16384x768xf32, #tpu.memory_space<hbm>>) offsets(%dma_start3A_2345 : memref<32xi32, #tpu.memory_space<vmem>>) semaphore(%arg14 : memref<!tpu.dma_semaphore, #tpu.memory_space<semaphore_mem>>)
    } else {
    }
    %gt3A_2077 = arith.constant 5 : i32
    %gt3A_2078 = arith.cmpi sgt, %shift_right_logical3A_2015, %gt3A_2077 : i32
    %convert_element_type3A_2079 = arith.extui %gt3A_2078 : i1 to i32
    %cond3A_2080 = arith.constant 0 : i32
    %cond3A_2081 = arith.cmpi ne, %convert_element_type3A_2079, %cond3A_2080 : i32
    scf.if %cond3A_2081 {
      %dma_start3A_2342 = arith.constant 5 : i32
      %dma_start3A_2343 = arith.constant 0 : i32
      %dma_start3A_2344 = tpu.memref_slice %arg10[%dma_start3A_2342, %dma_start3A_2343] : memref<16x32xi32, #tpu.memory_space<vmem>> -> memref<1x32xi32, #tpu.memory_space<vmem>>
      %dma_start3A_2345 = tpu.memref_squeeze %dma_start3A_2344 : memref<1x32xi32, #tpu.memory_space<vmem>> -> memref<32xi32, #tpu.memory_space<vmem>>
      %dma_start3A_2346 = arith.constant 0 : i32
      %dma_start3A_2347 = arith.constant 0 : i32
      %dma_start3A_2348 = tpu.memref_slice %arg4[%dma_start3A_2346, %dma_start3A_2347] : memref<16384x768xf32, #tpu.memory_space<hbm>> -> memref<16384x768xf32, #tpu.memory_space<hbm>>
      tpu.enqueue_indirect_dma source(%arg12 : memref<32x768xf32, #tpu.memory_space<vmem>>) target(%dma_start3A_2348 : memref<16384x768xf32, #tpu.memory_space<hbm>>) offsets(%dma_start3A_2345 : memref<32xi32, #tpu.memory_space<vmem>>) semaphore(%arg15 : memref<!tpu.dma_semaphore, #tpu.memory_space<semaphore_mem>>)
    } else {
    }
    %gt3A_2082 = arith.constant 6 : i32
    %gt3A_2083 = arith.cmpi sgt, %shift_right_logical3A_2011, %gt3A_2082 : i32
    %convert_element_type3A_2084 = arith.extui %gt3A_2083 : i1 to i32
    %cond3A_2085 = arith.constant 0 : i32
    %cond3A_2086 = arith.cmpi ne, %convert_element_type3A_2084, %cond3A_2085 : i32
    scf.if %cond3A_2086 {
      %dma_start3A_2342 = arith.constant 6 : i32
      %dma_start3A_2343 = arith.constant 0 : i32
      %dma_start3A_2344 = tpu.memref_slice %arg9[%dma_start3A_2342, %dma_start3A_2343] : memref<16x32xi32, #tpu.memory_space<vmem>> -> memref<1x32xi32, #tpu.memory_space<vmem>>
      %dma_start3A_2345 = tpu.memref_squeeze %dma_start3A_2344 : memref<1x32xi32, #tpu.memory_space<vmem>> -> memref<32xi32, #tpu.memory_space<vmem>>
      %dma_start3A_2346 = arith.constant 0 : i32
      %dma_start3A_2347 = arith.constant 0 : i32
      %dma_start3A_2348 = tpu.memref_slice %arg4[%dma_start3A_2346, %dma_start3A_2347] : memref<16384x768xf32, #tpu.memory_space<hbm>> -> memref<16384x768xf32, #tpu.memory_space<hbm>>
      tpu.enqueue_indirect_dma source(%arg11 : memref<32x768xf32, #tpu.memory_space<vmem>>) target(%dma_start3A_2348 : memref<16384x768xf32, #tpu.memory_space<hbm>>) offsets(%dma_start3A_2345 : memref<32xi32, #tpu.memory_space<vmem>>) semaphore(%arg14 : memref<!tpu.dma_semaphore, #tpu.memory_space<semaphore_mem>>)
    } else {
    }
    %gt3A_2087 = arith.constant 6 : i32
    %gt3A_2088 = arith.cmpi sgt, %shift_right_logical3A_2015, %gt3A_2087 : i32
    %convert_element_type3A_2089 = arith.extui %gt3A_2088 : i1 to i32
    %cond3A_2090 = arith.constant 0 : i32
    %cond3A_2091 = arith.cmpi ne, %convert_element_type3A_2089, %cond3A_2090 : i32
    scf.if %cond3A_2091 {
      %dma_start3A_2342 = arith.constant 6 : i32
      %dma_start3A_2343 = arith.constant 0 : i32
      %dma_start3A_2344 = tpu.memref_slice %arg10[%dma_start3A_2342, %dma_start3A_2343] : memref<16x32xi32, #tpu.memory_space<vmem>> -> memref<1x32xi32, #tpu.memory_space<vmem>>
      %dma_start3A_2345 = tpu.memref_squeeze %dma_start3A_2344 : memref<1x32xi32, #tpu.memory_space<vmem>> -> memref<32xi32, #tpu.memory_space<vmem>>
      %dma_start3A_2346 = arith.constant 0 : i32
      %dma_start3A_2347 = arith.constant 0 : i32
      %dma_start3A_2348 = tpu.memref_slice %arg4[%dma_start3A_2346, %dma_start3A_2347] : memref<16384x768xf32, #tpu.memory_space<hbm>> -> memref<16384x768xf32, #tpu.memory_space<hbm>>
      tpu.enqueue_indirect_dma source(%arg12 : memref<32x768xf32, #tpu.memory_space<vmem>>) target(%dma_start3A_2348 : memref<16384x768xf32, #tpu.memory_space<hbm>>) offsets(%dma_start3A_2345 : memref<32xi32, #tpu.memory_space<vmem>>) semaphore(%arg15 : memref<!tpu.dma_semaphore, #tpu.memory_space<semaphore_mem>>)
    } else {
    }
    %gt3A_2092 = arith.constant 7 : i32
    %gt3A_2093 = arith.cmpi sgt, %shift_right_logical3A_2011, %gt3A_2092 : i32
    %convert_element_type3A_2094 = arith.extui %gt3A_2093 : i1 to i32
    %cond3A_2095 = arith.constant 0 : i32
    %cond3A_2096 = arith.cmpi ne, %convert_element_type3A_2094, %cond3A_2095 : i32
    scf.if %cond3A_2096 {
      %dma_start3A_2342 = arith.constant 7 : i32
      %dma_start3A_2343 = arith.constant 0 : i32
      %dma_start3A_2344 = tpu.memref_slice %arg9[%dma_start3A_2342, %dma_start3A_2343] : memref<16x32xi32, #tpu.memory_space<vmem>> -> memref<1x32xi32, #tpu.memory_space<vmem>>
      %dma_start3A_2345 = tpu.memref_squeeze %dma_start3A_2344 : memref<1x32xi32, #tpu.memory_space<vmem>> -> memref<32xi32, #tpu.memory_space<vmem>>
      %dma_start3A_2346 = arith.constant 0 : i32
      %dma_start3A_2347 = arith.constant 0 : i32
      %dma_start3A_2348 = tpu.memref_slice %arg4[%dma_start3A_2346, %dma_start3A_2347] : memref<16384x768xf32, #tpu.memory_space<hbm>> -> memref<16384x768xf32, #tpu.memory_space<hbm>>
      tpu.enqueue_indirect_dma source(%arg11 : memref<32x768xf32, #tpu.memory_space<vmem>>) target(%dma_start3A_2348 : memref<16384x768xf32, #tpu.memory_space<hbm>>) offsets(%dma_start3A_2345 : memref<32xi32, #tpu.memory_space<vmem>>) semaphore(%arg14 : memref<!tpu.dma_semaphore, #tpu.memory_space<semaphore_mem>>)
    } else {
    }
    %gt3A_2097 = arith.constant 7 : i32
    %gt3A_2098 = arith.cmpi sgt, %shift_right_logical3A_2015, %gt3A_2097 : i32
    %convert_element_type3A_2099 = arith.extui %gt3A_2098 : i1 to i32
    %cond3A_2100 = arith.constant 0 : i32
    %cond3A_2101 = arith.cmpi ne, %convert_element_type3A_2099, %cond3A_2100 : i32
    scf.if %cond3A_2101 {
      %dma_start3A_2342 = arith.constant 7 : i32
      %dma_start3A_2343 = arith.constant 0 : i32
      %dma_start3A_2344 = tpu.memref_slice %arg10[%dma_start3A_2342, %dma_start3A_2343] : memref<16x32xi32, #tpu.memory_space<vmem>> -> memref<1x32xi32, #tpu.memory_space<vmem>>
      %dma_start3A_2345 = tpu.memref_squeeze %dma_start3A_2344 : memref<1x32xi32, #tpu.memory_space<vmem>> -> memref<32xi32, #tpu.memory_space<vmem>>
      %dma_start3A_2346 = arith.constant 0 : i32
      %dma_start3A_2347 = arith.constant 0 : i32
      %dma_start3A_2348 = tpu.memref_slice %arg4[%dma_start3A_2346, %dma_start3A_2347] : memref<16384x768xf32, #tpu.memory_space<hbm>> -> memref<16384x768xf32, #tpu.memory_space<hbm>>
      tpu.enqueue_indirect_dma source(%arg12 : memref<32x768xf32, #tpu.memory_space<vmem>>) target(%dma_start3A_2348 : memref<16384x768xf32, #tpu.memory_space<hbm>>) offsets(%dma_start3A_2345 : memref<32xi32, #tpu.memory_space<vmem>>) semaphore(%arg15 : memref<!tpu.dma_semaphore, #tpu.memory_space<semaphore_mem>>)
    } else {
    }
    %gt3A_2102 = arith.constant 8 : i32
    %gt3A_2103 = arith.cmpi sgt, %shift_right_logical3A_2011, %gt3A_2102 : i32
    %convert_element_type3A_2104 = arith.extui %gt3A_2103 : i1 to i32
    %cond3A_2105 = arith.constant 0 : i32
    %cond3A_2106 = arith.cmpi ne, %convert_element_type3A_2104, %cond3A_2105 : i32
    scf.if %cond3A_2106 {
      %dma_start3A_2342 = arith.constant 8 : i32
      %dma_start3A_2343 = arith.constant 0 : i32
      %dma_start3A_2344 = tpu.memref_slice %arg9[%dma_start3A_2342, %dma_start3A_2343] : memref<16x32xi32, #tpu.memory_space<vmem>> -> memref<1x32xi32, #tpu.memory_space<vmem>>
      %dma_start3A_2345 = tpu.memref_squeeze %dma_start3A_2344 : memref<1x32xi32, #tpu.memory_space<vmem>> -> memref<32xi32, #tpu.memory_space<vmem>>
      %dma_start3A_2346 = arith.constant 0 : i32
      %dma_start3A_2347 = arith.constant 0 : i32
      %dma_start3A_2348 = tpu.memref_slice %arg4[%dma_start3A_2346, %dma_start3A_2347] : memref<16384x768xf32, #tpu.memory_space<hbm>> -> memref<16384x768xf32, #tpu.memory_space<hbm>>
      tpu.enqueue_indirect_dma source(%arg11 : memref<32x768xf32, #tpu.memory_space<vmem>>) target(%dma_start3A_2348 : memref<16384x768xf32, #tpu.memory_space<hbm>>) offsets(%dma_start3A_2345 : memref<32xi32, #tpu.memory_space<vmem>>) semaphore(%arg14 : memref<!tpu.dma_semaphore, #tpu.memory_space<semaphore_mem>>)
    } else {
    }
    %gt3A_2107 = arith.constant 8 : i32
    %gt3A_2108 = arith.cmpi sgt, %shift_right_logical3A_2015, %gt3A_2107 : i32
    %convert_element_type3A_2109 = arith.extui %gt3A_2108 : i1 to i32
    %cond3A_2110 = arith.constant 0 : i32
    %cond3A_2111 = arith.cmpi ne, %convert_element_type3A_2109, %cond3A_2110 : i32
    scf.if %cond3A_2111 {
      %dma_start3A_2342 = arith.constant 8 : i32
      %dma_start3A_2343 = arith.constant 0 : i32
      %dma_start3A_2344 = tpu.memref_slice %arg10[%dma_start3A_2342, %dma_start3A_2343] : memref<16x32xi32, #tpu.memory_space<vmem>> -> memref<1x32xi32, #tpu.memory_space<vmem>>
      %dma_start3A_2345 = tpu.memref_squeeze %dma_start3A_2344 : memref<1x32xi32, #tpu.memory_space<vmem>> -> memref<32xi32, #tpu.memory_space<vmem>>
      %dma_start3A_2346 = arith.constant 0 : i32
      %dma_start3A_2347 = arith.constant 0 : i32
      %dma_start3A_2348 = tpu.memref_slice %arg4[%dma_start3A_2346, %dma_start3A_2347] : memref<16384x768xf32, #tpu.memory_space<hbm>> -> memref<16384x768xf32, #tpu.memory_space<hbm>>
      tpu.enqueue_indirect_dma source(%arg12 : memref<32x768xf32, #tpu.memory_space<vmem>>) target(%dma_start3A_2348 : memref<16384x768xf32, #tpu.memory_space<hbm>>) offsets(%dma_start3A_2345 : memref<32xi32, #tpu.memory_space<vmem>>) semaphore(%arg15 : memref<!tpu.dma_semaphore, #tpu.memory_space<semaphore_mem>>)
    } else {
    }
    %gt3A_2112 = arith.constant 9 : i32
    %gt3A_2113 = arith.cmpi sgt, %shift_right_logical3A_2011, %gt3A_2112 : i32
    %convert_element_type3A_2114 = arith.extui %gt3A_2113 : i1 to i32
    %cond3A_2115 = arith.constant 0 : i32
    %cond3A_2116 = arith.cmpi ne, %convert_element_type3A_2114, %cond3A_2115 : i32
    scf.if %cond3A_2116 {
      %dma_start3A_2342 = arith.constant 9 : i32
      %dma_start3A_2343 = arith.constant 0 : i32
      %dma_start3A_2344 = tpu.memref_slice %arg9[%dma_start3A_2342, %dma_start3A_2343] : memref<16x32xi32, #tpu.memory_space<vmem>> -> memref<1x32xi32, #tpu.memory_space<vmem>>
      %dma_start3A_2345 = tpu.memref_squeeze %dma_start3A_2344 : memref<1x32xi32, #tpu.memory_space<vmem>> -> memref<32xi32, #tpu.memory_space<vmem>>
      %dma_start3A_2346 = arith.constant 0 : i32
      %dma_start3A_2347 = arith.constant 0 : i32
      %dma_start3A_2348 = tpu.memref_slice %arg4[%dma_start3A_2346, %dma_start3A_2347] : memref<16384x768xf32, #tpu.memory_space<hbm>> -> memref<16384x768xf32, #tpu.memory_space<hbm>>
      tpu.enqueue_indirect_dma source(%arg11 : memref<32x768xf32, #tpu.memory_space<vmem>>) target(%dma_start3A_2348 : memref<16384x768xf32, #tpu.memory_space<hbm>>) offsets(%dma_start3A_2345 : memref<32xi32, #tpu.memory_space<vmem>>) semaphore(%arg14 : memref<!tpu.dma_semaphore, #tpu.memory_space<semaphore_mem>>)
    } else {
    }
    %gt3A_2117 = arith.constant 9 : i32
    %gt3A_2118 = arith.cmpi sgt, %shift_right_logical3A_2015, %gt3A_2117 : i32
    %convert_element_type3A_2119 = arith.extui %gt3A_2118 : i1 to i32
    %cond3A_2120 = arith.constant 0 : i32
    %cond3A_2121 = arith.cmpi ne, %convert_element_type3A_2119, %cond3A_2120 : i32
    scf.if %cond3A_2121 {
      %dma_start3A_2342 = arith.constant 9 : i32
      %dma_start3A_2343 = arith.constant 0 : i32
      %dma_start3A_2344 = tpu.memref_slice %arg10[%dma_start3A_2342, %dma_start3A_2343] : memref<16x32xi32, #tpu.memory_space<vmem>> -> memref<1x32xi32, #tpu.memory_space<vmem>>
      %dma_start3A_2345 = tpu.memref_squeeze %dma_start3A_2344 : memref<1x32xi32, #tpu.memory_space<vmem>> -> memref<32xi32, #tpu.memory_space<vmem>>
      %dma_start3A_2346 = arith.constant 0 : i32
      %dma_start3A_2347 = arith.constant 0 : i32
      %dma_start3A_2348 = tpu.memref_slice %arg4[%dma_start3A_2346, %dma_start3A_2347] : memref<16384x768xf32, #tpu.memory_space<hbm>> -> memref<16384x768xf32, #tpu.memory_space<hbm>>
      tpu.enqueue_indirect_dma source(%arg12 : memref<32x768xf32, #tpu.memory_space<vmem>>) target(%dma_start3A_2348 : memref<16384x768xf32, #tpu.memory_space<hbm>>) offsets(%dma_start3A_2345 : memref<32xi32, #tpu.memory_space<vmem>>) semaphore(%arg15 : memref<!tpu.dma_semaphore, #tpu.memory_space<semaphore_mem>>)
    } else {
    }
    %gt3A_2122 = arith.constant 10 : i32
    %gt3A_2123 = arith.cmpi sgt, %shift_right_logical3A_2011, %gt3A_2122 : i32
    %convert_element_type3A_2124 = arith.extui %gt3A_2123 : i1 to i32
    %cond3A_2125 = arith.constant 0 : i32
    %cond3A_2126 = arith.cmpi ne, %convert_element_type3A_2124, %cond3A_2125 : i32
    scf.if %cond3A_2126 {
      %dma_start3A_2342 = arith.constant 10 : i32
      %dma_start3A_2343 = arith.constant 0 : i32
      %dma_start3A_2344 = tpu.memref_slice %arg9[%dma_start3A_2342, %dma_start3A_2343] : memref<16x32xi32, #tpu.memory_space<vmem>> -> memref<1x32xi32, #tpu.memory_space<vmem>>
      %dma_start3A_2345 = tpu.memref_squeeze %dma_start3A_2344 : memref<1x32xi32, #tpu.memory_space<vmem>> -> memref<32xi32, #tpu.memory_space<vmem>>
      %dma_start3A_2346 = arith.constant 0 : i32
      %dma_start3A_2347 = arith.constant 0 : i32
      %dma_start3A_2348 = tpu.memref_slice %arg4[%dma_start3A_2346, %dma_start3A_2347] : memref<16384x768xf32, #tpu.memory_space<hbm>> -> memref<16384x768xf32, #tpu.memory_space<hbm>>
      tpu.enqueue_indirect_dma source(%arg11 : memref<32x768xf32, #tpu.memory_space<vmem>>) target(%dma_start3A_2348 : memref<16384x768xf32, #tpu.memory_space<hbm>>) offsets(%dma_start3A_2345 : memref<32xi32, #tpu.memory_space<vmem>>) semaphore(%arg14 : memref<!tpu.dma_semaphore, #tpu.memory_space<semaphore_mem>>)
    } else {
    }
    %gt3A_2127 = arith.constant 10 : i32
    %gt3A_2128 = arith.cmpi sgt, %shift_right_logical3A_2015, %gt3A_2127 : i32
    %convert_element_type3A_2129 = arith.extui %gt3A_2128 : i1 to i32
    %cond3A_2130 = arith.constant 0 : i32
    %cond3A_2131 = arith.cmpi ne, %convert_element_type3A_2129, %cond3A_2130 : i32
    scf.if %cond3A_2131 {
      %dma_start3A_2342 = arith.constant 10 : i32
      %dma_start3A_2343 = arith.constant 0 : i32
      %dma_start3A_2344 = tpu.memref_slice %arg10[%dma_start3A_2342, %dma_start3A_2343] : memref<16x32xi32, #tpu.memory_space<vmem>> -> memref<1x32xi32, #tpu.memory_space<vmem>>
      %dma_start3A_2345 = tpu.memref_squeeze %dma_start3A_2344 : memref<1x32xi32, #tpu.memory_space<vmem>> -> memref<32xi32, #tpu.memory_space<vmem>>
      %dma_start3A_2346 = arith.constant 0 : i32
      %dma_start3A_2347 = arith.constant 0 : i32
      %dma_start3A_2348 = tpu.memref_slice %arg4[%dma_start3A_2346, %dma_start3A_2347] : memref<16384x768xf32, #tpu.memory_space<hbm>> -> memref<16384x768xf32, #tpu.memory_space<hbm>>
      tpu.enqueue_indirect_dma source(%arg12 : memref<32x768xf32, #tpu.memory_space<vmem>>) target(%dma_start3A_2348 : memref<16384x768xf32, #tpu.memory_space<hbm>>) offsets(%dma_start3A_2345 : memref<32xi32, #tpu.memory_space<vmem>>) semaphore(%arg15 : memref<!tpu.dma_semaphore, #tpu.memory_space<semaphore_mem>>)
    } else {
    }
    %gt3A_2132 = arith.constant 11 : i32
    %gt3A_2133 = arith.cmpi sgt, %shift_right_logical3A_2011, %gt3A_2132 : i32
    %convert_element_type3A_2134 = arith.extui %gt3A_2133 : i1 to i32
    %cond3A_2135 = arith.constant 0 : i32
    %cond3A_2136 = arith.cmpi ne, %convert_element_type3A_2134, %cond3A_2135 : i32
    scf.if %cond3A_2136 {
      %dma_start3A_2342 = arith.constant 11 : i32
      %dma_start3A_2343 = arith.constant 0 : i32
      %dma_start3A_2344 = tpu.memref_slice %arg9[%dma_start3A_2342, %dma_start3A_2343] : memref<16x32xi32, #tpu.memory_space<vmem>> -> memref<1x32xi32, #tpu.memory_space<vmem>>
      %dma_start3A_2345 = tpu.memref_squeeze %dma_start3A_2344 : memref<1x32xi32, #tpu.memory_space<vmem>> -> memref<32xi32, #tpu.memory_space<vmem>>
      %dma_start3A_2346 = arith.constant 0 : i32
      %dma_start3A_2347 = arith.constant 0 : i32
      %dma_start3A_2348 = tpu.memref_slice %arg4[%dma_start3A_2346, %dma_start3A_2347] : memref<16384x768xf32, #tpu.memory_space<hbm>> -> memref<16384x768xf32, #tpu.memory_space<hbm>>
      tpu.enqueue_indirect_dma source(%arg11 : memref<32x768xf32, #tpu.memory_space<vmem>>) target(%dma_start3A_2348 : memref<16384x768xf32, #tpu.memory_space<hbm>>) offsets(%dma_start3A_2345 : memref<32xi32, #tpu.memory_space<vmem>>) semaphore(%arg14 : memref<!tpu.dma_semaphore, #tpu.memory_space<semaphore_mem>>)
    } else {
    }
    %gt3A_2137 = arith.constant 11 : i32
    %gt3A_2138 = arith.cmpi sgt, %shift_right_logical3A_2015, %gt3A_2137 : i32
    %convert_element_type3A_2139 = arith.extui %gt3A_2138 : i1 to i32
    %cond3A_2140 = arith.constant 0 : i32
    %cond3A_2141 = arith.cmpi ne, %convert_element_type3A_2139, %cond3A_2140 : i32
    scf.if %cond3A_2141 {
      %dma_start3A_2342 = arith.constant 11 : i32
      %dma_start3A_2343 = arith.constant 0 : i32
      %dma_start3A_2344 = tpu.memref_slice %arg10[%dma_start3A_2342, %dma_start3A_2343] : memref<16x32xi32, #tpu.memory_space<vmem>> -> memref<1x32xi32, #tpu.memory_space<vmem>>
      %dma_start3A_2345 = tpu.memref_squeeze %dma_start3A_2344 : memref<1x32xi32, #tpu.memory_space<vmem>> -> memref<32xi32, #tpu.memory_space<vmem>>
      %dma_start3A_2346 = arith.constant 0 : i32
      %dma_start3A_2347 = arith.constant 0 : i32
      %dma_start3A_2348 = tpu.memref_slice %arg4[%dma_start3A_2346, %dma_start3A_2347] : memref<16384x768xf32, #tpu.memory_space<hbm>> -> memref<16384x768xf32, #tpu.memory_space<hbm>>
      tpu.enqueue_indirect_dma source(%arg12 : memref<32x768xf32, #tpu.memory_space<vmem>>) target(%dma_start3A_2348 : memref<16384x768xf32, #tpu.memory_space<hbm>>) offsets(%dma_start3A_2345 : memref<32xi32, #tpu.memory_space<vmem>>) semaphore(%arg15 : memref<!tpu.dma_semaphore, #tpu.memory_space<semaphore_mem>>)
    } else {
    }
    %gt3A_2142 = arith.constant 12 : i32
    %gt3A_2143 = arith.cmpi sgt, %shift_right_logical3A_2011, %gt3A_2142 : i32
    %convert_element_type3A_2144 = arith.extui %gt3A_2143 : i1 to i32
    %cond3A_2145 = arith.constant 0 : i32
    %cond3A_2146 = arith.cmpi ne, %convert_element_type3A_2144, %cond3A_2145 : i32
    scf.if %cond3A_2146 {
      %dma_start3A_2342 = arith.constant 12 : i32
      %dma_start3A_2343 = arith.constant 0 : i32
      %dma_start3A_2344 = tpu.memref_slice %arg9[%dma_start3A_2342, %dma_start3A_2343] : memref<16x32xi32, #tpu.memory_space<vmem>> -> memref<1x32xi32, #tpu.memory_space<vmem>>
      %dma_start3A_2345 = tpu.memref_squeeze %dma_start3A_2344 : memref<1x32xi32, #tpu.memory_space<vmem>> -> memref<32xi32, #tpu.memory_space<vmem>>
      %dma_start3A_2346 = arith.constant 0 : i32
      %dma_start3A_2347 = arith.constant 0 : i32
      %dma_start3A_2348 = tpu.memref_slice %arg4[%dma_start3A_2346, %dma_start3A_2347] : memref<16384x768xf32, #tpu.memory_space<hbm>> -> memref<16384x768xf32, #tpu.memory_space<hbm>>
      tpu.enqueue_indirect_dma source(%arg11 : memref<32x768xf32, #tpu.memory_space<vmem>>) target(%dma_start3A_2348 : memref<16384x768xf32, #tpu.memory_space<hbm>>) offsets(%dma_start3A_2345 : memref<32xi32, #tpu.memory_space<vmem>>) semaphore(%arg14 : memref<!tpu.dma_semaphore, #tpu.memory_space<semaphore_mem>>)
    } else {
    }
    %gt3A_2147 = arith.constant 12 : i32
    %gt3A_2148 = arith.cmpi sgt, %shift_right_logical3A_2015, %gt3A_2147 : i32
    %convert_element_type3A_2149 = arith.extui %gt3A_2148 : i1 to i32
    %cond3A_2150 = arith.constant 0 : i32
    %cond3A_2151 = arith.cmpi ne, %convert_element_type3A_2149, %cond3A_2150 : i32
    scf.if %cond3A_2151 {
      %dma_start3A_2342 = arith.constant 12 : i32
      %dma_start3A_2343 = arith.constant 0 : i32
      %dma_start3A_2344 = tpu.memref_slice %arg10[%dma_start3A_2342, %dma_start3A_2343] : memref<16x32xi32, #tpu.memory_space<vmem>> -> memref<1x32xi32, #tpu.memory_space<vmem>>
      %dma_start3A_2345 = tpu.memref_squeeze %dma_start3A_2344 : memref<1x32xi32, #tpu.memory_space<vmem>> -> memref<32xi32, #tpu.memory_space<vmem>>
      %dma_start3A_2346 = arith.constant 0 : i32
      %dma_start3A_2347 = arith.constant 0 : i32
      %dma_start3A_2348 = tpu.memref_slice %arg4[%dma_start3A_2346, %dma_start3A_2347] : memref<16384x768xf32, #tpu.memory_space<hbm>> -> memref<16384x768xf32, #tpu.memory_space<hbm>>
      tpu.enqueue_indirect_dma source(%arg12 : memref<32x768xf32, #tpu.memory_space<vmem>>) target(%dma_start3A_2348 : memref<16384x768xf32, #tpu.memory_space<hbm>>) offsets(%dma_start3A_2345 : memref<32xi32, #tpu.memory_space<vmem>>) semaphore(%arg15 : memref<!tpu.dma_semaphore, #tpu.memory_space<semaphore_mem>>)
    } else {
    }
    %gt3A_2152 = arith.constant 13 : i32
    %gt3A_2153 = arith.cmpi sgt, %shift_right_logical3A_2011, %gt3A_2152 : i32
    %convert_element_type3A_2154 = arith.extui %gt3A_2153 : i1 to i32
    %cond3A_2155 = arith.constant 0 : i32
    %cond3A_2156 = arith.cmpi ne, %convert_element_type3A_2154, %cond3A_2155 : i32
    scf.if %cond3A_2156 {
      %dma_start3A_2342 = arith.constant 13 : i32
      %dma_start3A_2343 = arith.constant 0 : i32
      %dma_start3A_2344 = tpu.memref_slice %arg9[%dma_start3A_2342, %dma_start3A_2343] : memref<16x32xi32, #tpu.memory_space<vmem>> -> memref<1x32xi32, #tpu.memory_space<vmem>>
      %dma_start3A_2345 = tpu.memref_squeeze %dma_start3A_2344 : memref<1x32xi32, #tpu.memory_space<vmem>> -> memref<32xi32, #tpu.memory_space<vmem>>
      %dma_start3A_2346 = arith.constant 0 : i32
      %dma_start3A_2347 = arith.constant 0 : i32
      %dma_start3A_2348 = tpu.memref_slice %arg4[%dma_start3A_2346, %dma_start3A_2347] : memref<16384x768xf32, #tpu.memory_space<hbm>> -> memref<16384x768xf32, #tpu.memory_space<hbm>>
      tpu.enqueue_indirect_dma source(%arg11 : memref<32x768xf32, #tpu.memory_space<vmem>>) target(%dma_start3A_2348 : memref<16384x768xf32, #tpu.memory_space<hbm>>) offsets(%dma_start3A_2345 : memref<32xi32, #tpu.memory_space<vmem>>) semaphore(%arg14 : memref<!tpu.dma_semaphore, #tpu.memory_space<semaphore_mem>>)
    } else {
    }
    %gt3A_2157 = arith.constant 13 : i32
    %gt3A_2158 = arith.cmpi sgt, %shift_right_logical3A_2015, %gt3A_2157 : i32
    %convert_element_type3A_2159 = arith.extui %gt3A_2158 : i1 to i32
    %cond3A_2160 = arith.constant 0 : i32
    %cond3A_2161 = arith.cmpi ne, %convert_element_type3A_2159, %cond3A_2160 : i32
    scf.if %cond3A_2161 {
      %dma_start3A_2342 = arith.constant 13 : i32
      %dma_start3A_2343 = arith.constant 0 : i32
      %dma_start3A_2344 = tpu.memref_slice %arg10[%dma_start3A_2342, %dma_start3A_2343] : memref<16x32xi32, #tpu.memory_space<vmem>> -> memref<1x32xi32, #tpu.memory_space<vmem>>
      %dma_start3A_2345 = tpu.memref_squeeze %dma_start3A_2344 : memref<1x32xi32, #tpu.memory_space<vmem>> -> memref<32xi32, #tpu.memory_space<vmem>>
      %dma_start3A_2346 = arith.constant 0 : i32
      %dma_start3A_2347 = arith.constant 0 : i32
      %dma_start3A_2348 = tpu.memref_slice %arg4[%dma_start3A_2346, %dma_start3A_2347] : memref<16384x768xf32, #tpu.memory_space<hbm>> -> memref<16384x768xf32, #tpu.memory_space<hbm>>
      tpu.enqueue_indirect_dma source(%arg12 : memref<32x768xf32, #tpu.memory_space<vmem>>) target(%dma_start3A_2348 : memref<16384x768xf32, #tpu.memory_space<hbm>>) offsets(%dma_start3A_2345 : memref<32xi32, #tpu.memory_space<vmem>>) semaphore(%arg15 : memref<!tpu.dma_semaphore, #tpu.memory_space<semaphore_mem>>)
    } else {
    }
    %gt3A_2162 = arith.constant 14 : i32
    %gt3A_2163 = arith.cmpi sgt, %shift_right_logical3A_2011, %gt3A_2162 : i32
    %convert_element_type3A_2164 = arith.extui %gt3A_2163 : i1 to i32
    %cond3A_2165 = arith.constant 0 : i32
    %cond3A_2166 = arith.cmpi ne, %convert_element_type3A_2164, %cond3A_2165 : i32
    scf.if %cond3A_2166 {
      %dma_start3A_2342 = arith.constant 14 : i32
      %dma_start3A_2343 = arith.constant 0 : i32
      %dma_start3A_2344 = tpu.memref_slice %arg9[%dma_start3A_2342, %dma_start3A_2343] : memref<16x32xi32, #tpu.memory_space<vmem>> -> memref<1x32xi32, #tpu.memory_space<vmem>>
      %dma_start3A_2345 = tpu.memref_squeeze %dma_start3A_2344 : memref<1x32xi32, #tpu.memory_space<vmem>> -> memref<32xi32, #tpu.memory_space<vmem>>
      %dma_start3A_2346 = arith.constant 0 : i32
      %dma_start3A_2347 = arith.constant 0 : i32
      %dma_start3A_2348 = tpu.memref_slice %arg4[%dma_start3A_2346, %dma_start3A_2347] : memref<16384x768xf32, #tpu.memory_space<hbm>> -> memref<16384x768xf32, #tpu.memory_space<hbm>>
      tpu.enqueue_indirect_dma source(%arg11 : memref<32x768xf32, #tpu.memory_space<vmem>>) target(%dma_start3A_2348 : memref<16384x768xf32, #tpu.memory_space<hbm>>) offsets(%dma_start3A_2345 : memref<32xi32, #tpu.memory_space<vmem>>) semaphore(%arg14 : memref<!tpu.dma_semaphore, #tpu.memory_space<semaphore_mem>>)
    } else {
    }
    %gt3A_2167 = arith.constant 14 : i32
    %gt3A_2168 = arith.cmpi sgt, %shift_right_logical3A_2015, %gt3A_2167 : i32
    %convert_element_type3A_2169 = arith.extui %gt3A_2168 : i1 to i32
    %cond3A_2170 = arith.constant 0 : i32
    %cond3A_2171 = arith.cmpi ne, %convert_element_type3A_2169, %cond3A_2170 : i32
    scf.if %cond3A_2171 {
      %dma_start3A_2342 = arith.constant 14 : i32
      %dma_start3A_2343 = arith.constant 0 : i32
      %dma_start3A_2344 = tpu.memref_slice %arg10[%dma_start3A_2342, %dma_start3A_2343] : memref<16x32xi32, #tpu.memory_space<vmem>> -> memref<1x32xi32, #tpu.memory_space<vmem>>
      %dma_start3A_2345 = tpu.memref_squeeze %dma_start3A_2344 : memref<1x32xi32, #tpu.memory_space<vmem>> -> memref<32xi32, #tpu.memory_space<vmem>>
      %dma_start3A_2346 = arith.constant 0 : i32
      %dma_start3A_2347 = arith.constant 0 : i32
      %dma_start3A_2348 = tpu.memref_slice %arg4[%dma_start3A_2346, %dma_start3A_2347] : memref<16384x768xf32, #tpu.memory_space<hbm>> -> memref<16384x768xf32, #tpu.memory_space<hbm>>
      tpu.enqueue_indirect_dma source(%arg12 : memref<32x768xf32, #tpu.memory_space<vmem>>) target(%dma_start3A_2348 : memref<16384x768xf32, #tpu.memory_space<hbm>>) offsets(%dma_start3A_2345 : memref<32xi32, #tpu.memory_space<vmem>>) semaphore(%arg15 : memref<!tpu.dma_semaphore, #tpu.memory_space<semaphore_mem>>)
    } else {
    }
    %gt3A_2172 = arith.constant 15 : i32
    %gt3A_2173 = arith.cmpi sgt, %shift_right_logical3A_2011, %gt3A_2172 : i32
    %convert_element_type3A_2174 = arith.extui %gt3A_2173 : i1 to i32
    %cond3A_2175 = arith.constant 0 : i32
    %cond3A_2176 = arith.cmpi ne, %convert_element_type3A_2174, %cond3A_2175 : i32
    scf.if %cond3A_2176 {
      %dma_start3A_2342 = arith.constant 15 : i32
      %dma_start3A_2343 = arith.constant 0 : i32
      %dma_start3A_2344 = tpu.memref_slice %arg9[%dma_start3A_2342, %dma_start3A_2343] : memref<16x32xi32, #tpu.memory_space<vmem>> -> memref<1x32xi32, #tpu.memory_space<vmem>>
      %dma_start3A_2345 = tpu.memref_squeeze %dma_start3A_2344 : memref<1x32xi32, #tpu.memory_space<vmem>> -> memref<32xi32, #tpu.memory_space<vmem>>
      %dma_start3A_2346 = arith.constant 0 : i32
      %dma_start3A_2347 = arith.constant 0 : i32
      %dma_start3A_2348 = tpu.memref_slice %arg4[%dma_start3A_2346, %dma_start3A_2347] : memref<16384x768xf32, #tpu.memory_space<hbm>> -> memref<16384x768xf32, #tpu.memory_space<hbm>>
      tpu.enqueue_indirect_dma source(%arg11 : memref<32x768xf32, #tpu.memory_space<vmem>>) target(%dma_start3A_2348 : memref<16384x768xf32, #tpu.memory_space<hbm>>) offsets(%dma_start3A_2345 : memref<32xi32, #tpu.memory_space<vmem>>) semaphore(%arg14 : memref<!tpu.dma_semaphore, #tpu.memory_space<semaphore_mem>>)
    } else {
    }
    %gt3A_2177 = arith.constant 15 : i32
    %gt3A_2178 = arith.cmpi sgt, %shift_right_logical3A_2015, %gt3A_2177 : i32
    %convert_element_type3A_2179 = arith.extui %gt3A_2178 : i1 to i32
    %cond3A_2180 = arith.constant 0 : i32
    %cond3A_2181 = arith.cmpi ne, %convert_element_type3A_2179, %cond3A_2180 : i32
    scf.if %cond3A_2181 {
      %dma_start3A_2342 = arith.constant 15 : i32
      %dma_start3A_2343 = arith.constant 0 : i32
      %dma_start3A_2344 = tpu.memref_slice %arg10[%dma_start3A_2342, %dma_start3A_2343] : memref<16x32xi32, #tpu.memory_space<vmem>> -> memref<1x32xi32, #tpu.memory_space<vmem>>
      %dma_start3A_2345 = tpu.memref_squeeze %dma_start3A_2344 : memref<1x32xi32, #tpu.memory_space<vmem>> -> memref<32xi32, #tpu.memory_space<vmem>>
      %dma_start3A_2346 = arith.constant 0 : i32
      %dma_start3A_2347 = arith.constant 0 : i32
      %dma_start3A_2348 = tpu.memref_slice %arg4[%dma_start3A_2346, %dma_start3A_2347] : memref<16384x768xf32, #tpu.memory_space<hbm>> -> memref<16384x768xf32, #tpu.memory_space<hbm>>
      tpu.enqueue_indirect_dma source(%arg12 : memref<32x768xf32, #tpu.memory_space<vmem>>) target(%dma_start3A_2348 : memref<16384x768xf32, #tpu.memory_space<hbm>>) offsets(%dma_start3A_2345 : memref<32xi32, #tpu.memory_space<vmem>>) semaphore(%arg15 : memref<!tpu.dma_semaphore, #tpu.memory_space<semaphore_mem>>)
    } else {
    }
    %gt3A_2182 = arith.constant 0 : i32
    %gt3A_2183 = arith.cmpi sgt, %shift_right_logical3A_2011, %gt3A_2182 : i32
    %convert_element_type3A_2184 = arith.extui %gt3A_2183 : i1 to i32
    %cond3A_2185 = arith.constant 0 : i32
    %cond3A_2186 = arith.cmpi ne, %convert_element_type3A_2184, %cond3A_2185 : i32
    scf.if %cond3A_2186 {
      %dma_wait3A_2342 = arith.constant 0 : i32
      %dma_wait3A_2343 = arith.constant 0 : i32
      %dma_wait3A_2344 = tpu.memref_slice %arg9[%dma_wait3A_2342, %dma_wait3A_2343] : memref<16x32xi32, #tpu.memory_space<vmem>> -> memref<1x32xi32, #tpu.memory_space<vmem>>
      %dma_wait3A_2345 = tpu.memref_squeeze %dma_wait3A_2344 : memref<1x32xi32, #tpu.memory_space<vmem>> -> memref<32xi32, #tpu.memory_space<vmem>>
      %dma_wait3A_2346 = arith.constant 0 : i32
      %dma_wait3A_2347 = arith.constant 0 : i32
      %dma_wait3A_2348 = tpu.memref_slice %arg4[%dma_wait3A_2346, %dma_wait3A_2347] : memref<16384x768xf32, #tpu.memory_space<hbm>> -> memref<16384x768xf32, #tpu.memory_space<hbm>>
      tpu.wait_indirect_dma semaphore(%arg14 : memref<!tpu.dma_semaphore, #tpu.memory_space<semaphore_mem>>) src(%arg11 : memref<32x768xf32, #tpu.memory_space<vmem>>) dst(%dma_wait3A_2348 : memref<16384x768xf32, #tpu.memory_space<hbm>>)
    } else {
    }
    %gt3A_2187 = arith.constant 0 : i32
    %gt3A_2188 = arith.cmpi sgt, %shift_right_logical3A_2015, %gt3A_2187 : i32
    %convert_element_type3A_2189 = arith.extui %gt3A_2188 : i1 to i32
    %cond3A_2190 = arith.constant 0 : i32
    %cond3A_2191 = arith.cmpi ne, %convert_element_type3A_2189, %cond3A_2190 : i32
    scf.if %cond3A_2191 {
      %dma_wait3A_2342 = arith.constant 0 : i32
      %dma_wait3A_2343 = arith.constant 0 : i32
      %dma_wait3A_2344 = tpu.memref_slice %arg10[%dma_wait3A_2342, %dma_wait3A_2343] : memref<16x32xi32, #tpu.memory_space<vmem>> -> memref<1x32xi32, #tpu.memory_space<vmem>>
      %dma_wait3A_2345 = tpu.memref_squeeze %dma_wait3A_2344 : memref<1x32xi32, #tpu.memory_space<vmem>> -> memref<32xi32, #tpu.memory_space<vmem>>
      %dma_wait3A_2346 = arith.constant 0 : i32
      %dma_wait3A_2347 = arith.constant 0 : i32
      %dma_wait3A_2348 = tpu.memref_slice %arg4[%dma_wait3A_2346, %dma_wait3A_2347] : memref<16384x768xf32, #tpu.memory_space<hbm>> -> memref<16384x768xf32, #tpu.memory_space<hbm>>
      tpu.wait_indirect_dma semaphore(%arg15 : memref<!tpu.dma_semaphore, #tpu.memory_space<semaphore_mem>>) src(%arg12 : memref<32x768xf32, #tpu.memory_space<vmem>>) dst(%dma_wait3A_2348 : memref<16384x768xf32, #tpu.memory_space<hbm>>)
    } else {
    }
    %gt3A_2192 = arith.constant 1 : i32
    %gt3A_2193 = arith.cmpi sgt, %shift_right_logical3A_2011, %gt3A_2192 : i32
    %convert_element_type3A_2194 = arith.extui %gt3A_2193 : i1 to i32
    %cond3A_2195 = arith.constant 0 : i32
    %cond3A_2196 = arith.cmpi ne, %convert_element_type3A_2194, %cond3A_2195 : i32
    scf.if %cond3A_2196 {
      %dma_wait3A_2342 = arith.constant 1 : i32
      %dma_wait3A_2343 = arith.constant 0 : i32
      %dma_wait3A_2344 = tpu.memref_slice %arg9[%dma_wait3A_2342, %dma_wait3A_2343] : memref<16x32xi32, #tpu.memory_space<vmem>> -> memref<1x32xi32, #tpu.memory_space<vmem>>
      %dma_wait3A_2345 = tpu.memref_squeeze %dma_wait3A_2344 : memref<1x32xi32, #tpu.memory_space<vmem>> -> memref<32xi32, #tpu.memory_space<vmem>>
      %dma_wait3A_2346 = arith.constant 0 : i32
      %dma_wait3A_2347 = arith.constant 0 : i32
      %dma_wait3A_2348 = tpu.memref_slice %arg4[%dma_wait3A_2346, %dma_wait3A_2347] : memref<16384x768xf32, #tpu.memory_space<hbm>> -> memref<16384x768xf32, #tpu.memory_space<hbm>>
      tpu.wait_indirect_dma semaphore(%arg14 : memref<!tpu.dma_semaphore, #tpu.memory_space<semaphore_mem>>) src(%arg11 : memref<32x768xf32, #tpu.memory_space<vmem>>) dst(%dma_wait3A_2348 : memref<16384x768xf32, #tpu.memory_space<hbm>>)
    } else {
    }
    %gt3A_2197 = arith.constant 1 : i32
    %gt3A_2198 = arith.cmpi sgt, %shift_right_logical3A_2015, %gt3A_2197 : i32
    %convert_element_type3A_2199 = arith.extui %gt3A_2198 : i1 to i32
    %cond3A_2200 = arith.constant 0 : i32
    %cond3A_2201 = arith.cmpi ne, %convert_element_type3A_2199, %cond3A_2200 : i32
    scf.if %cond3A_2201 {
      %dma_wait3A_2342 = arith.constant 1 : i32
      %dma_wait3A_2343 = arith.constant 0 : i32
      %dma_wait3A_2344 = tpu.memref_slice %arg10[%dma_wait3A_2342, %dma_wait3A_2343] : memref<16x32xi32, #tpu.memory_space<vmem>> -> memref<1x32xi32, #tpu.memory_space<vmem>>
      %dma_wait3A_2345 = tpu.memref_squeeze %dma_wait3A_2344 : memref<1x32xi32, #tpu.memory_space<vmem>> -> memref<32xi32, #tpu.memory_space<vmem>>
      %dma_wait3A_2346 = arith.constant 0 : i32
      %dma_wait3A_2347 = arith.constant 0 : i32
      %dma_wait3A_2348 = tpu.memref_slice %arg4[%dma_wait3A_2346, %dma_wait3A_2347] : memref<16384x768xf32, #tpu.memory_space<hbm>> -> memref<16384x768xf32, #tpu.memory_space<hbm>>
      tpu.wait_indirect_dma semaphore(%arg15 : memref<!tpu.dma_semaphore, #tpu.memory_space<semaphore_mem>>) src(%arg12 : memref<32x768xf32, #tpu.memory_space<vmem>>) dst(%dma_wait3A_2348 : memref<16384x768xf32, #tpu.memory_space<hbm>>)
    } else {
    }
    %gt3A_2202 = arith.constant 2 : i32
    %gt3A_2203 = arith.cmpi sgt, %shift_right_logical3A_2011, %gt3A_2202 : i32
    %convert_element_type3A_2204 = arith.extui %gt3A_2203 : i1 to i32
    %cond3A_2205 = arith.constant 0 : i32
    %cond3A_2206 = arith.cmpi ne, %convert_element_type3A_2204, %cond3A_2205 : i32
    scf.if %cond3A_2206 {
      %dma_wait3A_2342 = arith.constant 2 : i32
      %dma_wait3A_2343 = arith.constant 0 : i32
      %dma_wait3A_2344 = tpu.memref_slice %arg9[%dma_wait3A_2342, %dma_wait3A_2343] : memref<16x32xi32, #tpu.memory_space<vmem>> -> memref<1x32xi32, #tpu.memory_space<vmem>>
      %dma_wait3A_2345 = tpu.memref_squeeze %dma_wait3A_2344 : memref<1x32xi32, #tpu.memory_space<vmem>> -> memref<32xi32, #tpu.memory_space<vmem>>
      %dma_wait3A_2346 = arith.constant 0 : i32
      %dma_wait3A_2347 = arith.constant 0 : i32
      %dma_wait3A_2348 = tpu.memref_slice %arg4[%dma_wait3A_2346, %dma_wait3A_2347] : memref<16384x768xf32, #tpu.memory_space<hbm>> -> memref<16384x768xf32, #tpu.memory_space<hbm>>
      tpu.wait_indirect_dma semaphore(%arg14 : memref<!tpu.dma_semaphore, #tpu.memory_space<semaphore_mem>>) src(%arg11 : memref<32x768xf32, #tpu.memory_space<vmem>>) dst(%dma_wait3A_2348 : memref<16384x768xf32, #tpu.memory_space<hbm>>)
    } else {
    }
    %gt3A_2207 = arith.constant 2 : i32
    %gt3A_2208 = arith.cmpi sgt, %shift_right_logical3A_2015, %gt3A_2207 : i32
    %convert_element_type3A_2209 = arith.extui %gt3A_2208 : i1 to i32
    %cond3A_2210 = arith.constant 0 : i32
    %cond3A_2211 = arith.cmpi ne, %convert_element_type3A_2209, %cond3A_2210 : i32
    scf.if %cond3A_2211 {
      %dma_wait3A_2342 = arith.constant 2 : i32
      %dma_wait3A_2343 = arith.constant 0 : i32
      %dma_wait3A_2344 = tpu.memref_slice %arg10[%dma_wait3A_2342, %dma_wait3A_2343] : memref<16x32xi32, #tpu.memory_space<vmem>> -> memref<1x32xi32, #tpu.memory_space<vmem>>
      %dma_wait3A_2345 = tpu.memref_squeeze %dma_wait3A_2344 : memref<1x32xi32, #tpu.memory_space<vmem>> -> memref<32xi32, #tpu.memory_space<vmem>>
      %dma_wait3A_2346 = arith.constant 0 : i32
      %dma_wait3A_2347 = arith.constant 0 : i32
      %dma_wait3A_2348 = tpu.memref_slice %arg4[%dma_wait3A_2346, %dma_wait3A_2347] : memref<16384x768xf32, #tpu.memory_space<hbm>> -> memref<16384x768xf32, #tpu.memory_space<hbm>>
      tpu.wait_indirect_dma semaphore(%arg15 : memref<!tpu.dma_semaphore, #tpu.memory_space<semaphore_mem>>) src(%arg12 : memref<32x768xf32, #tpu.memory_space<vmem>>) dst(%dma_wait3A_2348 : memref<16384x768xf32, #tpu.memory_space<hbm>>)
    } else {
    }
    %gt3A_2212 = arith.constant 3 : i32
    %gt3A_2213 = arith.cmpi sgt, %shift_right_logical3A_2011, %gt3A_2212 : i32
    %convert_element_type3A_2214 = arith.extui %gt3A_2213 : i1 to i32
    %cond3A_2215 = arith.constant 0 : i32
    %cond3A_2216 = arith.cmpi ne, %convert_element_type3A_2214, %cond3A_2215 : i32
    scf.if %cond3A_2216 {
      %dma_wait3A_2342 = arith.constant 3 : i32
      %dma_wait3A_2343 = arith.constant 0 : i32
      %dma_wait3A_2344 = tpu.memref_slice %arg9[%dma_wait3A_2342, %dma_wait3A_2343] : memref<16x32xi32, #tpu.memory_space<vmem>> -> memref<1x32xi32, #tpu.memory_space<vmem>>
      %dma_wait3A_2345 = tpu.memref_squeeze %dma_wait3A_2344 : memref<1x32xi32, #tpu.memory_space<vmem>> -> memref<32xi32, #tpu.memory_space<vmem>>
      %dma_wait3A_2346 = arith.constant 0 : i32
      %dma_wait3A_2347 = arith.constant 0 : i32
      %dma_wait3A_2348 = tpu.memref_slice %arg4[%dma_wait3A_2346, %dma_wait3A_2347] : memref<16384x768xf32, #tpu.memory_space<hbm>> -> memref<16384x768xf32, #tpu.memory_space<hbm>>
      tpu.wait_indirect_dma semaphore(%arg14 : memref<!tpu.dma_semaphore, #tpu.memory_space<semaphore_mem>>) src(%arg11 : memref<32x768xf32, #tpu.memory_space<vmem>>) dst(%dma_wait3A_2348 : memref<16384x768xf32, #tpu.memory_space<hbm>>)
    } else {
    }
    %gt3A_2217 = arith.constant 3 : i32
    %gt3A_2218 = arith.cmpi sgt, %shift_right_logical3A_2015, %gt3A_2217 : i32
    %convert_element_type3A_2219 = arith.extui %gt3A_2218 : i1 to i32
    %cond3A_2220 = arith.constant 0 : i32
    %cond3A_2221 = arith.cmpi ne, %convert_element_type3A_2219, %cond3A_2220 : i32
    scf.if %cond3A_2221 {
      %dma_wait3A_2342 = arith.constant 3 : i32
      %dma_wait3A_2343 = arith.constant 0 : i32
      %dma_wait3A_2344 = tpu.memref_slice %arg10[%dma_wait3A_2342, %dma_wait3A_2343] : memref<16x32xi32, #tpu.memory_space<vmem>> -> memref<1x32xi32, #tpu.memory_space<vmem>>
      %dma_wait3A_2345 = tpu.memref_squeeze %dma_wait3A_2344 : memref<1x32xi32, #tpu.memory_space<vmem>> -> memref<32xi32, #tpu.memory_space<vmem>>
      %dma_wait3A_2346 = arith.constant 0 : i32
      %dma_wait3A_2347 = arith.constant 0 : i32
      %dma_wait3A_2348 = tpu.memref_slice %arg4[%dma_wait3A_2346, %dma_wait3A_2347] : memref<16384x768xf32, #tpu.memory_space<hbm>> -> memref<16384x768xf32, #tpu.memory_space<hbm>>
      tpu.wait_indirect_dma semaphore(%arg15 : memref<!tpu.dma_semaphore, #tpu.memory_space<semaphore_mem>>) src(%arg12 : memref<32x768xf32, #tpu.memory_space<vmem>>) dst(%dma_wait3A_2348 : memref<16384x768xf32, #tpu.memory_space<hbm>>)
    } else {
    }
    %gt3A_2222 = arith.constant 4 : i32
    %gt3A_2223 = arith.cmpi sgt, %shift_right_logical3A_2011, %gt3A_2222 : i32
    %convert_element_type3A_2224 = arith.extui %gt3A_2223 : i1 to i32
    %cond3A_2225 = arith.constant 0 : i32
    %cond3A_2226 = arith.cmpi ne, %convert_element_type3A_2224, %cond3A_2225 : i32
    scf.if %cond3A_2226 {
      %dma_wait3A_2342 = arith.constant 4 : i32
      %dma_wait3A_2343 = arith.constant 0 : i32
      %dma_wait3A_2344 = tpu.memref_slice %arg9[%dma_wait3A_2342, %dma_wait3A_2343] : memref<16x32xi32, #tpu.memory_space<vmem>> -> memref<1x32xi32, #tpu.memory_space<vmem>>
      %dma_wait3A_2345 = tpu.memref_squeeze %dma_wait3A_2344 : memref<1x32xi32, #tpu.memory_space<vmem>> -> memref<32xi32, #tpu.memory_space<vmem>>
      %dma_wait3A_2346 = arith.constant 0 : i32
      %dma_wait3A_2347 = arith.constant 0 : i32
      %dma_wait3A_2348 = tpu.memref_slice %arg4[%dma_wait3A_2346, %dma_wait3A_2347] : memref<16384x768xf32, #tpu.memory_space<hbm>> -> memref<16384x768xf32, #tpu.memory_space<hbm>>
      tpu.wait_indirect_dma semaphore(%arg14 : memref<!tpu.dma_semaphore, #tpu.memory_space<semaphore_mem>>) src(%arg11 : memref<32x768xf32, #tpu.memory_space<vmem>>) dst(%dma_wait3A_2348 : memref<16384x768xf32, #tpu.memory_space<hbm>>)
    } else {
    }
    %gt3A_2227 = arith.constant 4 : i32
    %gt3A_2228 = arith.cmpi sgt, %shift_right_logical3A_2015, %gt3A_2227 : i32
    %convert_element_type3A_2229 = arith.extui %gt3A_2228 : i1 to i32
    %cond3A_2230 = arith.constant 0 : i32
    %cond3A_2231 = arith.cmpi ne, %convert_element_type3A_2229, %cond3A_2230 : i32
    scf.if %cond3A_2231 {
      %dma_wait3A_2342 = arith.constant 4 : i32
      %dma_wait3A_2343 = arith.constant 0 : i32
      %dma_wait3A_2344 = tpu.memref_slice %arg10[%dma_wait3A_2342, %dma_wait3A_2343] : memref<16x32xi32, #tpu.memory_space<vmem>> -> memref<1x32xi32, #tpu.memory_space<vmem>>
      %dma_wait3A_2345 = tpu.memref_squeeze %dma_wait3A_2344 : memref<1x32xi32, #tpu.memory_space<vmem>> -> memref<32xi32, #tpu.memory_space<vmem>>
      %dma_wait3A_2346 = arith.constant 0 : i32
      %dma_wait3A_2347 = arith.constant 0 : i32
      %dma_wait3A_2348 = tpu.memref_slice %arg4[%dma_wait3A_2346, %dma_wait3A_2347] : memref<16384x768xf32, #tpu.memory_space<hbm>> -> memref<16384x768xf32, #tpu.memory_space<hbm>>
      tpu.wait_indirect_dma semaphore(%arg15 : memref<!tpu.dma_semaphore, #tpu.memory_space<semaphore_mem>>) src(%arg12 : memref<32x768xf32, #tpu.memory_space<vmem>>) dst(%dma_wait3A_2348 : memref<16384x768xf32, #tpu.memory_space<hbm>>)
    } else {
    }
    %gt3A_2232 = arith.constant 5 : i32
    %gt3A_2233 = arith.cmpi sgt, %shift_right_logical3A_2011, %gt3A_2232 : i32
    %convert_element_type3A_2234 = arith.extui %gt3A_2233 : i1 to i32
    %cond3A_2235 = arith.constant 0 : i32
    %cond3A_2236 = arith.cmpi ne, %convert_element_type3A_2234, %cond3A_2235 : i32
    scf.if %cond3A_2236 {
      %dma_wait3A_2342 = arith.constant 5 : i32
      %dma_wait3A_2343 = arith.constant 0 : i32
      %dma_wait3A_2344 = tpu.memref_slice %arg9[%dma_wait3A_2342, %dma_wait3A_2343] : memref<16x32xi32, #tpu.memory_space<vmem>> -> memref<1x32xi32, #tpu.memory_space<vmem>>
      %dma_wait3A_2345 = tpu.memref_squeeze %dma_wait3A_2344 : memref<1x32xi32, #tpu.memory_space<vmem>> -> memref<32xi32, #tpu.memory_space<vmem>>
      %dma_wait3A_2346 = arith.constant 0 : i32
      %dma_wait3A_2347 = arith.constant 0 : i32
      %dma_wait3A_2348 = tpu.memref_slice %arg4[%dma_wait3A_2346, %dma_wait3A_2347] : memref<16384x768xf32, #tpu.memory_space<hbm>> -> memref<16384x768xf32, #tpu.memory_space<hbm>>
      tpu.wait_indirect_dma semaphore(%arg14 : memref<!tpu.dma_semaphore, #tpu.memory_space<semaphore_mem>>) src(%arg11 : memref<32x768xf32, #tpu.memory_space<vmem>>) dst(%dma_wait3A_2348 : memref<16384x768xf32, #tpu.memory_space<hbm>>)
    } else {
    }
    %gt3A_2237 = arith.constant 5 : i32
    %gt3A_2238 = arith.cmpi sgt, %shift_right_logical3A_2015, %gt3A_2237 : i32
    %convert_element_type3A_2239 = arith.extui %gt3A_2238 : i1 to i32
    %cond3A_2240 = arith.constant 0 : i32
    %cond3A_2241 = arith.cmpi ne, %convert_element_type3A_2239, %cond3A_2240 : i32
    scf.if %cond3A_2241 {
      %dma_wait3A_2342 = arith.constant 5 : i32
      %dma_wait3A_2343 = arith.constant 0 : i32
      %dma_wait3A_2344 = tpu.memref_slice %arg10[%dma_wait3A_2342, %dma_wait3A_2343] : memref<16x32xi32, #tpu.memory_space<vmem>> -> memref<1x32xi32, #tpu.memory_space<vmem>>
      %dma_wait3A_2345 = tpu.memref_squeeze %dma_wait3A_2344 : memref<1x32xi32, #tpu.memory_space<vmem>> -> memref<32xi32, #tpu.memory_space<vmem>>
      %dma_wait3A_2346 = arith.constant 0 : i32
      %dma_wait3A_2347 = arith.constant 0 : i32
      %dma_wait3A_2348 = tpu.memref_slice %arg4[%dma_wait3A_2346, %dma_wait3A_2347] : memref<16384x768xf32, #tpu.memory_space<hbm>> -> memref<16384x768xf32, #tpu.memory_space<hbm>>
      tpu.wait_indirect_dma semaphore(%arg15 : memref<!tpu.dma_semaphore, #tpu.memory_space<semaphore_mem>>) src(%arg12 : memref<32x768xf32, #tpu.memory_space<vmem>>) dst(%dma_wait3A_2348 : memref<16384x768xf32, #tpu.memory_space<hbm>>)
    } else {
    }
    %gt3A_2242 = arith.constant 6 : i32
    %gt3A_2243 = arith.cmpi sgt, %shift_right_logical3A_2011, %gt3A_2242 : i32
    %convert_element_type3A_2244 = arith.extui %gt3A_2243 : i1 to i32
    %cond3A_2245 = arith.constant 0 : i32
    %cond3A_2246 = arith.cmpi ne, %convert_element_type3A_2244, %cond3A_2245 : i32
    scf.if %cond3A_2246 {
      %dma_wait3A_2342 = arith.constant 6 : i32
      %dma_wait3A_2343 = arith.constant 0 : i32
      %dma_wait3A_2344 = tpu.memref_slice %arg9[%dma_wait3A_2342, %dma_wait3A_2343] : memref<16x32xi32, #tpu.memory_space<vmem>> -> memref<1x32xi32, #tpu.memory_space<vmem>>
      %dma_wait3A_2345 = tpu.memref_squeeze %dma_wait3A_2344 : memref<1x32xi32, #tpu.memory_space<vmem>> -> memref<32xi32, #tpu.memory_space<vmem>>
      %dma_wait3A_2346 = arith.constant 0 : i32
      %dma_wait3A_2347 = arith.constant 0 : i32
      %dma_wait3A_2348 = tpu.memref_slice %arg4[%dma_wait3A_2346, %dma_wait3A_2347] : memref<16384x768xf32, #tpu.memory_space<hbm>> -> memref<16384x768xf32, #tpu.memory_space<hbm>>
      tpu.wait_indirect_dma semaphore(%arg14 : memref<!tpu.dma_semaphore, #tpu.memory_space<semaphore_mem>>) src(%arg11 : memref<32x768xf32, #tpu.memory_space<vmem>>) dst(%dma_wait3A_2348 : memref<16384x768xf32, #tpu.memory_space<hbm>>)
    } else {
    }
    %gt3A_2247 = arith.constant 6 : i32
    %gt3A_2248 = arith.cmpi sgt, %shift_right_logical3A_2015, %gt3A_2247 : i32
    %convert_element_type3A_2249 = arith.extui %gt3A_2248 : i1 to i32
    %cond3A_2250 = arith.constant 0 : i32
    %cond3A_2251 = arith.cmpi ne, %convert_element_type3A_2249, %cond3A_2250 : i32
    scf.if %cond3A_2251 {
      %dma_wait3A_2342 = arith.constant 6 : i32
      %dma_wait3A_2343 = arith.constant 0 : i32
      %dma_wait3A_2344 = tpu.memref_slice %arg10[%dma_wait3A_2342, %dma_wait3A_2343] : memref<16x32xi32, #tpu.memory_space<vmem>> -> memref<1x32xi32, #tpu.memory_space<vmem>>
      %dma_wait3A_2345 = tpu.memref_squeeze %dma_wait3A_2344 : memref<1x32xi32, #tpu.memory_space<vmem>> -> memref<32xi32, #tpu.memory_space<vmem>>
      %dma_wait3A_2346 = arith.constant 0 : i32
      %dma_wait3A_2347 = arith.constant 0 : i32
      %dma_wait3A_2348 = tpu.memref_slice %arg4[%dma_wait3A_2346, %dma_wait3A_2347] : memref<16384x768xf32, #tpu.memory_space<hbm>> -> memref<16384x768xf32, #tpu.memory_space<hbm>>
      tpu.wait_indirect_dma semaphore(%arg15 : memref<!tpu.dma_semaphore, #tpu.memory_space<semaphore_mem>>) src(%arg12 : memref<32x768xf32, #tpu.memory_space<vmem>>) dst(%dma_wait3A_2348 : memref<16384x768xf32, #tpu.memory_space<hbm>>)
    } else {
    }
    %gt3A_2252 = arith.constant 7 : i32
    %gt3A_2253 = arith.cmpi sgt, %shift_right_logical3A_2011, %gt3A_2252 : i32
    %convert_element_type3A_2254 = arith.extui %gt3A_2253 : i1 to i32
    %cond3A_2255 = arith.constant 0 : i32
    %cond3A_2256 = arith.cmpi ne, %convert_element_type3A_2254, %cond3A_2255 : i32
    scf.if %cond3A_2256 {
      %dma_wait3A_2342 = arith.constant 7 : i32
      %dma_wait3A_2343 = arith.constant 0 : i32
      %dma_wait3A_2344 = tpu.memref_slice %arg9[%dma_wait3A_2342, %dma_wait3A_2343] : memref<16x32xi32, #tpu.memory_space<vmem>> -> memref<1x32xi32, #tpu.memory_space<vmem>>
      %dma_wait3A_2345 = tpu.memref_squeeze %dma_wait3A_2344 : memref<1x32xi32, #tpu.memory_space<vmem>> -> memref<32xi32, #tpu.memory_space<vmem>>
      %dma_wait3A_2346 = arith.constant 0 : i32
      %dma_wait3A_2347 = arith.constant 0 : i32
      %dma_wait3A_2348 = tpu.memref_slice %arg4[%dma_wait3A_2346, %dma_wait3A_2347] : memref<16384x768xf32, #tpu.memory_space<hbm>> -> memref<16384x768xf32, #tpu.memory_space<hbm>>
      tpu.wait_indirect_dma semaphore(%arg14 : memref<!tpu.dma_semaphore, #tpu.memory_space<semaphore_mem>>) src(%arg11 : memref<32x768xf32, #tpu.memory_space<vmem>>) dst(%dma_wait3A_2348 : memref<16384x768xf32, #tpu.memory_space<hbm>>)
    } else {
    }
    %gt3A_2257 = arith.constant 7 : i32
    %gt3A_2258 = arith.cmpi sgt, %shift_right_logical3A_2015, %gt3A_2257 : i32
    %convert_element_type3A_2259 = arith.extui %gt3A_2258 : i1 to i32
    %cond3A_2260 = arith.constant 0 : i32
    %cond3A_2261 = arith.cmpi ne, %convert_element_type3A_2259, %cond3A_2260 : i32
    scf.if %cond3A_2261 {
      %dma_wait3A_2342 = arith.constant 7 : i32
      %dma_wait3A_2343 = arith.constant 0 : i32
      %dma_wait3A_2344 = tpu.memref_slice %arg10[%dma_wait3A_2342, %dma_wait3A_2343] : memref<16x32xi32, #tpu.memory_space<vmem>> -> memref<1x32xi32, #tpu.memory_space<vmem>>
      %dma_wait3A_2345 = tpu.memref_squeeze %dma_wait3A_2344 : memref<1x32xi32, #tpu.memory_space<vmem>> -> memref<32xi32, #tpu.memory_space<vmem>>
      %dma_wait3A_2346 = arith.constant 0 : i32
      %dma_wait3A_2347 = arith.constant 0 : i32
      %dma_wait3A_2348 = tpu.memref_slice %arg4[%dma_wait3A_2346, %dma_wait3A_2347] : memref<16384x768xf32, #tpu.memory_space<hbm>> -> memref<16384x768xf32, #tpu.memory_space<hbm>>
      tpu.wait_indirect_dma semaphore(%arg15 : memref<!tpu.dma_semaphore, #tpu.memory_space<semaphore_mem>>) src(%arg12 : memref<32x768xf32, #tpu.memory_space<vmem>>) dst(%dma_wait3A_2348 : memref<16384x768xf32, #tpu.memory_space<hbm>>)
    } else {
    }
    %gt3A_2262 = arith.constant 8 : i32
    %gt3A_2263 = arith.cmpi sgt, %shift_right_logical3A_2011, %gt3A_2262 : i32
    %convert_element_type3A_2264 = arith.extui %gt3A_2263 : i1 to i32
    %cond3A_2265 = arith.constant 0 : i32
    %cond3A_2266 = arith.cmpi ne, %convert_element_type3A_2264, %cond3A_2265 : i32
    scf.if %cond3A_2266 {
      %dma_wait3A_2342 = arith.constant 8 : i32
      %dma_wait3A_2343 = arith.constant 0 : i32
      %dma_wait3A_2344 = tpu.memref_slice %arg9[%dma_wait3A_2342, %dma_wait3A_2343] : memref<16x32xi32, #tpu.memory_space<vmem>> -> memref<1x32xi32, #tpu.memory_space<vmem>>
      %dma_wait3A_2345 = tpu.memref_squeeze %dma_wait3A_2344 : memref<1x32xi32, #tpu.memory_space<vmem>> -> memref<32xi32, #tpu.memory_space<vmem>>
      %dma_wait3A_2346 = arith.constant 0 : i32
      %dma_wait3A_2347 = arith.constant 0 : i32
      %dma_wait3A_2348 = tpu.memref_slice %arg4[%dma_wait3A_2346, %dma_wait3A_2347] : memref<16384x768xf32, #tpu.memory_space<hbm>> -> memref<16384x768xf32, #tpu.memory_space<hbm>>
      tpu.wait_indirect_dma semaphore(%arg14 : memref<!tpu.dma_semaphore, #tpu.memory_space<semaphore_mem>>) src(%arg11 : memref<32x768xf32, #tpu.memory_space<vmem>>) dst(%dma_wait3A_2348 : memref<16384x768xf32, #tpu.memory_space<hbm>>)
    } else {
    }
    %gt3A_2267 = arith.constant 8 : i32
    %gt3A_2268 = arith.cmpi sgt, %shift_right_logical3A_2015, %gt3A_2267 : i32
    %convert_element_type3A_2269 = arith.extui %gt3A_2268 : i1 to i32
    %cond3A_2270 = arith.constant 0 : i32
    %cond3A_2271 = arith.cmpi ne, %convert_element_type3A_2269, %cond3A_2270 : i32
    scf.if %cond3A_2271 {
      %dma_wait3A_2342 = arith.constant 8 : i32
      %dma_wait3A_2343 = arith.constant 0 : i32
      %dma_wait3A_2344 = tpu.memref_slice %arg10[%dma_wait3A_2342, %dma_wait3A_2343] : memref<16x32xi32, #tpu.memory_space<vmem>> -> memref<1x32xi32, #tpu.memory_space<vmem>>
      %dma_wait3A_2345 = tpu.memref_squeeze %dma_wait3A_2344 : memref<1x32xi32, #tpu.memory_space<vmem>> -> memref<32xi32, #tpu.memory_space<vmem>>
      %dma_wait3A_2346 = arith.constant 0 : i32
      %dma_wait3A_2347 = arith.constant 0 : i32
      %dma_wait3A_2348 = tpu.memref_slice %arg4[%dma_wait3A_2346, %dma_wait3A_2347] : memref<16384x768xf32, #tpu.memory_space<hbm>> -> memref<16384x768xf32, #tpu.memory_space<hbm>>
      tpu.wait_indirect_dma semaphore(%arg15 : memref<!tpu.dma_semaphore, #tpu.memory_space<semaphore_mem>>) src(%arg12 : memref<32x768xf32, #tpu.memory_space<vmem>>) dst(%dma_wait3A_2348 : memref<16384x768xf32, #tpu.memory_space<hbm>>)
    } else {
    }
    %gt3A_2272 = arith.constant 9 : i32
    %gt3A_2273 = arith.cmpi sgt, %shift_right_logical3A_2011, %gt3A_2272 : i32
    %convert_element_type3A_2274 = arith.extui %gt3A_2273 : i1 to i32
    %cond3A_2275 = arith.constant 0 : i32
    %cond3A_2276 = arith.cmpi ne, %convert_element_type3A_2274, %cond3A_2275 : i32
    scf.if %cond3A_2276 {
      %dma_wait3A_2342 = arith.constant 9 : i32
      %dma_wait3A_2343 = arith.constant 0 : i32
      %dma_wait3A_2344 = tpu.memref_slice %arg9[%dma_wait3A_2342, %dma_wait3A_2343] : memref<16x32xi32, #tpu.memory_space<vmem>> -> memref<1x32xi32, #tpu.memory_space<vmem>>
      %dma_wait3A_2345 = tpu.memref_squeeze %dma_wait3A_2344 : memref<1x32xi32, #tpu.memory_space<vmem>> -> memref<32xi32, #tpu.memory_space<vmem>>
      %dma_wait3A_2346 = arith.constant 0 : i32
      %dma_wait3A_2347 = arith.constant 0 : i32
      %dma_wait3A_2348 = tpu.memref_slice %arg4[%dma_wait3A_2346, %dma_wait3A_2347] : memref<16384x768xf32, #tpu.memory_space<hbm>> -> memref<16384x768xf32, #tpu.memory_space<hbm>>
      tpu.wait_indirect_dma semaphore(%arg14 : memref<!tpu.dma_semaphore, #tpu.memory_space<semaphore_mem>>) src(%arg11 : memref<32x768xf32, #tpu.memory_space<vmem>>) dst(%dma_wait3A_2348 : memref<16384x768xf32, #tpu.memory_space<hbm>>)
    } else {
    }
    %gt3A_2277 = arith.constant 9 : i32
    %gt3A_2278 = arith.cmpi sgt, %shift_right_logical3A_2015, %gt3A_2277 : i32
    %convert_element_type3A_2279 = arith.extui %gt3A_2278 : i1 to i32
    %cond3A_2280 = arith.constant 0 : i32
    %cond3A_2281 = arith.cmpi ne, %convert_element_type3A_2279, %cond3A_2280 : i32
    scf.if %cond3A_2281 {
      %dma_wait3A_2342 = arith.constant 9 : i32
      %dma_wait3A_2343 = arith.constant 0 : i32
      %dma_wait3A_2344 = tpu.memref_slice %arg10[%dma_wait3A_2342, %dma_wait3A_2343] : memref<16x32xi32, #tpu.memory_space<vmem>> -> memref<1x32xi32, #tpu.memory_space<vmem>>
      %dma_wait3A_2345 = tpu.memref_squeeze %dma_wait3A_2344 : memref<1x32xi32, #tpu.memory_space<vmem>> -> memref<32xi32, #tpu.memory_space<vmem>>
      %dma_wait3A_2346 = arith.constant 0 : i32
      %dma_wait3A_2347 = arith.constant 0 : i32
      %dma_wait3A_2348 = tpu.memref_slice %arg4[%dma_wait3A_2346, %dma_wait3A_2347] : memref<16384x768xf32, #tpu.memory_space<hbm>> -> memref<16384x768xf32, #tpu.memory_space<hbm>>
      tpu.wait_indirect_dma semaphore(%arg15 : memref<!tpu.dma_semaphore, #tpu.memory_space<semaphore_mem>>) src(%arg12 : memref<32x768xf32, #tpu.memory_space<vmem>>) dst(%dma_wait3A_2348 : memref<16384x768xf32, #tpu.memory_space<hbm>>)
    } else {
    }
    %gt3A_2282 = arith.constant 10 : i32
    %gt3A_2283 = arith.cmpi sgt, %shift_right_logical3A_2011, %gt3A_2282 : i32
    %convert_element_type3A_2284 = arith.extui %gt3A_2283 : i1 to i32
    %cond3A_2285 = arith.constant 0 : i32
    %cond3A_2286 = arith.cmpi ne, %convert_element_type3A_2284, %cond3A_2285 : i32
    scf.if %cond3A_2286 {
      %dma_wait3A_2342 = arith.constant 10 : i32
      %dma_wait3A_2343 = arith.constant 0 : i32
      %dma_wait3A_2344 = tpu.memref_slice %arg9[%dma_wait3A_2342, %dma_wait3A_2343] : memref<16x32xi32, #tpu.memory_space<vmem>> -> memref<1x32xi32, #tpu.memory_space<vmem>>
      %dma_wait3A_2345 = tpu.memref_squeeze %dma_wait3A_2344 : memref<1x32xi32, #tpu.memory_space<vmem>> -> memref<32xi32, #tpu.memory_space<vmem>>
      %dma_wait3A_2346 = arith.constant 0 : i32
      %dma_wait3A_2347 = arith.constant 0 : i32
      %dma_wait3A_2348 = tpu.memref_slice %arg4[%dma_wait3A_2346, %dma_wait3A_2347] : memref<16384x768xf32, #tpu.memory_space<hbm>> -> memref<16384x768xf32, #tpu.memory_space<hbm>>
      tpu.wait_indirect_dma semaphore(%arg14 : memref<!tpu.dma_semaphore, #tpu.memory_space<semaphore_mem>>) src(%arg11 : memref<32x768xf32, #tpu.memory_space<vmem>>) dst(%dma_wait3A_2348 : memref<16384x768xf32, #tpu.memory_space<hbm>>)
    } else {
    }
    %gt3A_2287 = arith.constant 10 : i32
    %gt3A_2288 = arith.cmpi sgt, %shift_right_logical3A_2015, %gt3A_2287 : i32
    %convert_element_type3A_2289 = arith.extui %gt3A_2288 : i1 to i32
    %cond3A_2290 = arith.constant 0 : i32
    %cond3A_2291 = arith.cmpi ne, %convert_element_type3A_2289, %cond3A_2290 : i32
    scf.if %cond3A_2291 {
      %dma_wait3A_2342 = arith.constant 10 : i32
      %dma_wait3A_2343 = arith.constant 0 : i32
      %dma_wait3A_2344 = tpu.memref_slice %arg10[%dma_wait3A_2342, %dma_wait3A_2343] : memref<16x32xi32, #tpu.memory_space<vmem>> -> memref<1x32xi32, #tpu.memory_space<vmem>>
      %dma_wait3A_2345 = tpu.memref_squeeze %dma_wait3A_2344 : memref<1x32xi32, #tpu.memory_space<vmem>> -> memref<32xi32, #tpu.memory_space<vmem>>
      %dma_wait3A_2346 = arith.constant 0 : i32
      %dma_wait3A_2347 = arith.constant 0 : i32
      %dma_wait3A_2348 = tpu.memref_slice %arg4[%dma_wait3A_2346, %dma_wait3A_2347] : memref<16384x768xf32, #tpu.memory_space<hbm>> -> memref<16384x768xf32, #tpu.memory_space<hbm>>
      tpu.wait_indirect_dma semaphore(%arg15 : memref<!tpu.dma_semaphore, #tpu.memory_space<semaphore_mem>>) src(%arg12 : memref<32x768xf32, #tpu.memory_space<vmem>>) dst(%dma_wait3A_2348 : memref<16384x768xf32, #tpu.memory_space<hbm>>)
    } else {
    }
    %gt3A_2292 = arith.constant 11 : i32
    %gt3A_2293 = arith.cmpi sgt, %shift_right_logical3A_2011, %gt3A_2292 : i32
    %convert_element_type3A_2294 = arith.extui %gt3A_2293 : i1 to i32
    %cond3A_2295 = arith.constant 0 : i32
    %cond3A_2296 = arith.cmpi ne, %convert_element_type3A_2294, %cond3A_2295 : i32
    scf.if %cond3A_2296 {
      %dma_wait3A_2342 = arith.constant 11 : i32
      %dma_wait3A_2343 = arith.constant 0 : i32
      %dma_wait3A_2344 = tpu.memref_slice %arg9[%dma_wait3A_2342, %dma_wait3A_2343] : memref<16x32xi32, #tpu.memory_space<vmem>> -> memref<1x32xi32, #tpu.memory_space<vmem>>
      %dma_wait3A_2345 = tpu.memref_squeeze %dma_wait3A_2344 : memref<1x32xi32, #tpu.memory_space<vmem>> -> memref<32xi32, #tpu.memory_space<vmem>>
      %dma_wait3A_2346 = arith.constant 0 : i32
      %dma_wait3A_2347 = arith.constant 0 : i32
      %dma_wait3A_2348 = tpu.memref_slice %arg4[%dma_wait3A_2346, %dma_wait3A_2347] : memref<16384x768xf32, #tpu.memory_space<hbm>> -> memref<16384x768xf32, #tpu.memory_space<hbm>>
      tpu.wait_indirect_dma semaphore(%arg14 : memref<!tpu.dma_semaphore, #tpu.memory_space<semaphore_mem>>) src(%arg11 : memref<32x768xf32, #tpu.memory_space<vmem>>) dst(%dma_wait3A_2348 : memref<16384x768xf32, #tpu.memory_space<hbm>>)
    } else {
    }
    %gt3A_2297 = arith.constant 11 : i32
    %gt3A_2298 = arith.cmpi sgt, %shift_right_logical3A_2015, %gt3A_2297 : i32
    %convert_element_type3A_2299 = arith.extui %gt3A_2298 : i1 to i32
    %cond3A_2300 = arith.constant 0 : i32
    %cond3A_2301 = arith.cmpi ne, %convert_element_type3A_2299, %cond3A_2300 : i32
    scf.if %cond3A_2301 {
      %dma_wait3A_2342 = arith.constant 11 : i32
      %dma_wait3A_2343 = arith.constant 0 : i32
      %dma_wait3A_2344 = tpu.memref_slice %arg10[%dma_wait3A_2342, %dma_wait3A_2343] : memref<16x32xi32, #tpu.memory_space<vmem>> -> memref<1x32xi32, #tpu.memory_space<vmem>>
      %dma_wait3A_2345 = tpu.memref_squeeze %dma_wait3A_2344 : memref<1x32xi32, #tpu.memory_space<vmem>> -> memref<32xi32, #tpu.memory_space<vmem>>
      %dma_wait3A_2346 = arith.constant 0 : i32
      %dma_wait3A_2347 = arith.constant 0 : i32
      %dma_wait3A_2348 = tpu.memref_slice %arg4[%dma_wait3A_2346, %dma_wait3A_2347] : memref<16384x768xf32, #tpu.memory_space<hbm>> -> memref<16384x768xf32, #tpu.memory_space<hbm>>
      tpu.wait_indirect_dma semaphore(%arg15 : memref<!tpu.dma_semaphore, #tpu.memory_space<semaphore_mem>>) src(%arg12 : memref<32x768xf32, #tpu.memory_space<vmem>>) dst(%dma_wait3A_2348 : memref<16384x768xf32, #tpu.memory_space<hbm>>)
    } else {
    }
    %gt3A_2302 = arith.constant 12 : i32
    %gt3A_2303 = arith.cmpi sgt, %shift_right_logical3A_2011, %gt3A_2302 : i32
    %convert_element_type3A_2304 = arith.extui %gt3A_2303 : i1 to i32
    %cond3A_2305 = arith.constant 0 : i32
    %cond3A_2306 = arith.cmpi ne, %convert_element_type3A_2304, %cond3A_2305 : i32
    scf.if %cond3A_2306 {
      %dma_wait3A_2342 = arith.constant 12 : i32
      %dma_wait3A_2343 = arith.constant 0 : i32
      %dma_wait3A_2344 = tpu.memref_slice %arg9[%dma_wait3A_2342, %dma_wait3A_2343] : memref<16x32xi32, #tpu.memory_space<vmem>> -> memref<1x32xi32, #tpu.memory_space<vmem>>
      %dma_wait3A_2345 = tpu.memref_squeeze %dma_wait3A_2344 : memref<1x32xi32, #tpu.memory_space<vmem>> -> memref<32xi32, #tpu.memory_space<vmem>>
      %dma_wait3A_2346 = arith.constant 0 : i32
      %dma_wait3A_2347 = arith.constant 0 : i32
      %dma_wait3A_2348 = tpu.memref_slice %arg4[%dma_wait3A_2346, %dma_wait3A_2347] : memref<16384x768xf32, #tpu.memory_space<hbm>> -> memref<16384x768xf32, #tpu.memory_space<hbm>>
      tpu.wait_indirect_dma semaphore(%arg14 : memref<!tpu.dma_semaphore, #tpu.memory_space<semaphore_mem>>) src(%arg11 : memref<32x768xf32, #tpu.memory_space<vmem>>) dst(%dma_wait3A_2348 : memref<16384x768xf32, #tpu.memory_space<hbm>>)
    } else {
    }
    %gt3A_2307 = arith.constant 12 : i32
    %gt3A_2308 = arith.cmpi sgt, %shift_right_logical3A_2015, %gt3A_2307 : i32
    %convert_element_type3A_2309 = arith.extui %gt3A_2308 : i1 to i32
    %cond3A_2310 = arith.constant 0 : i32
    %cond3A_2311 = arith.cmpi ne, %convert_element_type3A_2309, %cond3A_2310 : i32
    scf.if %cond3A_2311 {
      %dma_wait3A_2342 = arith.constant 12 : i32
      %dma_wait3A_2343 = arith.constant 0 : i32
      %dma_wait3A_2344 = tpu.memref_slice %arg10[%dma_wait3A_2342, %dma_wait3A_2343] : memref<16x32xi32, #tpu.memory_space<vmem>> -> memref<1x32xi32, #tpu.memory_space<vmem>>
      %dma_wait3A_2345 = tpu.memref_squeeze %dma_wait3A_2344 : memref<1x32xi32, #tpu.memory_space<vmem>> -> memref<32xi32, #tpu.memory_space<vmem>>
      %dma_wait3A_2346 = arith.constant 0 : i32
      %dma_wait3A_2347 = arith.constant 0 : i32
      %dma_wait3A_2348 = tpu.memref_slice %arg4[%dma_wait3A_2346, %dma_wait3A_2347] : memref<16384x768xf32, #tpu.memory_space<hbm>> -> memref<16384x768xf32, #tpu.memory_space<hbm>>
      tpu.wait_indirect_dma semaphore(%arg15 : memref<!tpu.dma_semaphore, #tpu.memory_space<semaphore_mem>>) src(%arg12 : memref<32x768xf32, #tpu.memory_space<vmem>>) dst(%dma_wait3A_2348 : memref<16384x768xf32, #tpu.memory_space<hbm>>)
    } else {
    }
    %gt3A_2312 = arith.constant 13 : i32
    %gt3A_2313 = arith.cmpi sgt, %shift_right_logical3A_2011, %gt3A_2312 : i32
    %convert_element_type3A_2314 = arith.extui %gt3A_2313 : i1 to i32
    %cond3A_2315 = arith.constant 0 : i32
    %cond3A_2316 = arith.cmpi ne, %convert_element_type3A_2314, %cond3A_2315 : i32
    scf.if %cond3A_2316 {
      %dma_wait3A_2342 = arith.constant 13 : i32
      %dma_wait3A_2343 = arith.constant 0 : i32
      %dma_wait3A_2344 = tpu.memref_slice %arg9[%dma_wait3A_2342, %dma_wait3A_2343] : memref<16x32xi32, #tpu.memory_space<vmem>> -> memref<1x32xi32, #tpu.memory_space<vmem>>
      %dma_wait3A_2345 = tpu.memref_squeeze %dma_wait3A_2344 : memref<1x32xi32, #tpu.memory_space<vmem>> -> memref<32xi32, #tpu.memory_space<vmem>>
      %dma_wait3A_2346 = arith.constant 0 : i32
      %dma_wait3A_2347 = arith.constant 0 : i32
      %dma_wait3A_2348 = tpu.memref_slice %arg4[%dma_wait3A_2346, %dma_wait3A_2347] : memref<16384x768xf32, #tpu.memory_space<hbm>> -> memref<16384x768xf32, #tpu.memory_space<hbm>>
      tpu.wait_indirect_dma semaphore(%arg14 : memref<!tpu.dma_semaphore, #tpu.memory_space<semaphore_mem>>) src(%arg11 : memref<32x768xf32, #tpu.memory_space<vmem>>) dst(%dma_wait3A_2348 : memref<16384x768xf32, #tpu.memory_space<hbm>>)
    } else {
    }
    %gt3A_2317 = arith.constant 13 : i32
    %gt3A_2318 = arith.cmpi sgt, %shift_right_logical3A_2015, %gt3A_2317 : i32
    %convert_element_type3A_2319 = arith.extui %gt3A_2318 : i1 to i32
    %cond3A_2320 = arith.constant 0 : i32
    %cond3A_2321 = arith.cmpi ne, %convert_element_type3A_2319, %cond3A_2320 : i32
    scf.if %cond3A_2321 {
      %dma_wait3A_2342 = arith.constant 13 : i32
      %dma_wait3A_2343 = arith.constant 0 : i32
      %dma_wait3A_2344 = tpu.memref_slice %arg10[%dma_wait3A_2342, %dma_wait3A_2343] : memref<16x32xi32, #tpu.memory_space<vmem>> -> memref<1x32xi32, #tpu.memory_space<vmem>>
      %dma_wait3A_2345 = tpu.memref_squeeze %dma_wait3A_2344 : memref<1x32xi32, #tpu.memory_space<vmem>> -> memref<32xi32, #tpu.memory_space<vmem>>
      %dma_wait3A_2346 = arith.constant 0 : i32
      %dma_wait3A_2347 = arith.constant 0 : i32
      %dma_wait3A_2348 = tpu.memref_slice %arg4[%dma_wait3A_2346, %dma_wait3A_2347] : memref<16384x768xf32, #tpu.memory_space<hbm>> -> memref<16384x768xf32, #tpu.memory_space<hbm>>
      tpu.wait_indirect_dma semaphore(%arg15 : memref<!tpu.dma_semaphore, #tpu.memory_space<semaphore_mem>>) src(%arg12 : memref<32x768xf32, #tpu.memory_space<vmem>>) dst(%dma_wait3A_2348 : memref<16384x768xf32, #tpu.memory_space<hbm>>)
    } else {
    }
    %gt3A_2322 = arith.constant 14 : i32
    %gt3A_2323 = arith.cmpi sgt, %shift_right_logical3A_2011, %gt3A_2322 : i32
    %convert_element_type3A_2324 = arith.extui %gt3A_2323 : i1 to i32
    %cond3A_2325 = arith.constant 0 : i32
    %cond3A_2326 = arith.cmpi ne, %convert_element_type3A_2324, %cond3A_2325 : i32
    scf.if %cond3A_2326 {
      %dma_wait3A_2342 = arith.constant 14 : i32
      %dma_wait3A_2343 = arith.constant 0 : i32
      %dma_wait3A_2344 = tpu.memref_slice %arg9[%dma_wait3A_2342, %dma_wait3A_2343] : memref<16x32xi32, #tpu.memory_space<vmem>> -> memref<1x32xi32, #tpu.memory_space<vmem>>
      %dma_wait3A_2345 = tpu.memref_squeeze %dma_wait3A_2344 : memref<1x32xi32, #tpu.memory_space<vmem>> -> memref<32xi32, #tpu.memory_space<vmem>>
      %dma_wait3A_2346 = arith.constant 0 : i32
      %dma_wait3A_2347 = arith.constant 0 : i32
      %dma_wait3A_2348 = tpu.memref_slice %arg4[%dma_wait3A_2346, %dma_wait3A_2347] : memref<16384x768xf32, #tpu.memory_space<hbm>> -> memref<16384x768xf32, #tpu.memory_space<hbm>>
      tpu.wait_indirect_dma semaphore(%arg14 : memref<!tpu.dma_semaphore, #tpu.memory_space<semaphore_mem>>) src(%arg11 : memref<32x768xf32, #tpu.memory_space<vmem>>) dst(%dma_wait3A_2348 : memref<16384x768xf32, #tpu.memory_space<hbm>>)
    } else {
    }
    %gt3A_2327 = arith.constant 14 : i32
    %gt3A_2328 = arith.cmpi sgt, %shift_right_logical3A_2015, %gt3A_2327 : i32
    %convert_element_type3A_2329 = arith.extui %gt3A_2328 : i1 to i32
    %cond3A_2330 = arith.constant 0 : i32
    %cond3A_2331 = arith.cmpi ne, %convert_element_type3A_2329, %cond3A_2330 : i32
    scf.if %cond3A_2331 {
      %dma_wait3A_2342 = arith.constant 14 : i32
      %dma_wait3A_2343 = arith.constant 0 : i32
      %dma_wait3A_2344 = tpu.memref_slice %arg10[%dma_wait3A_2342, %dma_wait3A_2343] : memref<16x32xi32, #tpu.memory_space<vmem>> -> memref<1x32xi32, #tpu.memory_space<vmem>>
      %dma_wait3A_2345 = tpu.memref_squeeze %dma_wait3A_2344 : memref<1x32xi32, #tpu.memory_space<vmem>> -> memref<32xi32, #tpu.memory_space<vmem>>
      %dma_wait3A_2346 = arith.constant 0 : i32
      %dma_wait3A_2347 = arith.constant 0 : i32
      %dma_wait3A_2348 = tpu.memref_slice %arg4[%dma_wait3A_2346, %dma_wait3A_2347] : memref<16384x768xf32, #tpu.memory_space<hbm>> -> memref<16384x768xf32, #tpu.memory_space<hbm>>
      tpu.wait_indirect_dma semaphore(%arg15 : memref<!tpu.dma_semaphore, #tpu.memory_space<semaphore_mem>>) src(%arg12 : memref<32x768xf32, #tpu.memory_space<vmem>>) dst(%dma_wait3A_2348 : memref<16384x768xf32, #tpu.memory_space<hbm>>)
    } else {
    }
    %gt3A_2332 = arith.constant 15 : i32
    %gt3A_2333 = arith.cmpi sgt, %shift_right_logical3A_2011, %gt3A_2332 : i32
    %convert_element_type3A_2334 = arith.extui %gt3A_2333 : i1 to i32
    %cond3A_2335 = arith.constant 0 : i32
    %cond3A_2336 = arith.cmpi ne, %convert_element_type3A_2334, %cond3A_2335 : i32
    scf.if %cond3A_2336 {
      %dma_wait3A_2342 = arith.constant 15 : i32
      %dma_wait3A_2343 = arith.constant 0 : i32
      %dma_wait3A_2344 = tpu.memref_slice %arg9[%dma_wait3A_2342, %dma_wait3A_2343] : memref<16x32xi32, #tpu.memory_space<vmem>> -> memref<1x32xi32, #tpu.memory_space<vmem>>
      %dma_wait3A_2345 = tpu.memref_squeeze %dma_wait3A_2344 : memref<1x32xi32, #tpu.memory_space<vmem>> -> memref<32xi32, #tpu.memory_space<vmem>>
      %dma_wait3A_2346 = arith.constant 0 : i32
      %dma_wait3A_2347 = arith.constant 0 : i32
      %dma_wait3A_2348 = tpu.memref_slice %arg4[%dma_wait3A_2346, %dma_wait3A_2347] : memref<16384x768xf32, #tpu.memory_space<hbm>> -> memref<16384x768xf32, #tpu.memory_space<hbm>>
      tpu.wait_indirect_dma semaphore(%arg14 : memref<!tpu.dma_semaphore, #tpu.memory_space<semaphore_mem>>) src(%arg11 : memref<32x768xf32, #tpu.memory_space<vmem>>) dst(%dma_wait3A_2348 : memref<16384x768xf32, #tpu.memory_space<hbm>>)
    } else {
    }
    %gt3A_2337 = arith.constant 15 : i32
    %gt3A_2338 = arith.cmpi sgt, %shift_right_logical3A_2015, %gt3A_2337 : i32
    %convert_element_type3A_2339 = arith.extui %gt3A_2338 : i1 to i32
    %cond3A_2340 = arith.constant 0 : i32
    %cond3A_2341 = arith.cmpi ne, %convert_element_type3A_2339, %cond3A_2340 : i32
    scf.if %cond3A_2341 {
      %dma_wait3A_2342 = arith.constant 15 : i32
      %dma_wait3A_2343 = arith.constant 0 : i32
      %dma_wait3A_2344 = tpu.memref_slice %arg10[%dma_wait3A_2342, %dma_wait3A_2343] : memref<16x32xi32, #tpu.memory_space<vmem>> -> memref<1x32xi32, #tpu.memory_space<vmem>>
      %dma_wait3A_2345 = tpu.memref_squeeze %dma_wait3A_2344 : memref<1x32xi32, #tpu.memory_space<vmem>> -> memref<32xi32, #tpu.memory_space<vmem>>
      %dma_wait3A_2346 = arith.constant 0 : i32
      %dma_wait3A_2347 = arith.constant 0 : i32
      %dma_wait3A_2348 = tpu.memref_slice %arg4[%dma_wait3A_2346, %dma_wait3A_2347] : memref<16384x768xf32, #tpu.memory_space<hbm>> -> memref<16384x768xf32, #tpu.memory_space<hbm>>
      tpu.wait_indirect_dma semaphore(%arg15 : memref<!tpu.dma_semaphore, #tpu.memory_space<semaphore_mem>>) src(%arg12 : memref<32x768xf32, #tpu.memory_space<vmem>>) dst(%dma_wait3A_2348 : memref<16384x768xf32, #tpu.memory_space<hbm>>)
    } else {
    }
    return
  }
}

</mosaic_0001>

<sc_bundles>
// kernel: kernel.3.cloned.1.call-start
scs
__scs_entry_jumppad:
0x0: {  	(pc) =	sbr.rel $0x88, $3  }
0x1: {  	(tag) =	ssettag $0x0;
	lr =	simm.s32 $0x1  }
0x2: {  	[smem:$0x3F9F] =	sst lr;
	_ =	strace $0xD0000000  }
0x3: {  	_ = 	snop  }
0x4: {  	_ = 	snop  }
0x5: {  	_ = 	snop  }
0x6: {  	_ = 	snop  }
0x7: {  	_ = 	snop  }
__scs_overlays_trampoline_lowered:
0x8: {  	[smem:$0x3FAE] =	sst s0  }
0x9: {  	[smem:$0x3FAF] =	sst s1  }
0xa: {  	[smem:$0x3FB0] =	sst s2  }
0xb: {  	[smem:$0x3FB1] =	sst s3  }
0xc: {  	[smem:$0x3FB2] =	sst s4  }
0xd: {  	[smem:$0x3FB3] =	sst s5  }
0xe: {  	[smem:$0x3FB4] =	sst s6  }
0xf: {  	[smem:$0x3FB5] =	sst s7  }
0x10: {  	[smem:$0x3FB6] =	sst s8  }
0x11: {  	[smem:$0x3FB7] =	sst s9;
	s0 =	simm.s32 @!p0 $0x0  }
0x12: {  	s1 =	sld [smem:$0x3F9D];
	s0 =	simm.s32 @p0 $0x1  }
0x13: {  	[smem:$0x3FB8] =	sst s0;
	s0 =	simm.s32 @!p1 $0x0  }
0x14: {  	s2 =	sld [smem:$0x3F9C];
	s0 =	simm.s32 @p1 $0x1  }
0x15: {  	[smem:$0x3FB9] =	sst s0;
	s0 =	simm.s32 @!p2 $0x0  }
0x16: {  	s3 =	sld [smem:$0x3FDB];
	s0 =	simm.s32 @p2 $0x1  }
0x17: {  	s4 =	simm.s32 $0x1BF5;
	[smem:$0x3FBB] =	sst s0  }
0x18: {  	s0 =	sld [smem:$0x3F9E];
	_ =	swait.ge [sflag:s4], $0x0  }
0x19: {  	s7 =	sld [smem:$0x3F9F]  }
0x1a: {  	s8 =	sadd.s32 $0xFFFFE003, lr  }
0x1b: {  	s9 =	sadd.s32 $0xFFFFFEF7, lr;
	s5 =	simm.s32 $0xFFFFFFFF;
	p2 =	slt.u32 s8, $0xFFFFF086  }
0x1c: {  	p1 =	slt.u32 s9, $0xF7A;
	s5 =	simm.s32 @!p2 $0x0  }
0x1d: {  	s5 =	simm.s32 @p1 $0x1;
	p0 =	seq.s32 s7, s2  }
0x1e: {  	s7 =	smul.u32 @!p0 $0xF7A, s2;
	p2 =	seq.s32 @!p0 s5, $0x0  }
0x1f: {  	s9 =	smul.u32 $0xF7A, s1;
	s8 =	simm.s32 @!p0 $0x1BF5;
	p2 =	por !p2, p0  }
0x20: {  	[sflag:s8] =	ssyncset.s32 @!p0 $0xFFFFF086;
	s6 =	sadd.s32 @!p0 s3, s7;
	s7 =	simm.s32 @!p0 $0x108  }
0x21: {  	s3 =	sadd.s32 s3, s9;
	s6 =	sadd.s32 @!p0 $0x88, s6;
	s7 =	simm.s32 @p2 $0x1082  }
0x22: {  	[simem:s7], [sflag:s8] =	dma.local @!p0 [hbm:s6], $0xF7A  }
0x23: {  	s9 =	sor.u32 $0xD0000000, s2;
	s6 =	simm.s32 $0x108;
	_ =	swait.ge @!p0 [sflag:s8], $0x0  }
0x24: {  	s3 =	sadd.s32 $0x88, s3;
	s6 =	simm.s32 @!p1 $0x1082;
	[sflag:s4] =	ssyncset.s32 $0xFFFFF086  }
0x25: {  	[simem:s6], [sflag:s4] =	dma.local [hbm:s3], $0xF7A  }
0x26: {  	[smem:$0x3F9F] =	sst s1;
	(tag) =	ssettag s2;
	_ =	strace s9  }
0x27: {  	s1 =	sld [smem:$0x3FAF]  }
0x28: {  	s2 =	sld [smem:$0x3FB0]  }
0x29: {  	s4 =	sld [smem:$0x3FB2]  }
0x2a: {  	p0 =	seq.s32 s5, $0x0;
	s5 =	sld [smem:$0x3FB3]  }
0x2b: {  	s6 =	sld [smem:$0x3FB4]  }
0x2c: {  	s7 =	sld [smem:$0x3FB5]  }
0x2d: {  	s3 =	simm.s32 $0x108;
	s8 =	sld [smem:$0x3FB6]  }
0x2e: {  	s3 =	simm.s32 @!p0 $0x1082;
	s9 =	sld [smem:$0x3FB7]  }
0x2f: {  	lr =	sadd.s32 s0, s3;
	s0 =	sld [smem:$0x3FAE]  }
0x30: {  	s3 =	sld [smem:$0x3FB1]  }
0x31: {  	[smem:$0x3FBA] =	sst s10  }
0x32: {  	s10 =	sld [smem:$0x3FB8];
	_ =	sdelay $0x3  }
0x33: {  	p0 =	seq.s32 s10, $0x1;
	s10 =	sld [smem:$0x3FBA];
	_ =	sdelay $0x3  }
0x34: {  	[smem:$0x3FBA] =	sst s10  }
0x35: {  	s10 =	sld [smem:$0x3FB9];
	_ =	sdelay $0x3  }
0x36: {  	p1 =	seq.s32 s10, $0x1;
	s10 =	sld [smem:$0x3FBA];
	_ =	sdelay $0x3  }
0x37: {  	[smem:$0x3FBA] =	sst s10  }
0x38: {  	s10 =	sld [smem:$0x3FBB]  }
0x39: {  	_ = 	snop;
	(pc) =	sbr.ind lr, $3  }
0x3a: {  	_ = 	snop  }
0x3b: {  	_ = 	snop  }
0x3c: {  	p2 =	seq.s32 s10, $0x1;
	s10 =	sld [smem:$0x3FBA]  }
0x3d: {  	_ =	shalt  }
0x3e: {  	_ =	shalt  }
0x3f: {  	_ =	shalt  }
0x40: {  	_ =	shalt  }
0x41: {  	_ =	shalt  }
0x42: {  	_ =	shalt  }
0x43: {  	_ =	shalt  }
0x44: {  	_ =	shalt  }
0x45: {  	_ =	shalt  }
0x46: {  	_ =	shalt  }
0x47: {  	_ =	shalt  }
0x48: {  	_ =	shalt  }
0x49: {  	_ =	shalt  }
0x4a: {  	_ =	shalt  }
0x4b: {  	_ =	shalt  }
0x4c: {  	_ =	shalt  }
0x4d: {  	_ =	shalt  }
0x4e: {  	_ =	shalt  }
0x4f: {  	_ =	shalt  }
0x50: {  	_ =	shalt  }
0x51: {  	_ =	shalt  }
0x52: {  	_ =	shalt  }
0x53: {  	_ =	shalt  }
0x54: {  	_ =	shalt  }
0x55: {  	_ =	shalt  }
0x56: {  	_ =	shalt  }
0x57: {  	_ =	shalt  }
0x58: {  	_ =	shalt  }
0x59: {  	_ =	shalt  }
0x5a: {  	_ =	shalt  }
0x5b: {  	_ =	shalt  }
0x5c: {  	_ =	shalt  }
0x5d: {  	_ =	shalt  }
0x5e: {  	_ =	shalt  }
0x5f: {  	_ =	shalt  }
0x60: {  	_ =	shalt  }
0x61: {  	_ =	shalt  }
0x62: {  	_ =	shalt  }
0x63: {  	_ =	shalt  }
0x64: {  	_ =	shalt  }
0x65: {  	_ =	shalt  }
0x66: {  	_ =	shalt  }
0x67: {  	_ =	shalt  }
0x68: {  	_ =	shalt  }
0x69: {  	_ =	shalt  }
0x6a: {  	_ =	shalt  }
0x6b: {  	_ =	shalt  }
0x6c: {  	_ =	shalt  }
0x6d: {  	_ =	shalt  }
0x6e: {  	_ =	shalt  }
0x6f: {  	_ =	shalt  }
0x70: {  	_ =	shalt  }
0x71: {  	_ =	shalt  }
0x72: {  	_ =	shalt  }
0x73: {  	_ =	shalt  }
0x74: {  	_ =	shalt  }
0x75: {  	_ =	shalt  }
0x76: {  	_ =	shalt  }
0x77: {  	_ =	shalt  }
0x78: {  	_ =	shalt  }
0x79: {  	_ =	shalt  }
0x7a: {  	_ =	shalt  }
0x7b: {  	_ =	shalt  }
0x7c: {  	_ =	shalt  }
0x7d: {  	_ =	shalt  }
0x7e: {  	_ =	shalt  }
0x7f: {  	_ =	shalt  }
0x80: {  	_ =	shalt  }
0x81: {  	_ =	shalt  }
0x82: {  	_ =	shalt  }
0x83: {  	_ =	shalt  }
0x84: {  	_ =	shalt  }
0x85: {  	_ =	shalt  }
0x86: {  	_ =	shalt  }
0x87: {  	_ =	shalt  }
.Lfunc_end0:
.L_simem_size_0:
called_computation_lowered:
.L_overlay_start_0:
0x88: {  	s2 =	sld [smem:$0x3FD9]  }
0x89: {  	s3 =	sld [smem:$0x3FFE];
	_ =	sdelay $0x1  }
0x8a: {  	s1 =	srdreg.scid  }
0x8b: {  	s0 =	sand.u32 $0x1, s1  }
0x8c: {  	s17 =	sshll.u32 s0, $0xA;
	s2 =	sadd.s32 s3, s2  }
0x8d: {  	s2 =	sadd.s32 s2, s17  }
0x8e: {  	[smem:$0x3FC6] =	sst s2  }
0x8f: {  	_ = 	snop  }
0x90: {  	s2 =	sld [smem:$0x3FC9]  }
0x91: {  	s18 =	sld [smem:$0x3FD0];
	(tm) =	ssettm $0x1  }
0x92: {  	s4 =	sld [smem:$0x3FFB];
	_ =	sdelay $0x3  }
0x93: {  	_ =	strace s4  }
0x94: {  	s4 =	sld [smem:$0x3FFC];
	_ =	sdelay $0x3  }
0x95: {  	_ =	strace s4  }
0x96: {  	s4 =	sld [smem:$0x3FFD];
	_ =	sdelay $0x3  }
0x97: {  	_ =	strace s4  }
0x98: {  	_ =	strace $0x8FFFFFFF  }
0x99: {  	s19 =	sld [smem:$0x3FDB];
	_ =	sdelay $0x1  }
0x9a: {  	s5 =	simm.s32 $_scs_section_size  }
0x9b: {  	s6 =	simm.s32 $_size__tile_overlayer_lowered;
	s7 =	simm.s32 $_tile_overlayer_lowered  }
0x9c: {  	s22 =	simm.s32 $0x1BFF;
	s21 =	sshll.u32 s7, $0x1;
	s4 =	sadd.s32 s5, s19  }
0x9d: {  	s8 =	simm.s32 $0x0;
	s20 =	sshll.u32 s6, $0x1;
	s6 =	sadd.s32 s21, s4  }
0x9e: {  	[timem:s8], [sflag:s22] =	dma.local [hbm:s6], s20  }
0x9f: {  	_ =	swait.ge [sflag:s22], s20  }
0xa0: {  	s5 =	ssub.s32 $0x0, s20;
	[sflag:s22] =	ssyncset.done $0x0  }
0xa1: {  	[sflag:s22] =	ssyncadd.s32 s5;
	_ =	sdelay $0x1  }
0xa2: {  	s23 =	simm.s32 $0x1B8B  }
0xa3: {  	_ =	swait.ge [sflag:s23], $0x1  }
0xa4: {  	[sflag:s23] =	ssyncset.done $0x0  }
0xa5: {  	s25 =	simm.s32 $0x1B8E;
	s24 =	sld [smem:$0x3FFE];
	[sflag:s23] =	ssyncadd.s32 $0xFFFFFFFF  }
0xa6: {  	s26 =	simm.s32 $execute0_lowered;
	[smem:$0x3FD2] =	sst s25  }
0xa7: {  	s6 =	sshll.u32 s26, $0x1;
	_ =	strace $0x80000046;
	[dreg:$0x1] =	wrdreg $0xFFFFFFFF  }
0xa8: {  	s28 =	simm.s32 $_size_execute0_lowered;
	s4 =	sadd.s32 s4, s6;
	[dreg:$0x0] =	wrdreg $0x0  }
0xa9: {  	s6 =	sshll.u32 s28, $0x1;
	[dreg:$0x2] =	wrdreg s4  }
0xaa: {  	[dreg:$0x3] =	wrdreg s6  }
0xab: {  	[dreg:$0x4] =	wrdreg $0xC0  }
0xac: {  	_ =	task [dreg:s8], $0x5FFFF  }
0xad: {  	[dreg:$0x1] =	wrdreg $0xFFFFFFFF  }
0xae: {  	[dreg:$0x0] =	wrdreg $0x60  }
0xaf: {  	[dreg:$0x2] =	wrdreg s24  }
0xb0: {  	[dreg:$0x3] =	wrdreg s2  }
0xb1: {  	[dreg:$0x4] =	wrdreg s18  }
0xb2: {  	[dreg:$0x5] =	wrdreg $0x9  }
0xb3: {  	_ =	task.clear_ibuf [dreg:s8], $0x6FFFF;
	_ =	strace $0x90000046  }
0xb4: {  	s29 =	simm.s32 $0x9;
	_ =	strace $0x80000048  }
0xb5: {  	_ =	swait.ge [sflag:s29], $0x1  }
0xb6: {  	[sflag:s29] =	ssyncadd.s32 $0xFFFFFFFF  }
0xb7: {  	_ =	strace $0x90000048  }
0xb8: {  	_ =	sfence  }
0xb9: {  	s30 =	sld [smem:$0x0];
	_ =	sdelay $0x2  }
0xba: {  	s31 =	sshll.u32 s1, $0xD;
	s1 =	sshrl.u32 s1, $0x2  }
0xbb: {  	s3 =	sand.u32 $0x4000, s31;
	s1 =	sadd.s32 s1, s30  }
0xbc: {  	s0 =	sor.u32 s3, s0;
	s1 =	sshll.u32 s1, $0x11  }
0xbd: {  	s0 =	sor.u32 s1, s0  }
0xbe: {  	s0 =	sadd.s32 $0x8F2B, s0  }
0xbf: {  	[sflag:s0] =	ssyncadd.remote.s32 $0x1  }
0xc0: {  	_ =	sfence.sel $0xFFFF  }
0xc1: {  	[dreg:$0x0] =	wrdreg $0xFFFFFFFF;
	(pc) =	sbr.abs _section_cstart, $3  }
0xc2: {  	[dreg:$0x1] =	wrdreg $0xFFFFFFFF  }
0xc3: {  	_ =	task.clear_ibuf [dreg:s8], $0x2FFFF;
	_ =	strace $0x9FFFFFFF  }
0xc4: {  	(tm) =	ssettm $0x7FFFFFFF  }
0xc5: {  	_ =	shalt  }
tec
execute0_lowered:
.L_overlay_start_1:
0x0: {  	(tag) =	ssettag $0x1  }
0x1: {  	s6 =	rddreg [dreg:$0x0]  }
0x2: {  	s5 =	rddreg [dreg:$0x1]  }
0x3: {  	s2 =	rddreg [dreg:$0x2]  }
0x4: {  	s0 =	rddreg [dreg:$0x3]  }
0x5: {  	s3 =	simm.s32 $0x0;
	s4 =	srdreg.scid;
	s1 =	stileid.u32  }
0x6: {  	s23 =	simm.s32 $0x1780;
	s26 =	simm.s32 $0x1F80;
	s28 =	simm.s32 $0x2780  }
0x7: {  	[smem:$0x7FF] =	sst s3;
	s4 =	sand.u32 $0x1, s4;
	s7 =	sshll.u32 s1, $0x1  }
0x8: {  	_ =	strace $0x80000047;
	s8 =	ssub.s32 $0x2, s4;
	[dreg:$0x5] =	wrdreg s23  }
0x9: {  	s7 =	sor.u32 s4, s7;
	s4 =	sadd.s32 $0x400, s6;
	[dreg:$0x6] =	wrdreg s26  }
0xa: {  	[dreg:$0x7] =	wrdreg s28;
	s26 =	simm.s32 $0x2F80;
	s23 =	simm.s32 $0x6780  }
0xb: {  	s28 =	simm.s32 $0x7780;
	s9 =	sshrl.u32 s8, $0x1;
	[dreg:$0x8] =	wrdreg s26  }
0xc: {  	s10 =	sshll.u32 s7, $0x6;
	s30 =	sshll.u32 s7, $0x5;
	[dreg:$0xf] =	wrdreg s23  }
0xd: {  	s7 =	sshll.u32 s7, $0x9;
	[dreg:$0x11] =	wrdreg s28;
	s9 =	ssub.s32 s8, s9  }
0xe: {  	s5 =	sadd.s32 s5, s10;
	s31 =	sadd.s32 $0x100, s30;
	s11 =	sor.u32 $0x10, s30  }
0xf: {  	s12 =	sadd.s32 $0x110, s30;
	s13 =	sor.u32 $0x10, s7;
	s14 =	sor.u32 $0x20, s7  }
0x10: {  	s15 =	sor.u32 $0x30, s7;
	s16 =	sor.u32 $0x40, s7;
	s17 =	sor.u32 $0x50, s7  }
0x11: {  	s18 =	sor.u32 $0x60, s7;
	s19 =	sor.u32 $0x70, s7;
	s20 =	sor.u32 $0x80, s7  }
0x12: {  	s21 =	sor.u32 $0x90, s7;
	s22 =	sor.u32 $0xA0, s7;
	s24 =	sor.u32 $0xB0, s7  }
0x13: {  	v0 =	vlaneseq.u32;
	vm0 =	vmmov $0xffff;
	s25 =	sor.u32 $0xC0, s7;
	s29 =	sor.u32 $0xD0, s7;
	v17 =	vmov s30;
	s30 =	sor.u32 $0xE0, s7  }
0x14: {  	v42 =	vimm.s32 $0x0;
	v26 =	vmul.u32 $0x2, v0;
	v34 =	vshrl.u32 v0, $0x3;
	s26 =	sor.u32 $0x160, s7;
	s23 =	sor.u32 $0x1D0, s7;
	s28 =	sor.u32 $0x1F0, s7  }
0x15: {  	v33 =	vand.u32 $0x7, v0;
	v35 =	vor.u32 $0x8, v0;
	v34 =	vmul.u32 $0x8, v34;
	s8 =	sadd.s32 $0x200, s2;
	s10 =	simm.s32 $0x4;
	[dreg:$0x4] =	wrdreg s5  }
0x16: {  	s5 =	sadd.s32 $0x500, s6;
	s6 =	sadd.s32 $0x600, s6;
	v18 =	vmov s31;
	s31 =	simm.s32 $0x3780;
	v21 =	vmov s11;
	v25 =	vmov s12  }
0x17: {  	v1 =	vor.u32 s13, v0;
	s12 =	sor.u32 $0xF0, s7;
	s13 =	simm.s32 $0x3F80;
	v2 =	vor.u32 s14, v0;
	v3 =	vor.u32 s15, v0;
	[dreg:$0x9] =	wrdreg s31  }
0x18: {  	v4 =	vor.u32 s16, v0;
	s14 =	sor.u32 $0x100, s7;
	s15 =	simm.s32 $0x4780;
	v5 =	vor.u32 s17, v0;
	v6 =	vor.u32 s18, v0;
	[dreg:$0xa] =	wrdreg s13  }
0x19: {  	v7 =	vor.u32 s19, v0;
	s16 =	sor.u32 $0x110, s7;
	s17 =	simm.s32 $0x4F80;
	v8 =	vor.u32 s20, v0;
	v9 =	vor.u32 s21, v0;
	[dreg:$0xb] =	wrdreg s15  }
0x1a: {  	v10 =	vor.u32 s22, v0;
	s18 =	sor.u32 $0x120, s7;
	s19 =	simm.s32 $0x5780;
	v11 =	vor.u32 s24, v0;
	v12 =	vor.u32 s25, v0;
	[dreg:$0xc] =	wrdreg s17  }
0x1b: {  	v13 =	vor.u32 s29, v0;
	s20 =	sor.u32 $0x130, s7;
	s21 =	simm.s32 $0x5F80;
	v14 =	vor.u32 s30, v0;
	v19 =	vshll.u32 v17, $0x1;
	[dreg:$0xd] =	wrdreg s19  }
0x1c: {  	s22 =	sor.u32 $0x140, s7;
	s25 =	simm.s32 $0x6F80;
	v37 =	vor.u32 s23, v0;
	v39 =	vor.u32 s28, v0;
	v15 =	vor.u32 s12, v0;
	[dreg:$0xe] =	wrdreg s21  }
0x1d: {  	s24 =	sor.u32 $0x150, s7;
	s30 =	simm.s32 $0x7F80;
	v16 =	vor.u32 s14, v0;
	v17 =	vor.u32 s16, v0;
	v29 =	vor.u32 v26, v19;
	[dreg:$0x10] =	wrdreg s25  }
0x1e: {  	s29 =	sor.u32 $0x170, s7;
	v20 =	vshll.u32 v18, $0x1;
	v18 =	vor.u32 s18, v0;
	v23 =	vshll.u32 v21, $0x1;
	[dreg:$0x12] =	wrdreg s30;
	s14 =	simm.s32 $0x8780  }
0x1f: {  	s9 =	smax.u32 s9, $0x1;
	v21 =	vor.u32 s22, v0;
	s16 =	simm.s32 $0x8F80;
	v27 =	vshll.u32 v25, $0x1;
	v25 =	vor.u32 s26, v0;
	[dreg:$0x13] =	wrdreg s14  }
0x20: {  	s11 =	simm.s32 $0x280;
	s18 =	simm.s32 $0x9780;
	v19 =	vand.u32 $0x3DE, v29;
	v22 =	vor.u32 v26, v20;
	v20 =	vor.u32 s20, v0;
	[dreg:$0x14] =	wrdreg s16  }
0x21: {  	s19 =	sor.u32 $0x1B0, s7;
	s22 =	simm.s32 $0xA780;
	v24 =	vor.u32 v26, v23;
	v23 =	vor.u32 s24, v0;
	v27 =	vor.u32 v26, v27;
	[dreg:$0x15] =	wrdreg s18  }
0x22: {  	s21 =	sor.u32 $0x1C0, s7;
	s26 =	simm.s32 $0xB780;
	v26 =	vor.u32 s29, v0;
	[dreg:$0x17] =	wrdreg s22;
	v32 =	vor.u32 s19, v0;
	v28 =	vshrl.u32 v19, $0x3  }
0x23: {  	s31 =	sor.u32 $0x180, s7;
	s30 =	simm.s32 $0xC780;
	[dreg:$0x19] =	wrdreg s26;
	v36 =	vor.u32 s21, v0;
	v30 =	vand.u32 $0x3FE, v27;
	v31 =	vmul.u32 $0x30, v28  }
0x24: {  	s15 =	sor.u32 $0x190, s7;
	s20 =	simm.s32 $0x9F80;
	[dreg:$0x1b] =	wrdreg s30;
	v22 =	vand.u32 $0x3DE, v22;
	v28 =	vor.u32 $0x1, v30;
	v30 =	vand.u32 $0x6, v29  }
0x25: {  	s17 =	sor.u32 $0x1A0, s7;
	s24 =	simm.s32 $0xAF80;
	v24 =	vand.u32 $0x3FE, v24;
	v27 =	vor.u32 s31, v0;
	[dreg:$0x16] =	wrdreg s20;
	v38 =	vor.u32 v30, v31  }
0x26: {  	s25 =	sor.u32 $0x1E0, s7;
	s29 =	simm.s32 $0xBF80;
	[dreg:$0x18] =	wrdreg s24;
	v22 =	vor.u32 $0x1, v22;
	v40 =	vperm.xlane v38, v33;
	v41 =	vperm.xlane v38, v35  }
0x27: {  	s12 =	simm.s32 $0x500;
	[dreg:$0x1a] =	wrdreg s29;
	s31 =	simm.s32 $0xCF80;
	v29 =	vor.u32 s15, v0;
	v30 =	vor.u32 s7, v0;
	v31 =	vor.u32 s17, v0  }
0x28: {  	s13 =	simm.s32 $0x1;
	[dreg:$0x1c] =	wrdreg s31;
	s7 =	sadd.s32 $0x100, s2;
	v38 =	vor.u32 s25, v0;
	v40 =	vadd.s32 v34, v40;
	v41 =	vadd.s32 v34, v41  }
.LBB2_1:
0x29: {  	s14 =	rddreg [dreg:$0x4]  }
0x2a: {  	[tilespmem:s3], [sflag:$0x4] =	stream.linear.gather [hbm4b:s14+s3], $0x200, $0x38;
	[tilespmem:$0xD780] =	vst v63  }
0x2b: {  	_ =	swait.ge [sflag:s10], $0x200  }
0x2c: {  	[sflag:s10] =	ssyncset.done $0x0  }
0x2d: {  	[sflag:s10] =	ssyncadd.s32 $0xFFFFFE00  }
0x2e: {  	[tilespmem:$0x200] =	vst v19  }
0x2f: {  	[tilespmem:$0x220] =	vst v22  }
0x30: {  	[tilespmem:$0x210] =	vst v24  }
0x31: {  	s24 =	rddreg [dreg:$0x5];
	[tilespmem:$0x230] =	vst v28  }
0x32: {  	[tilespmem:s24], [sflag:$0x1] =	stream.indirect_vreg.gather [hbm4b:s4+s3], $0x80, v40, vm0, $0xb8;
	[tilespmem:$0xD780] =	vst v63  }
0x33: {  	s15 =	rddreg [dreg:$0x6]  }
0x34: {  	[tilespmem:s15], [sflag:$0x1] =	stream.indirect_vreg.gather [hbm4b:s5+s3], $0x80, v40, vm0, $0xb8;
	[tilespmem:$0xD780] =	vst v63  }
0x35: {  	s25 =	rddreg [dreg:$0x7]  }
0x36: {  	[tilespmem:s25], [sflag:$0x1] =	stream.indirect_vreg.gather [hbm4b:s6+s3], $0x80, v40, vm0, $0xb8;
	[tilespmem:$0xD780] =	vst v63  }
0x37: {  	s26 =	rddreg [dreg:$0x8]  }
0x38: {  	[tilespmem:s26], [sflag:$0x1] =	stream.indirect_vreg.gather [hbm4b:s4+s3], $0x80, v41, vm0, $0xb8;
	[tilespmem:$0xD780] =	vst v63  }
0x39: {  	s28 =	rddreg [dreg:$0x9]  }
0x3a: {  	[tilespmem:s28], [sflag:$0x1] =	stream.indirect_vreg.gather [hbm4b:s5+s3], $0x80, v41, vm0, $0xb8;
	[tilespmem:$0xD780] =	vst v63  }
0x3b: {  	s29 =	rddreg [dreg:$0xa]  }
0x3c: {  	[tilespmem:s29], [sflag:$0x1] =	stream.indirect_vreg.gather [hbm4b:s6+s3], $0x80, v41, vm0, $0xb8;
	[tilespmem:$0xD780] =	vst v63  }
0x3d: {  	v43 =	vld [tilespmem:$0x210];
	_ =	sdelay $0x4  }
0x3e: {  	v44 =	vshrl.u32 v43, $0x3  }
0x3f: {  	v44 =	vmul.u32 $0x30, v44  }
0x40: {  	v43 =	vand.u32 $0x7, v43  }
0x41: {  	v43 =	vor.u32 v43, v44  }
0x42: {  	v44 =	vperm.xlane v43, v33;
	_ =	sdelay $0x1  }
0x43: {  	v44 =	vadd.s32 v34, v44;
	_ =	sdelay $0x3  }
0x44: {  	s30 =	rddreg [dreg:$0xb];
	v43 =	vperm.xlane v43, v35  }
0x45: {  	[tilespmem:s30], [sflag:$0x1] =	stream.indirect_vreg.gather [hbm4b:s4+s3], $0x80, v44, vm0, $0xb8;
	[tilespmem:$0xD780] =	vst v63  }
0x46: {  	s31 =	rddreg [dreg:$0xc];
	v43 =	vadd.s32 v34, v43  }
0x47: {  	[tilespmem:s31], [sflag:$0x1] =	stream.indirect_vreg.gather [hbm4b:s5+s3], $0x80, v44, vm0, $0xb8;
	[tilespmem:$0xD780] =	vst v63  }
0x48: {  	s16 =	rddreg [dreg:$0xd]  }
0x49: {  	[tilespmem:s16], [sflag:$0x1] =	stream.indirect_vreg.gather [hbm4b:s6+s3], $0x80, v44, vm0, $0xb8;
	[tilespmem:$0xD780] =	vst v63  }
0x4a: {  	s17 =	rddreg [dreg:$0xe]  }
0x4b: {  	[tilespmem:s17], [sflag:$0x1] =	stream.indirect_vreg.gather [hbm4b:s4+s3], $0x80, v43, vm0, $0xb8;
	[tilespmem:$0xD780] =	vst v63  }
0x4c: {  	s18 =	rddreg [dreg:$0xf]  }
0x4d: {  	[tilespmem:s18], [sflag:$0x1] =	stream.indirect_vreg.gather [hbm4b:s5+s3], $0x80, v43, vm0, $0xb8;
	[tilespmem:$0xD780] =	vst v63  }
0x4e: {  	s19 =	rddreg [dreg:$0x10]  }
0x4f: {  	[tilespmem:s19], [sflag:$0x1] =	stream.indirect_vreg.gather [hbm4b:s6+s3], $0x80, v43, vm0, $0xb8;
	[tilespmem:$0xD780] =	vst v63  }
0x50: {  	v43 =	vld [tilespmem:$0x220];
	_ =	sdelay $0x4  }
0x51: {  	v60 =	vshrl.u32 v43, $0x3  }
0x52: {  	v44 =	vmul.u32 $0x30, v60  }
0x53: {  	v43 =	vand.u32 $0x7, v43  }
0x54: {  	v43 =	vor.u32 v43, v44  }
0x55: {  	v44 =	vperm.xlane v43, v33;
	_ =	sdelay $0x1  }
0x56: {  	v44 =	vadd.s32 v34, v44;
	_ =	sdelay $0x3  }
0x57: {  	s20 =	rddreg [dreg:$0x11];
	v43 =	vperm.xlane v43, v35  }
0x58: {  	[tilespmem:s20], [sflag:$0x1] =	stream.indirect_vreg.gather [hbm4b:s4+s3], $0x80, v44, vm0, $0xb8;
	[tilespmem:$0xD780] =	vst v63  }
0x59: {  	s21 =	rddreg [dreg:$0x12];
	v43 =	vadd.s32 v34, v43  }
0x5a: {  	[tilespmem:s21], [sflag:$0x1] =	stream.indirect_vreg.gather [hbm4b:s5+s3], $0x80, v44, vm0, $0xb8;
	[tilespmem:$0xD780] =	vst v63  }
0x5b: {  	s22 =	rddreg [dreg:$0x13]  }
0x5c: {  	[tilespmem:s22], [sflag:$0x1] =	stream.indirect_vreg.gather [hbm4b:s6+s3], $0x80, v44, vm0, $0xb8;
	[tilespmem:$0xD780] =	vst v63  }
0x5d: {  	s23 =	rddreg [dreg:$0x14]  }
0x5e: {  	[tilespmem:s23], [sflag:$0x1] =	stream.indirect_vreg.gather [hbm4b:s4+s3], $0x80, v43, vm0, $0xb8;
	[tilespmem:$0xD780] =	vst v63  }
0x5f: {  	s24 =	rddreg [dreg:$0x15]  }
0x60: {  	[tilespmem:s24], [sflag:$0x1] =	stream.indirect_vreg.gather [hbm4b:s5+s3], $0x80, v43, vm0, $0xb8;
	[tilespmem:$0xD780] =	vst v63  }
0x61: {  	s25 =	rddreg [dreg:$0x16]  }
0x62: {  	[tilespmem:s25], [sflag:$0x1] =	stream.indirect_vreg.gather [hbm4b:s6+s3], $0x80, v43, vm0, $0xb8;
	[tilespmem:$0xD780] =	vst v63  }
0x63: {  	v43 =	vld [tilespmem:$0x230];
	_ =	sdelay $0x4  }
0x64: {  	v61 =	vshrl.u32 v43, $0x3  }
0x65: {  	v44 =	vmul.u32 $0x30, v61  }
0x66: {  	v43 =	vand.u32 $0x7, v43  }
0x67: {  	v43 =	vor.u32 v43, v44  }
0x68: {  	v44 =	vperm.xlane v43, v33;
	_ =	sdelay $0x1  }
0x69: {  	v44 =	vadd.s32 v34, v44;
	_ =	sdelay $0x3  }
0x6a: {  	s14 =	rddreg [dreg:$0x17];
	v43 =	vperm.xlane v43, v35  }
0x6b: {  	[tilespmem:s14], [sflag:$0x1] =	stream.indirect_vreg.gather [hbm4b:s4+s3], $0x80, v44, vm0, $0xb8;
	[tilespmem:$0xD780] =	vst v63  }
0x6c: {  	s26 =	rddreg [dreg:$0x18];
	v43 =	vadd.s32 v34, v43  }
0x6d: {  	[tilespmem:s26], [sflag:$0x1] =	stream.indirect_vreg.gather [hbm4b:s5+s3], $0x80, v44, vm0, $0xb8;
	[tilespmem:$0xD780] =	vst v63  }
0x6e: {  	s28 =	rddreg [dreg:$0x19]  }
0x6f: {  	[tilespmem:s28], [sflag:$0x1] =	stream.indirect_vreg.gather [hbm4b:s6+s3], $0x80, v44, vm0, $0xb8;
	[tilespmem:$0xD780] =	vst v63  }
0x70: {  	s29 =	rddreg [dreg:$0x1a]  }
0x71: {  	[tilespmem:s29], [sflag:$0x1] =	stream.indirect_vreg.gather [hbm4b:s4+s3], $0x80, v43, vm0, $0xb8;
	[tilespmem:$0xD780] =	vst v63  }
0x72: {  	s30 =	rddreg [dreg:$0x1b]  }
0x73: {  	[tilespmem:s30], [sflag:$0x1] =	stream.indirect_vreg.gather [hbm4b:s5+s3], $0x80, v43, vm0, $0xb8;
	[tilespmem:$0xD780] =	vst v63  }
0x74: {  	s31 =	rddreg [dreg:$0x1c]  }
0x75: {  	[tilespmem:s31], [sflag:$0x1] =	stream.indirect_vreg.gather [hbm4b:s6+s3], $0x80, v43, vm0, $0xb8;
	[tilespmem:$0xD780] =	vst v63  }
0x76: {  	v43 =	vld [tilespmem:$0x0];
	_ =	sdelay $0x4  }
0x77: {  	vm1 =	veq.s32 v43, $0x0  }
0x78: {  	v62 =	vsel vm1, $0x1, v42  }
0x79: {  	(xrf0) =	vadd.scan.msk.s32 $0xffff, v62;
	_ =	sdelay $0x5  }
0x7a: {  	v44, _, _ =	vpop (xrf0)  }
0x7b: {  	vm2 =	vne.s32 v43, $0x0;
	v63 =	vadd.s32 $0xFFFFFFFF, v44  }
0x7c: {  	v45 =	vsub.s32 v0, v44;
	v44 =	vxor.u32 $0x80000000, v44  }
0x7d: {  	(xrf0) =	vmax.scan.msk.u32 $0xffff, v44;
	_ =	sdelay $0x2  }
0x7e: {  	[tilespmem:v63+s11+$0x0] =	vst.idx.msk vm1, v30  }
0x7f: {  	[tilespmem:v45+s12+$0x0] =	vst.idx.msk vm2, v30  }
0x80: {  	v43 =	vld [tilespmem:$0x10]  }
0x81: {  	v44, _, _ =	vpop (xrf0)  }
0x82: {  	(v2sf) =	vpush v44, $0xF;
	_ =	sdelay $0x2  }
0x83: {  	vm1 =	veq.s32 v43, $0x0  }
0x84: {  	v48 =	vsel vm1, $0x1, v42  }
0x85: {  	(xrf0) =	vadd.scan.msk.s32 $0xffff, v48;
	_ =	sdelay $0x5  }
0x86: {  	v44, _, _ =	vpop (xrf0)  }
0x87: {  	v49 =	vxor.u32 $0x80000000, v44  }
0x88: {  	(xrf0) =	vmax.scan.msk.u32 $0xffff, v49;
	_ =	sdelay $0x1  }
0x89: {  	s15 =	spop (v2sf)  }
0x8a: {  	s14 =	sxor.u32 $0x80000000, s15  }
0x8b: {  	v50 =	vmov s14  }
0x8c: {  	v45 =	vadd.s32 $0xFFFFFFFF, v50  }
0x8d: {  	v45 =	vbroadcast v45, $0x0;
	v46, _, _ =	vpop (xrf0)  }
0x8e: {  	s16 =	ssub.s32 $0x10, s14;
	(v2sf) =	vpush v46, $0xF  }
0x8f: {  	vm2 =	vne.s32 v43, $0x0;
	v51 =	vadd.s32 v44, v45;
	v44 =	vsub.s32 s16, v44  }
0x90: {  	v44 =	vadd.s32 v0, v44;
	_ =	sdelay $0x3  }
0x91: {  	[tilespmem:v51+s11+$0x0] =	vst.idx.msk vm1, v1  }
0x92: {  	[tilespmem:v44+s12+$0x0] =	vst.idx.msk vm2, v1  }
0x93: {  	v43 =	vld [tilespmem:$0x20];
	_ =	sdelay $0x4  }
0x94: {  	vm1 =	veq.s32 v43, $0x0  }
0x95: {  	v52 =	vsel vm1, $0x1, v42  }
0x96: {  	(xrf0) =	vadd.scan.msk.s32 $0xffff, v52;
	s17 =	spop (v2sf)  }
0x97: {  	s14 =	sadd.s32 s17, s14  }
0x98: {  	s15 =	sadd.s32 $0x80000000, s14  }
0x99: {  	v53 =	vmov s15  }
0x9a: {  	v44 =	vadd.s32 $0xFFFFFFFF, v53  }
0x9b: {  	v44 =	vbroadcast v44, $0x0  }
0x9c: {  	vm2 =	vne.s32 v43, $0x0;
	s14 =	ssub.s32 $0x80000020, s14;
	v54, _, _ =	vpop (xrf0)  }
0x9d: {  	v55 =	vsub.s32 s14, v54;
	v43 =	vxor.u32 $0x80000000, v54;
	v44 =	vadd.s32 v54, v44  }
0x9e: {  	v45 =	vadd.s32 v0, v55;
	(xrf0) =	vmax.scan.msk.u32 $0xffff, v43;
	_ =	sdelay $0x3  }
0x9f: {  	[tilespmem:v44+s11+$0x0] =	vst.idx.msk vm1, v2  }
0xa0: {  	[tilespmem:v45+s12+$0x0] =	vst.idx.msk vm2, v2  }
0xa1: {  	v43, _, _ =	vpop (xrf0);
	v44 =	vld [tilespmem:$0x30]  }
0xa2: {  	(v2sf) =	vpush v43, $0xF;
	_ =	sdelay $0x3  }
0xa3: {  	vm1 =	veq.s32 v44, $0x0  }
0xa4: {  	v56 =	vsel vm1, $0x1, v42  }
0xa5: {  	(xrf0) =	vadd.scan.msk.s32 $0xffff, v56;
	_ =	sdelay $0x5  }
0xa6: {  	v43, _, _ =	vpop (xrf0)  }
0xa7: {  	v57 =	vxor.u32 $0x80000000, v43  }
0xa8: {  	(xrf0) =	vmax.scan.msk.u32 $0xffff, v57  }
0xa9: {  	s18 =	spop (v2sf)  }
0xaa: {  	s14 =	sadd.s32 s18, s15  }
0xab: {  	s15 =	sadd.s32 $0x80000000, s14  }
0xac: {  	v58 =	vmov s15  }
0xad: {  	v45 =	vadd.s32 $0xFFFFFFFF, v58  }
0xae: {  	v45 =	vbroadcast v45, $0x0;
	v59, _, _ =	vpop (xrf0)  }
0xaf: {  	s14 =	ssub.s32 $0x80000030, s14;
	(v2sf) =	vpush v59, $0xF  }
0xb0: {  	vm2 =	vne.s32 v44, $0x0;
	v60 =	vadd.s32 v43, v45;
	v43 =	vsub.s32 s14, v43  }
0xb1: {  	v43 =	vadd.s32 v0, v43;
	_ =	sdelay $0x3  }
0xb2: {  	[tilespmem:v60+s11+$0x0] =	vst.idx.msk vm1, v3  }
0xb3: {  	[tilespmem:v43+s12+$0x0] =	vst.idx.msk vm2, v3  }
0xb4: {  	v43 =	vld [tilespmem:$0x40];
	_ =	sdelay $0x4  }
0xb5: {  	vm1 =	veq.s32 v43, $0x0  }
0xb6: {  	v61 =	vsel vm1, $0x1, v42  }
0xb7: {  	(xrf0) =	vadd.scan.msk.s32 $0xffff, v61;
	s19 =	spop (v2sf)  }
0xb8: {  	s14 =	sadd.s32 s19, s15  }
0xb9: {  	s15 =	sadd.s32 $0x80000000, s14  }
0xba: {  	v62 =	vmov s15  }
0xbb: {  	v44 =	vadd.s32 $0xFFFFFFFF, v62  }
0xbc: {  	v44 =	vbroadcast v44, $0x0  }
0xbd: {  	vm2 =	vne.s32 v43, $0x0;
	s14 =	ssub.s32 $0x80000040, s14;
	v63, _, _ =	vpop (xrf0)  }
0xbe: {  	v48 =	vsub.s32 s14, v63;
	v43 =	vxor.u32 $0x80000000, v63;
	v44 =	vadd.s32 v63, v44  }
0xbf: {  	v45 =	vadd.s32 v0, v48;
	(xrf0) =	vmax.scan.msk.u32 $0xffff, v43;
	_ =	sdelay $0x3  }
0xc0: {  	[tilespmem:v44+s11+$0x0] =	vst.idx.msk vm1, v4  }
0xc1: {  	[tilespmem:v45+s12+$0x0] =	vst.idx.msk vm2, v4  }
0xc2: {  	v43, _, _ =	vpop (xrf0);
	v44 =	vld [tilespmem:$0x50]  }
0xc3: {  	(v2sf) =	vpush v43, $0xF;
	_ =	sdelay $0x3  }
0xc4: {  	vm1 =	veq.s32 v44, $0x0  }
0xc5: {  	v49 =	vsel vm1, $0x1, v42  }
0xc6: {  	(xrf0) =	vadd.scan.msk.s32 $0xffff, v49;
	_ =	sdelay $0x5  }
0xc7: {  	v43, _, _ =	vpop (xrf0)  }
0xc8: {  	v50 =	vxor.u32 $0x80000000, v43  }
0xc9: {  	(xrf0) =	vmax.scan.msk.u32 $0xffff, v50  }
0xca: {  	s20 =	spop (v2sf)  }
0xcb: {  	s14 =	sadd.s32 s20, s15  }
0xcc: {  	s15 =	sadd.s32 $0x80000000, s14  }
0xcd: {  	v51 =	vmov s15  }
0xce: {  	v45 =	vadd.s32 $0xFFFFFFFF, v51  }
0xcf: {  	v45 =	vbroadcast v45, $0x0;
	v52, _, _ =	vpop (xrf0)  }
0xd0: {  	s14 =	ssub.s32 $0x80000050, s14;
	(v2sf) =	vpush v52, $0xF  }
0xd1: {  	vm2 =	vne.s32 v44, $0x0;
	v53 =	vadd.s32 v43, v45;
	v43 =	vsub.s32 s14, v43  }
0xd2: {  	v43 =	vadd.s32 v0, v43;
	_ =	sdelay $0x3  }
0xd3: {  	[tilespmem:v53+s11+$0x0] =	vst.idx.msk vm1, v5  }
0xd4: {  	[tilespmem:v43+s12+$0x0] =	vst.idx.msk vm2, v5  }
0xd5: {  	v43 =	vld [tilespmem:$0x60];
	_ =	sdelay $0x4  }
0xd6: {  	vm1 =	veq.s32 v43, $0x0  }
0xd7: {  	v54 =	vsel vm1, $0x1, v42  }
0xd8: {  	(xrf0) =	vadd.scan.msk.s32 $0xffff, v54;
	s21 =	spop (v2sf)  }
0xd9: {  	s14 =	sadd.s32 s21, s15  }
0xda: {  	s15 =	sadd.s32 $0x80000000, s14  }
0xdb: {  	v55 =	vmov s15  }
0xdc: {  	v44 =	vadd.s32 $0xFFFFFFFF, v55  }
0xdd: {  	v44 =	vbroadcast v44, $0x0  }
0xde: {  	vm2 =	vne.s32 v43, $0x0;
	s14 =	ssub.s32 $0x80000060, s14;
	v56, _, _ =	vpop (xrf0)  }
0xdf: {  	v57 =	vsub.s32 s14, v56;
	v43 =	vxor.u32 $0x80000000, v56;
	v44 =	vadd.s32 v56, v44  }
0xe0: {  	v45 =	vadd.s32 v0, v57;
	(xrf0) =	vmax.scan.msk.u32 $0xffff, v43;
	_ =	sdelay $0x3  }
0xe1: {  	[tilespmem:v44+s11+$0x0] =	vst.idx.msk vm1, v6  }
0xe2: {  	[tilespmem:v45+s12+$0x0] =	vst.idx.msk vm2, v6  }
0xe3: {  	v43, _, _ =	vpop (xrf0);
	v44 =	vld [tilespmem:$0x70]  }
0xe4: {  	(v2sf) =	vpush v43, $0xF;
	_ =	sdelay $0x3  }
0xe5: {  	vm1 =	veq.s32 v44, $0x0  }
0xe6: {  	v58 =	vsel vm1, $0x1, v42  }
0xe7: {  	(xrf0) =	vadd.scan.msk.s32 $0xffff, v58;
	_ =	sdelay $0x5  }
0xe8: {  	v43, _, _ =	vpop (xrf0)  }
0xe9: {  	v59 =	vxor.u32 $0x80000000, v43  }
0xea: {  	(xrf0) =	vmax.scan.msk.u32 $0xffff, v59  }
0xeb: {  	s22 =	spop (v2sf)  }
0xec: {  	s14 =	sadd.s32 s22, s15  }
0xed: {  	s15 =	sadd.s32 $0x80000000, s14  }
0xee: {  	v60 =	vmov s15  }
0xef: {  	v45 =	vadd.s32 $0xFFFFFFFF, v60  }
0xf0: {  	v45 =	vbroadcast v45, $0x0;
	v61, _, _ =	vpop (xrf0)  }
0xf1: {  	s14 =	ssub.s32 $0x80000070, s14;
	(v2sf) =	vpush v61, $0xF  }
0xf2: {  	vm2 =	vne.s32 v44, $0x0;
	v62 =	vadd.s32 v43, v45;
	v43 =	vsub.s32 s14, v43  }
0xf3: {  	v43 =	vadd.s32 v0, v43;
	_ =	sdelay $0x3  }
0xf4: {  	[tilespmem:v62+s11+$0x0] =	vst.idx.msk vm1, v7  }
0xf5: {  	[tilespmem:v43+s12+$0x0] =	vst.idx.msk vm2, v7  }
0xf6: {  	v43 =	vld [tilespmem:$0x80];
	_ =	sdelay $0x4  }
0xf7: {  	vm1 =	veq.s32 v43, $0x0  }
0xf8: {  	v63 =	vsel vm1, $0x1, v42  }
0xf9: {  	(xrf0) =	vadd.scan.msk.s32 $0xffff, v63;
	s23 =	spop (v2sf)  }
0xfa: {  	s14 =	sadd.s32 s23, s15  }
0xfb: {  	s15 =	sadd.s32 $0x80000000, s14  }
0xfc: {  	v48 =	vmov s15  }
0xfd: {  	v44 =	vadd.s32 $0xFFFFFFFF, v48  }
0xfe: {  	v44 =	vbroadcast v44, $0x0  }
0xff: {  	vm2 =	vne.s32 v43, $0x0;
	s14 =	ssub.s32 $0x80000080, s14;
	v49, _, _ =	vpop (xrf0)  }
0x100: {  	v50 =	vsub.s32 s14, v49;
	v43 =	vxor.u32 $0x80000000, v49;
	v44 =	vadd.s32 v49, v44  }
0x101: {  	v45 =	vadd.s32 v0, v50;
	(xrf0) =	vmax.scan.msk.u32 $0xffff, v43;
	_ =	sdelay $0x3  }
0x102: {  	[tilespmem:v44+s11+$0x0] =	vst.idx.msk vm1, v8  }
0x103: {  	[tilespmem:v45+s12+$0x0] =	vst.idx.msk vm2, v8  }
0x104: {  	v43, _, _ =	vpop (xrf0);
	v44 =	vld [tilespmem:$0x90]  }
0x105: {  	(v2sf) =	vpush v43, $0xF;
	_ =	sdelay $0x3  }
0x106: {  	vm1 =	veq.s32 v44, $0x0  }
0x107: {  	v51 =	vsel vm1, $0x1, v42  }
0x108: {  	(xrf0) =	vadd.scan.msk.s32 $0xffff, v51;
	_ =	sdelay $0x5  }
0x109: {  	v43, _, _ =	vpop (xrf0)  }
0x10a: {  	v52 =	vxor.u32 $0x80000000, v43  }
0x10b: {  	(xrf0) =	vmax.scan.msk.u32 $0xffff, v52  }
0x10c: {  	s24 =	spop (v2sf)  }
0x10d: {  	s14 =	sadd.s32 s24, s15  }
0x10e: {  	s15 =	sadd.s32 $0x80000000, s14  }
0x10f: {  	v53 =	vmov s15  }
0x110: {  	v45 =	vadd.s32 $0xFFFFFFFF, v53  }
0x111: {  	v45 =	vbroadcast v45, $0x0;
	v54, _, _ =	vpop (xrf0)  }
0x112: {  	s14 =	ssub.s32 $0x80000090, s14;
	(v2sf) =	vpush v54, $0xF  }
0x113: {  	vm2 =	vne.s32 v44, $0x0;
	v55 =	vadd.s32 v43, v45;
	v43 =	vsub.s32 s14, v43  }
0x114: {  	v43 =	vadd.s32 v0, v43;
	_ =	sdelay $0x3  }
0x115: {  	[tilespmem:v55+s11+$0x0] =	vst.idx.msk vm1, v9  }
0x116: {  	[tilespmem:v43+s12+$0x0] =	vst.idx.msk vm2, v9  }
0x117: {  	v43 =	vld [tilespmem:$0xA0];
	_ =	sdelay $0x4  }
0x118: {  	vm1 =	veq.s32 v43, $0x0  }
0x119: {  	v56 =	vsel vm1, $0x1, v42  }
0x11a: {  	(xrf0) =	vadd.scan.msk.s32 $0xffff, v56;
	s25 =	spop (v2sf)  }
0x11b: {  	s14 =	sadd.s32 s25, s15  }
0x11c: {  	s15 =	sadd.s32 $0x80000000, s14  }
0x11d: {  	v57 =	vmov s15  }
0x11e: {  	v44 =	vadd.s32 $0xFFFFFFFF, v57  }
0x11f: {  	v44 =	vbroadcast v44, $0x0  }
0x120: {  	vm2 =	vne.s32 v43, $0x0;
	s14 =	ssub.s32 $0x800000A0, s14;
	v58, _, _ =	vpop (xrf0)  }
0x121: {  	v59 =	vsub.s32 s14, v58;
	v43 =	vxor.u32 $0x80000000, v58;
	v44 =	vadd.s32 v58, v44  }
0x122: {  	v45 =	vadd.s32 v0, v59;
	(xrf0) =	vmax.scan.msk.u32 $0xffff, v43;
	_ =	sdelay $0x3  }
0x123: {  	[tilespmem:v44+s11+$0x0] =	vst.idx.msk vm1, v10  }
0x124: {  	[tilespmem:v45+s12+$0x0] =	vst.idx.msk vm2, v10  }
0x125: {  	v43, _, _ =	vpop (xrf0);
	v44 =	vld [tilespmem:$0xB0]  }
0x126: {  	(v2sf) =	vpush v43, $0xF;
	_ =	sdelay $0x3  }
0x127: {  	vm1 =	veq.s32 v44, $0x0  }
0x128: {  	v60 =	vsel vm1, $0x1, v42  }
0x129: {  	(xrf0) =	vadd.scan.msk.s32 $0xffff, v60;
	_ =	sdelay $0x5  }
0x12a: {  	v43, _, _ =	vpop (xrf0)  }
0x12b: {  	v61 =	vxor.u32 $0x80000000, v43  }
0x12c: {  	(xrf0) =	vmax.scan.msk.u32 $0xffff, v61  }
0x12d: {  	s26 =	spop (v2sf)  }
0x12e: {  	s14 =	sadd.s32 s26, s15  }
0x12f: {  	s15 =	sadd.s32 $0x80000000, s14  }
0x130: {  	v62 =	vmov s15  }
0x131: {  	v45 =	vadd.s32 $0xFFFFFFFF, v62  }
0x132: {  	v45 =	vbroadcast v45, $0x0;
	v63, _, _ =	vpop (xrf0)  }
0x133: {  	s14 =	ssub.s32 $0x800000B0, s14;
	(v2sf) =	vpush v63, $0xF  }
0x134: {  	vm2 =	vne.s32 v44, $0x0;
	v48 =	vadd.s32 v43, v45;
	v43 =	vsub.s32 s14, v43  }
0x135: {  	v43 =	vadd.s32 v0, v43;
	_ =	sdelay $0x3  }
0x136: {  	[tilespmem:v48+s11+$0x0] =	vst.idx.msk vm1, v11  }
0x137: {  	[tilespmem:v43+s12+$0x0] =	vst.idx.msk vm2, v11  }
0x138: {  	v43 =	vld [tilespmem:$0xC0];
	_ =	sdelay $0x4  }
0x139: {  	vm1 =	veq.s32 v43, $0x0  }
0x13a: {  	v49 =	vsel vm1, $0x1, v42  }
0x13b: {  	(xrf0) =	vadd.scan.msk.s32 $0xffff, v49;
	s28 =	spop (v2sf)  }
0x13c: {  	s14 =	sadd.s32 s28, s15  }
0x13d: {  	s15 =	sadd.s32 $0x80000000, s14  }
0x13e: {  	v50 =	vmov s15  }
0x13f: {  	v44 =	vadd.s32 $0xFFFFFFFF, v50  }
0x140: {  	v44 =	vbroadcast v44, $0x0  }
0x141: {  	vm2 =	vne.s32 v43, $0x0;
	s14 =	ssub.s32 $0x800000C0, s14;
	v51, _, _ =	vpop (xrf0)  }
0x142: {  	v52 =	vsub.s32 s14, v51;
	v43 =	vxor.u32 $0x80000000, v51;
	v44 =	vadd.s32 v51, v44  }
0x143: {  	v45 =	vadd.s32 v0, v52;
	(xrf0) =	vmax.scan.msk.u32 $0xffff, v43;
	_ =	sdelay $0x3  }
0x144: {  	[tilespmem:v44+s11+$0x0] =	vst.idx.msk vm1, v12  }
0x145: {  	[tilespmem:v45+s12+$0x0] =	vst.idx.msk vm2, v12  }
0x146: {  	v43, _, _ =	vpop (xrf0);
	v44 =	vld [tilespmem:$0xD0]  }
0x147: {  	(v2sf) =	vpush v43, $0xF;
	_ =	sdelay $0x3  }
0x148: {  	vm1 =	veq.s32 v44, $0x0  }
0x149: {  	v53 =	vsel vm1, $0x1, v42  }
0x14a: {  	(xrf0) =	vadd.scan.msk.s32 $0xffff, v53;
	_ =	sdelay $0x5  }
0x14b: {  	v43, _, _ =	vpop (xrf0)  }
0x14c: {  	v54 =	vxor.u32 $0x80000000, v43  }
0x14d: {  	(xrf0) =	vmax.scan.msk.u32 $0xffff, v54  }
0x14e: {  	s29 =	spop (v2sf)  }
0x14f: {  	s14 =	sadd.s32 s29, s15  }
0x150: {  	s15 =	sadd.s32 $0x80000000, s14  }
0x151: {  	v55 =	vmov s15  }
0x152: {  	v45 =	vadd.s32 $0xFFFFFFFF, v55  }
0x153: {  	v45 =	vbroadcast v45, $0x0;
	v56, _, _ =	vpop (xrf0)  }
0x154: {  	s14 =	ssub.s32 $0x800000D0, s14;
	(v2sf) =	vpush v56, $0xF  }
0x155: {  	vm2 =	vne.s32 v44, $0x0;
	v57 =	vadd.s32 v43, v45;
	v43 =	vsub.s32 s14, v43  }
0x156: {  	v43 =	vadd.s32 v0, v43;
	_ =	sdelay $0x3  }
0x157: {  	[tilespmem:v57+s11+$0x0] =	vst.idx.msk vm1, v13  }
0x158: {  	[tilespmem:v43+s12+$0x0] =	vst.idx.msk vm2, v13  }
0x159: {  	v43 =	vld [tilespmem:$0xE0];
	_ =	sdelay $0x4  }
0x15a: {  	vm1 =	veq.s32 v43, $0x0  }
0x15b: {  	v58 =	vsel vm1, $0x1, v42  }
0x15c: {  	(xrf0) =	vadd.scan.msk.s32 $0xffff, v58;
	s30 =	spop (v2sf)  }
0x15d: {  	s14 =	sadd.s32 s30, s15  }
0x15e: {  	s15 =	sadd.s32 $0x80000000, s14  }
0x15f: {  	v59 =	vmov s15  }
0x160: {  	v44 =	vadd.s32 $0xFFFFFFFF, v59  }
0x161: {  	v44 =	vbroadcast v44, $0x0  }
0x162: {  	vm2 =	vne.s32 v43, $0x0;
	s14 =	ssub.s32 $0x800000E0, s14;
	v60, _, _ =	vpop (xrf0)  }
0x163: {  	v61 =	vsub.s32 s14, v60;
	v43 =	vxor.u32 $0x80000000, v60;
	v44 =	vadd.s32 v60, v44  }
0x164: {  	v45 =	vadd.s32 v0, v61;
	(xrf0) =	vmax.scan.msk.u32 $0xffff, v43;
	_ =	sdelay $0x3  }
0x165: {  	[tilespmem:v44+s11+$0x0] =	vst.idx.msk vm1, v14  }
0x166: {  	[tilespmem:v45+s12+$0x0] =	vst.idx.msk vm2, v14  }
0x167: {  	v43, _, _ =	vpop (xrf0);
	v44 =	vld [tilespmem:$0xF0]  }
0x168: {  	(v2sf) =	vpush v43, $0xF;
	_ =	sdelay $0x3  }
0x169: {  	vm1 =	veq.s32 v44, $0x0  }
0x16a: {  	v62 =	vsel vm1, $0x1, v42  }
0x16b: {  	(xrf0) =	vadd.scan.msk.s32 $0xffff, v62;
	_ =	sdelay $0x5  }
0x16c: {  	v43, _, _ =	vpop (xrf0)  }
0x16d: {  	v63 =	vxor.u32 $0x80000000, v43  }
0x16e: {  	(xrf0) =	vmax.scan.msk.u32 $0xffff, v63  }
0x16f: {  	s31 =	spop (v2sf)  }
0x170: {  	s14 =	sadd.s32 s31, s15  }
0x171: {  	s15 =	sadd.s32 $0x80000000, s14  }
0x172: {  	v48 =	vmov s15  }
0x173: {  	v45 =	vadd.s32 $0xFFFFFFFF, v48  }
0x174: {  	v45 =	vbroadcast v45, $0x0;
	v49, _, _ =	vpop (xrf0)  }
0x175: {  	s14 =	ssub.s32 $0x800000F0, s14;
	(v2sf) =	vpush v49, $0xF  }
0x176: {  	vm2 =	vne.s32 v44, $0x0;
	v50 =	vadd.s32 v43, v45;
	v43 =	vsub.s32 s14, v43  }
0x177: {  	v43 =	vadd.s32 v0, v43;
	_ =	sdelay $0x3  }
0x178: {  	[tilespmem:v50+s11+$0x0] =	vst.idx.msk vm1, v15  }
0x179: {  	[tilespmem:v43+s12+$0x0] =	vst.idx.msk vm2, v15  }
0x17a: {  	v43 =	vld [tilespmem:$0x100];
	_ =	sdelay $0x4  }
0x17b: {  	vm1 =	veq.s32 v43, $0x0  }
0x17c: {  	v51 =	vsel vm1, $0x1, v42  }
0x17d: {  	(xrf0) =	vadd.scan.msk.s32 $0xffff, v51;
	s16 =	spop (v2sf)  }
0x17e: {  	s14 =	sadd.s32 s16, s15  }
0x17f: {  	s15 =	sadd.s32 $0x80000000, s14  }
0x180: {  	v52 =	vmov s15  }
0x181: {  	v44 =	vadd.s32 $0xFFFFFFFF, v52  }
0x182: {  	v44 =	vbroadcast v44, $0x0  }
0x183: {  	vm2 =	vne.s32 v43, $0x0;
	s14 =	ssub.s32 $0x80000100, s14;
	v53, _, _ =	vpop (xrf0)  }
0x184: {  	v54 =	vsub.s32 s14, v53;
	v43 =	vxor.u32 $0x80000000, v53;
	v44 =	vadd.s32 v53, v44  }
0x185: {  	v45 =	vadd.s32 v0, v54;
	(xrf0) =	vmax.scan.msk.u32 $0xffff, v43;
	_ =	sdelay $0x3  }
0x186: {  	[tilespmem:v44+s11+$0x0] =	vst.idx.msk vm1, v16  }
0x187: {  	[tilespmem:v45+s12+$0x0] =	vst.idx.msk vm2, v16  }
0x188: {  	v43, _, _ =	vpop (xrf0);
	v44 =	vld [tilespmem:$0x110]  }
0x189: {  	(v2sf) =	vpush v43, $0xF;
	_ =	sdelay $0x3  }
0x18a: {  	vm1 =	veq.s32 v44, $0x0  }
0x18b: {  	v55 =	vsel vm1, $0x1, v42  }
0x18c: {  	(xrf0) =	vadd.scan.msk.s32 $0xffff, v55;
	_ =	sdelay $0x5  }
0x18d: {  	v43, _, _ =	vpop (xrf0)  }
0x18e: {  	v56 =	vxor.u32 $0x80000000, v43  }
0x18f: {  	(xrf0) =	vmax.scan.msk.u32 $0xffff, v56  }
0x190: {  	s17 =	spop (v2sf)  }
0x191: {  	s14 =	sadd.s32 s17, s15  }
0x192: {  	s15 =	sadd.s32 $0x80000000, s14  }
0x193: {  	v57 =	vmov s15  }
0x194: {  	v45 =	vadd.s32 $0xFFFFFFFF, v57  }
0x195: {  	v45 =	vbroadcast v45, $0x0;
	v58, _, _ =	vpop (xrf0)  }
0x196: {  	s14 =	ssub.s32 $0x80000110, s14;
	(v2sf) =	vpush v58, $0xF  }
0x197: {  	vm2 =	vne.s32 v44, $0x0;
	v59 =	vadd.s32 v43, v45;
	v43 =	vsub.s32 s14, v43  }
0x198: {  	v43 =	vadd.s32 v0, v43;
	_ =	sdelay $0x3  }
0x199: {  	[tilespmem:v59+s11+$0x0] =	vst.idx.msk vm1, v17  }
0x19a: {  	[tilespmem:v43+s12+$0x0] =	vst.idx.msk vm2, v17  }
0x19b: {  	v43 =	vld [tilespmem:$0x120];
	_ =	sdelay $0x4  }
0x19c: {  	vm1 =	veq.s32 v43, $0x0  }
0x19d: {  	v60 =	vsel vm1, $0x1, v42  }
0x19e: {  	(xrf0) =	vadd.scan.msk.s32 $0xffff, v60;
	s18 =	spop (v2sf)  }
0x19f: {  	s14 =	sadd.s32 s18, s15  }
0x1a0: {  	s15 =	sadd.s32 $0x80000000, s14  }
0x1a1: {  	v61 =	vmov s15  }
0x1a2: {  	v44 =	vadd.s32 $0xFFFFFFFF, v61  }
0x1a3: {  	v44 =	vbroadcast v44, $0x0  }
0x1a4: {  	vm2 =	vne.s32 v43, $0x0;
	s14 =	ssub.s32 $0x80000120, s14;
	v62, _, _ =	vpop (xrf0)  }
0x1a5: {  	v63 =	vsub.s32 s14, v62;
	v43 =	vxor.u32 $0x80000000, v62;
	v44 =	vadd.s32 v62, v44  }
0x1a6: {  	v45 =	vadd.s32 v0, v63;
	(xrf0) =	vmax.scan.msk.u32 $0xffff, v43;
	_ =	sdelay $0x3  }
0x1a7: {  	[tilespmem:v44+s11+$0x0] =	vst.idx.msk vm1, v18  }
0x1a8: {  	[tilespmem:v45+s12+$0x0] =	vst.idx.msk vm2, v18  }
0x1a9: {  	v43, _, _ =	vpop (xrf0);
	v44 =	vld [tilespmem:$0x130]  }
0x1aa: {  	(v2sf) =	vpush v43, $0xF;
	_ =	sdelay $0x3  }
0x1ab: {  	vm1 =	veq.s32 v44, $0x0  }
0x1ac: {  	v48 =	vsel vm1, $0x1, v42  }
0x1ad: {  	(xrf0) =	vadd.scan.msk.s32 $0xffff, v48;
	_ =	sdelay $0x5  }
0x1ae: {  	v43, _, _ =	vpop (xrf0)  }
0x1af: {  	v49 =	vxor.u32 $0x80000000, v43  }
0x1b0: {  	(xrf0) =	vmax.scan.msk.u32 $0xffff, v49  }
0x1b1: {  	s19 =	spop (v2sf)  }
0x1b2: {  	s14 =	sadd.s32 s19, s15  }
0x1b3: {  	s15 =	sadd.s32 $0x80000000, s14  }
0x1b4: {  	v50 =	vmov s15  }
0x1b5: {  	v45 =	vadd.s32 $0xFFFFFFFF, v50  }
0x1b6: {  	v45 =	vbroadcast v45, $0x0;
	v51, _, _ =	vpop (xrf0)  }
0x1b7: {  	s14 =	ssub.s32 $0x80000130, s14;
	(v2sf) =	vpush v51, $0xF  }
0x1b8: {  	vm2 =	vne.s32 v44, $0x0;
	v52 =	vadd.s32 v43, v45;
	v43 =	vsub.s32 s14, v43  }
0x1b9: {  	v43 =	vadd.s32 v0, v43;
	_ =	sdelay $0x3  }
0x1ba: {  	[tilespmem:v52+s11+$0x0] =	vst.idx.msk vm1, v20  }
0x1bb: {  	[tilespmem:v43+s12+$0x0] =	vst.idx.msk vm2, v20  }
0x1bc: {  	v43 =	vld [tilespmem:$0x140];
	_ =	sdelay $0x4  }
0x1bd: {  	vm1 =	veq.s32 v43, $0x0  }
0x1be: {  	v53 =	vsel vm1, $0x1, v42  }
0x1bf: {  	(xrf0) =	vadd.scan.msk.s32 $0xffff, v53;
	s20 =	spop (v2sf)  }
0x1c0: {  	s14 =	sadd.s32 s20, s15  }
0x1c1: {  	s15 =	sadd.s32 $0x80000000, s14  }
0x1c2: {  	v54 =	vmov s15  }
0x1c3: {  	v44 =	vadd.s32 $0xFFFFFFFF, v54  }
0x1c4: {  	v44 =	vbroadcast v44, $0x0  }
0x1c5: {  	vm2 =	vne.s32 v43, $0x0;
	s14 =	ssub.s32 $0x80000140, s14;
	v55, _, _ =	vpop (xrf0)  }
0x1c6: {  	v56 =	vsub.s32 s14, v55;
	v43 =	vxor.u32 $0x80000000, v55;
	v44 =	vadd.s32 v55, v44  }
0x1c7: {  	v45 =	vadd.s32 v0, v56;
	(xrf0) =	vmax.scan.msk.u32 $0xffff, v43;
	_ =	sdelay $0x3  }
0x1c8: {  	[tilespmem:v44+s11+$0x0] =	vst.idx.msk vm1, v21  }
0x1c9: {  	[tilespmem:v45+s12+$0x0] =	vst.idx.msk vm2, v21  }
0x1ca: {  	v43, _, _ =	vpop (xrf0);
	v44 =	vld [tilespmem:$0x150]  }
0x1cb: {  	(v2sf) =	vpush v43, $0xF;
	_ =	sdelay $0x3  }
0x1cc: {  	vm1 =	veq.s32 v44, $0x0  }
0x1cd: {  	v57 =	vsel vm1, $0x1, v42  }
0x1ce: {  	(xrf0) =	vadd.scan.msk.s32 $0xffff, v57;
	_ =	sdelay $0x5  }
0x1cf: {  	v43, _, _ =	vpop (xrf0)  }
0x1d0: {  	v58 =	vxor.u32 $0x80000000, v43  }
0x1d1: {  	(xrf0) =	vmax.scan.msk.u32 $0xffff, v58  }
0x1d2: {  	s21 =	spop (v2sf)  }
0x1d3: {  	s14 =	sadd.s32 s21, s15  }
0x1d4: {  	s15 =	sadd.s32 $0x80000000, s14  }
0x1d5: {  	v59 =	vmov s15  }
0x1d6: {  	v45 =	vadd.s32 $0xFFFFFFFF, v59  }
0x1d7: {  	v45 =	vbroadcast v45, $0x0;
	v60, _, _ =	vpop (xrf0)  }
0x1d8: {  	s14 =	ssub.s32 $0x80000150, s14;
	(v2sf) =	vpush v60, $0xF  }
0x1d9: {  	vm2 =	vne.s32 v44, $0x0;
	v61 =	vadd.s32 v43, v45;
	v43 =	vsub.s32 s14, v43  }
0x1da: {  	v43 =	vadd.s32 v0, v43;
	_ =	sdelay $0x3  }
0x1db: {  	[tilespmem:v61+s11+$0x0] =	vst.idx.msk vm1, v23  }
0x1dc: {  	[tilespmem:v43+s12+$0x0] =	vst.idx.msk vm2, v23  }
0x1dd: {  	v43 =	vld [tilespmem:$0x160];
	_ =	sdelay $0x4  }
0x1de: {  	vm1 =	veq.s32 v43, $0x0  }
0x1df: {  	v62 =	vsel vm1, $0x1, v42  }
0x1e0: {  	(xrf0) =	vadd.scan.msk.s32 $0xffff, v62;
	s22 =	spop (v2sf)  }
0x1e1: {  	s14 =	sadd.s32 s22, s15  }
0x1e2: {  	s15 =	sadd.s32 $0x80000000, s14  }
0x1e3: {  	v63 =	vmov s15  }
0x1e4: {  	v44 =	vadd.s32 $0xFFFFFFFF, v63  }
0x1e5: {  	v44 =	vbroadcast v44, $0x0  }
0x1e6: {  	vm2 =	vne.s32 v43, $0x0;
	s14 =	ssub.s32 $0x80000160, s14;
	v48, _, _ =	vpop (xrf0)  }
0x1e7: {  	v49 =	vsub.s32 s14, v48;
	v43 =	vxor.u32 $0x80000000, v48;
	v44 =	vadd.s32 v48, v44  }
0x1e8: {  	v45 =	vadd.s32 v0, v49;
	(xrf0) =	vmax.scan.msk.u32 $0xffff, v43;
	_ =	sdelay $0x3  }
0x1e9: {  	[tilespmem:v44+s11+$0x0] =	vst.idx.msk vm1, v25  }
0x1ea: {  	[tilespmem:v45+s12+$0x0] =	vst.idx.msk vm2, v25  }
0x1eb: {  	v43, _, _ =	vpop (xrf0);
	v44 =	vld [tilespmem:$0x170]  }
0x1ec: {  	(v2sf) =	vpush v43, $0xF;
	_ =	sdelay $0x3  }
0x1ed: {  	vm1 =	veq.s32 v44, $0x0  }
0x1ee: {  	v50 =	vsel vm1, $0x1, v42  }
0x1ef: {  	(xrf0) =	vadd.scan.msk.s32 $0xffff, v50;
	_ =	sdelay $0x5  }
0x1f0: {  	v43, _, _ =	vpop (xrf0)  }
0x1f1: {  	v51 =	vxor.u32 $0x80000000, v43  }
0x1f2: {  	(xrf0) =	vmax.scan.msk.u32 $0xffff, v51  }
0x1f3: {  	s23 =	spop (v2sf)  }
0x1f4: {  	s14 =	sadd.s32 s23, s15  }
0x1f5: {  	s15 =	sadd.s32 $0x80000000, s14  }
0x1f6: {  	v52 =	vmov s15  }
0x1f7: {  	v45 =	vadd.s32 $0xFFFFFFFF, v52  }
0x1f8: {  	v45 =	vbroadcast v45, $0x0;
	v53, _, _ =	vpop (xrf0)  }
0x1f9: {  	s14 =	ssub.s32 $0x80000170, s14;
	(v2sf) =	vpush v53, $0xF  }
0x1fa: {  	vm2 =	vne.s32 v44, $0x0;
	v54 =	vadd.s32 v43, v45;
	v43 =	vsub.s32 s14, v43  }
0x1fb: {  	v43 =	vadd.s32 v0, v43;
	_ =	sdelay $0x3  }
0x1fc: {  	[tilespmem:v54+s11+$0x0] =	vst.idx.msk vm1, v26  }
0x1fd: {  	[tilespmem:v43+s12+$0x0] =	vst.idx.msk vm2, v26  }
0x1fe: {  	v43 =	vld [tilespmem:$0x180];
	_ =	sdelay $0x4  }
0x1ff: {  	vm1 =	veq.s32 v43, $0x0  }
0x200: {  	v55 =	vsel vm1, $0x1, v42  }
0x201: {  	(xrf0) =	vadd.scan.msk.s32 $0xffff, v55;
	s24 =	spop (v2sf)  }
0x202: {  	s14 =	sadd.s32 s24, s15  }
0x203: {  	s15 =	sadd.s32 $0x80000000, s14  }
0x204: {  	v56 =	vmov s15  }
0x205: {  	v44 =	vadd.s32 $0xFFFFFFFF, v56  }
0x206: {  	v44 =	vbroadcast v44, $0x0  }
0x207: {  	vm2 =	vne.s32 v43, $0x0;
	s14 =	ssub.s32 $0x80000180, s14;
	v57, _, _ =	vpop (xrf0)  }
0x208: {  	v58 =	vsub.s32 s14, v57;
	v43 =	vxor.u32 $0x80000000, v57;
	v44 =	vadd.s32 v57, v44  }
0x209: {  	v45 =	vadd.s32 v0, v58;
	(xrf0) =	vmax.scan.msk.u32 $0xffff, v43;
	_ =	sdelay $0x3  }
0x20a: {  	[tilespmem:v44+s11+$0x0] =	vst.idx.msk vm1, v27  }
0x20b: {  	[tilespmem:v45+s12+$0x0] =	vst.idx.msk vm2, v27  }
0x20c: {  	v43, _, _ =	vpop (xrf0);
	v44 =	vld [tilespmem:$0x190]  }
0x20d: {  	(v2sf) =	vpush v43, $0xF;
	_ =	sdelay $0x3  }
0x20e: {  	vm1 =	veq.s32 v44, $0x0  }
0x20f: {  	v59 =	vsel vm1, $0x1, v42  }
0x210: {  	(xrf0) =	vadd.scan.msk.s32 $0xffff, v59;
	_ =	sdelay $0x5  }
0x211: {  	v43, _, _ =	vpop (xrf0)  }
0x212: {  	v60 =	vxor.u32 $0x80000000, v43  }
0x213: {  	(xrf0) =	vmax.scan.msk.u32 $0xffff, v60  }
0x214: {  	s25 =	spop (v2sf)  }
0x215: {  	s14 =	sadd.s32 s25, s15  }
0x216: {  	s15 =	sadd.s32 $0x80000000, s14  }
0x217: {  	v61 =	vmov s15  }
0x218: {  	v45 =	vadd.s32 $0xFFFFFFFF, v61  }
0x219: {  	v45 =	vbroadcast v45, $0x0;
	v62, _, _ =	vpop (xrf0)  }
0x21a: {  	s14 =	ssub.s32 $0x80000190, s14;
	(v2sf) =	vpush v62, $0xF  }
0x21b: {  	vm2 =	vne.s32 v44, $0x0;
	v63 =	vadd.s32 v43, v45;
	v43 =	vsub.s32 s14, v43  }
0x21c: {  	v43 =	vadd.s32 v0, v43;
	_ =	sdelay $0x3  }
0x21d: {  	[tilespmem:v63+s11+$0x0] =	vst.idx.msk vm1, v29  }
0x21e: {  	[tilespmem:v43+s12+$0x0] =	vst.idx.msk vm2, v29  }
0x21f: {  	v43 =	vld [tilespmem:$0x1A0];
	_ =	sdelay $0x4  }
0x220: {  	vm1 =	veq.s32 v43, $0x0  }
0x221: {  	v48 =	vsel vm1, $0x1, v42  }
0x222: {  	(xrf0) =	vadd.scan.msk.s32 $0xffff, v48;
	s26 =	spop (v2sf)  }
0x223: {  	s14 =	sadd.s32 s26, s15  }
0x224: {  	s15 =	sadd.s32 $0x80000000, s14  }
0x225: {  	v49 =	vmov s15  }
0x226: {  	v44 =	vadd.s32 $0xFFFFFFFF, v49  }
0x227: {  	v44 =	vbroadcast v44, $0x0  }
0x228: {  	vm2 =	vne.s32 v43, $0x0;
	s14 =	ssub.s32 $0x800001A0, s14;
	v50, _, _ =	vpop (xrf0)  }
0x229: {  	v51 =	vsub.s32 s14, v50;
	v43 =	vxor.u32 $0x80000000, v50;
	v44 =	vadd.s32 v50, v44  }
0x22a: {  	v45 =	vadd.s32 v0, v51;
	(xrf0) =	vmax.scan.msk.u32 $0xffff, v43;
	_ =	sdelay $0x3  }
0x22b: {  	[tilespmem:v44+s11+$0x0] =	vst.idx.msk vm1, v31  }
0x22c: {  	[tilespmem:v45+s12+$0x0] =	vst.idx.msk vm2, v31  }
0x22d: {  	v43, _, _ =	vpop (xrf0);
	v44 =	vld [tilespmem:$0x1B0]  }
0x22e: {  	(v2sf) =	vpush v43, $0xF;
	_ =	sdelay $0x3  }
0x22f: {  	vm1 =	veq.s32 v44, $0x0  }
0x230: {  	v52 =	vsel vm1, $0x1, v42  }
0x231: {  	(xrf0) =	vadd.scan.msk.s32 $0xffff, v52;
	_ =	sdelay $0x5  }
0x232: {  	v43, _, _ =	vpop (xrf0)  }
0x233: {  	v53 =	vxor.u32 $0x80000000, v43  }
0x234: {  	(xrf0) =	vmax.scan.msk.u32 $0xffff, v53  }
0x235: {  	s28 =	spop (v2sf)  }
0x236: {  	s14 =	sadd.s32 s28, s15  }
0x237: {  	s15 =	sadd.s32 $0x80000000, s14  }
0x238: {  	v54 =	vmov s15  }
0x239: {  	v45 =	vadd.s32 $0xFFFFFFFF, v54  }
0x23a: {  	v45 =	vbroadcast v45, $0x0;
	v55, _, _ =	vpop (xrf0)  }
0x23b: {  	s14 =	ssub.s32 $0x800001B0, s14;
	(v2sf) =	vpush v55, $0xF  }
0x23c: {  	vm2 =	vne.s32 v44, $0x0;
	v56 =	vadd.s32 v43, v45;
	v43 =	vsub.s32 s14, v43  }
0x23d: {  	v43 =	vadd.s32 v0, v43;
	_ =	sdelay $0x3  }
0x23e: {  	[tilespmem:v56+s11+$0x0] =	vst.idx.msk vm1, v32  }
0x23f: {  	[tilespmem:v43+s12+$0x0] =	vst.idx.msk vm2, v32  }
0x240: {  	v43 =	vld [tilespmem:$0x1C0];
	_ =	sdelay $0x4  }
0x241: {  	vm1 =	veq.s32 v43, $0x0  }
0x242: {  	v57 =	vsel vm1, $0x1, v42  }
0x243: {  	(xrf0) =	vadd.scan.msk.s32 $0xffff, v57;
	s29 =	spop (v2sf)  }
0x244: {  	s14 =	sadd.s32 s29, s15  }
0x245: {  	s15 =	sadd.s32 $0x80000000, s14  }
0x246: {  	v58 =	vmov s15  }
0x247: {  	v44 =	vadd.s32 $0xFFFFFFFF, v58  }
0x248: {  	v44 =	vbroadcast v44, $0x0  }
0x249: {  	vm2 =	vne.s32 v43, $0x0;
	s14 =	ssub.s32 $0x800001C0, s14;
	v59, _, _ =	vpop (xrf0)  }
0x24a: {  	v60 =	vsub.s32 s14, v59;
	v43 =	vxor.u32 $0x80000000, v59;
	v44 =	vadd.s32 v59, v44  }
0x24b: {  	v45 =	vadd.s32 v0, v60;
	(xrf0) =	vmax.scan.msk.u32 $0xffff, v43;
	_ =	sdelay $0x3  }
0x24c: {  	[tilespmem:v44+s11+$0x0] =	vst.idx.msk vm1, v36  }
0x24d: {  	[tilespmem:v45+s12+$0x0] =	vst.idx.msk vm2, v36  }
0x24e: {  	v43, _, _ =	vpop (xrf0);
	v44 =	vld [tilespmem:$0x1D0]  }
0x24f: {  	(v2sf) =	vpush v43, $0xF;
	_ =	sdelay $0x3  }
0x250: {  	vm1 =	veq.s32 v44, $0x0  }
0x251: {  	v61 =	vsel vm1, $0x1, v42  }
0x252: {  	(xrf0) =	vadd.scan.msk.s32 $0xffff, v61;
	_ =	sdelay $0x5  }
0x253: {  	v43, _, _ =	vpop (xrf0)  }
0x254: {  	v62 =	vxor.u32 $0x80000000, v43  }
0x255: {  	(xrf0) =	vmax.scan.msk.u32 $0xffff, v62  }
0x256: {  	s30 =	spop (v2sf)  }
0x257: {  	s14 =	sadd.s32 s30, s15  }
0x258: {  	s15 =	sadd.s32 $0x80000000, s14  }
0x259: {  	v63 =	vmov s15  }
0x25a: {  	v45 =	vadd.s32 $0xFFFFFFFF, v63  }
0x25b: {  	v45 =	vbroadcast v45, $0x0;
	v48, _, _ =	vpop (xrf0)  }
0x25c: {  	s14 =	ssub.s32 $0x800001D0, s14;
	(v2sf) =	vpush v48, $0xF  }
0x25d: {  	vm2 =	vne.s32 v44, $0x0;
	v49 =	vadd.s32 v43, v45;
	v43 =	vsub.s32 s14, v43  }
0x25e: {  	v43 =	vadd.s32 v0, v43;
	_ =	sdelay $0x3  }
0x25f: {  	[tilespmem:v49+s11+$0x0] =	vst.idx.msk vm1, v37  }
0x260: {  	[tilespmem:v43+s12+$0x0] =	vst.idx.msk vm2, v37  }
0x261: {  	v43 =	vld [tilespmem:$0x1E0];
	_ =	sdelay $0x4  }
0x262: {  	vm1 =	veq.s32 v43, $0x0  }
0x263: {  	v50 =	vsel vm1, $0x1, v42  }
0x264: {  	(xrf0) =	vadd.scan.msk.s32 $0xffff, v50;
	s31 =	spop (v2sf)  }
0x265: {  	s14 =	sadd.s32 s31, s15  }
0x266: {  	s15 =	sadd.s32 $0x80000000, s14  }
0x267: {  	v51 =	vmov s15  }
0x268: {  	v44 =	vadd.s32 $0xFFFFFFFF, v51  }
0x269: {  	v44 =	vbroadcast v44, $0x0  }
0x26a: {  	s14 =	ssub.s32 $0x800001E0, s14;
	v52, _, _ =	vpop (xrf0)  }
0x26b: {  	vm2 =	vne.s32 v43, $0x0;
	v54 =	vsub.s32 s14, v52;
	v53 =	vadd.s32 v52, v44  }
0x26c: {  	v44 =	vadd.s32 v0, v54;
	_ =	sdelay $0x3  }
0x26d: {  	v55 =	vxor.u32 $0x80000000, v52;
	[tilespmem:v53+s11+$0x0] =	vst.idx.msk vm1, v38  }
0x26e: {  	(xrf0) =	vmax.scan.msk.u32 $0xffff, v55;
	[tilespmem:v44+s12+$0x0] =	vst.idx.msk vm2, v38  }
0x26f: {  	v56 =	vld [tilespmem:$0x1F0];
	_ =	sdelay $0x4  }
0x270: {  	v57, _, _ =	vpop (xrf0);
	vm1 =	veq.s32 v56, $0x0  }
0x271: {  	(v2sf) =	vpush v57, $0xF;
	v58 =	vsel vm1, $0x1, v42  }
0x272: {  	(xrf0) =	vadd.scan.msk.s32 $0xffff, v58;
	_ =	sdelay $0x5  }
0x273: {  	v44, _, _ =	vpop (xrf0)  }
0x274: {  	v59 =	vxor.u32 $0x80000000, v44  }
0x275: {  	(xrf0) =	vmax.scan.msk.u32 $0xffff, v59;
	_ =	sdelay $0x5  }
0x276: {  	s16 =	spop (v2sf);
	v45, _, _ =	vpop (xrf0)  }
0x277: {  	s14 =	sadd.s32 s16, s15;
	(v2sf) =	vpush v45, $0xF  }
0x278: {  	s15 =	sadd.s32 $0x80000000, s14  }
0x279: {  	v60 =	vmov s15  }
0x27a: {  	v45 =	vadd.s32 $0xFFFFFFFF, v60  }
0x27b: {  	v45 =	vbroadcast v45, $0x0  }
0x27c: {  	s14 =	ssub.s32 $0x800001F0, s14  }
0x27d: {  	vm2 =	vne.s32 v56, $0x0;
	v61 =	vadd.s32 v44, v45;
	v44 =	vsub.s32 s14, v44  }
0x27e: {  	v44 =	vadd.s32 v0, v44;
	_ =	sdelay $0x3  }
0x27f: {  	[tilespmem:v61+s11+$0x0] =	vst.idx.msk vm1, v39  }
0x280: {  	[tilespmem:v44+s12+$0x0] =	vst.idx.msk vm2, v39  }
0x281: {  	v43 =	vld.msk [tilespmem:s11+$0x0], $0xffff  }
0x282: {  	v44 =	vld.msk [tilespmem:s12+$0x0], $0xffff  }
0x283: {  	s17 =	spop (v2sf)  }
0x284: {  	s15 =	sadd.s32 s17, s15  }
0x285: {  	s14 =	sadd.s32 $0x80000000, s15  }
0x286: {  	s16 =	ssub.s32 $0x80000700, s15;
	[tilespmem:s14+$0x280] =	vst v43  }
0x287: {  	[tilespmem:s16+$0x0] =	vst v44  }
0x288: {  	s18 =	ssub.s32 $0x80000710, s15;
	[tilespmem:s14+$0x290] =	vst v43  }
0x289: {  	[tilespmem:s18+$0x0] =	vst v44  }
0x28a: {  	v43 =	vld [tilespmem:$0x280]  }
0x28b: {  	v44 =	vld [tilespmem:$0x500]  }
0x28c: {  	v62 =	vld [tilespmem:$0x290]  }
0x28d: {  	v63 =	vld [tilespmem:$0x510];
	_ =	sdelay $0x1  }
0x28e: {  	s14 =	sadd.s32 $0x7FFFFFE0, s15;
	[tilespmem:$0x780] =	vst v43  }
0x28f: {  	p0 =	sgt.s32 s14, $0x0;
	[tilespmem:$0xF80] =	vst v44  }
0x290: {  	s14 =	simm.s32 @!p0 $0x0;
	[tilespmem:$0x790] =	vst v62  }
0x291: {  	s17 =	smin.u32 s14, $0x20;
	[tilespmem:$0xF90] =	vst v63  }
0x292: {  	v43 =	vld [tilespmem:s17+$0x280];
	_ =	sdelay $0x1  }
0x293: {  	s16 =	ssub.s32 $0x800001E0, s15  }
0x294: {  	p0 =	sgt.s32 s16, $0x0  }
0x295: {  	s16 =	simm.s32 @!p0 $0x0  }
0x296: {  	s18 =	smin.u32 s16, $0x20;
	[tilespmem:$0x800] =	vst v43  }
0x297: {  	v43 =	vld [tilespmem:s18+$0x500];
	_ =	sdelay $0x4  }
0x298: {  	[tilespmem:$0x1000] =	vst v43  }
0x299: {  	v43 =	vld [tilespmem:s17+$0x290];
	_ =	sdelay $0x4  }
0x29a: {  	[tilespmem:$0x810] =	vst v43  }
0x29b: {  	v43 =	vld [tilespmem:s18+$0x510];
	_ =	sdelay $0x4  }
0x29c: {  	s19 =	smin.u32 s14, $0x40;
	[tilespmem:$0x1010] =	vst v43  }
0x29d: {  	v43 =	vld [tilespmem:s19+$0x280];
	_ =	sdelay $0x4  }
0x29e: {  	s20 =	smin.u32 s16, $0x40;
	[tilespmem:$0x880] =	vst v43  }
0x29f: {  	v43 =	vld [tilespmem:s20+$0x500];
	_ =	sdelay $0x4  }
0x2a0: {  	[tilespmem:$0x1080] =	vst v43  }
0x2a1: {  	v43 =	vld [tilespmem:s19+$0x290];
	_ =	sdelay $0x4  }
0x2a2: {  	[tilespmem:$0x890] =	vst v43  }
0x2a3: {  	v43 =	vld [tilespmem:s20+$0x510];
	_ =	sdelay $0x4  }
0x2a4: {  	s21 =	smin.u32 s14, $0x60;
	[tilespmem:$0x1090] =	vst v43  }
0x2a5: {  	v43 =	vld [tilespmem:s21+$0x280];
	_ =	sdelay $0x4  }
0x2a6: {  	s22 =	smin.u32 s16, $0x60;
	[tilespmem:$0x900] =	vst v43  }
0x2a7: {  	v43 =	vld [tilespmem:s22+$0x500];
	_ =	sdelay $0x4  }
0x2a8: {  	[tilespmem:$0x1100] =	vst v43  }
0x2a9: {  	v43 =	vld [tilespmem:s21+$0x290];
	_ =	sdelay $0x4  }
0x2aa: {  	[tilespmem:$0x910] =	vst v43  }
0x2ab: {  	v43 =	vld [tilespmem:s22+$0x510];
	_ =	sdelay $0x4  }
0x2ac: {  	s23 =	smin.u32 s14, $0x80;
	[tilespmem:$0x1110] =	vst v43  }
0x2ad: {  	v43 =	vld [tilespmem:s23+$0x280];
	_ =	sdelay $0x4  }
0x2ae: {  	s24 =	smin.u32 s16, $0x80;
	[tilespmem:$0x980] =	vst v43  }
0x2af: {  	v43 =	vld [tilespmem:s24+$0x500];
	_ =	sdelay $0x4  }
0x2b0: {  	[tilespmem:$0x1180] =	vst v43  }
0x2b1: {  	v43 =	vld [tilespmem:s23+$0x290];
	_ =	sdelay $0x4  }
0x2b2: {  	[tilespmem:$0x990] =	vst v43  }
0x2b3: {  	v43 =	vld [tilespmem:s24+$0x510];
	_ =	sdelay $0x4  }
0x2b4: {  	s25 =	smin.u32 s14, $0xA0;
	[tilespmem:$0x1190] =	vst v43  }
0x2b5: {  	v43 =	vld [tilespmem:s25+$0x280];
	_ =	sdelay $0x4  }
0x2b6: {  	s26 =	smin.u32 s16, $0xA0;
	[tilespmem:$0xA00] =	vst v43  }
0x2b7: {  	v43 =	vld [tilespmem:s26+$0x500];
	_ =	sdelay $0x4  }
0x2b8: {  	[tilespmem:$0x1200] =	vst v43  }
0x2b9: {  	v43 =	vld [tilespmem:s25+$0x290];
	_ =	sdelay $0x4  }
0x2ba: {  	[tilespmem:$0xA10] =	vst v43  }
0x2bb: {  	v43 =	vld [tilespmem:s26+$0x510];
	_ =	sdelay $0x4  }
0x2bc: {  	s28 =	smin.u32 s14, $0xC0;
	[tilespmem:$0x1210] =	vst v43  }
0x2bd: {  	v43 =	vld [tilespmem:s28+$0x280];
	_ =	sdelay $0x4  }
0x2be: {  	s29 =	smin.u32 s16, $0xC0;
	[tilespmem:$0xA80] =	vst v43  }
0x2bf: {  	v43 =	vld [tilespmem:s29+$0x500];
	_ =	sdelay $0x4  }
0x2c0: {  	[tilespmem:$0x1280] =	vst v43  }
0x2c1: {  	v43 =	vld [tilespmem:s28+$0x290];
	_ =	sdelay $0x4  }
0x2c2: {  	[tilespmem:$0xA90] =	vst v43  }
0x2c3: {  	v43 =	vld [tilespmem:s29+$0x510];
	_ =	sdelay $0x4  }
0x2c4: {  	s30 =	smin.u32 s14, $0xE0;
	[tilespmem:$0x1290] =	vst v43  }
0x2c5: {  	v43 =	vld [tilespmem:s30+$0x280];
	_ =	sdelay $0x4  }
0x2c6: {  	s31 =	smin.u32 s16, $0xE0;
	[tilespmem:$0xB00] =	vst v43  }
0x2c7: {  	v43 =	vld [tilespmem:s31+$0x500];
	_ =	sdelay $0x4  }
0x2c8: {  	[tilespmem:$0x1300] =	vst v43  }
0x2c9: {  	v43 =	vld [tilespmem:s30+$0x290];
	_ =	sdelay $0x4  }
0x2ca: {  	[tilespmem:$0xB10] =	vst v43  }
0x2cb: {  	v43 =	vld [tilespmem:s31+$0x510];
	_ =	sdelay $0x4  }
0x2cc: {  	s19 =	smin.u32 s14, $0x100;
	[tilespmem:$0x1310] =	vst v43  }
0x2cd: {  	v43 =	vld [tilespmem:s19+$0x280];
	_ =	sdelay $0x4  }
0x2ce: {  	s20 =	smin.u32 s16, $0x100;
	[tilespmem:$0xB80] =	vst v43  }
0x2cf: {  	v43 =	vld [tilespmem:s20+$0x500];
	_ =	sdelay $0x4  }
0x2d0: {  	[tilespmem:$0x1380] =	vst v43  }
0x2d1: {  	v43 =	vld [tilespmem:s19+$0x290];
	_ =	sdelay $0x4  }
0x2d2: {  	[tilespmem:$0xB90] =	vst v43  }
0x2d3: {  	v43 =	vld [tilespmem:s20+$0x510];
	_ =	sdelay $0x4  }
0x2d4: {  	s21 =	smin.u32 s14, $0x120;
	[tilespmem:$0x1390] =	vst v43  }
0x2d5: {  	v43 =	vld [tilespmem:s21+$0x280];
	_ =	sdelay $0x4  }
0x2d6: {  	s22 =	smin.u32 s16, $0x120;
	[tilespmem:$0xC00] =	vst v43  }
0x2d7: {  	v43 =	vld [tilespmem:s22+$0x500];
	_ =	sdelay $0x4  }
0x2d8: {  	[tilespmem:$0x1400] =	vst v43  }
0x2d9: {  	v43 =	vld [tilespmem:s21+$0x290];
	_ =	sdelay $0x4  }
0x2da: {  	[tilespmem:$0xC10] =	vst v43  }
0x2db: {  	v43 =	vld [tilespmem:s22+$0x510];
	_ =	sdelay $0x4  }
0x2dc: {  	s23 =	smin.u32 s14, $0x140;
	[tilespmem:$0x1410] =	vst v43  }
0x2dd: {  	v43 =	vld [tilespmem:s23+$0x280];
	_ =	sdelay $0x4  }
0x2de: {  	s24 =	smin.u32 s16, $0x140;
	[tilespmem:$0xC80] =	vst v43  }
0x2df: {  	v43 =	vld [tilespmem:s24+$0x500];
	_ =	sdelay $0x4  }
0x2e0: {  	[tilespmem:$0x1480] =	vst v43  }
0x2e1: {  	v43 =	vld [tilespmem:s23+$0x290];
	_ =	sdelay $0x4  }
0x2e2: {  	[tilespmem:$0xC90] =	vst v43  }
0x2e3: {  	v43 =	vld [tilespmem:s24+$0x510];
	_ =	sdelay $0x4  }
0x2e4: {  	s25 =	smin.u32 s14, $0x160;
	[tilespmem:$0x1490] =	vst v43  }
0x2e5: {  	v43 =	vld [tilespmem:s25+$0x280];
	_ =	sdelay $0x4  }
0x2e6: {  	s26 =	smin.u32 s16, $0x160;
	[tilespmem:$0xD00] =	vst v43  }
0x2e7: {  	v43 =	vld [tilespmem:s26+$0x500];
	_ =	sdelay $0x4  }
0x2e8: {  	[tilespmem:$0x1500] =	vst v43  }
0x2e9: {  	v43 =	vld [tilespmem:s25+$0x290];
	_ =	sdelay $0x4  }
0x2ea: {  	[tilespmem:$0xD10] =	vst v43  }
0x2eb: {  	v43 =	vld [tilespmem:s26+$0x510];
	_ =	sdelay $0x4  }
0x2ec: {  	s28 =	smin.u32 s14, $0x180;
	[tilespmem:$0x1510] =	vst v43  }
0x2ed: {  	v43 =	vld [tilespmem:s28+$0x280];
	_ =	sdelay $0x4  }
0x2ee: {  	s29 =	smin.u32 s16, $0x180;
	[tilespmem:$0xD80] =	vst v43  }
0x2ef: {  	v43 =	vld [tilespmem:s29+$0x500];
	_ =	sdelay $0x4  }
0x2f0: {  	[tilespmem:$0x1580] =	vst v43  }
0x2f1: {  	v43 =	vld [tilespmem:s28+$0x290];
	_ =	sdelay $0x4  }
0x2f2: {  	[tilespmem:$0xD90] =	vst v43  }
0x2f3: {  	v43 =	vld [tilespmem:s29+$0x510];
	_ =	sdelay $0x4  }
0x2f4: {  	s30 =	smin.u32 s14, $0x1A0;
	[tilespmem:$0x1590] =	vst v43  }
0x2f5: {  	v43 =	vld [tilespmem:s30+$0x280];
	_ =	sdelay $0x4  }
0x2f6: {  	s31 =	smin.u32 s16, $0x1A0;
	[tilespmem:$0xE00] =	vst v43  }
0x2f7: {  	v43 =	vld [tilespmem:s31+$0x500];
	_ =	sdelay $0x4  }
0x2f8: {  	[tilespmem:$0x1600] =	vst v43  }
0x2f9: {  	v43 =	vld [tilespmem:s30+$0x290];
	_ =	sdelay $0x4  }
0x2fa: {  	[tilespmem:$0xE10] =	vst v43  }
0x2fb: {  	v43 =	vld [tilespmem:s31+$0x510];
	_ =	sdelay $0x4  }
0x2fc: {  	s19 =	smin.u32 s14, $0x1C0;
	[tilespmem:$0x1610] =	vst v43  }
0x2fd: {  	v43 =	vld [tilespmem:s19+$0x280];
	_ =	sdelay $0x4  }
0x2fe: {  	s20 =	smin.u32 s16, $0x1C0;
	[tilespmem:$0xE80] =	vst v43  }
0x2ff: {  	v43 =	vld [tilespmem:s20+$0x500];
	_ =	sdelay $0x4  }
0x300: {  	[tilespmem:$0x1680] =	vst v43  }
0x301: {  	v43 =	vld [tilespmem:s19+$0x290];
	_ =	sdelay $0x4  }
0x302: {  	[tilespmem:$0xE90] =	vst v43  }
0x303: {  	v43 =	vld [tilespmem:s20+$0x510];
	_ =	sdelay $0x4  }
0x304: {  	s14 =	smin.u32 s14, $0x1E0;
	[tilespmem:$0x1690] =	vst v43  }
0x305: {  	v43 =	vld [tilespmem:s14+$0x280];
	_ =	sdelay $0x4  }
0x306: {  	s16 =	smin.u32 s16, $0x1E0;
	[tilespmem:$0xF00] =	vst v43  }
0x307: {  	v43 =	vld [tilespmem:s16+$0x500];
	_ =	sdelay $0x4  }
0x308: {  	[tilespmem:$0x1700] =	vst v43  }
0x309: {  	v43 =	vld [tilespmem:s14+$0x290];
	_ =	sdelay $0x4  }
0x30a: {  	[tilespmem:$0xF10] =	vst v43  }
0x30b: {  	v43 =	vld [tilespmem:s16+$0x510];
	_ =	sdelay $0x4  }
0x30c: {  	[tilespmem:$0x1710] =	vst v43  }
0x30d: {  	_ =	swait.ge [sflag:s13], $0x6000  }
0x30e: {  	[sflag:s13] =	ssyncset.done $0x0  }
0x30f: {  	[sflag:s13] =	ssyncadd.s32 $0xFFFFA000  }
0x310: {  	_ =	swait.ge [sflag:s13], $0x6000  }
0x311: {  	s21 =	sadd.s32 $0x8000001F, s15;
	[sflag:s13] =	ssyncset.done $0x0  }
0x312: {  	p3 =	slt.u32 s21, $0x20;
	[sflag:s13] =	ssyncadd.s32 $0xFFFFA000  }
0x313: {  	v43 =	vld @!p3 [tilespmem:$0x780];
	_ =	sdelay $0x4  }
0x314: {  	v44 =	vshrl.u32 @!p3 v43, $0x3  }
0x315: {  	v44 =	vmul.u32 @!p3 $0x30, v44  }
0x316: {  	v45 =	vlaneseq.u32 @!p3;
	v43 =	vand.u32 @!p3 $0x7, v43  }
0x317: {  	v46 =	vshrl.u32 @!p3 v45, $0x3;
	v43 =	vor.u32 @!p3 v43, v44;
	v44 =	vand.u32 @!p3 $0x7, v45  }
0x318: {  	v46 =	vmul.u32 @!p3 $0x8, v46;
	v47 =	vperm.xlane @!p3 v43, v44;
	_ =	sdelay $0x1  }
0x319: {  	v47 =	vadd.s32 @!p3 v46, v47;
	_ =	sdelay $0x2  }
0x31a: {  	v45 =	vor.u32 @!p3 $0x8, v45  }
0x31b: {  	vm1 =	vmmov @!p3 $0xffff;
	s17 =	simm.s32 @!p3 $0x1780;
	s16 =	simm.s32 @!p3 $0x0;
	v43 =	vperm.xlane @!p3 v43, v45  }
0x31c: {  	[hbm4b:s2+s16] =	stream.indirect_vreg.scatter @!p3 [tilespmem:s17], [sflag:$0x2], $0x80, v47, vm1, $0xb8;
	[tilespmem:$0xD780] =	vst v63  }
0x31d: {  	v43 =	vadd.s32 @!p3 v46, v43;
	s17 =	simm.s32 @!p3 $0x1F80  }
0x31e: {  	[hbm4b:s7+s16] =	stream.indirect_vreg.scatter @!p3 [tilespmem:s17], [sflag:$0x2], $0x80, v47, vm1, $0xb8;
	[tilespmem:$0xD780] =	vst v63  }
0x31f: {  	s17 =	simm.s32 @!p3 $0x2780  }
0x320: {  	[hbm4b:s8+s16] =	stream.indirect_vreg.scatter @!p3 [tilespmem:s17], [sflag:$0x2], $0x80, v47, vm1, $0xb8;
	[tilespmem:$0xD780] =	vst v63  }
0x321: {  	s17 =	simm.s32 @!p3 $0x2F80  }
0x322: {  	[hbm4b:s2+s16] =	stream.indirect_vreg.scatter @!p3 [tilespmem:s17], [sflag:$0x2], $0x80, v43, vm1, $0xb8;
	[tilespmem:$0xD780] =	vst v63  }
0x323: {  	s17 =	simm.s32 @!p3 $0x3780  }
0x324: {  	[hbm4b:s7+s16] =	stream.indirect_vreg.scatter @!p3 [tilespmem:s17], [sflag:$0x2], $0x80, v43, vm1, $0xb8;
	[tilespmem:$0xD780] =	vst v63  }
0x325: {  	s17 =	simm.s32 @!p3 $0x3F80  }
0x326: {  	[hbm4b:s8+s16] =	stream.indirect_vreg.scatter @!p3 [tilespmem:s17], [sflag:$0x2], $0x80, v43, vm1, $0xb8;
	[tilespmem:$0xD780] =	vst v63  }
0x327: {  	v43 =	vld @!p3 [tilespmem:$0x790];
	_ =	sdelay $0x4  }
0x328: {  	v47 =	vshrl.u32 @!p3 v43, $0x3  }
0x329: {  	v47 =	vmul.u32 @!p3 $0x30, v47  }
0x32a: {  	v43 =	vand.u32 @!p3 $0x7, v43  }
0x32b: {  	v43 =	vor.u32 @!p3 v43, v47  }
0x32c: {  	v44 =	vperm.xlane @!p3 v43, v44;
	_ =	sdelay $0x1  }
0x32d: {  	v44 =	vadd.s32 @!p3 v46, v44;
	_ =	sdelay $0x3  }
0x32e: {  	s17 =	simm.s32 @!p3 $0x4780;
	v43 =	vperm.xlane @!p3 v43, v45  }
0x32f: {  	[hbm4b:s2+s16] =	stream.indirect_vreg.scatter @!p3 [tilespmem:s17], [sflag:$0x2], $0x80, v44, vm1, $0xb8;
	[tilespmem:$0xD780] =	vst v63  }
0x330: {  	v43 =	vadd.s32 @!p3 v46, v43;
	s17 =	simm.s32 @!p3 $0x4F80  }
0x331: {  	[hbm4b:s7+s16] =	stream.indirect_vreg.scatter @!p3 [tilespmem:s17], [sflag:$0x2], $0x80, v44, vm1, $0xb8;
	[tilespmem:$0xD780] =	vst v63  }
0x332: {  	s17 =	simm.s32 @!p3 $0x5780  }
0x333: {  	[hbm4b:s8+s16] =	stream.indirect_vreg.scatter @!p3 [tilespmem:s17], [sflag:$0x2], $0x80, v44, vm1, $0xb8;
	[tilespmem:$0xD780] =	vst v63  }
0x334: {  	s17 =	simm.s32 @!p3 $0x5F80  }
0x335: {  	[hbm4b:s2+s16] =	stream.indirect_vreg.scatter @!p3 [tilespmem:s17], [sflag:$0x2], $0x80, v43, vm1, $0xb8;
	[tilespmem:$0xD780] =	vst v63  }
0x336: {  	s15 =	ssub.s32 $0x8000021F, s15;
	s17 =	simm.s32 @!p3 $0x6780  }
0x337: {  	[hbm4b:s7+s16] =	stream.indirect_vreg.scatter @!p3 [tilespmem:s17], [sflag:$0x2], $0x80, v43, vm1, $0xb8;
	[tilespmem:$0xD780] =	vst v63  }
0x338: {  	p0 =	slt.u32 s15, $0x20;
	s17 =	simm.s32 @!p3 $0x6F80  }
0x339: {  	[hbm4b:s8+s16] =	stream.indirect_vreg.scatter @!p3 [tilespmem:s17], [sflag:$0x2], $0x80, v43, vm1, $0xb8;
	[tilespmem:$0xD780] =	vst v63  }
0x33a: {  	v43 =	vld @!p0 [tilespmem:$0xF80];
	_ =	sdelay $0x4  }
0x33b: {  	v44 =	vshrl.u32 @!p0 v43, $0x3  }
0x33c: {  	v44 =	vmul.u32 @!p0 $0x30, v44  }
0x33d: {  	v45 =	vlaneseq.u32 @!p0;
	v43 =	vand.u32 @!p0 $0x7, v43  }
0x33e: {  	v46 =	vshrl.u32 @!p0 v45, $0x3;
	v43 =	vor.u32 @!p0 v43, v44;
	v44 =	vand.u32 @!p0 $0x7, v45  }
0x33f: {  	v46 =	vmul.u32 @!p0 $0x8, v46;
	v47 =	vperm.xlane @!p0 v43, v44;
	_ =	sdelay $0x1  }
0x340: {  	v47 =	vadd.s32 @!p0 v46, v47;
	_ =	sdelay $0x1  }
0x341: {  	s16 =	simm.s32 @!p0 $0x0  }
0x342: {  	s16 =	simm.s32 @p0 $0x1;
	v45 =	vor.u32 @!p0 $0x8, v45  }
0x343: {  	vm1 =	vmmov @!p0 $0xffff;
	s17 =	simm.s32 @!p0 $0x7780;
	[smem:$0x7E5] =	sst s16;
	s16 =	simm.s32 @!p0 $0x0;
	v43 =	vperm.xlane @!p0 v43, v45  }
0x344: {  	[hbm4b:s2+s16] =	stream.indirect_vreg.scatter @!p0 [tilespmem:s17], [sflag:$0x3], $0x80, v47, vm1, $0xb8;
	[tilespmem:$0xD780] =	vst v63  }
0x345: {  	v43 =	vadd.s32 @!p0 v46, v43;
	s17 =	simm.s32 @!p0 $0x7F80  }
0x346: {  	[hbm4b:s7+s16] =	stream.indirect_vreg.scatter @!p0 [tilespmem:s17], [sflag:$0x3], $0x80, v47, vm1, $0xb8;
	[tilespmem:$0xD780] =	vst v63  }
0x347: {  	s17 =	simm.s32 @!p0 $0x8780  }
0x348: {  	[hbm4b:s8+s16] =	stream.indirect_vreg.scatter @!p0 [tilespmem:s17], [sflag:$0x3], $0x80, v47, vm1, $0xb8;
	[tilespmem:$0xD780] =	vst v63  }
0x349: {  	s17 =	simm.s32 @!p0 $0x8F80  }
0x34a: {  	[hbm4b:s2+s16] =	stream.indirect_vreg.scatter @!p0 [tilespmem:s17], [sflag:$0x3], $0x80, v43, vm1, $0xb8;
	[tilespmem:$0xD780] =	vst v63  }
0x34b: {  	s17 =	simm.s32 @!p0 $0x9780  }
0x34c: {  	[hbm4b:s7+s16] =	stream.indirect_vreg.scatter @!p0 [tilespmem:s17], [sflag:$0x3], $0x80, v43, vm1, $0xb8;
	[tilespmem:$0xD780] =	vst v63  }
0x34d: {  	s17 =	simm.s32 @!p0 $0x9F80  }
0x34e: {  	[hbm4b:s8+s16] =	stream.indirect_vreg.scatter @!p0 [tilespmem:s17], [sflag:$0x3], $0x80, v43, vm1, $0xb8;
	[tilespmem:$0xD780] =	vst v63  }
0x34f: {  	v43 =	vld @!p0 [tilespmem:$0xF90];
	_ =	sdelay $0x4  }
0x350: {  	v47 =	vshrl.u32 @!p0 v43, $0x3  }
0x351: {  	v47 =	vmul.u32 @!p0 $0x30, v47  }
0x352: {  	v43 =	vand.u32 @!p0 $0x7, v43  }
0x353: {  	v43 =	vor.u32 @!p0 v43, v47  }
0x354: {  	v44 =	vperm.xlane @!p0 v43, v44;
	_ =	sdelay $0x1  }
0x355: {  	v44 =	vadd.s32 @!p0 v46, v44;
	_ =	sdelay $0x3  }
0x356: {  	s17 =	simm.s32 @!p0 $0xA780;
	v43 =	vperm.xlane @!p0 v43, v45  }
0x357: {  	[hbm4b:s2+s16] =	stream.indirect_vreg.scatter @!p0 [tilespmem:s17], [sflag:$0x3], $0x80, v44, vm1, $0xb8;
	[tilespmem:$0xD780] =	vst v63  }
0x358: {  	v43 =	vadd.s32 @!p0 v46, v43;
	s17 =	simm.s32 @!p0 $0xAF80  }
0x359: {  	[hbm4b:s7+s16] =	stream.indirect_vreg.scatter @!p0 [tilespmem:s17], [sflag:$0x3], $0x80, v44, vm1, $0xb8;
	[tilespmem:$0xD780] =	vst v63  }
0x35a: {  	s17 =	simm.s32 @!p0 $0xB780  }
0x35b: {  	[hbm4b:s8+s16] =	stream.indirect_vreg.scatter @!p0 [tilespmem:s17], [sflag:$0x3], $0x80, v44, vm1, $0xb8;
	[tilespmem:$0xD780] =	vst v63  }
0x35c: {  	s17 =	simm.s32 @!p0 $0xBF80  }
0x35d: {  	[hbm4b:s2+s16] =	stream.indirect_vreg.scatter @!p0 [tilespmem:s17], [sflag:$0x3], $0x80, v43, vm1, $0xb8;
	[tilespmem:$0xD780] =	vst v63  }
0x35e: {  	s17 =	simm.s32 @!p0 $0xC780  }
0x35f: {  	[hbm4b:s7+s16] =	stream.indirect_vreg.scatter @!p0 [tilespmem:s17], [sflag:$0x3], $0x80, v43, vm1, $0xb8;
	[tilespmem:$0xD780] =	vst v63  }
0x360: {  	s17 =	simm.s32 @!p0 $0xCF80  }
0x361: {  	[hbm4b:s8+s16] =	stream.indirect_vreg.scatter @!p0 [tilespmem:s17], [sflag:$0x3], $0x80, v43, vm1, $0xb8;
	[tilespmem:$0xD780] =	vst v63  }
0x362: {  	p0 =	slt.u32 s21, $0x40  }
0x363: {  	v43 =	vld @!p0 [tilespmem:$0x800];
	_ =	sdelay $0x4  }
0x364: {  	v44 =	vshrl.u32 @!p0 v43, $0x3  }
0x365: {  	v44 =	vmul.u32 @!p0 $0x30, v44  }
0x366: {  	v45 =	vlaneseq.u32 @!p0;
	v43 =	vand.u32 @!p0 $0x7, v43  }
0x367: {  	v46 =	vshrl.u32 @!p0 v45, $0x3;
	v43 =	vor.u32 @!p0 v43, v44;
	v44 =	vand.u32 @!p0 $0x7, v45  }
0x368: {  	v46 =	vmul.u32 @!p0 $0x8, v46;
	v47 =	vperm.xlane @!p0 v43, v44;
	_ =	sdelay $0x1  }
0x369: {  	v47 =	vadd.s32 @!p0 v46, v47;
	_ =	sdelay $0x1  }
0x36a: {  	s16 =	simm.s32 @!p0 $0x0  }
0x36b: {  	s16 =	simm.s32 @p0 $0x1;
	v45 =	vor.u32 @!p0 $0x8, v45  }
0x36c: {  	vm1 =	vmmov @!p0 $0xffff;
	s17 =	simm.s32 @!p0 $0x1780;
	[smem:$0x7E6] =	sst s16;
	s16 =	simm.s32 @!p0 $0x0;
	v43 =	vperm.xlane @!p0 v43, v45  }
0x36d: {  	[hbm4b:s2+s16] =	stream.indirect_vreg.scatter @!p0 [tilespmem:s17], [sflag:$0x2], $0x80, v47, vm1, $0xb8;
	[tilespmem:$0xD780] =	vst v63  }
0x36e: {  	v43 =	vadd.s32 @!p0 v46, v43;
	s17 =	simm.s32 @!p0 $0x1F80  }
0x36f: {  	[hbm4b:s7+s16] =	stream.indirect_vreg.scatter @!p0 [tilespmem:s17], [sflag:$0x2], $0x80, v47, vm1, $0xb8;
	[tilespmem:$0xD780] =	vst v63  }
0x370: {  	s17 =	simm.s32 @!p0 $0x2780  }
0x371: {  	[hbm4b:s8+s16] =	stream.indirect_vreg.scatter @!p0 [tilespmem:s17], [sflag:$0x2], $0x80, v47, vm1, $0xb8;
	[tilespmem:$0xD780] =	vst v63  }
0x372: {  	s17 =	simm.s32 @!p0 $0x2F80  }
0x373: {  	[hbm4b:s2+s16] =	stream.indirect_vreg.scatter @!p0 [tilespmem:s17], [sflag:$0x2], $0x80, v43, vm1, $0xb8;
	[tilespmem:$0xD780] =	vst v63  }
0x374: {  	s17 =	simm.s32 @!p0 $0x3780  }
0x375: {  	[hbm4b:s7+s16] =	stream.indirect_vreg.scatter @!p0 [tilespmem:s17], [sflag:$0x2], $0x80, v43, vm1, $0xb8;
	[tilespmem:$0xD780] =	vst v63  }
0x376: {  	s17 =	simm.s32 @!p0 $0x3F80  }
0x377: {  	[hbm4b:s8+s16] =	stream.indirect_vreg.scatter @!p0 [tilespmem:s17], [sflag:$0x2], $0x80, v43, vm1, $0xb8;
	[tilespmem:$0xD780] =	vst v63  }
0x378: {  	v43 =	vld @!p0 [tilespmem:$0x810];
	_ =	sdelay $0x4  }
0x379: {  	v47 =	vshrl.u32 @!p0 v43, $0x3  }
0x37a: {  	v47 =	vmul.u32 @!p0 $0x30, v47  }
0x37b: {  	v43 =	vand.u32 @!p0 $0x7, v43  }
0x37c: {  	v43 =	vor.u32 @!p0 v43, v47  }
0x37d: {  	v44 =	vperm.xlane @!p0 v43, v44;
	_ =	sdelay $0x1  }
0x37e: {  	v44 =	vadd.s32 @!p0 v46, v44;
	_ =	sdelay $0x3  }
0x37f: {  	s17 =	simm.s32 @!p0 $0x4780;
	v43 =	vperm.xlane @!p0 v43, v45  }
0x380: {  	[hbm4b:s2+s16] =	stream.indirect_vreg.scatter @!p0 [tilespmem:s17], [sflag:$0x2], $0x80, v44, vm1, $0xb8;
	[tilespmem:$0xD780] =	vst v63  }
0x381: {  	v43 =	vadd.s32 @!p0 v46, v43;
	s17 =	simm.s32 @!p0 $0x4F80  }
0x382: {  	[hbm4b:s7+s16] =	stream.indirect_vreg.scatter @!p0 [tilespmem:s17], [sflag:$0x2], $0x80, v44, vm1, $0xb8;
	[tilespmem:$0xD780] =	vst v63  }
0x383: {  	s17 =	simm.s32 @!p0 $0x5780  }
0x384: {  	[hbm4b:s8+s16] =	stream.indirect_vreg.scatter @!p0 [tilespmem:s17], [sflag:$0x2], $0x80, v44, vm1, $0xb8;
	[tilespmem:$0xD780] =	vst v63  }
0x385: {  	s17 =	simm.s32 @!p0 $0x5F80  }
0x386: {  	[hbm4b:s2+s16] =	stream.indirect_vreg.scatter @!p0 [tilespmem:s17], [sflag:$0x2], $0x80, v43, vm1, $0xb8;
	[tilespmem:$0xD780] =	vst v63  }
0x387: {  	s17 =	simm.s32 @!p0 $0x6780  }
0x388: {  	[hbm4b:s7+s16] =	stream.indirect_vreg.scatter @!p0 [tilespmem:s17], [sflag:$0x2], $0x80, v43, vm1, $0xb8;
	[tilespmem:$0xD780] =	vst v63  }
0x389: {  	s17 =	simm.s32 @!p0 $0x6F80  }
0x38a: {  	[hbm4b:s8+s16] =	stream.indirect_vreg.scatter @!p0 [tilespmem:s17], [sflag:$0x2], $0x80, v43, vm1, $0xb8;
	[tilespmem:$0xD780] =	vst v63  }
0x38b: {  	p0 =	slt.u32 s15, $0x40  }
0x38c: {  	v43 =	vld @!p0 [tilespmem:$0x1000];
	_ =	sdelay $0x4  }
0x38d: {  	v44 =	vshrl.u32 @!p0 v43, $0x3  }
0x38e: {  	v44 =	vmul.u32 @!p0 $0x30, v44  }
0x38f: {  	v45 =	vlaneseq.u32 @!p0;
	v43 =	vand.u32 @!p0 $0x7, v43  }
0x390: {  	v46 =	vshrl.u32 @!p0 v45, $0x3;
	v43 =	vor.u32 @!p0 v43, v44;
	v44 =	vand.u32 @!p0 $0x7, v45  }
0x391: {  	v46 =	vmul.u32 @!p0 $0x8, v46;
	v47 =	vperm.xlane @!p0 v43, v44;
	_ =	sdelay $0x1  }
0x392: {  	v47 =	vadd.s32 @!p0 v46, v47;
	_ =	sdelay $0x1  }
0x393: {  	s16 =	simm.s32 @!p0 $0x0  }
0x394: {  	s16 =	simm.s32 @p0 $0x1;
	v45 =	vor.u32 @!p0 $0x8, v45  }
0x395: {  	vm1 =	vmmov @!p0 $0xffff;
	s17 =	simm.s32 @!p0 $0x7780;
	[smem:$0x7E7] =	sst s16;
	s16 =	simm.s32 @!p0 $0x0;
	v43 =	vperm.xlane @!p0 v43, v45  }
0x396: {  	[hbm4b:s2+s16] =	stream.indirect_vreg.scatter @!p0 [tilespmem:s17], [sflag:$0x3], $0x80, v47, vm1, $0xb8;
	[tilespmem:$0xD780] =	vst v63  }
0x397: {  	v43 =	vadd.s32 @!p0 v46, v43;
	s17 =	simm.s32 @!p0 $0x7F80  }
0x398: {  	[hbm4b:s7+s16] =	stream.indirect_vreg.scatter @!p0 [tilespmem:s17], [sflag:$0x3], $0x80, v47, vm1, $0xb8;
	[tilespmem:$0xD780] =	vst v63  }
0x399: {  	s17 =	simm.s32 @!p0 $0x8780  }
0x39a: {  	[hbm4b:s8+s16] =	stream.indirect_vreg.scatter @!p0 [tilespmem:s17], [sflag:$0x3], $0x80, v47, vm1, $0xb8;
	[tilespmem:$0xD780] =	vst v63  }
0x39b: {  	s17 =	simm.s32 @!p0 $0x8F80  }
0x39c: {  	[hbm4b:s2+s16] =	stream.indirect_vreg.scatter @!p0 [tilespmem:s17], [sflag:$0x3], $0x80, v43, vm1, $0xb8;
	[tilespmem:$0xD780] =	vst v63  }
0x39d: {  	s17 =	simm.s32 @!p0 $0x9780  }
0x39e: {  	[hbm4b:s7+s16] =	stream.indirect_vreg.scatter @!p0 [tilespmem:s17], [sflag:$0x3], $0x80, v43, vm1, $0xb8;
	[tilespmem:$0xD780] =	vst v63  }
0x39f: {  	s17 =	simm.s32 @!p0 $0x9F80  }
0x3a0: {  	[hbm4b:s8+s16] =	stream.indirect_vreg.scatter @!p0 [tilespmem:s17], [sflag:$0x3], $0x80, v43, vm1, $0xb8;
	[tilespmem:$0xD780] =	vst v63  }
0x3a1: {  	v43 =	vld @!p0 [tilespmem:$0x1010];
	_ =	sdelay $0x4  }
0x3a2: {  	v47 =	vshrl.u32 @!p0 v43, $0x3  }
0x3a3: {  	v47 =	vmul.u32 @!p0 $0x30, v47  }
0x3a4: {  	v43 =	vand.u32 @!p0 $0x7, v43  }
0x3a5: {  	v43 =	vor.u32 @!p0 v43, v47  }
0x3a6: {  	v44 =	vperm.xlane @!p0 v43, v44;
	_ =	sdelay $0x1  }
0x3a7: {  	v44 =	vadd.s32 @!p0 v46, v44;
	_ =	sdelay $0x3  }
0x3a8: {  	s17 =	simm.s32 @!p0 $0xA780;
	v43 =	vperm.xlane @!p0 v43, v45  }
0x3a9: {  	[hbm4b:s2+s16] =	stream.indirect_vreg.scatter @!p0 [tilespmem:s17], [sflag:$0x3], $0x80, v44, vm1, $0xb8;
	[tilespmem:$0xD780] =	vst v63  }
0x3aa: {  	v43 =	vadd.s32 @!p0 v46, v43;
	s17 =	simm.s32 @!p0 $0xAF80  }
0x3ab: {  	[hbm4b:s7+s16] =	stream.indirect_vreg.scatter @!p0 [tilespmem:s17], [sflag:$0x3], $0x80, v44, vm1, $0xb8;
	[tilespmem:$0xD780] =	vst v63  }
0x3ac: {  	s17 =	simm.s32 @!p0 $0xB780  }
0x3ad: {  	[hbm4b:s8+s16] =	stream.indirect_vreg.scatter @!p0 [tilespmem:s17], [sflag:$0x3], $0x80, v44, vm1, $0xb8;
	[tilespmem:$0xD780] =	vst v63  }
0x3ae: {  	s17 =	simm.s32 @!p0 $0xBF80  }
0x3af: {  	[hbm4b:s2+s16] =	stream.indirect_vreg.scatter @!p0 [tilespmem:s17], [sflag:$0x3], $0x80, v43, vm1, $0xb8;
	[tilespmem:$0xD780] =	vst v63  }
0x3b0: {  	s17 =	simm.s32 @!p0 $0xC780  }
0x3b1: {  	[hbm4b:s7+s16] =	stream.indirect_vreg.scatter @!p0 [tilespmem:s17], [sflag:$0x3], $0x80, v43, vm1, $0xb8;
	[tilespmem:$0xD780] =	vst v63  }
0x3b2: {  	s17 =	simm.s32 @!p0 $0xCF80  }
0x3b3: {  	[hbm4b:s8+s16] =	stream.indirect_vreg.scatter @!p0 [tilespmem:s17], [sflag:$0x3], $0x80, v43, vm1, $0xb8;
	[tilespmem:$0xD780] =	vst v63  }
0x3b4: {  	p0 =	slt.u32 s21, $0x60  }
0x3b5: {  	v43 =	vld @!p0 [tilespmem:$0x880];
	_ =	sdelay $0x4  }
0x3b6: {  	v44 =	vshrl.u32 @!p0 v43, $0x3  }
0x3b7: {  	v44 =	vmul.u32 @!p0 $0x30, v44  }
0x3b8: {  	v45 =	vlaneseq.u32 @!p0;
	v43 =	vand.u32 @!p0 $0x7, v43  }
0x3b9: {  	v46 =	vshrl.u32 @!p0 v45, $0x3;
	v43 =	vor.u32 @!p0 v43, v44;
	v44 =	vand.u32 @!p0 $0x7, v45  }
0x3ba: {  	v46 =	vmul.u32 @!p0 $0x8, v46;
	v47 =	vperm.xlane @!p0 v43, v44;
	_ =	sdelay $0x1  }
0x3bb: {  	v47 =	vadd.s32 @!p0 v46, v47;
	_ =	sdelay $0x1  }
0x3bc: {  	s16 =	simm.s32 @!p0 $0x0  }
0x3bd: {  	s16 =	simm.s32 @p0 $0x1;
	v45 =	vor.u32 @!p0 $0x8, v45  }
0x3be: {  	vm1 =	vmmov @!p0 $0xffff;
	s17 =	simm.s32 @!p0 $0x1780;
	[smem:$0x7E8] =	sst s16;
	s16 =	simm.s32 @!p0 $0x0;
	v43 =	vperm.xlane @!p0 v43, v45  }
0x3bf: {  	[hbm4b:s2+s16] =	stream.indirect_vreg.scatter @!p0 [tilespmem:s17], [sflag:$0x2], $0x80, v47, vm1, $0xb8;
	[tilespmem:$0xD780] =	vst v63  }
0x3c0: {  	v43 =	vadd.s32 @!p0 v46, v43;
	s17 =	simm.s32 @!p0 $0x1F80  }
0x3c1: {  	[hbm4b:s7+s16] =	stream.indirect_vreg.scatter @!p0 [tilespmem:s17], [sflag:$0x2], $0x80, v47, vm1, $0xb8;
	[tilespmem:$0xD780] =	vst v63  }
0x3c2: {  	s17 =	simm.s32 @!p0 $0x2780  }
0x3c3: {  	[hbm4b:s8+s16] =	stream.indirect_vreg.scatter @!p0 [tilespmem:s17], [sflag:$0x2], $0x80, v47, vm1, $0xb8;
	[tilespmem:$0xD780] =	vst v63  }
0x3c4: {  	s17 =	simm.s32 @!p0 $0x2F80  }
0x3c5: {  	[hbm4b:s2+s16] =	stream.indirect_vreg.scatter @!p0 [tilespmem:s17], [sflag:$0x2], $0x80, v43, vm1, $0xb8;
	[tilespmem:$0xD780] =	vst v63  }
0x3c6: {  	s17 =	simm.s32 @!p0 $0x3780  }
0x3c7: {  	[hbm4b:s7+s16] =	stream.indirect_vreg.scatter @!p0 [tilespmem:s17], [sflag:$0x2], $0x80, v43, vm1, $0xb8;
	[tilespmem:$0xD780] =	vst v63  }
0x3c8: {  	s17 =	simm.s32 @!p0 $0x3F80  }
0x3c9: {  	[hbm4b:s8+s16] =	stream.indirect_vreg.scatter @!p0 [tilespmem:s17], [sflag:$0x2], $0x80, v43, vm1, $0xb8;
	[tilespmem:$0xD780] =	vst v63  }
0x3ca: {  	v43 =	vld @!p0 [tilespmem:$0x890];
	_ =	sdelay $0x4  }
0x3cb: {  	v47 =	vshrl.u32 @!p0 v43, $0x3  }
0x3cc: {  	v47 =	vmul.u32 @!p0 $0x30, v47  }
0x3cd: {  	v43 =	vand.u32 @!p0 $0x7, v43  }
0x3ce: {  	v43 =	vor.u32 @!p0 v43, v47  }
0x3cf: {  	v44 =	vperm.xlane @!p0 v43, v44;
	_ =	sdelay $0x1  }
0x3d0: {  	v44 =	vadd.s32 @!p0 v46, v44;
	_ =	sdelay $0x3  }
0x3d1: {  	s17 =	simm.s32 @!p0 $0x4780;
	v43 =	vperm.xlane @!p0 v43, v45  }
0x3d2: {  	[hbm4b:s2+s16] =	stream.indirect_vreg.scatter @!p0 [tilespmem:s17], [sflag:$0x2], $0x80, v44, vm1, $0xb8;
	[tilespmem:$0xD780] =	vst v63  }
0x3d3: {  	v43 =	vadd.s32 @!p0 v46, v43;
	s17 =	simm.s32 @!p0 $0x4F80  }
0x3d4: {  	[hbm4b:s7+s16] =	stream.indirect_vreg.scatter @!p0 [tilespmem:s17], [sflag:$0x2], $0x80, v44, vm1, $0xb8;
	[tilespmem:$0xD780] =	vst v63  }
0x3d5: {  	s17 =	simm.s32 @!p0 $0x5780  }
0x3d6: {  	[hbm4b:s8+s16] =	stream.indirect_vreg.scatter @!p0 [tilespmem:s17], [sflag:$0x2], $0x80, v44, vm1, $0xb8;
	[tilespmem:$0xD780] =	vst v63  }
0x3d7: {  	s17 =	simm.s32 @!p0 $0x5F80  }
0x3d8: {  	[hbm4b:s2+s16] =	stream.indirect_vreg.scatter @!p0 [tilespmem:s17], [sflag:$0x2], $0x80, v43, vm1, $0xb8;
	[tilespmem:$0xD780] =	vst v63  }
0x3d9: {  	s17 =	simm.s32 @!p0 $0x6780  }
0x3da: {  	[hbm4b:s7+s16] =	stream.indirect_vreg.scatter @!p0 [tilespmem:s17], [sflag:$0x2], $0x80, v43, vm1, $0xb8;
	[tilespmem:$0xD780] =	vst v63  }
0x3db: {  	s17 =	simm.s32 @!p0 $0x6F80  }
0x3dc: {  	[hbm4b:s8+s16] =	stream.indirect_vreg.scatter @!p0 [tilespmem:s17], [sflag:$0x2], $0x80, v43, vm1, $0xb8;
	[tilespmem:$0xD780] =	vst v63  }
0x3dd: {  	p0 =	slt.u32 s15, $0x60  }
0x3de: {  	v43 =	vld @!p0 [tilespmem:$0x1080];
	_ =	sdelay $0x4  }
0x3df: {  	v44 =	vshrl.u32 @!p0 v43, $0x3  }
0x3e0: {  	v44 =	vmul.u32 @!p0 $0x30, v44  }
0x3e1: {  	v45 =	vlaneseq.u32 @!p0;
	v43 =	vand.u32 @!p0 $0x7, v43  }
0x3e2: {  	v46 =	vshrl.u32 @!p0 v45, $0x3;
	v43 =	vor.u32 @!p0 v43, v44;
	v44 =	vand.u32 @!p0 $0x7, v45  }
0x3e3: {  	v46 =	vmul.u32 @!p0 $0x8, v46;
	v47 =	vperm.xlane @!p0 v43, v44;
	_ =	sdelay $0x1  }
0x3e4: {  	v47 =	vadd.s32 @!p0 v46, v47;
	_ =	sdelay $0x1  }
0x3e5: {  	s16 =	simm.s32 @!p0 $0x0  }
0x3e6: {  	s16 =	simm.s32 @p0 $0x1;
	v45 =	vor.u32 @!p0 $0x8, v45  }
0x3e7: {  	vm1 =	vmmov @!p0 $0xffff;
	s17 =	simm.s32 @!p0 $0x7780;
	[smem:$0x7E9] =	sst s16;
	s16 =	simm.s32 @!p0 $0x0;
	v43 =	vperm.xlane @!p0 v43, v45  }
0x3e8: {  	[hbm4b:s2+s16] =	stream.indirect_vreg.scatter @!p0 [tilespmem:s17], [sflag:$0x3], $0x80, v47, vm1, $0xb8;
	[tilespmem:$0xD780] =	vst v63  }
0x3e9: {  	v43 =	vadd.s32 @!p0 v46, v43;
	s17 =	simm.s32 @!p0 $0x7F80  }
0x3ea: {  	[hbm4b:s7+s16] =	stream.indirect_vreg.scatter @!p0 [tilespmem:s17], [sflag:$0x3], $0x80, v47, vm1, $0xb8;
	[tilespmem:$0xD780] =	vst v63  }
0x3eb: {  	s17 =	simm.s32 @!p0 $0x8780  }
0x3ec: {  	[hbm4b:s8+s16] =	stream.indirect_vreg.scatter @!p0 [tilespmem:s17], [sflag:$0x3], $0x80, v47, vm1, $0xb8;
	[tilespmem:$0xD780] =	vst v63  }
0x3ed: {  	s17 =	simm.s32 @!p0 $0x8F80  }
0x3ee: {  	[hbm4b:s2+s16] =	stream.indirect_vreg.scatter @!p0 [tilespmem:s17], [sflag:$0x3], $0x80, v43, vm1, $0xb8;
	[tilespmem:$0xD780] =	vst v63  }
0x3ef: {  	s17 =	simm.s32 @!p0 $0x9780  }
0x3f0: {  	[hbm4b:s7+s16] =	stream.indirect_vreg.scatter @!p0 [tilespmem:s17], [sflag:$0x3], $0x80, v43, vm1, $0xb8;
	[tilespmem:$0xD780] =	vst v63  }
0x3f1: {  	s17 =	simm.s32 @!p0 $0x9F80  }
0x3f2: {  	[hbm4b:s8+s16] =	stream.indirect_vreg.scatter @!p0 [tilespmem:s17], [sflag:$0x3], $0x80, v43, vm1, $0xb8;
	[tilespmem:$0xD780] =	vst v63  }
0x3f3: {  	v43 =	vld @!p0 [tilespmem:$0x1090];
	_ =	sdelay $0x4  }
0x3f4: {  	v47 =	vshrl.u32 @!p0 v43, $0x3  }
0x3f5: {  	v47 =	vmul.u32 @!p0 $0x30, v47  }
0x3f6: {  	v43 =	vand.u32 @!p0 $0x7, v43  }
0x3f7: {  	v43 =	vor.u32 @!p0 v43, v47  }
0x3f8: {  	v44 =	vperm.xlane @!p0 v43, v44;
	_ =	sdelay $0x1  }
0x3f9: {  	v44 =	vadd.s32 @!p0 v46, v44;
	_ =	sdelay $0x3  }
0x3fa: {  	s17 =	simm.s32 @!p0 $0xA780;
	v43 =	vperm.xlane @!p0 v43, v45  }
0x3fb: {  	[hbm4b:s2+s16] =	stream.indirect_vreg.scatter @!p0 [tilespmem:s17], [sflag:$0x3], $0x80, v44, vm1, $0xb8;
	[tilespmem:$0xD780] =	vst v63  }
0x3fc: {  	v43 =	vadd.s32 @!p0 v46, v43;
	s17 =	simm.s32 @!p0 $0xAF80  }
0x3fd: {  	[hbm4b:s7+s16] =	stream.indirect_vreg.scatter @!p0 [tilespmem:s17], [sflag:$0x3], $0x80, v44, vm1, $0xb8;
	[tilespmem:$0xD780] =	vst v63  }
0x3fe: {  	s17 =	simm.s32 @!p0 $0xB780  }
0x3ff: {  	[hbm4b:s8+s16] =	stream.indirect_vreg.scatter @!p0 [tilespmem:s17], [sflag:$0x3], $0x80, v44, vm1, $0xb8;
	[tilespmem:$0xD780] =	vst v63  }
0x400: {  	s17 =	simm.s32 @!p0 $0xBF80  }
0x401: {  	[hbm4b:s2+s16] =	stream.indirect_vreg.scatter @!p0 [tilespmem:s17], [sflag:$0x3], $0x80, v43, vm1, $0xb8;
	[tilespmem:$0xD780] =	vst v63  }
0x402: {  	s17 =	simm.s32 @!p0 $0xC780  }
0x403: {  	[hbm4b:s7+s16] =	stream.indirect_vreg.scatter @!p0 [tilespmem:s17], [sflag:$0x3], $0x80, v43, vm1, $0xb8;
	[tilespmem:$0xD780] =	vst v63  }
0x404: {  	s17 =	simm.s32 @!p0 $0xCF80  }
0x405: {  	[hbm4b:s8+s16] =	stream.indirect_vreg.scatter @!p0 [tilespmem:s17], [sflag:$0x3], $0x80, v43, vm1, $0xb8;
	[tilespmem:$0xD780] =	vst v63  }
0x406: {  	p0 =	slt.u32 s21, $0x80  }
0x407: {  	v43 =	vld @!p0 [tilespmem:$0x900];
	_ =	sdelay $0x4  }
0x408: {  	v44 =	vshrl.u32 @!p0 v43, $0x3  }
0x409: {  	v44 =	vmul.u32 @!p0 $0x30, v44  }
0x40a: {  	v45 =	vlaneseq.u32 @!p0;
	v43 =	vand.u32 @!p0 $0x7, v43  }
0x40b: {  	v46 =	vshrl.u32 @!p0 v45, $0x3;
	v43 =	vor.u32 @!p0 v43, v44;
	v44 =	vand.u32 @!p0 $0x7, v45  }
0x40c: {  	v46 =	vmul.u32 @!p0 $0x8, v46;
	v47 =	vperm.xlane @!p0 v43, v44;
	_ =	sdelay $0x1  }
0x40d: {  	v47 =	vadd.s32 @!p0 v46, v47;
	_ =	sdelay $0x1  }
0x40e: {  	s16 =	simm.s32 @!p0 $0x0  }
0x40f: {  	s16 =	simm.s32 @p0 $0x1;
	v45 =	vor.u32 @!p0 $0x8, v45  }
0x410: {  	vm1 =	vmmov @!p0 $0xffff;
	s17 =	simm.s32 @!p0 $0x1780;
	[smem:$0x7EA] =	sst s16;
	s16 =	simm.s32 @!p0 $0x0;
	v43 =	vperm.xlane @!p0 v43, v45  }
0x411: {  	[hbm4b:s2+s16] =	stream.indirect_vreg.scatter @!p0 [tilespmem:s17], [sflag:$0x2], $0x80, v47, vm1, $0xb8;
	[tilespmem:$0xD780] =	vst v63  }
0x412: {  	v43 =	vadd.s32 @!p0 v46, v43;
	s17 =	simm.s32 @!p0 $0x1F80  }
0x413: {  	[hbm4b:s7+s16] =	stream.indirect_vreg.scatter @!p0 [tilespmem:s17], [sflag:$0x2], $0x80, v47, vm1, $0xb8;
	[tilespmem:$0xD780] =	vst v63  }
0x414: {  	s17 =	simm.s32 @!p0 $0x2780  }
0x415: {  	[hbm4b:s8+s16] =	stream.indirect_vreg.scatter @!p0 [tilespmem:s17], [sflag:$0x2], $0x80, v47, vm1, $0xb8;
	[tilespmem:$0xD780] =	vst v63  }
0x416: {  	s17 =	simm.s32 @!p0 $0x2F80  }
0x417: {  	[hbm4b:s2+s16] =	stream.indirect_vreg.scatter @!p0 [tilespmem:s17], [sflag:$0x2], $0x80, v43, vm1, $0xb8;
	[tilespmem:$0xD780] =	vst v63  }
0x418: {  	s17 =	simm.s32 @!p0 $0x3780  }
0x419: {  	[hbm4b:s7+s16] =	stream.indirect_vreg.scatter @!p0 [tilespmem:s17], [sflag:$0x2], $0x80, v43, vm1, $0xb8;
	[tilespmem:$0xD780] =	vst v63  }
0x41a: {  	s17 =	simm.s32 @!p0 $0x3F80  }
0x41b: {  	[hbm4b:s8+s16] =	stream.indirect_vreg.scatter @!p0 [tilespmem:s17], [sflag:$0x2], $0x80, v43, vm1, $0xb8;
	[tilespmem:$0xD780] =	vst v63  }
0x41c: {  	v43 =	vld @!p0 [tilespmem:$0x910];
	_ =	sdelay $0x4  }
0x41d: {  	v47 =	vshrl.u32 @!p0 v43, $0x3  }
0x41e: {  	v47 =	vmul.u32 @!p0 $0x30, v47  }
0x41f: {  	v43 =	vand.u32 @!p0 $0x7, v43  }
0x420: {  	v43 =	vor.u32 @!p0 v43, v47  }
0x421: {  	v44 =	vperm.xlane @!p0 v43, v44;
	_ =	sdelay $0x1  }
0x422: {  	v44 =	vadd.s32 @!p0 v46, v44;
	_ =	sdelay $0x3  }
0x423: {  	s17 =	simm.s32 @!p0 $0x4780;
	v43 =	vperm.xlane @!p0 v43, v45  }
0x424: {  	[hbm4b:s2+s16] =	stream.indirect_vreg.scatter @!p0 [tilespmem:s17], [sflag:$0x2], $0x80, v44, vm1, $0xb8;
	[tilespmem:$0xD780] =	vst v63  }
0x425: {  	v43 =	vadd.s32 @!p0 v46, v43;
	s17 =	simm.s32 @!p0 $0x4F80  }
0x426: {  	[hbm4b:s7+s16] =	stream.indirect_vreg.scatter @!p0 [tilespmem:s17], [sflag:$0x2], $0x80, v44, vm1, $0xb8;
	[tilespmem:$0xD780] =	vst v63  }
0x427: {  	s17 =	simm.s32 @!p0 $0x5780  }
0x428: {  	[hbm4b:s8+s16] =	stream.indirect_vreg.scatter @!p0 [tilespmem:s17], [sflag:$0x2], $0x80, v44, vm1, $0xb8;
	[tilespmem:$0xD780] =	vst v63  }
0x429: {  	s17 =	simm.s32 @!p0 $0x5F80  }
0x42a: {  	[hbm4b:s2+s16] =	stream.indirect_vreg.scatter @!p0 [tilespmem:s17], [sflag:$0x2], $0x80, v43, vm1, $0xb8;
	[tilespmem:$0xD780] =	vst v63  }
0x42b: {  	s17 =	simm.s32 @!p0 $0x6780  }
0x42c: {  	[hbm4b:s7+s16] =	stream.indirect_vreg.scatter @!p0 [tilespmem:s17], [sflag:$0x2], $0x80, v43, vm1, $0xb8;
	[tilespmem:$0xD780] =	vst v63  }
0x42d: {  	s17 =	simm.s32 @!p0 $0x6F80  }
0x42e: {  	[hbm4b:s8+s16] =	stream.indirect_vreg.scatter @!p0 [tilespmem:s17], [sflag:$0x2], $0x80, v43, vm1, $0xb8;
	[tilespmem:$0xD780] =	vst v63  }
0x42f: {  	p0 =	slt.u32 s15, $0x80  }
0x430: {  	v43 =	vld @!p0 [tilespmem:$0x1100];
	_ =	sdelay $0x4  }
0x431: {  	v44 =	vshrl.u32 @!p0 v43, $0x3  }
0x432: {  	v44 =	vmul.u32 @!p0 $0x30, v44  }
0x433: {  	v45 =	vlaneseq.u32 @!p0;
	v43 =	vand.u32 @!p0 $0x7, v43  }
0x434: {  	v46 =	vshrl.u32 @!p0 v45, $0x3;
	v43 =	vor.u32 @!p0 v43, v44;
	v44 =	vand.u32 @!p0 $0x7, v45  }
0x435: {  	v46 =	vmul.u32 @!p0 $0x8, v46;
	v47 =	vperm.xlane @!p0 v43, v44;
	_ =	sdelay $0x1  }
0x436: {  	v47 =	vadd.s32 @!p0 v46, v47;
	_ =	sdelay $0x1  }
0x437: {  	s16 =	simm.s32 @!p0 $0x0  }
0x438: {  	s16 =	simm.s32 @p0 $0x1;
	v45 =	vor.u32 @!p0 $0x8, v45  }
0x439: {  	vm1 =	vmmov @!p0 $0xffff;
	s17 =	simm.s32 @!p0 $0x7780;
	[smem:$0x7EB] =	sst s16;
	s16 =	simm.s32 @!p0 $0x0;
	v43 =	vperm.xlane @!p0 v43, v45  }
0x43a: {  	[hbm4b:s2+s16] =	stream.indirect_vreg.scatter @!p0 [tilespmem:s17], [sflag:$0x3], $0x80, v47, vm1, $0xb8;
	[tilespmem:$0xD780] =	vst v63  }
0x43b: {  	v43 =	vadd.s32 @!p0 v46, v43;
	s17 =	simm.s32 @!p0 $0x7F80  }
0x43c: {  	[hbm4b:s7+s16] =	stream.indirect_vreg.scatter @!p0 [tilespmem:s17], [sflag:$0x3], $0x80, v47, vm1, $0xb8;
	[tilespmem:$0xD780] =	vst v63  }
0x43d: {  	s17 =	simm.s32 @!p0 $0x8780  }
0x43e: {  	[hbm4b:s8+s16] =	stream.indirect_vreg.scatter @!p0 [tilespmem:s17], [sflag:$0x3], $0x80, v47, vm1, $0xb8;
	[tilespmem:$0xD780] =	vst v63  }
0x43f: {  	s17 =	simm.s32 @!p0 $0x8F80  }
0x440: {  	[hbm4b:s2+s16] =	stream.indirect_vreg.scatter @!p0 [tilespmem:s17], [sflag:$0x3], $0x80, v43, vm1, $0xb8;
	[tilespmem:$0xD780] =	vst v63  }
0x441: {  	s17 =	simm.s32 @!p0 $0x9780  }
0x442: {  	[hbm4b:s7+s16] =	stream.indirect_vreg.scatter @!p0 [tilespmem:s17], [sflag:$0x3], $0x80, v43, vm1, $0xb8;
	[tilespmem:$0xD780] =	vst v63  }
0x443: {  	s17 =	simm.s32 @!p0 $0x9F80  }
0x444: {  	[hbm4b:s8+s16] =	stream.indirect_vreg.scatter @!p0 [tilespmem:s17], [sflag:$0x3], $0x80, v43, vm1, $0xb8;
	[tilespmem:$0xD780] =	vst v63  }
0x445: {  	v43 =	vld @!p0 [tilespmem:$0x1110];
	_ =	sdelay $0x4  }
0x446: {  	v47 =	vshrl.u32 @!p0 v43, $0x3  }
0x447: {  	v47 =	vmul.u32 @!p0 $0x30, v47  }
0x448: {  	v43 =	vand.u32 @!p0 $0x7, v43  }
0x449: {  	v43 =	vor.u32 @!p0 v43, v47  }
0x44a: {  	v44 =	vperm.xlane @!p0 v43, v44;
	_ =	sdelay $0x1  }
0x44b: {  	v44 =	vadd.s32 @!p0 v46, v44;
	_ =	sdelay $0x3  }
0x44c: {  	s17 =	simm.s32 @!p0 $0xA780;
	v43 =	vperm.xlane @!p0 v43, v45  }
0x44d: {  	[hbm4b:s2+s16] =	stream.indirect_vreg.scatter @!p0 [tilespmem:s17], [sflag:$0x3], $0x80, v44, vm1, $0xb8;
	[tilespmem:$0xD780] =	vst v63  }
0x44e: {  	v43 =	vadd.s32 @!p0 v46, v43;
	s17 =	simm.s32 @!p0 $0xAF80  }
0x44f: {  	[hbm4b:s7+s16] =	stream.indirect_vreg.scatter @!p0 [tilespmem:s17], [sflag:$0x3], $0x80, v44, vm1, $0xb8;
	[tilespmem:$0xD780] =	vst v63  }
0x450: {  	s17 =	simm.s32 @!p0 $0xB780  }
0x451: {  	[hbm4b:s8+s16] =	stream.indirect_vreg.scatter @!p0 [tilespmem:s17], [sflag:$0x3], $0x80, v44, vm1, $0xb8;
	[tilespmem:$0xD780] =	vst v63  }
0x452: {  	s17 =	simm.s32 @!p0 $0xBF80  }
0x453: {  	[hbm4b:s2+s16] =	stream.indirect_vreg.scatter @!p0 [tilespmem:s17], [sflag:$0x3], $0x80, v43, vm1, $0xb8;
	[tilespmem:$0xD780] =	vst v63  }
0x454: {  	s17 =	simm.s32 @!p0 $0xC780  }
0x455: {  	[hbm4b:s7+s16] =	stream.indirect_vreg.scatter @!p0 [tilespmem:s17], [sflag:$0x3], $0x80, v43, vm1, $0xb8;
	[tilespmem:$0xD780] =	vst v63  }
0x456: {  	s17 =	simm.s32 @!p0 $0xCF80  }
0x457: {  	[hbm4b:s8+s16] =	stream.indirect_vreg.scatter @!p0 [tilespmem:s17], [sflag:$0x3], $0x80, v43, vm1, $0xb8;
	[tilespmem:$0xD780] =	vst v63  }
0x458: {  	p0 =	slt.u32 s21, $0xA0  }
0x459: {  	v43 =	vld @!p0 [tilespmem:$0x980];
	_ =	sdelay $0x4  }
0x45a: {  	v44 =	vshrl.u32 @!p0 v43, $0x3  }
0x45b: {  	v44 =	vmul.u32 @!p0 $0x30, v44  }
0x45c: {  	v45 =	vlaneseq.u32 @!p0;
	v43 =	vand.u32 @!p0 $0x7, v43  }
0x45d: {  	v46 =	vshrl.u32 @!p0 v45, $0x3;
	v43 =	vor.u32 @!p0 v43, v44;
	v44 =	vand.u32 @!p0 $0x7, v45  }
0x45e: {  	v46 =	vmul.u32 @!p0 $0x8, v46;
	v47 =	vperm.xlane @!p0 v43, v44;
	_ =	sdelay $0x1  }
0x45f: {  	v47 =	vadd.s32 @!p0 v46, v47;
	_ =	sdelay $0x1  }
0x460: {  	s16 =	simm.s32 @!p0 $0x0  }
0x461: {  	s16 =	simm.s32 @p0 $0x1;
	v45 =	vor.u32 @!p0 $0x8, v45  }
0x462: {  	vm1 =	vmmov @!p0 $0xffff;
	s17 =	simm.s32 @!p0 $0x1780;
	[smem:$0x7EC] =	sst s16;
	s16 =	simm.s32 @!p0 $0x0;
	v43 =	vperm.xlane @!p0 v43, v45  }
0x463: {  	[hbm4b:s2+s16] =	stream.indirect_vreg.scatter @!p0 [tilespmem:s17], [sflag:$0x2], $0x80, v47, vm1, $0xb8;
	[tilespmem:$0xD780] =	vst v63  }
0x464: {  	v43 =	vadd.s32 @!p0 v46, v43;
	s17 =	simm.s32 @!p0 $0x1F80  }
0x465: {  	[hbm4b:s7+s16] =	stream.indirect_vreg.scatter @!p0 [tilespmem:s17], [sflag:$0x2], $0x80, v47, vm1, $0xb8;
	[tilespmem:$0xD780] =	vst v63  }
0x466: {  	s17 =	simm.s32 @!p0 $0x2780  }
0x467: {  	[hbm4b:s8+s16] =	stream.indirect_vreg.scatter @!p0 [tilespmem:s17], [sflag:$0x2], $0x80, v47, vm1, $0xb8;
	[tilespmem:$0xD780] =	vst v63  }
0x468: {  	s17 =	simm.s32 @!p0 $0x2F80  }
0x469: {  	[hbm4b:s2+s16] =	stream.indirect_vreg.scatter @!p0 [tilespmem:s17], [sflag:$0x2], $0x80, v43, vm1, $0xb8;
	[tilespmem:$0xD780] =	vst v63  }
0x46a: {  	s17 =	simm.s32 @!p0 $0x3780  }
0x46b: {  	[hbm4b:s7+s16] =	stream.indirect_vreg.scatter @!p0 [tilespmem:s17], [sflag:$0x2], $0x80, v43, vm1, $0xb8;
	[tilespmem:$0xD780] =	vst v63  }
0x46c: {  	s17 =	simm.s32 @!p0 $0x3F80  }
0x46d: {  	[hbm4b:s8+s16] =	stream.indirect_vreg.scatter @!p0 [tilespmem:s17], [sflag:$0x2], $0x80, v43, vm1, $0xb8;
	[tilespmem:$0xD780] =	vst v63  }
0x46e: {  	v43 =	vld @!p0 [tilespmem:$0x990];
	_ =	sdelay $0x4  }
0x46f: {  	v47 =	vshrl.u32 @!p0 v43, $0x3  }
0x470: {  	v47 =	vmul.u32 @!p0 $0x30, v47  }
0x471: {  	v43 =	vand.u32 @!p0 $0x7, v43  }
0x472: {  	v43 =	vor.u32 @!p0 v43, v47  }
0x473: {  	v44 =	vperm.xlane @!p0 v43, v44;
	_ =	sdelay $0x1  }
0x474: {  	v44 =	vadd.s32 @!p0 v46, v44;
	_ =	sdelay $0x3  }
0x475: {  	s17 =	simm.s32 @!p0 $0x4780;
	v43 =	vperm.xlane @!p0 v43, v45  }
0x476: {  	[hbm4b:s2+s16] =	stream.indirect_vreg.scatter @!p0 [tilespmem:s17], [sflag:$0x2], $0x80, v44, vm1, $0xb8;
	[tilespmem:$0xD780] =	vst v63  }
0x477: {  	v43 =	vadd.s32 @!p0 v46, v43;
	s17 =	simm.s32 @!p0 $0x4F80  }
0x478: {  	[hbm4b:s7+s16] =	stream.indirect_vreg.scatter @!p0 [tilespmem:s17], [sflag:$0x2], $0x80, v44, vm1, $0xb8;
	[tilespmem:$0xD780] =	vst v63  }
0x479: {  	s17 =	simm.s32 @!p0 $0x5780  }
0x47a: {  	[hbm4b:s8+s16] =	stream.indirect_vreg.scatter @!p0 [tilespmem:s17], [sflag:$0x2], $0x80, v44, vm1, $0xb8;
	[tilespmem:$0xD780] =	vst v63  }
0x47b: {  	s17 =	simm.s32 @!p0 $0x5F80  }
0x47c: {  	[hbm4b:s2+s16] =	stream.indirect_vreg.scatter @!p0 [tilespmem:s17], [sflag:$0x2], $0x80, v43, vm1, $0xb8;
	[tilespmem:$0xD780] =	vst v63  }
0x47d: {  	s17 =	simm.s32 @!p0 $0x6780  }
0x47e: {  	[hbm4b:s7+s16] =	stream.indirect_vreg.scatter @!p0 [tilespmem:s17], [sflag:$0x2], $0x80, v43, vm1, $0xb8;
	[tilespmem:$0xD780] =	vst v63  }
0x47f: {  	s17 =	simm.s32 @!p0 $0x6F80  }
0x480: {  	[hbm4b:s8+s16] =	stream.indirect_vreg.scatter @!p0 [tilespmem:s17], [sflag:$0x2], $0x80, v43, vm1, $0xb8;
	[tilespmem:$0xD780] =	vst v63  }
0x481: {  	p0 =	slt.u32 s15, $0xA0  }
0x482: {  	v43 =	vld @!p0 [tilespmem:$0x1180];
	_ =	sdelay $0x4  }
0x483: {  	v44 =	vshrl.u32 @!p0 v43, $0x3  }
0x484: {  	v44 =	vmul.u32 @!p0 $0x30, v44  }
0x485: {  	v45 =	vlaneseq.u32 @!p0;
	v43 =	vand.u32 @!p0 $0x7, v43  }
0x486: {  	v46 =	vshrl.u32 @!p0 v45, $0x3;
	v43 =	vor.u32 @!p0 v43, v44;
	v44 =	vand.u32 @!p0 $0x7, v45  }
0x487: {  	v46 =	vmul.u32 @!p0 $0x8, v46;
	v47 =	vperm.xlane @!p0 v43, v44;
	_ =	sdelay $0x1  }
0x488: {  	v47 =	vadd.s32 @!p0 v46, v47;
	_ =	sdelay $0x1  }
0x489: {  	s16 =	simm.s32 @!p0 $0x0  }
0x48a: {  	s16 =	simm.s32 @p0 $0x1;
	v45 =	vor.u32 @!p0 $0x8, v45  }
0x48b: {  	vm1 =	vmmov @!p0 $0xffff;
	s17 =	simm.s32 @!p0 $0x7780;
	[smem:$0x7ED] =	sst s16;
	s16 =	simm.s32 @!p0 $0x0;
	v43 =	vperm.xlane @!p0 v43, v45  }
0x48c: {  	[hbm4b:s2+s16] =	stream.indirect_vreg.scatter @!p0 [tilespmem:s17], [sflag:$0x3], $0x80, v47, vm1, $0xb8;
	[tilespmem:$0xD780] =	vst v63  }
0x48d: {  	v43 =	vadd.s32 @!p0 v46, v43;
	s17 =	simm.s32 @!p0 $0x7F80  }
0x48e: {  	[hbm4b:s7+s16] =	stream.indirect_vreg.scatter @!p0 [tilespmem:s17], [sflag:$0x3], $0x80, v47, vm1, $0xb8;
	[tilespmem:$0xD780] =	vst v63  }
0x48f: {  	s17 =	simm.s32 @!p0 $0x8780  }
0x490: {  	[hbm4b:s8+s16] =	stream.indirect_vreg.scatter @!p0 [tilespmem:s17], [sflag:$0x3], $0x80, v47, vm1, $0xb8;
	[tilespmem:$0xD780] =	vst v63  }
0x491: {  	s17 =	simm.s32 @!p0 $0x8F80  }
0x492: {  	[hbm4b:s2+s16] =	stream.indirect_vreg.scatter @!p0 [tilespmem:s17], [sflag:$0x3], $0x80, v43, vm1, $0xb8;
	[tilespmem:$0xD780] =	vst v63  }
0x493: {  	s17 =	simm.s32 @!p0 $0x9780  }
0x494: {  	[hbm4b:s7+s16] =	stream.indirect_vreg.scatter @!p0 [tilespmem:s17], [sflag:$0x3], $0x80, v43, vm1, $0xb8;
	[tilespmem:$0xD780] =	vst v63  }
0x495: {  	s17 =	simm.s32 @!p0 $0x9F80  }
0x496: {  	[hbm4b:s8+s16] =	stream.indirect_vreg.scatter @!p0 [tilespmem:s17], [sflag:$0x3], $0x80, v43, vm1, $0xb8;
	[tilespmem:$0xD780] =	vst v63  }
0x497: {  	v43 =	vld @!p0 [tilespmem:$0x1190];
	_ =	sdelay $0x4  }
0x498: {  	v47 =	vshrl.u32 @!p0 v43, $0x3  }
0x499: {  	v47 =	vmul.u32 @!p0 $0x30, v47  }
0x49a: {  	v43 =	vand.u32 @!p0 $0x7, v43  }
0x49b: {  	v43 =	vor.u32 @!p0 v43, v47  }
0x49c: {  	v44 =	vperm.xlane @!p0 v43, v44;
	_ =	sdelay $0x1  }
0x49d: {  	v44 =	vadd.s32 @!p0 v46, v44;
	_ =	sdelay $0x3  }
0x49e: {  	s17 =	simm.s32 @!p0 $0xA780;
	v43 =	vperm.xlane @!p0 v43, v45  }
0x49f: {  	[hbm4b:s2+s16] =	stream.indirect_vreg.scatter @!p0 [tilespmem:s17], [sflag:$0x3], $0x80, v44, vm1, $0xb8;
	[tilespmem:$0xD780] =	vst v63  }
0x4a0: {  	v43 =	vadd.s32 @!p0 v46, v43;
	s17 =	simm.s32 @!p0 $0xAF80  }
0x4a1: {  	[hbm4b:s7+s16] =	stream.indirect_vreg.scatter @!p0 [tilespmem:s17], [sflag:$0x3], $0x80, v44, vm1, $0xb8;
	[tilespmem:$0xD780] =	vst v63  }
0x4a2: {  	s17 =	simm.s32 @!p0 $0xB780  }
0x4a3: {  	[hbm4b:s8+s16] =	stream.indirect_vreg.scatter @!p0 [tilespmem:s17], [sflag:$0x3], $0x80, v44, vm1, $0xb8;
	[tilespmem:$0xD780] =	vst v63  }
0x4a4: {  	s17 =	simm.s32 @!p0 $0xBF80  }
0x4a5: {  	[hbm4b:s2+s16] =	stream.indirect_vreg.scatter @!p0 [tilespmem:s17], [sflag:$0x3], $0x80, v43, vm1, $0xb8;
	[tilespmem:$0xD780] =	vst v63  }
0x4a6: {  	s17 =	simm.s32 @!p0 $0xC780  }
0x4a7: {  	[hbm4b:s7+s16] =	stream.indirect_vreg.scatter @!p0 [tilespmem:s17], [sflag:$0x3], $0x80, v43, vm1, $0xb8;
	[tilespmem:$0xD780] =	vst v63  }
0x4a8: {  	s17 =	simm.s32 @!p0 $0xCF80  }
0x4a9: {  	[hbm4b:s8+s16] =	stream.indirect_vreg.scatter @!p0 [tilespmem:s17], [sflag:$0x3], $0x80, v43, vm1, $0xb8;
	[tilespmem:$0xD780] =	vst v63  }
0x4aa: {  	p0 =	slt.u32 s21, $0xC0  }
0x4ab: {  	v43 =	vld @!p0 [tilespmem:$0xA00];
	_ =	sdelay $0x4  }
0x4ac: {  	v44 =	vshrl.u32 @!p0 v43, $0x3  }
0x4ad: {  	v44 =	vmul.u32 @!p0 $0x30, v44  }
0x4ae: {  	v45 =	vlaneseq.u32 @!p0;
	v43 =	vand.u32 @!p0 $0x7, v43  }
0x4af: {  	v46 =	vshrl.u32 @!p0 v45, $0x3;
	v43 =	vor.u32 @!p0 v43, v44;
	v44 =	vand.u32 @!p0 $0x7, v45  }
0x4b0: {  	v46 =	vmul.u32 @!p0 $0x8, v46;
	v47 =	vperm.xlane @!p0 v43, v44;
	_ =	sdelay $0x1  }
0x4b1: {  	v47 =	vadd.s32 @!p0 v46, v47;
	_ =	sdelay $0x1  }
0x4b2: {  	s16 =	simm.s32 @!p0 $0x0  }
0x4b3: {  	s16 =	simm.s32 @p0 $0x1;
	v45 =	vor.u32 @!p0 $0x8, v45  }
0x4b4: {  	vm1 =	vmmov @!p0 $0xffff;
	s17 =	simm.s32 @!p0 $0x1780;
	[smem:$0x7EE] =	sst s16;
	s16 =	simm.s32 @!p0 $0x0;
	v43 =	vperm.xlane @!p0 v43, v45  }
0x4b5: {  	[hbm4b:s2+s16] =	stream.indirect_vreg.scatter @!p0 [tilespmem:s17], [sflag:$0x2], $0x80, v47, vm1, $0xb8;
	[tilespmem:$0xD780] =	vst v63  }
0x4b6: {  	v43 =	vadd.s32 @!p0 v46, v43;
	s17 =	simm.s32 @!p0 $0x1F80  }
0x4b7: {  	[hbm4b:s7+s16] =	stream.indirect_vreg.scatter @!p0 [tilespmem:s17], [sflag:$0x2], $0x80, v47, vm1, $0xb8;
	[tilespmem:$0xD780] =	vst v63  }
0x4b8: {  	s17 =	simm.s32 @!p0 $0x2780  }
0x4b9: {  	[hbm4b:s8+s16] =	stream.indirect_vreg.scatter @!p0 [tilespmem:s17], [sflag:$0x2], $0x80, v47, vm1, $0xb8;
	[tilespmem:$0xD780] =	vst v63  }
0x4ba: {  	s17 =	simm.s32 @!p0 $0x2F80  }
0x4bb: {  	[hbm4b:s2+s16] =	stream.indirect_vreg.scatter @!p0 [tilespmem:s17], [sflag:$0x2], $0x80, v43, vm1, $0xb8;
	[tilespmem:$0xD780] =	vst v63  }
0x4bc: {  	s17 =	simm.s32 @!p0 $0x3780  }
0x4bd: {  	[hbm4b:s7+s16] =	stream.indirect_vreg.scatter @!p0 [tilespmem:s17], [sflag:$0x2], $0x80, v43, vm1, $0xb8;
	[tilespmem:$0xD780] =	vst v63  }
0x4be: {  	s17 =	simm.s32 @!p0 $0x3F80  }
0x4bf: {  	[hbm4b:s8+s16] =	stream.indirect_vreg.scatter @!p0 [tilespmem:s17], [sflag:$0x2], $0x80, v43, vm1, $0xb8;
	[tilespmem:$0xD780] =	vst v63  }
0x4c0: {  	v43 =	vld @!p0 [tilespmem:$0xA10];
	_ =	sdelay $0x4  }
0x4c1: {  	v47 =	vshrl.u32 @!p0 v43, $0x3  }
0x4c2: {  	v47 =	vmul.u32 @!p0 $0x30, v47  }
0x4c3: {  	v43 =	vand.u32 @!p0 $0x7, v43  }
0x4c4: {  	v43 =	vor.u32 @!p0 v43, v47  }
0x4c5: {  	v44 =	vperm.xlane @!p0 v43, v44;
	_ =	sdelay $0x1  }
0x4c6: {  	v44 =	vadd.s32 @!p0 v46, v44;
	_ =	sdelay $0x3  }
0x4c7: {  	s17 =	simm.s32 @!p0 $0x4780;
	v43 =	vperm.xlane @!p0 v43, v45  }
0x4c8: {  	[hbm4b:s2+s16] =	stream.indirect_vreg.scatter @!p0 [tilespmem:s17], [sflag:$0x2], $0x80, v44, vm1, $0xb8;
	[tilespmem:$0xD780] =	vst v63  }
0x4c9: {  	v43 =	vadd.s32 @!p0 v46, v43;
	s17 =	simm.s32 @!p0 $0x4F80  }
0x4ca: {  	[hbm4b:s7+s16] =	stream.indirect_vreg.scatter @!p0 [tilespmem:s17], [sflag:$0x2], $0x80, v44, vm1, $0xb8;
	[tilespmem:$0xD780] =	vst v63  }
0x4cb: {  	s17 =	simm.s32 @!p0 $0x5780  }
0x4cc: {  	[hbm4b:s8+s16] =	stream.indirect_vreg.scatter @!p0 [tilespmem:s17], [sflag:$0x2], $0x80, v44, vm1, $0xb8;
	[tilespmem:$0xD780] =	vst v63  }
0x4cd: {  	s17 =	simm.s32 @!p0 $0x5F80  }
0x4ce: {  	[hbm4b:s2+s16] =	stream.indirect_vreg.scatter @!p0 [tilespmem:s17], [sflag:$0x2], $0x80, v43, vm1, $0xb8;
	[tilespmem:$0xD780] =	vst v63  }
0x4cf: {  	s17 =	simm.s32 @!p0 $0x6780  }
0x4d0: {  	[hbm4b:s7+s16] =	stream.indirect_vreg.scatter @!p0 [tilespmem:s17], [sflag:$0x2], $0x80, v43, vm1, $0xb8;
	[tilespmem:$0xD780] =	vst v63  }
0x4d1: {  	s17 =	simm.s32 @!p0 $0x6F80  }
0x4d2: {  	[hbm4b:s8+s16] =	stream.indirect_vreg.scatter @!p0 [tilespmem:s17], [sflag:$0x2], $0x80, v43, vm1, $0xb8;
	[tilespmem:$0xD780] =	vst v63  }
0x4d3: {  	p0 =	slt.u32 s15, $0xC0  }
0x4d4: {  	v43 =	vld @!p0 [tilespmem:$0x1200];
	_ =	sdelay $0x4  }
0x4d5: {  	v44 =	vshrl.u32 @!p0 v43, $0x3  }
0x4d6: {  	v44 =	vmul.u32 @!p0 $0x30, v44  }
0x4d7: {  	v45 =	vlaneseq.u32 @!p0;
	v43 =	vand.u32 @!p0 $0x7, v43  }
0x4d8: {  	v46 =	vshrl.u32 @!p0 v45, $0x3;
	v43 =	vor.u32 @!p0 v43, v44;
	v44 =	vand.u32 @!p0 $0x7, v45  }
0x4d9: {  	v46 =	vmul.u32 @!p0 $0x8, v46;
	v47 =	vperm.xlane @!p0 v43, v44;
	_ =	sdelay $0x1  }
0x4da: {  	v47 =	vadd.s32 @!p0 v46, v47;
	_ =	sdelay $0x1  }
0x4db: {  	s16 =	simm.s32 @!p0 $0x0  }
0x4dc: {  	s16 =	simm.s32 @p0 $0x1;
	v45 =	vor.u32 @!p0 $0x8, v45  }
0x4dd: {  	vm1 =	vmmov @!p0 $0xffff;
	s17 =	simm.s32 @!p0 $0x7780;
	[smem:$0x7EF] =	sst s16;
	s16 =	simm.s32 @!p0 $0x0;
	v43 =	vperm.xlane @!p0 v43, v45  }
0x4de: {  	[hbm4b:s2+s16] =	stream.indirect_vreg.scatter @!p0 [tilespmem:s17], [sflag:$0x3], $0x80, v47, vm1, $0xb8;
	[tilespmem:$0xD780] =	vst v63  }
0x4df: {  	v43 =	vadd.s32 @!p0 v46, v43;
	s17 =	simm.s32 @!p0 $0x7F80  }
0x4e0: {  	[hbm4b:s7+s16] =	stream.indirect_vreg.scatter @!p0 [tilespmem:s17], [sflag:$0x3], $0x80, v47, vm1, $0xb8;
	[tilespmem:$0xD780] =	vst v63  }
0x4e1: {  	s17 =	simm.s32 @!p0 $0x8780  }
0x4e2: {  	[hbm4b:s8+s16] =	stream.indirect_vreg.scatter @!p0 [tilespmem:s17], [sflag:$0x3], $0x80, v47, vm1, $0xb8;
	[tilespmem:$0xD780] =	vst v63  }
0x4e3: {  	s17 =	simm.s32 @!p0 $0x8F80  }
0x4e4: {  	[hbm4b:s2+s16] =	stream.indirect_vreg.scatter @!p0 [tilespmem:s17], [sflag:$0x3], $0x80, v43, vm1, $0xb8;
	[tilespmem:$0xD780] =	vst v63  }
0x4e5: {  	s17 =	simm.s32 @!p0 $0x9780  }
0x4e6: {  	[hbm4b:s7+s16] =	stream.indirect_vreg.scatter @!p0 [tilespmem:s17], [sflag:$0x3], $0x80, v43, vm1, $0xb8;
	[tilespmem:$0xD780] =	vst v63  }
0x4e7: {  	s17 =	simm.s32 @!p0 $0x9F80  }
0x4e8: {  	[hbm4b:s8+s16] =	stream.indirect_vreg.scatter @!p0 [tilespmem:s17], [sflag:$0x3], $0x80, v43, vm1, $0xb8;
	[tilespmem:$0xD780] =	vst v63  }
0x4e9: {  	v43 =	vld @!p0 [tilespmem:$0x1210];
	_ =	sdelay $0x4  }
0x4ea: {  	v47 =	vshrl.u32 @!p0 v43, $0x3  }
0x4eb: {  	v47 =	vmul.u32 @!p0 $0x30, v47  }
0x4ec: {  	v43 =	vand.u32 @!p0 $0x7, v43  }
0x4ed: {  	v43 =	vor.u32 @!p0 v43, v47  }
0x4ee: {  	v44 =	vperm.xlane @!p0 v43, v44;
	_ =	sdelay $0x1  }
0x4ef: {  	v44 =	vadd.s32 @!p0 v46, v44;
	_ =	sdelay $0x3  }
0x4f0: {  	s17 =	simm.s32 @!p0 $0xA780;
	v43 =	vperm.xlane @!p0 v43, v45  }
0x4f1: {  	[hbm4b:s2+s16] =	stream.indirect_vreg.scatter @!p0 [tilespmem:s17], [sflag:$0x3], $0x80, v44, vm1, $0xb8;
	[tilespmem:$0xD780] =	vst v63  }
0x4f2: {  	v43 =	vadd.s32 @!p0 v46, v43;
	s17 =	simm.s32 @!p0 $0xAF80  }
0x4f3: {  	[hbm4b:s7+s16] =	stream.indirect_vreg.scatter @!p0 [tilespmem:s17], [sflag:$0x3], $0x80, v44, vm1, $0xb8;
	[tilespmem:$0xD780] =	vst v63  }
0x4f4: {  	s17 =	simm.s32 @!p0 $0xB780  }
0x4f5: {  	[hbm4b:s8+s16] =	stream.indirect_vreg.scatter @!p0 [tilespmem:s17], [sflag:$0x3], $0x80, v44, vm1, $0xb8;
	[tilespmem:$0xD780] =	vst v63  }
0x4f6: {  	s17 =	simm.s32 @!p0 $0xBF80  }
0x4f7: {  	[hbm4b:s2+s16] =	stream.indirect_vreg.scatter @!p0 [tilespmem:s17], [sflag:$0x3], $0x80, v43, vm1, $0xb8;
	[tilespmem:$0xD780] =	vst v63  }
0x4f8: {  	s17 =	simm.s32 @!p0 $0xC780  }
0x4f9: {  	[hbm4b:s7+s16] =	stream.indirect_vreg.scatter @!p0 [tilespmem:s17], [sflag:$0x3], $0x80, v43, vm1, $0xb8;
	[tilespmem:$0xD780] =	vst v63  }
0x4fa: {  	s17 =	simm.s32 @!p0 $0xCF80  }
0x4fb: {  	[hbm4b:s8+s16] =	stream.indirect_vreg.scatter @!p0 [tilespmem:s17], [sflag:$0x3], $0x80, v43, vm1, $0xb8;
	[tilespmem:$0xD780] =	vst v63  }
0x4fc: {  	p0 =	slt.u32 s21, $0xE0  }
0x4fd: {  	v43 =	vld @!p0 [tilespmem:$0xA80];
	_ =	sdelay $0x4  }
0x4fe: {  	v44 =	vshrl.u32 @!p0 v43, $0x3  }
0x4ff: {  	v44 =	vmul.u32 @!p0 $0x30, v44  }
0x500: {  	v45 =	vlaneseq.u32 @!p0;
	v43 =	vand.u32 @!p0 $0x7, v43  }
0x501: {  	v46 =	vshrl.u32 @!p0 v45, $0x3;
	v43 =	vor.u32 @!p0 v43, v44;
	v44 =	vand.u32 @!p0 $0x7, v45  }
0x502: {  	v46 =	vmul.u32 @!p0 $0x8, v46;
	v47 =	vperm.xlane @!p0 v43, v44;
	_ =	sdelay $0x1  }
0x503: {  	v47 =	vadd.s32 @!p0 v46, v47;
	_ =	sdelay $0x1  }
0x504: {  	s16 =	simm.s32 @!p0 $0x0  }
0x505: {  	s16 =	simm.s32 @p0 $0x1;
	v45 =	vor.u32 @!p0 $0x8, v45  }
0x506: {  	vm1 =	vmmov @!p0 $0xffff;
	s17 =	simm.s32 @!p0 $0x1780;
	[smem:$0x7F0] =	sst s16;
	s16 =	simm.s32 @!p0 $0x0;
	v43 =	vperm.xlane @!p0 v43, v45  }
0x507: {  	[hbm4b:s2+s16] =	stream.indirect_vreg.scatter @!p0 [tilespmem:s17], [sflag:$0x2], $0x80, v47, vm1, $0xb8;
	[tilespmem:$0xD780] =	vst v63  }
0x508: {  	v43 =	vadd.s32 @!p0 v46, v43;
	s17 =	simm.s32 @!p0 $0x1F80  }
0x509: {  	[hbm4b:s7+s16] =	stream.indirect_vreg.scatter @!p0 [tilespmem:s17], [sflag:$0x2], $0x80, v47, vm1, $0xb8;
	[tilespmem:$0xD780] =	vst v63  }
0x50a: {  	s17 =	simm.s32 @!p0 $0x2780  }
0x50b: {  	[hbm4b:s8+s16] =	stream.indirect_vreg.scatter @!p0 [tilespmem:s17], [sflag:$0x2], $0x80, v47, vm1, $0xb8;
	[tilespmem:$0xD780] =	vst v63  }
0x50c: {  	s17 =	simm.s32 @!p0 $0x2F80  }
0x50d: {  	[hbm4b:s2+s16] =	stream.indirect_vreg.scatter @!p0 [tilespmem:s17], [sflag:$0x2], $0x80, v43, vm1, $0xb8;
	[tilespmem:$0xD780] =	vst v63  }
0x50e: {  	s17 =	simm.s32 @!p0 $0x3780  }
0x50f: {  	[hbm4b:s7+s16] =	stream.indirect_vreg.scatter @!p0 [tilespmem:s17], [sflag:$0x2], $0x80, v43, vm1, $0xb8;
	[tilespmem:$0xD780] =	vst v63  }
0x510: {  	s17 =	simm.s32 @!p0 $0x3F80  }
0x511: {  	[hbm4b:s8+s16] =	stream.indirect_vreg.scatter @!p0 [tilespmem:s17], [sflag:$0x2], $0x80, v43, vm1, $0xb8;
	[tilespmem:$0xD780] =	vst v63  }
0x512: {  	v43 =	vld @!p0 [tilespmem:$0xA90];
	_ =	sdelay $0x4  }
0x513: {  	v47 =	vshrl.u32 @!p0 v43, $0x3  }
0x514: {  	v47 =	vmul.u32 @!p0 $0x30, v47  }
0x515: {  	v43 =	vand.u32 @!p0 $0x7, v43  }
0x516: {  	v43 =	vor.u32 @!p0 v43, v47  }
0x517: {  	v44 =	vperm.xlane @!p0 v43, v44;
	_ =	sdelay $0x1  }
0x518: {  	v44 =	vadd.s32 @!p0 v46, v44;
	_ =	sdelay $0x3  }
0x519: {  	s17 =	simm.s32 @!p0 $0x4780;
	v43 =	vperm.xlane @!p0 v43, v45  }
0x51a: {  	[hbm4b:s2+s16] =	stream.indirect_vreg.scatter @!p0 [tilespmem:s17], [sflag:$0x2], $0x80, v44, vm1, $0xb8;
	[tilespmem:$0xD780] =	vst v63  }
0x51b: {  	v43 =	vadd.s32 @!p0 v46, v43;
	s17 =	simm.s32 @!p0 $0x4F80  }
0x51c: {  	[hbm4b:s7+s16] =	stream.indirect_vreg.scatter @!p0 [tilespmem:s17], [sflag:$0x2], $0x80, v44, vm1, $0xb8;
	[tilespmem:$0xD780] =	vst v63  }
0x51d: {  	s17 =	simm.s32 @!p0 $0x5780  }
0x51e: {  	[hbm4b:s8+s16] =	stream.indirect_vreg.scatter @!p0 [tilespmem:s17], [sflag:$0x2], $0x80, v44, vm1, $0xb8;
	[tilespmem:$0xD780] =	vst v63  }
0x51f: {  	s17 =	simm.s32 @!p0 $0x5F80  }
0x520: {  	[hbm4b:s2+s16] =	stream.indirect_vreg.scatter @!p0 [tilespmem:s17], [sflag:$0x2], $0x80, v43, vm1, $0xb8;
	[tilespmem:$0xD780] =	vst v63  }
0x521: {  	s17 =	simm.s32 @!p0 $0x6780  }
0x522: {  	[hbm4b:s7+s16] =	stream.indirect_vreg.scatter @!p0 [tilespmem:s17], [sflag:$0x2], $0x80, v43, vm1, $0xb8;
	[tilespmem:$0xD780] =	vst v63  }
0x523: {  	s17 =	simm.s32 @!p0 $0x6F80  }
0x524: {  	[hbm4b:s8+s16] =	stream.indirect_vreg.scatter @!p0 [tilespmem:s17], [sflag:$0x2], $0x80, v43, vm1, $0xb8;
	[tilespmem:$0xD780] =	vst v63  }
0x525: {  	p0 =	slt.u32 s15, $0xE0  }
0x526: {  	v43 =	vld @!p0 [tilespmem:$0x1280];
	_ =	sdelay $0x4  }
0x527: {  	v44 =	vshrl.u32 @!p0 v43, $0x3  }
0x528: {  	v44 =	vmul.u32 @!p0 $0x30, v44  }
0x529: {  	v45 =	vlaneseq.u32 @!p0;
	v43 =	vand.u32 @!p0 $0x7, v43  }
0x52a: {  	v46 =	vshrl.u32 @!p0 v45, $0x3;
	v43 =	vor.u32 @!p0 v43, v44;
	v44 =	vand.u32 @!p0 $0x7, v45  }
0x52b: {  	v46 =	vmul.u32 @!p0 $0x8, v46;
	v47 =	vperm.xlane @!p0 v43, v44;
	_ =	sdelay $0x1  }
0x52c: {  	v47 =	vadd.s32 @!p0 v46, v47;
	_ =	sdelay $0x1  }
0x52d: {  	s16 =	simm.s32 @!p0 $0x0  }
0x52e: {  	s16 =	simm.s32 @p0 $0x1;
	v45 =	vor.u32 @!p0 $0x8, v45  }
0x52f: {  	vm1 =	vmmov @!p0 $0xffff;
	s17 =	simm.s32 @!p0 $0x7780;
	[smem:$0x7F1] =	sst s16;
	s16 =	simm.s32 @!p0 $0x0;
	v43 =	vperm.xlane @!p0 v43, v45  }
0x530: {  	[hbm4b:s2+s16] =	stream.indirect_vreg.scatter @!p0 [tilespmem:s17], [sflag:$0x3], $0x80, v47, vm1, $0xb8;
	[tilespmem:$0xD780] =	vst v63  }
0x531: {  	v43 =	vadd.s32 @!p0 v46, v43;
	s17 =	simm.s32 @!p0 $0x7F80  }
0x532: {  	[hbm4b:s7+s16] =	stream.indirect_vreg.scatter @!p0 [tilespmem:s17], [sflag:$0x3], $0x80, v47, vm1, $0xb8;
	[tilespmem:$0xD780] =	vst v63  }
0x533: {  	s17 =	simm.s32 @!p0 $0x8780  }
0x534: {  	[hbm4b:s8+s16] =	stream.indirect_vreg.scatter @!p0 [tilespmem:s17], [sflag:$0x3], $0x80, v47, vm1, $0xb8;
	[tilespmem:$0xD780] =	vst v63  }
0x535: {  	s17 =	simm.s32 @!p0 $0x8F80  }
0x536: {  	[hbm4b:s2+s16] =	stream.indirect_vreg.scatter @!p0 [tilespmem:s17], [sflag:$0x3], $0x80, v43, vm1, $0xb8;
	[tilespmem:$0xD780] =	vst v63  }
0x537: {  	s17 =	simm.s32 @!p0 $0x9780  }
0x538: {  	[hbm4b:s7+s16] =	stream.indirect_vreg.scatter @!p0 [tilespmem:s17], [sflag:$0x3], $0x80, v43, vm1, $0xb8;
	[tilespmem:$0xD780] =	vst v63  }
0x539: {  	s17 =	simm.s32 @!p0 $0x9F80  }
0x53a: {  	[hbm4b:s8+s16] =	stream.indirect_vreg.scatter @!p0 [tilespmem:s17], [sflag:$0x3], $0x80, v43, vm1, $0xb8;
	[tilespmem:$0xD780] =	vst v63  }
0x53b: {  	v43 =	vld @!p0 [tilespmem:$0x1290];
	_ =	sdelay $0x4  }
0x53c: {  	v47 =	vshrl.u32 @!p0 v43, $0x3  }
0x53d: {  	v47 =	vmul.u32 @!p0 $0x30, v47  }
0x53e: {  	v43 =	vand.u32 @!p0 $0x7, v43  }
0x53f: {  	v43 =	vor.u32 @!p0 v43, v47  }
0x540: {  	v44 =	vperm.xlane @!p0 v43, v44;
	_ =	sdelay $0x1  }
0x541: {  	v44 =	vadd.s32 @!p0 v46, v44;
	_ =	sdelay $0x3  }
0x542: {  	s17 =	simm.s32 @!p0 $0xA780;
	v43 =	vperm.xlane @!p0 v43, v45  }
0x543: {  	[hbm4b:s2+s16] =	stream.indirect_vreg.scatter @!p0 [tilespmem:s17], [sflag:$0x3], $0x80, v44, vm1, $0xb8;
	[tilespmem:$0xD780] =	vst v63  }
0x544: {  	v43 =	vadd.s32 @!p0 v46, v43;
	s17 =	simm.s32 @!p0 $0xAF80  }
0x545: {  	[hbm4b:s7+s16] =	stream.indirect_vreg.scatter @!p0 [tilespmem:s17], [sflag:$0x3], $0x80, v44, vm1, $0xb8;
	[tilespmem:$0xD780] =	vst v63  }
0x546: {  	s17 =	simm.s32 @!p0 $0xB780  }
0x547: {  	[hbm4b:s8+s16] =	stream.indirect_vreg.scatter @!p0 [tilespmem:s17], [sflag:$0x3], $0x80, v44, vm1, $0xb8;
	[tilespmem:$0xD780] =	vst v63  }
0x548: {  	s17 =	simm.s32 @!p0 $0xBF80  }
0x549: {  	[hbm4b:s2+s16] =	stream.indirect_vreg.scatter @!p0 [tilespmem:s17], [sflag:$0x3], $0x80, v43, vm1, $0xb8;
	[tilespmem:$0xD780] =	vst v63  }
0x54a: {  	s17 =	simm.s32 @!p0 $0xC780  }
0x54b: {  	[hbm4b:s7+s16] =	stream.indirect_vreg.scatter @!p0 [tilespmem:s17], [sflag:$0x3], $0x80, v43, vm1, $0xb8;
	[tilespmem:$0xD780] =	vst v63  }
0x54c: {  	s17 =	simm.s32 @!p0 $0xCF80  }
0x54d: {  	[hbm4b:s8+s16] =	stream.indirect_vreg.scatter @!p0 [tilespmem:s17], [sflag:$0x3], $0x80, v43, vm1, $0xb8;
	[tilespmem:$0xD780] =	vst v63  }
0x54e: {  	p0 =	slt.u32 s21, $0x100  }
0x54f: {  	v43 =	vld @!p0 [tilespmem:$0xB00];
	_ =	sdelay $0x4  }
0x550: {  	v44 =	vshrl.u32 @!p0 v43, $0x3  }
0x551: {  	v44 =	vmul.u32 @!p0 $0x30, v44  }
0x552: {  	v45 =	vlaneseq.u32 @!p0;
	v43 =	vand.u32 @!p0 $0x7, v43  }
0x553: {  	v46 =	vshrl.u32 @!p0 v45, $0x3;
	v43 =	vor.u32 @!p0 v43, v44;
	v44 =	vand.u32 @!p0 $0x7, v45  }
0x554: {  	v46 =	vmul.u32 @!p0 $0x8, v46;
	v47 =	vperm.xlane @!p0 v43, v44;
	_ =	sdelay $0x1  }
0x555: {  	v47 =	vadd.s32 @!p0 v46, v47;
	_ =	sdelay $0x1  }
0x556: {  	s16 =	simm.s32 @!p0 $0x0  }
0x557: {  	s16 =	simm.s32 @p0 $0x1;
	v45 =	vor.u32 @!p0 $0x8, v45  }
0x558: {  	vm1 =	vmmov @!p0 $0xffff;
	s17 =	simm.s32 @!p0 $0x1780;
	[smem:$0x7F2] =	sst s16;
	s16 =	simm.s32 @!p0 $0x0;
	v43 =	vperm.xlane @!p0 v43, v45  }
0x559: {  	[hbm4b:s2+s16] =	stream.indirect_vreg.scatter @!p0 [tilespmem:s17], [sflag:$0x2], $0x80, v47, vm1, $0xb8;
	[tilespmem:$0xD780] =	vst v63  }
0x55a: {  	v43 =	vadd.s32 @!p0 v46, v43;
	s17 =	simm.s32 @!p0 $0x1F80  }
0x55b: {  	[hbm4b:s7+s16] =	stream.indirect_vreg.scatter @!p0 [tilespmem:s17], [sflag:$0x2], $0x80, v47, vm1, $0xb8;
	[tilespmem:$0xD780] =	vst v63  }
0x55c: {  	s17 =	simm.s32 @!p0 $0x2780  }
0x55d: {  	[hbm4b:s8+s16] =	stream.indirect_vreg.scatter @!p0 [tilespmem:s17], [sflag:$0x2], $0x80, v47, vm1, $0xb8;
	[tilespmem:$0xD780] =	vst v63  }
0x55e: {  	s17 =	simm.s32 @!p0 $0x2F80  }
0x55f: {  	[hbm4b:s2+s16] =	stream.indirect_vreg.scatter @!p0 [tilespmem:s17], [sflag:$0x2], $0x80, v43, vm1, $0xb8;
	[tilespmem:$0xD780] =	vst v63  }
0x560: {  	s17 =	simm.s32 @!p0 $0x3780  }
0x561: {  	[hbm4b:s7+s16] =	stream.indirect_vreg.scatter @!p0 [tilespmem:s17], [sflag:$0x2], $0x80, v43, vm1, $0xb8;
	[tilespmem:$0xD780] =	vst v63  }
0x562: {  	s17 =	simm.s32 @!p0 $0x3F80  }
0x563: {  	[hbm4b:s8+s16] =	stream.indirect_vreg.scatter @!p0 [tilespmem:s17], [sflag:$0x2], $0x80, v43, vm1, $0xb8;
	[tilespmem:$0xD780] =	vst v63  }
0x564: {  	v43 =	vld @!p0 [tilespmem:$0xB10];
	_ =	sdelay $0x4  }
0x565: {  	v47 =	vshrl.u32 @!p0 v43, $0x3  }
0x566: {  	v47 =	vmul.u32 @!p0 $0x30, v47  }
0x567: {  	v43 =	vand.u32 @!p0 $0x7, v43  }
0x568: {  	v43 =	vor.u32 @!p0 v43, v47  }
0x569: {  	v44 =	vperm.xlane @!p0 v43, v44;
	_ =	sdelay $0x1  }
0x56a: {  	v44 =	vadd.s32 @!p0 v46, v44;
	_ =	sdelay $0x3  }
0x56b: {  	s17 =	simm.s32 @!p0 $0x4780;
	v43 =	vperm.xlane @!p0 v43, v45  }
0x56c: {  	[hbm4b:s2+s16] =	stream.indirect_vreg.scatter @!p0 [tilespmem:s17], [sflag:$0x2], $0x80, v44, vm1, $0xb8;
	[tilespmem:$0xD780] =	vst v63  }
0x56d: {  	v43 =	vadd.s32 @!p0 v46, v43;
	s17 =	simm.s32 @!p0 $0x4F80  }
0x56e: {  	[hbm4b:s7+s16] =	stream.indirect_vreg.scatter @!p0 [tilespmem:s17], [sflag:$0x2], $0x80, v44, vm1, $0xb8;
	[tilespmem:$0xD780] =	vst v63  }
0x56f: {  	s17 =	simm.s32 @!p0 $0x5780  }
0x570: {  	[hbm4b:s8+s16] =	stream.indirect_vreg.scatter @!p0 [tilespmem:s17], [sflag:$0x2], $0x80, v44, vm1, $0xb8;
	[tilespmem:$0xD780] =	vst v63  }
0x571: {  	s17 =	simm.s32 @!p0 $0x5F80  }
0x572: {  	[hbm4b:s2+s16] =	stream.indirect_vreg.scatter @!p0 [tilespmem:s17], [sflag:$0x2], $0x80, v43, vm1, $0xb8;
	[tilespmem:$0xD780] =	vst v63  }
0x573: {  	s17 =	simm.s32 @!p0 $0x6780  }
0x574: {  	[hbm4b:s7+s16] =	stream.indirect_vreg.scatter @!p0 [tilespmem:s17], [sflag:$0x2], $0x80, v43, vm1, $0xb8;
	[tilespmem:$0xD780] =	vst v63  }
0x575: {  	s17 =	simm.s32 @!p0 $0x6F80  }
0x576: {  	[hbm4b:s8+s16] =	stream.indirect_vreg.scatter @!p0 [tilespmem:s17], [sflag:$0x2], $0x80, v43, vm1, $0xb8;
	[tilespmem:$0xD780] =	vst v63  }
0x577: {  	p0 =	slt.u32 s15, $0x100  }
0x578: {  	v43 =	vld @!p0 [tilespmem:$0x1300];
	_ =	sdelay $0x4  }
0x579: {  	v44 =	vshrl.u32 @!p0 v43, $0x3  }
0x57a: {  	v44 =	vmul.u32 @!p0 $0x30, v44  }
0x57b: {  	v45 =	vlaneseq.u32 @!p0;
	v43 =	vand.u32 @!p0 $0x7, v43  }
0x57c: {  	v46 =	vshrl.u32 @!p0 v45, $0x3;
	v43 =	vor.u32 @!p0 v43, v44;
	v44 =	vand.u32 @!p0 $0x7, v45  }
0x57d: {  	v46 =	vmul.u32 @!p0 $0x8, v46;
	v47 =	vperm.xlane @!p0 v43, v44;
	_ =	sdelay $0x1  }
0x57e: {  	v47 =	vadd.s32 @!p0 v46, v47;
	_ =	sdelay $0x1  }
0x57f: {  	s16 =	simm.s32 @!p0 $0x0  }
0x580: {  	s16 =	simm.s32 @p0 $0x1;
	v45 =	vor.u32 @!p0 $0x8, v45  }
0x581: {  	vm1 =	vmmov @!p0 $0xffff;
	s17 =	simm.s32 @!p0 $0x7780;
	[smem:$0x7F3] =	sst s16;
	s16 =	simm.s32 @!p0 $0x0;
	v43 =	vperm.xlane @!p0 v43, v45  }
0x582: {  	[hbm4b:s2+s16] =	stream.indirect_vreg.scatter @!p0 [tilespmem:s17], [sflag:$0x3], $0x80, v47, vm1, $0xb8;
	[tilespmem:$0xD780] =	vst v63  }
0x583: {  	v43 =	vadd.s32 @!p0 v46, v43;
	s17 =	simm.s32 @!p0 $0x7F80  }
0x584: {  	[hbm4b:s7+s16] =	stream.indirect_vreg.scatter @!p0 [tilespmem:s17], [sflag:$0x3], $0x80, v47, vm1, $0xb8;
	[tilespmem:$0xD780] =	vst v63  }
0x585: {  	s17 =	simm.s32 @!p0 $0x8780  }
0x586: {  	[hbm4b:s8+s16] =	stream.indirect_vreg.scatter @!p0 [tilespmem:s17], [sflag:$0x3], $0x80, v47, vm1, $0xb8;
	[tilespmem:$0xD780] =	vst v63  }
0x587: {  	s17 =	simm.s32 @!p0 $0x8F80  }
0x588: {  	[hbm4b:s2+s16] =	stream.indirect_vreg.scatter @!p0 [tilespmem:s17], [sflag:$0x3], $0x80, v43, vm1, $0xb8;
	[tilespmem:$0xD780] =	vst v63  }
0x589: {  	s17 =	simm.s32 @!p0 $0x9780  }
0x58a: {  	[hbm4b:s7+s16] =	stream.indirect_vreg.scatter @!p0 [tilespmem:s17], [sflag:$0x3], $0x80, v43, vm1, $0xb8;
	[tilespmem:$0xD780] =	vst v63  }
0x58b: {  	s17 =	simm.s32 @!p0 $0x9F80  }
0x58c: {  	[hbm4b:s8+s16] =	stream.indirect_vreg.scatter @!p0 [tilespmem:s17], [sflag:$0x3], $0x80, v43, vm1, $0xb8;
	[tilespmem:$0xD780] =	vst v63  }
0x58d: {  	v43 =	vld @!p0 [tilespmem:$0x1310];
	_ =	sdelay $0x4  }
0x58e: {  	v47 =	vshrl.u32 @!p0 v43, $0x3  }
0x58f: {  	v47 =	vmul.u32 @!p0 $0x30, v47  }
0x590: {  	v43 =	vand.u32 @!p0 $0x7, v43  }
0x591: {  	v43 =	vor.u32 @!p0 v43, v47  }
0x592: {  	v44 =	vperm.xlane @!p0 v43, v44;
	_ =	sdelay $0x1  }
0x593: {  	v44 =	vadd.s32 @!p0 v46, v44;
	_ =	sdelay $0x3  }
0x594: {  	s17 =	simm.s32 @!p0 $0xA780;
	v43 =	vperm.xlane @!p0 v43, v45  }
0x595: {  	[hbm4b:s2+s16] =	stream.indirect_vreg.scatter @!p0 [tilespmem:s17], [sflag:$0x3], $0x80, v44, vm1, $0xb8;
	[tilespmem:$0xD780] =	vst v63  }
0x596: {  	v43 =	vadd.s32 @!p0 v46, v43;
	s17 =	simm.s32 @!p0 $0xAF80  }
0x597: {  	[hbm4b:s7+s16] =	stream.indirect_vreg.scatter @!p0 [tilespmem:s17], [sflag:$0x3], $0x80, v44, vm1, $0xb8;
	[tilespmem:$0xD780] =	vst v63  }
0x598: {  	s17 =	simm.s32 @!p0 $0xB780  }
0x599: {  	[hbm4b:s8+s16] =	stream.indirect_vreg.scatter @!p0 [tilespmem:s17], [sflag:$0x3], $0x80, v44, vm1, $0xb8;
	[tilespmem:$0xD780] =	vst v63  }
0x59a: {  	s17 =	simm.s32 @!p0 $0xBF80  }
0x59b: {  	[hbm4b:s2+s16] =	stream.indirect_vreg.scatter @!p0 [tilespmem:s17], [sflag:$0x3], $0x80, v43, vm1, $0xb8;
	[tilespmem:$0xD780] =	vst v63  }
0x59c: {  	s17 =	simm.s32 @!p0 $0xC780  }
0x59d: {  	[hbm4b:s7+s16] =	stream.indirect_vreg.scatter @!p0 [tilespmem:s17], [sflag:$0x3], $0x80, v43, vm1, $0xb8;
	[tilespmem:$0xD780] =	vst v63  }
0x59e: {  	s17 =	simm.s32 @!p0 $0xCF80  }
0x59f: {  	[hbm4b:s8+s16] =	stream.indirect_vreg.scatter @!p0 [tilespmem:s17], [sflag:$0x3], $0x80, v43, vm1, $0xb8;
	[tilespmem:$0xD780] =	vst v63  }
0x5a0: {  	p0 =	slt.u32 s21, $0x120  }
0x5a1: {  	v43 =	vld @!p0 [tilespmem:$0xB80];
	_ =	sdelay $0x4  }
0x5a2: {  	v44 =	vshrl.u32 @!p0 v43, $0x3  }
0x5a3: {  	v44 =	vmul.u32 @!p0 $0x30, v44  }
0x5a4: {  	v45 =	vlaneseq.u32 @!p0;
	v43 =	vand.u32 @!p0 $0x7, v43  }
0x5a5: {  	v46 =	vshrl.u32 @!p0 v45, $0x3;
	v43 =	vor.u32 @!p0 v43, v44;
	v44 =	vand.u32 @!p0 $0x7, v45  }
0x5a6: {  	v46 =	vmul.u32 @!p0 $0x8, v46;
	v47 =	vperm.xlane @!p0 v43, v44;
	_ =	sdelay $0x1  }
0x5a7: {  	v47 =	vadd.s32 @!p0 v46, v47;
	_ =	sdelay $0x1  }
0x5a8: {  	s16 =	simm.s32 @!p0 $0x0  }
0x5a9: {  	s16 =	simm.s32 @p0 $0x1;
	v45 =	vor.u32 @!p0 $0x8, v45  }
0x5aa: {  	vm1 =	vmmov @!p0 $0xffff;
	s17 =	simm.s32 @!p0 $0x1780;
	[smem:$0x7F4] =	sst s16;
	s16 =	simm.s32 @!p0 $0x0;
	v43 =	vperm.xlane @!p0 v43, v45  }
0x5ab: {  	[hbm4b:s2+s16] =	stream.indirect_vreg.scatter @!p0 [tilespmem:s17], [sflag:$0x2], $0x80, v47, vm1, $0xb8;
	[tilespmem:$0xD780] =	vst v63  }
0x5ac: {  	v43 =	vadd.s32 @!p0 v46, v43;
	s17 =	simm.s32 @!p0 $0x1F80  }
0x5ad: {  	[hbm4b:s7+s16] =	stream.indirect_vreg.scatter @!p0 [tilespmem:s17], [sflag:$0x2], $0x80, v47, vm1, $0xb8;
	[tilespmem:$0xD780] =	vst v63  }
0x5ae: {  	s17 =	simm.s32 @!p0 $0x2780  }
0x5af: {  	[hbm4b:s8+s16] =	stream.indirect_vreg.scatter @!p0 [tilespmem:s17], [sflag:$0x2], $0x80, v47, vm1, $0xb8;
	[tilespmem:$0xD780] =	vst v63  }
0x5b0: {  	s17 =	simm.s32 @!p0 $0x2F80  }
0x5b1: {  	[hbm4b:s2+s16] =	stream.indirect_vreg.scatter @!p0 [tilespmem:s17], [sflag:$0x2], $0x80, v43, vm1, $0xb8;
	[tilespmem:$0xD780] =	vst v63  }
0x5b2: {  	s17 =	simm.s32 @!p0 $0x3780  }
0x5b3: {  	[hbm4b:s7+s16] =	stream.indirect_vreg.scatter @!p0 [tilespmem:s17], [sflag:$0x2], $0x80, v43, vm1, $0xb8;
	[tilespmem:$0xD780] =	vst v63  }
0x5b4: {  	s17 =	simm.s32 @!p0 $0x3F80  }
0x5b5: {  	[hbm4b:s8+s16] =	stream.indirect_vreg.scatter @!p0 [tilespmem:s17], [sflag:$0x2], $0x80, v43, vm1, $0xb8;
	[tilespmem:$0xD780] =	vst v63  }
0x5b6: {  	v43 =	vld @!p0 [tilespmem:$0xB90];
	_ =	sdelay $0x4  }
0x5b7: {  	v47 =	vshrl.u32 @!p0 v43, $0x3  }
0x5b8: {  	v47 =	vmul.u32 @!p0 $0x30, v47  }
0x5b9: {  	v43 =	vand.u32 @!p0 $0x7, v43  }
0x5ba: {  	v43 =	vor.u32 @!p0 v43, v47  }
0x5bb: {  	v44 =	vperm.xlane @!p0 v43, v44;
	_ =	sdelay $0x1  }
0x5bc: {  	v44 =	vadd.s32 @!p0 v46, v44;
	_ =	sdelay $0x3  }
0x5bd: {  	s17 =	simm.s32 @!p0 $0x4780;
	v43 =	vperm.xlane @!p0 v43, v45  }
0x5be: {  	[hbm4b:s2+s16] =	stream.indirect_vreg.scatter @!p0 [tilespmem:s17], [sflag:$0x2], $0x80, v44, vm1, $0xb8;
	[tilespmem:$0xD780] =	vst v63  }
0x5bf: {  	v43 =	vadd.s32 @!p0 v46, v43;
	s17 =	simm.s32 @!p0 $0x4F80  }
0x5c0: {  	[hbm4b:s7+s16] =	stream.indirect_vreg.scatter @!p0 [tilespmem:s17], [sflag:$0x2], $0x80, v44, vm1, $0xb8;
	[tilespmem:$0xD780] =	vst v63  }
0x5c1: {  	s17 =	simm.s32 @!p0 $0x5780  }
0x5c2: {  	[hbm4b:s8+s16] =	stream.indirect_vreg.scatter @!p0 [tilespmem:s17], [sflag:$0x2], $0x80, v44, vm1, $0xb8;
	[tilespmem:$0xD780] =	vst v63  }
0x5c3: {  	s17 =	simm.s32 @!p0 $0x5F80  }
0x5c4: {  	[hbm4b:s2+s16] =	stream.indirect_vreg.scatter @!p0 [tilespmem:s17], [sflag:$0x2], $0x80, v43, vm1, $0xb8;
	[tilespmem:$0xD780] =	vst v63  }
0x5c5: {  	s17 =	simm.s32 @!p0 $0x6780  }
0x5c6: {  	[hbm4b:s7+s16] =	stream.indirect_vreg.scatter @!p0 [tilespmem:s17], [sflag:$0x2], $0x80, v43, vm1, $0xb8;
	[tilespmem:$0xD780] =	vst v63  }
0x5c7: {  	s17 =	simm.s32 @!p0 $0x6F80  }
0x5c8: {  	[hbm4b:s8+s16] =	stream.indirect_vreg.scatter @!p0 [tilespmem:s17], [sflag:$0x2], $0x80, v43, vm1, $0xb8;
	[tilespmem:$0xD780] =	vst v63  }
0x5c9: {  	p0 =	slt.u32 s15, $0x120  }
0x5ca: {  	v43 =	vld @!p0 [tilespmem:$0x1380];
	_ =	sdelay $0x4  }
0x5cb: {  	v44 =	vshrl.u32 @!p0 v43, $0x3  }
0x5cc: {  	v44 =	vmul.u32 @!p0 $0x30, v44  }
0x5cd: {  	v45 =	vlaneseq.u32 @!p0;
	v43 =	vand.u32 @!p0 $0x7, v43  }
0x5ce: {  	v46 =	vshrl.u32 @!p0 v45, $0x3;
	v43 =	vor.u32 @!p0 v43, v44;
	v44 =	vand.u32 @!p0 $0x7, v45  }
0x5cf: {  	v46 =	vmul.u32 @!p0 $0x8, v46;
	v47 =	vperm.xlane @!p0 v43, v44;
	_ =	sdelay $0x1  }
0x5d0: {  	v47 =	vadd.s32 @!p0 v46, v47;
	_ =	sdelay $0x1  }
0x5d1: {  	s16 =	simm.s32 @!p0 $0x0  }
0x5d2: {  	s16 =	simm.s32 @p0 $0x1;
	v45 =	vor.u32 @!p0 $0x8, v45  }
0x5d3: {  	vm1 =	vmmov @!p0 $0xffff;
	s17 =	simm.s32 @!p0 $0x7780;
	[smem:$0x7F5] =	sst s16;
	s16 =	simm.s32 @!p0 $0x0;
	v43 =	vperm.xlane @!p0 v43, v45  }
0x5d4: {  	[hbm4b:s2+s16] =	stream.indirect_vreg.scatter @!p0 [tilespmem:s17], [sflag:$0x3], $0x80, v47, vm1, $0xb8;
	[tilespmem:$0xD780] =	vst v63  }
0x5d5: {  	v43 =	vadd.s32 @!p0 v46, v43;
	s17 =	simm.s32 @!p0 $0x7F80  }
0x5d6: {  	[hbm4b:s7+s16] =	stream.indirect_vreg.scatter @!p0 [tilespmem:s17], [sflag:$0x3], $0x80, v47, vm1, $0xb8;
	[tilespmem:$0xD780] =	vst v63  }
0x5d7: {  	s17 =	simm.s32 @!p0 $0x8780  }
0x5d8: {  	[hbm4b:s8+s16] =	stream.indirect_vreg.scatter @!p0 [tilespmem:s17], [sflag:$0x3], $0x80, v47, vm1, $0xb8;
	[tilespmem:$0xD780] =	vst v63  }
0x5d9: {  	s17 =	simm.s32 @!p0 $0x8F80  }
0x5da: {  	[hbm4b:s2+s16] =	stream.indirect_vreg.scatter @!p0 [tilespmem:s17], [sflag:$0x3], $0x80, v43, vm1, $0xb8;
	[tilespmem:$0xD780] =	vst v63  }
0x5db: {  	s17 =	simm.s32 @!p0 $0x9780  }
0x5dc: {  	[hbm4b:s7+s16] =	stream.indirect_vreg.scatter @!p0 [tilespmem:s17], [sflag:$0x3], $0x80, v43, vm1, $0xb8;
	[tilespmem:$0xD780] =	vst v63  }
0x5dd: {  	s17 =	simm.s32 @!p0 $0x9F80  }
0x5de: {  	[hbm4b:s8+s16] =	stream.indirect_vreg.scatter @!p0 [tilespmem:s17], [sflag:$0x3], $0x80, v43, vm1, $0xb8;
	[tilespmem:$0xD780] =	vst v63  }
0x5df: {  	v43 =	vld @!p0 [tilespmem:$0x1390];
	_ =	sdelay $0x4  }
0x5e0: {  	v47 =	vshrl.u32 @!p0 v43, $0x3  }
0x5e1: {  	v47 =	vmul.u32 @!p0 $0x30, v47  }
0x5e2: {  	v43 =	vand.u32 @!p0 $0x7, v43  }
0x5e3: {  	v43 =	vor.u32 @!p0 v43, v47  }
0x5e4: {  	v44 =	vperm.xlane @!p0 v43, v44;
	_ =	sdelay $0x1  }
0x5e5: {  	v44 =	vadd.s32 @!p0 v46, v44;
	_ =	sdelay $0x3  }
0x5e6: {  	s17 =	simm.s32 @!p0 $0xA780;
	v43 =	vperm.xlane @!p0 v43, v45  }
0x5e7: {  	[hbm4b:s2+s16] =	stream.indirect_vreg.scatter @!p0 [tilespmem:s17], [sflag:$0x3], $0x80, v44, vm1, $0xb8;
	[tilespmem:$0xD780] =	vst v63  }
0x5e8: {  	v43 =	vadd.s32 @!p0 v46, v43;
	s17 =	simm.s32 @!p0 $0xAF80  }
0x5e9: {  	[hbm4b:s7+s16] =	stream.indirect_vreg.scatter @!p0 [tilespmem:s17], [sflag:$0x3], $0x80, v44, vm1, $0xb8;
	[tilespmem:$0xD780] =	vst v63  }
0x5ea: {  	s17 =	simm.s32 @!p0 $0xB780  }
0x5eb: {  	[hbm4b:s8+s16] =	stream.indirect_vreg.scatter @!p0 [tilespmem:s17], [sflag:$0x3], $0x80, v44, vm1, $0xb8;
	[tilespmem:$0xD780] =	vst v63  }
0x5ec: {  	s17 =	simm.s32 @!p0 $0xBF80  }
0x5ed: {  	[hbm4b:s2+s16] =	stream.indirect_vreg.scatter @!p0 [tilespmem:s17], [sflag:$0x3], $0x80, v43, vm1, $0xb8;
	[tilespmem:$0xD780] =	vst v63  }
0x5ee: {  	s17 =	simm.s32 @!p0 $0xC780  }
0x5ef: {  	[hbm4b:s7+s16] =	stream.indirect_vreg.scatter @!p0 [tilespmem:s17], [sflag:$0x3], $0x80, v43, vm1, $0xb8;
	[tilespmem:$0xD780] =	vst v63  }
0x5f0: {  	s17 =	simm.s32 @!p0 $0xCF80  }
0x5f1: {  	[hbm4b:s8+s16] =	stream.indirect_vreg.scatter @!p0 [tilespmem:s17], [sflag:$0x3], $0x80, v43, vm1, $0xb8;
	[tilespmem:$0xD780] =	vst v63  }
0x5f2: {  	p0 =	slt.u32 s21, $0x140  }
0x5f3: {  	v43 =	vld @!p0 [tilespmem:$0xC00];
	_ =	sdelay $0x4  }
0x5f4: {  	v44 =	vshrl.u32 @!p0 v43, $0x3  }
0x5f5: {  	v44 =	vmul.u32 @!p0 $0x30, v44  }
0x5f6: {  	v45 =	vlaneseq.u32 @!p0;
	v43 =	vand.u32 @!p0 $0x7, v43  }
0x5f7: {  	v46 =	vshrl.u32 @!p0 v45, $0x3;
	v43 =	vor.u32 @!p0 v43, v44;
	v44 =	vand.u32 @!p0 $0x7, v45  }
0x5f8: {  	v46 =	vmul.u32 @!p0 $0x8, v46;
	v47 =	vperm.xlane @!p0 v43, v44;
	_ =	sdelay $0x1  }
0x5f9: {  	v47 =	vadd.s32 @!p0 v46, v47;
	_ =	sdelay $0x1  }
0x5fa: {  	s16 =	simm.s32 @!p0 $0x0  }
0x5fb: {  	s16 =	simm.s32 @p0 $0x1;
	v45 =	vor.u32 @!p0 $0x8, v45  }
0x5fc: {  	vm1 =	vmmov @!p0 $0xffff;
	s17 =	simm.s32 @!p0 $0x1780;
	[smem:$0x7F6] =	sst s16;
	s16 =	simm.s32 @!p0 $0x0;
	v43 =	vperm.xlane @!p0 v43, v45  }
0x5fd: {  	[hbm4b:s2+s16] =	stream.indirect_vreg.scatter @!p0 [tilespmem:s17], [sflag:$0x2], $0x80, v47, vm1, $0xb8;
	[tilespmem:$0xD780] =	vst v63  }
0x5fe: {  	v43 =	vadd.s32 @!p0 v46, v43;
	s17 =	simm.s32 @!p0 $0x1F80  }
0x5ff: {  	[hbm4b:s7+s16] =	stream.indirect_vreg.scatter @!p0 [tilespmem:s17], [sflag:$0x2], $0x80, v47, vm1, $0xb8;
	[tilespmem:$0xD780] =	vst v63  }
0x600: {  	s17 =	simm.s32 @!p0 $0x2780  }
0x601: {  	[hbm4b:s8+s16] =	stream.indirect_vreg.scatter @!p0 [tilespmem:s17], [sflag:$0x2], $0x80, v47, vm1, $0xb8;
	[tilespmem:$0xD780] =	vst v63  }
0x602: {  	s17 =	simm.s32 @!p0 $0x2F80  }
0x603: {  	[hbm4b:s2+s16] =	stream.indirect_vreg.scatter @!p0 [tilespmem:s17], [sflag:$0x2], $0x80, v43, vm1, $0xb8;
	[tilespmem:$0xD780] =	vst v63  }
0x604: {  	s17 =	simm.s32 @!p0 $0x3780  }
0x605: {  	[hbm4b:s7+s16] =	stream.indirect_vreg.scatter @!p0 [tilespmem:s17], [sflag:$0x2], $0x80, v43, vm1, $0xb8;
	[tilespmem:$0xD780] =	vst v63  }
0x606: {  	s17 =	simm.s32 @!p0 $0x3F80  }
0x607: {  	[hbm4b:s8+s16] =	stream.indirect_vreg.scatter @!p0 [tilespmem:s17], [sflag:$0x2], $0x80, v43, vm1, $0xb8;
	[tilespmem:$0xD780] =	vst v63  }
0x608: {  	v43 =	vld @!p0 [tilespmem:$0xC10];
	_ =	sdelay $0x4  }
0x609: {  	v47 =	vshrl.u32 @!p0 v43, $0x3  }
0x60a: {  	v47 =	vmul.u32 @!p0 $0x30, v47  }
0x60b: {  	v43 =	vand.u32 @!p0 $0x7, v43  }
0x60c: {  	v43 =	vor.u32 @!p0 v43, v47  }
0x60d: {  	v44 =	vperm.xlane @!p0 v43, v44;
	_ =	sdelay $0x1  }
0x60e: {  	v44 =	vadd.s32 @!p0 v46, v44;
	_ =	sdelay $0x3  }
0x60f: {  	s17 =	simm.s32 @!p0 $0x4780;
	v43 =	vperm.xlane @!p0 v43, v45  }
0x610: {  	[hbm4b:s2+s16] =	stream.indirect_vreg.scatter @!p0 [tilespmem:s17], [sflag:$0x2], $0x80, v44, vm1, $0xb8;
	[tilespmem:$0xD780] =	vst v63  }
0x611: {  	v43 =	vadd.s32 @!p0 v46, v43;
	s17 =	simm.s32 @!p0 $0x4F80  }
0x612: {  	[hbm4b:s7+s16] =	stream.indirect_vreg.scatter @!p0 [tilespmem:s17], [sflag:$0x2], $0x80, v44, vm1, $0xb8;
	[tilespmem:$0xD780] =	vst v63  }
0x613: {  	s17 =	simm.s32 @!p0 $0x5780  }
0x614: {  	[hbm4b:s8+s16] =	stream.indirect_vreg.scatter @!p0 [tilespmem:s17], [sflag:$0x2], $0x80, v44, vm1, $0xb8;
	[tilespmem:$0xD780] =	vst v63  }
0x615: {  	s17 =	simm.s32 @!p0 $0x5F80  }
0x616: {  	[hbm4b:s2+s16] =	stream.indirect_vreg.scatter @!p0 [tilespmem:s17], [sflag:$0x2], $0x80, v43, vm1, $0xb8;
	[tilespmem:$0xD780] =	vst v63  }
0x617: {  	s17 =	simm.s32 @!p0 $0x6780  }
0x618: {  	[hbm4b:s7+s16] =	stream.indirect_vreg.scatter @!p0 [tilespmem:s17], [sflag:$0x2], $0x80, v43, vm1, $0xb8;
	[tilespmem:$0xD780] =	vst v63  }
0x619: {  	s17 =	simm.s32 @!p0 $0x6F80  }
0x61a: {  	[hbm4b:s8+s16] =	stream.indirect_vreg.scatter @!p0 [tilespmem:s17], [sflag:$0x2], $0x80, v43, vm1, $0xb8;
	[tilespmem:$0xD780] =	vst v63  }
0x61b: {  	p0 =	slt.u32 s15, $0x140  }
0x61c: {  	v43 =	vld @!p0 [tilespmem:$0x1400];
	_ =	sdelay $0x4  }
0x61d: {  	v44 =	vshrl.u32 @!p0 v43, $0x3  }
0x61e: {  	v44 =	vmul.u32 @!p0 $0x30, v44  }
0x61f: {  	v45 =	vlaneseq.u32 @!p0;
	v43 =	vand.u32 @!p0 $0x7, v43  }
0x620: {  	v46 =	vshrl.u32 @!p0 v45, $0x3;
	v43 =	vor.u32 @!p0 v43, v44;
	v44 =	vand.u32 @!p0 $0x7, v45  }
0x621: {  	v46 =	vmul.u32 @!p0 $0x8, v46;
	v47 =	vperm.xlane @!p0 v43, v44;
	_ =	sdelay $0x1  }
0x622: {  	v47 =	vadd.s32 @!p0 v46, v47;
	_ =	sdelay $0x1  }
0x623: {  	s16 =	simm.s32 @!p0 $0x0  }
0x624: {  	s16 =	simm.s32 @p0 $0x1;
	v45 =	vor.u32 @!p0 $0x8, v45  }
0x625: {  	vm1 =	vmmov @!p0 $0xffff;
	s17 =	simm.s32 @!p0 $0x7780;
	[smem:$0x7F7] =	sst s16;
	s16 =	simm.s32 @!p0 $0x0;
	v43 =	vperm.xlane @!p0 v43, v45  }
0x626: {  	[hbm4b:s2+s16] =	stream.indirect_vreg.scatter @!p0 [tilespmem:s17], [sflag:$0x3], $0x80, v47, vm1, $0xb8;
	[tilespmem:$0xD780] =	vst v63  }
0x627: {  	v43 =	vadd.s32 @!p0 v46, v43;
	s17 =	simm.s32 @!p0 $0x7F80  }
0x628: {  	[hbm4b:s7+s16] =	stream.indirect_vreg.scatter @!p0 [tilespmem:s17], [sflag:$0x3], $0x80, v47, vm1, $0xb8;
	[tilespmem:$0xD780] =	vst v63  }
0x629: {  	s17 =	simm.s32 @!p0 $0x8780  }
0x62a: {  	[hbm4b:s8+s16] =	stream.indirect_vreg.scatter @!p0 [tilespmem:s17], [sflag:$0x3], $0x80, v47, vm1, $0xb8;
	[tilespmem:$0xD780] =	vst v63  }
0x62b: {  	s17 =	simm.s32 @!p0 $0x8F80  }
0x62c: {  	[hbm4b:s2+s16] =	stream.indirect_vreg.scatter @!p0 [tilespmem:s17], [sflag:$0x3], $0x80, v43, vm1, $0xb8;
	[tilespmem:$0xD780] =	vst v63  }
0x62d: {  	s17 =	simm.s32 @!p0 $0x9780  }
0x62e: {  	[hbm4b:s7+s16] =	stream.indirect_vreg.scatter @!p0 [tilespmem:s17], [sflag:$0x3], $0x80, v43, vm1, $0xb8;
	[tilespmem:$0xD780] =	vst v63  }
0x62f: {  	s17 =	simm.s32 @!p0 $0x9F80  }
0x630: {  	[hbm4b:s8+s16] =	stream.indirect_vreg.scatter @!p0 [tilespmem:s17], [sflag:$0x3], $0x80, v43, vm1, $0xb8;
	[tilespmem:$0xD780] =	vst v63  }
0x631: {  	v43 =	vld @!p0 [tilespmem:$0x1410];
	_ =	sdelay $0x4  }
0x632: {  	v47 =	vshrl.u32 @!p0 v43, $0x3  }
0x633: {  	v47 =	vmul.u32 @!p0 $0x30, v47  }
0x634: {  	v43 =	vand.u32 @!p0 $0x7, v43  }
0x635: {  	v43 =	vor.u32 @!p0 v43, v47  }
0x636: {  	v44 =	vperm.xlane @!p0 v43, v44;
	_ =	sdelay $0x1  }
0x637: {  	v44 =	vadd.s32 @!p0 v46, v44;
	_ =	sdelay $0x3  }
0x638: {  	s17 =	simm.s32 @!p0 $0xA780;
	v43 =	vperm.xlane @!p0 v43, v45  }
0x639: {  	[hbm4b:s2+s16] =	stream.indirect_vreg.scatter @!p0 [tilespmem:s17], [sflag:$0x3], $0x80, v44, vm1, $0xb8;
	[tilespmem:$0xD780] =	vst v63  }
0x63a: {  	v43 =	vadd.s32 @!p0 v46, v43;
	s17 =	simm.s32 @!p0 $0xAF80  }
0x63b: {  	[hbm4b:s7+s16] =	stream.indirect_vreg.scatter @!p0 [tilespmem:s17], [sflag:$0x3], $0x80, v44, vm1, $0xb8;
	[tilespmem:$0xD780] =	vst v63  }
0x63c: {  	s17 =	simm.s32 @!p0 $0xB780  }
0x63d: {  	[hbm4b:s8+s16] =	stream.indirect_vreg.scatter @!p0 [tilespmem:s17], [sflag:$0x3], $0x80, v44, vm1, $0xb8;
	[tilespmem:$0xD780] =	vst v63  }
0x63e: {  	s17 =	simm.s32 @!p0 $0xBF80  }
0x63f: {  	[hbm4b:s2+s16] =	stream.indirect_vreg.scatter @!p0 [tilespmem:s17], [sflag:$0x3], $0x80, v43, vm1, $0xb8;
	[tilespmem:$0xD780] =	vst v63  }
0x640: {  	s17 =	simm.s32 @!p0 $0xC780  }
0x641: {  	[hbm4b:s7+s16] =	stream.indirect_vreg.scatter @!p0 [tilespmem:s17], [sflag:$0x3], $0x80, v43, vm1, $0xb8;
	[tilespmem:$0xD780] =	vst v63  }
0x642: {  	s17 =	simm.s32 @!p0 $0xCF80  }
0x643: {  	[hbm4b:s8+s16] =	stream.indirect_vreg.scatter @!p0 [tilespmem:s17], [sflag:$0x3], $0x80, v43, vm1, $0xb8;
	[tilespmem:$0xD780] =	vst v63  }
0x644: {  	p0 =	slt.u32 s21, $0x160  }
0x645: {  	v43 =	vld @!p0 [tilespmem:$0xC80];
	_ =	sdelay $0x4  }
0x646: {  	v44 =	vshrl.u32 @!p0 v43, $0x3  }
0x647: {  	v44 =	vmul.u32 @!p0 $0x30, v44  }
0x648: {  	v45 =	vlaneseq.u32 @!p0;
	v43 =	vand.u32 @!p0 $0x7, v43  }
0x649: {  	v46 =	vshrl.u32 @!p0 v45, $0x3;
	v43 =	vor.u32 @!p0 v43, v44;
	v44 =	vand.u32 @!p0 $0x7, v45  }
0x64a: {  	v46 =	vmul.u32 @!p0 $0x8, v46;
	v47 =	vperm.xlane @!p0 v43, v44;
	_ =	sdelay $0x1  }
0x64b: {  	v47 =	vadd.s32 @!p0 v46, v47;
	_ =	sdelay $0x1  }
0x64c: {  	s16 =	simm.s32 @!p0 $0x0  }
0x64d: {  	s16 =	simm.s32 @p0 $0x1;
	v45 =	vor.u32 @!p0 $0x8, v45  }
0x64e: {  	vm1 =	vmmov @!p0 $0xffff;
	s17 =	simm.s32 @!p0 $0x1780;
	[smem:$0x7F8] =	sst s16;
	s16 =	simm.s32 @!p0 $0x0;
	v43 =	vperm.xlane @!p0 v43, v45  }
0x64f: {  	[hbm4b:s2+s16] =	stream.indirect_vreg.scatter @!p0 [tilespmem:s17], [sflag:$0x2], $0x80, v47, vm1, $0xb8;
	[tilespmem:$0xD780] =	vst v63  }
0x650: {  	v43 =	vadd.s32 @!p0 v46, v43;
	s17 =	simm.s32 @!p0 $0x1F80  }
0x651: {  	[hbm4b:s7+s16] =	stream.indirect_vreg.scatter @!p0 [tilespmem:s17], [sflag:$0x2], $0x80, v47, vm1, $0xb8;
	[tilespmem:$0xD780] =	vst v63  }
0x652: {  	s17 =	simm.s32 @!p0 $0x2780  }
0x653: {  	[hbm4b:s8+s16] =	stream.indirect_vreg.scatter @!p0 [tilespmem:s17], [sflag:$0x2], $0x80, v47, vm1, $0xb8;
	[tilespmem:$0xD780] =	vst v63  }
0x654: {  	s17 =	simm.s32 @!p0 $0x2F80  }
0x655: {  	[hbm4b:s2+s16] =	stream.indirect_vreg.scatter @!p0 [tilespmem:s17], [sflag:$0x2], $0x80, v43, vm1, $0xb8;
	[tilespmem:$0xD780] =	vst v63  }
0x656: {  	s17 =	simm.s32 @!p0 $0x3780  }
0x657: {  	[hbm4b:s7+s16] =	stream.indirect_vreg.scatter @!p0 [tilespmem:s17], [sflag:$0x2], $0x80, v43, vm1, $0xb8;
	[tilespmem:$0xD780] =	vst v63  }
0x658: {  	s17 =	simm.s32 @!p0 $0x3F80  }
0x659: {  	[hbm4b:s8+s16] =	stream.indirect_vreg.scatter @!p0 [tilespmem:s17], [sflag:$0x2], $0x80, v43, vm1, $0xb8;
	[tilespmem:$0xD780] =	vst v63  }
0x65a: {  	v43 =	vld @!p0 [tilespmem:$0xC90];
	_ =	sdelay $0x4  }
0x65b: {  	v47 =	vshrl.u32 @!p0 v43, $0x3  }
0x65c: {  	v47 =	vmul.u32 @!p0 $0x30, v47  }
0x65d: {  	v43 =	vand.u32 @!p0 $0x7, v43  }
0x65e: {  	v43 =	vor.u32 @!p0 v43, v47  }
0x65f: {  	v44 =	vperm.xlane @!p0 v43, v44;
	_ =	sdelay $0x1  }
0x660: {  	v44 =	vadd.s32 @!p0 v46, v44;
	_ =	sdelay $0x3  }
0x661: {  	s17 =	simm.s32 @!p0 $0x4780;
	v43 =	vperm.xlane @!p0 v43, v45  }
0x662: {  	[hbm4b:s2+s16] =	stream.indirect_vreg.scatter @!p0 [tilespmem:s17], [sflag:$0x2], $0x80, v44, vm1, $0xb8;
	[tilespmem:$0xD780] =	vst v63  }
0x663: {  	v43 =	vadd.s32 @!p0 v46, v43;
	s17 =	simm.s32 @!p0 $0x4F80  }
0x664: {  	[hbm4b:s7+s16] =	stream.indirect_vreg.scatter @!p0 [tilespmem:s17], [sflag:$0x2], $0x80, v44, vm1, $0xb8;
	[tilespmem:$0xD780] =	vst v63  }
0x665: {  	s17 =	simm.s32 @!p0 $0x5780  }
0x666: {  	[hbm4b:s8+s16] =	stream.indirect_vreg.scatter @!p0 [tilespmem:s17], [sflag:$0x2], $0x80, v44, vm1, $0xb8;
	[tilespmem:$0xD780] =	vst v63  }
0x667: {  	s17 =	simm.s32 @!p0 $0x5F80  }
0x668: {  	[hbm4b:s2+s16] =	stream.indirect_vreg.scatter @!p0 [tilespmem:s17], [sflag:$0x2], $0x80, v43, vm1, $0xb8;
	[tilespmem:$0xD780] =	vst v63  }
0x669: {  	s17 =	simm.s32 @!p0 $0x6780  }
0x66a: {  	[hbm4b:s7+s16] =	stream.indirect_vreg.scatter @!p0 [tilespmem:s17], [sflag:$0x2], $0x80, v43, vm1, $0xb8;
	[tilespmem:$0xD780] =	vst v63  }
0x66b: {  	s17 =	simm.s32 @!p0 $0x6F80  }
0x66c: {  	[hbm4b:s8+s16] =	stream.indirect_vreg.scatter @!p0 [tilespmem:s17], [sflag:$0x2], $0x80, v43, vm1, $0xb8;
	[tilespmem:$0xD780] =	vst v63  }
0x66d: {  	p0 =	slt.u32 s15, $0x160  }
0x66e: {  	v43 =	vld @!p0 [tilespmem:$0x1480];
	_ =	sdelay $0x4  }
0x66f: {  	v44 =	vshrl.u32 @!p0 v43, $0x3  }
0x670: {  	v44 =	vmul.u32 @!p0 $0x30, v44  }
0x671: {  	v45 =	vlaneseq.u32 @!p0;
	v43 =	vand.u32 @!p0 $0x7, v43  }
0x672: {  	v46 =	vshrl.u32 @!p0 v45, $0x3;
	v43 =	vor.u32 @!p0 v43, v44;
	v44 =	vand.u32 @!p0 $0x7, v45  }
0x673: {  	v46 =	vmul.u32 @!p0 $0x8, v46;
	v47 =	vperm.xlane @!p0 v43, v44;
	_ =	sdelay $0x1  }
0x674: {  	v47 =	vadd.s32 @!p0 v46, v47;
	_ =	sdelay $0x1  }
0x675: {  	s16 =	simm.s32 @!p0 $0x0  }
0x676: {  	s16 =	simm.s32 @p0 $0x1;
	v45 =	vor.u32 @!p0 $0x8, v45  }
0x677: {  	vm1 =	vmmov @!p0 $0xffff;
	s17 =	simm.s32 @!p0 $0x7780;
	[smem:$0x7F9] =	sst s16;
	s16 =	simm.s32 @!p0 $0x0;
	v43 =	vperm.xlane @!p0 v43, v45  }
0x678: {  	[hbm4b:s2+s16] =	stream.indirect_vreg.scatter @!p0 [tilespmem:s17], [sflag:$0x3], $0x80, v47, vm1, $0xb8;
	[tilespmem:$0xD780] =	vst v63  }
0x679: {  	v43 =	vadd.s32 @!p0 v46, v43;
	s17 =	simm.s32 @!p0 $0x7F80  }
0x67a: {  	[hbm4b:s7+s16] =	stream.indirect_vreg.scatter @!p0 [tilespmem:s17], [sflag:$0x3], $0x80, v47, vm1, $0xb8;
	[tilespmem:$0xD780] =	vst v63  }
0x67b: {  	s17 =	simm.s32 @!p0 $0x8780  }
0x67c: {  	[hbm4b:s8+s16] =	stream.indirect_vreg.scatter @!p0 [tilespmem:s17], [sflag:$0x3], $0x80, v47, vm1, $0xb8;
	[tilespmem:$0xD780] =	vst v63  }
0x67d: {  	s17 =	simm.s32 @!p0 $0x8F80  }
0x67e: {  	[hbm4b:s2+s16] =	stream.indirect_vreg.scatter @!p0 [tilespmem:s17], [sflag:$0x3], $0x80, v43, vm1, $0xb8;
	[tilespmem:$0xD780] =	vst v63  }
0x67f: {  	s17 =	simm.s32 @!p0 $0x9780  }
0x680: {  	[hbm4b:s7+s16] =	stream.indirect_vreg.scatter @!p0 [tilespmem:s17], [sflag:$0x3], $0x80, v43, vm1, $0xb8;
	[tilespmem:$0xD780] =	vst v63  }
0x681: {  	s17 =	simm.s32 @!p0 $0x9F80  }
0x682: {  	[hbm4b:s8+s16] =	stream.indirect_vreg.scatter @!p0 [tilespmem:s17], [sflag:$0x3], $0x80, v43, vm1, $0xb8;
	[tilespmem:$0xD780] =	vst v63  }
0x683: {  	v43 =	vld @!p0 [tilespmem:$0x1490];
	_ =	sdelay $0x4  }
0x684: {  	v47 =	vshrl.u32 @!p0 v43, $0x3  }
0x685: {  	v47 =	vmul.u32 @!p0 $0x30, v47  }
0x686: {  	v43 =	vand.u32 @!p0 $0x7, v43  }
0x687: {  	v43 =	vor.u32 @!p0 v43, v47  }
0x688: {  	v44 =	vperm.xlane @!p0 v43, v44;
	_ =	sdelay $0x1  }
0x689: {  	v44 =	vadd.s32 @!p0 v46, v44;
	_ =	sdelay $0x3  }
0x68a: {  	s17 =	simm.s32 @!p0 $0xA780;
	v43 =	vperm.xlane @!p0 v43, v45  }
0x68b: {  	[hbm4b:s2+s16] =	stream.indirect_vreg.scatter @!p0 [tilespmem:s17], [sflag:$0x3], $0x80, v44, vm1, $0xb8;
	[tilespmem:$0xD780] =	vst v63  }
0x68c: {  	v43 =	vadd.s32 @!p0 v46, v43;
	s17 =	simm.s32 @!p0 $0xAF80  }
0x68d: {  	[hbm4b:s7+s16] =	stream.indirect_vreg.scatter @!p0 [tilespmem:s17], [sflag:$0x3], $0x80, v44, vm1, $0xb8;
	[tilespmem:$0xD780] =	vst v63  }
0x68e: {  	s17 =	simm.s32 @!p0 $0xB780  }
0x68f: {  	[hbm4b:s8+s16] =	stream.indirect_vreg.scatter @!p0 [tilespmem:s17], [sflag:$0x3], $0x80, v44, vm1, $0xb8;
	[tilespmem:$0xD780] =	vst v63  }
0x690: {  	s17 =	simm.s32 @!p0 $0xBF80  }
0x691: {  	[hbm4b:s2+s16] =	stream.indirect_vreg.scatter @!p0 [tilespmem:s17], [sflag:$0x3], $0x80, v43, vm1, $0xb8;
	[tilespmem:$0xD780] =	vst v63  }
0x692: {  	s17 =	simm.s32 @!p0 $0xC780  }
0x693: {  	[hbm4b:s7+s16] =	stream.indirect_vreg.scatter @!p0 [tilespmem:s17], [sflag:$0x3], $0x80, v43, vm1, $0xb8;
	[tilespmem:$0xD780] =	vst v63  }
0x694: {  	s17 =	simm.s32 @!p0 $0xCF80  }
0x695: {  	[hbm4b:s8+s16] =	stream.indirect_vreg.scatter @!p0 [tilespmem:s17], [sflag:$0x3], $0x80, v43, vm1, $0xb8;
	[tilespmem:$0xD780] =	vst v63  }
0x696: {  	p0 =	slt.u32 s21, $0x180  }
0x697: {  	v43 =	vld @!p0 [tilespmem:$0xD00];
	_ =	sdelay $0x4  }
0x698: {  	v44 =	vshrl.u32 @!p0 v43, $0x3  }
0x699: {  	v44 =	vmul.u32 @!p0 $0x30, v44  }
0x69a: {  	v45 =	vlaneseq.u32 @!p0;
	v43 =	vand.u32 @!p0 $0x7, v43  }
0x69b: {  	v46 =	vshrl.u32 @!p0 v45, $0x3;
	v43 =	vor.u32 @!p0 v43, v44;
	v44 =	vand.u32 @!p0 $0x7, v45  }
0x69c: {  	v46 =	vmul.u32 @!p0 $0x8, v46;
	v47 =	vperm.xlane @!p0 v43, v44;
	_ =	sdelay $0x1  }
0x69d: {  	v47 =	vadd.s32 @!p0 v46, v47;
	_ =	sdelay $0x1  }
0x69e: {  	s16 =	simm.s32 @!p0 $0x0  }
0x69f: {  	s16 =	simm.s32 @p0 $0x1;
	v45 =	vor.u32 @!p0 $0x8, v45  }
0x6a0: {  	vm1 =	vmmov @!p0 $0xffff;
	s17 =	simm.s32 @!p0 $0x1780;
	[smem:$0x7FA] =	sst s16;
	s16 =	simm.s32 @!p0 $0x0;
	v43 =	vperm.xlane @!p0 v43, v45  }
0x6a1: {  	[hbm4b:s2+s16] =	stream.indirect_vreg.scatter @!p0 [tilespmem:s17], [sflag:$0x2], $0x80, v47, vm1, $0xb8;
	[tilespmem:$0xD780] =	vst v63  }
0x6a2: {  	v43 =	vadd.s32 @!p0 v46, v43;
	s17 =	simm.s32 @!p0 $0x1F80  }
0x6a3: {  	[hbm4b:s7+s16] =	stream.indirect_vreg.scatter @!p0 [tilespmem:s17], [sflag:$0x2], $0x80, v47, vm1, $0xb8;
	[tilespmem:$0xD780] =	vst v63  }
0x6a4: {  	s17 =	simm.s32 @!p0 $0x2780  }
0x6a5: {  	[hbm4b:s8+s16] =	stream.indirect_vreg.scatter @!p0 [tilespmem:s17], [sflag:$0x2], $0x80, v47, vm1, $0xb8;
	[tilespmem:$0xD780] =	vst v63  }
0x6a6: {  	s17 =	simm.s32 @!p0 $0x2F80  }
0x6a7: {  	[hbm4b:s2+s16] =	stream.indirect_vreg.scatter @!p0 [tilespmem:s17], [sflag:$0x2], $0x80, v43, vm1, $0xb8;
	[tilespmem:$0xD780] =	vst v63  }
0x6a8: {  	s17 =	simm.s32 @!p0 $0x3780  }
0x6a9: {  	[hbm4b:s7+s16] =	stream.indirect_vreg.scatter @!p0 [tilespmem:s17], [sflag:$0x2], $0x80, v43, vm1, $0xb8;
	[tilespmem:$0xD780] =	vst v63  }
0x6aa: {  	s17 =	simm.s32 @!p0 $0x3F80  }
0x6ab: {  	[hbm4b:s8+s16] =	stream.indirect_vreg.scatter @!p0 [tilespmem:s17], [sflag:$0x2], $0x80, v43, vm1, $0xb8;
	[tilespmem:$0xD780] =	vst v63  }
0x6ac: {  	v43 =	vld @!p0 [tilespmem:$0xD10];
	_ =	sdelay $0x4  }
0x6ad: {  	v47 =	vshrl.u32 @!p0 v43, $0x3  }
0x6ae: {  	v47 =	vmul.u32 @!p0 $0x30, v47  }
0x6af: {  	v43 =	vand.u32 @!p0 $0x7, v43  }
0x6b0: {  	v43 =	vor.u32 @!p0 v43, v47  }
0x6b1: {  	v44 =	vperm.xlane @!p0 v43, v44;
	_ =	sdelay $0x1  }
0x6b2: {  	v44 =	vadd.s32 @!p0 v46, v44;
	_ =	sdelay $0x3  }
0x6b3: {  	s17 =	simm.s32 @!p0 $0x4780;
	v43 =	vperm.xlane @!p0 v43, v45  }
0x6b4: {  	[hbm4b:s2+s16] =	stream.indirect_vreg.scatter @!p0 [tilespmem:s17], [sflag:$0x2], $0x80, v44, vm1, $0xb8;
	[tilespmem:$0xD780] =	vst v63  }
0x6b5: {  	v43 =	vadd.s32 @!p0 v46, v43;
	s17 =	simm.s32 @!p0 $0x4F80  }
0x6b6: {  	[hbm4b:s7+s16] =	stream.indirect_vreg.scatter @!p0 [tilespmem:s17], [sflag:$0x2], $0x80, v44, vm1, $0xb8;
	[tilespmem:$0xD780] =	vst v63  }
0x6b7: {  	s17 =	simm.s32 @!p0 $0x5780  }
0x6b8: {  	[hbm4b:s8+s16] =	stream.indirect_vreg.scatter @!p0 [tilespmem:s17], [sflag:$0x2], $0x80, v44, vm1, $0xb8;
	[tilespmem:$0xD780] =	vst v63  }
0x6b9: {  	s17 =	simm.s32 @!p0 $0x5F80  }
0x6ba: {  	[hbm4b:s2+s16] =	stream.indirect_vreg.scatter @!p0 [tilespmem:s17], [sflag:$0x2], $0x80, v43, vm1, $0xb8;
	[tilespmem:$0xD780] =	vst v63  }
0x6bb: {  	s17 =	simm.s32 @!p0 $0x6780  }
0x6bc: {  	[hbm4b:s7+s16] =	stream.indirect_vreg.scatter @!p0 [tilespmem:s17], [sflag:$0x2], $0x80, v43, vm1, $0xb8;
	[tilespmem:$0xD780] =	vst v63  }
0x6bd: {  	s17 =	simm.s32 @!p0 $0x6F80  }
0x6be: {  	[hbm4b:s8+s16] =	stream.indirect_vreg.scatter @!p0 [tilespmem:s17], [sflag:$0x2], $0x80, v43, vm1, $0xb8;
	[tilespmem:$0xD780] =	vst v63  }
0x6bf: {  	p0 =	slt.u32 s15, $0x180  }
0x6c0: {  	v43 =	vld @!p0 [tilespmem:$0x1500];
	_ =	sdelay $0x4  }
0x6c1: {  	v44 =	vshrl.u32 @!p0 v43, $0x3  }
0x6c2: {  	v44 =	vmul.u32 @!p0 $0x30, v44  }
0x6c3: {  	v45 =	vlaneseq.u32 @!p0;
	v43 =	vand.u32 @!p0 $0x7, v43  }
0x6c4: {  	v46 =	vshrl.u32 @!p0 v45, $0x3;
	v43 =	vor.u32 @!p0 v43, v44;
	v44 =	vand.u32 @!p0 $0x7, v45  }
0x6c5: {  	v46 =	vmul.u32 @!p0 $0x8, v46;
	v47 =	vperm.xlane @!p0 v43, v44;
	_ =	sdelay $0x1  }
0x6c6: {  	v47 =	vadd.s32 @!p0 v46, v47;
	_ =	sdelay $0x1  }
0x6c7: {  	s16 =	simm.s32 @!p0 $0x0  }
0x6c8: {  	s16 =	simm.s32 @p0 $0x1;
	v45 =	vor.u32 @!p0 $0x8, v45  }
0x6c9: {  	vm1 =	vmmov @!p0 $0xffff;
	s17 =	simm.s32 @!p0 $0x7780;
	[smem:$0x7FB] =	sst s16;
	s16 =	simm.s32 @!p0 $0x0;
	v43 =	vperm.xlane @!p0 v43, v45  }
0x6ca: {  	[hbm4b:s2+s16] =	stream.indirect_vreg.scatter @!p0 [tilespmem:s17], [sflag:$0x3], $0x80, v47, vm1, $0xb8;
	[tilespmem:$0xD780] =	vst v63  }
0x6cb: {  	v43 =	vadd.s32 @!p0 v46, v43;
	s17 =	simm.s32 @!p0 $0x7F80  }
0x6cc: {  	[hbm4b:s7+s16] =	stream.indirect_vreg.scatter @!p0 [tilespmem:s17], [sflag:$0x3], $0x80, v47, vm1, $0xb8;
	[tilespmem:$0xD780] =	vst v63  }
0x6cd: {  	s17 =	simm.s32 @!p0 $0x8780  }
0x6ce: {  	[hbm4b:s8+s16] =	stream.indirect_vreg.scatter @!p0 [tilespmem:s17], [sflag:$0x3], $0x80, v47, vm1, $0xb8;
	[tilespmem:$0xD780] =	vst v63  }
0x6cf: {  	s17 =	simm.s32 @!p0 $0x8F80  }
0x6d0: {  	[hbm4b:s2+s16] =	stream.indirect_vreg.scatter @!p0 [tilespmem:s17], [sflag:$0x3], $0x80, v43, vm1, $0xb8;
	[tilespmem:$0xD780] =	vst v63  }
0x6d1: {  	s17 =	simm.s32 @!p0 $0x9780  }
0x6d2: {  	[hbm4b:s7+s16] =	stream.indirect_vreg.scatter @!p0 [tilespmem:s17], [sflag:$0x3], $0x80, v43, vm1, $0xb8;
	[tilespmem:$0xD780] =	vst v63  }
0x6d3: {  	s17 =	simm.s32 @!p0 $0x9F80  }
0x6d4: {  	[hbm4b:s8+s16] =	stream.indirect_vreg.scatter @!p0 [tilespmem:s17], [sflag:$0x3], $0x80, v43, vm1, $0xb8;
	[tilespmem:$0xD780] =	vst v63  }
0x6d5: {  	v43 =	vld @!p0 [tilespmem:$0x1510];
	_ =	sdelay $0x4  }
0x6d6: {  	v47 =	vshrl.u32 @!p0 v43, $0x3  }
0x6d7: {  	v47 =	vmul.u32 @!p0 $0x30, v47  }
0x6d8: {  	v43 =	vand.u32 @!p0 $0x7, v43  }
0x6d9: {  	v43 =	vor.u32 @!p0 v43, v47  }
0x6da: {  	v44 =	vperm.xlane @!p0 v43, v44;
	_ =	sdelay $0x1  }
0x6db: {  	v44 =	vadd.s32 @!p0 v46, v44;
	_ =	sdelay $0x3  }
0x6dc: {  	s17 =	simm.s32 @!p0 $0xA780;
	v43 =	vperm.xlane @!p0 v43, v45  }
0x6dd: {  	[hbm4b:s2+s16] =	stream.indirect_vreg.scatter @!p0 [tilespmem:s17], [sflag:$0x3], $0x80, v44, vm1, $0xb8;
	[tilespmem:$0xD780] =	vst v63  }
0x6de: {  	v43 =	vadd.s32 @!p0 v46, v43;
	s17 =	simm.s32 @!p0 $0xAF80  }
0x6df: {  	[hbm4b:s7+s16] =	stream.indirect_vreg.scatter @!p0 [tilespmem:s17], [sflag:$0x3], $0x80, v44, vm1, $0xb8;
	[tilespmem:$0xD780] =	vst v63  }
0x6e0: {  	s17 =	simm.s32 @!p0 $0xB780  }
0x6e1: {  	[hbm4b:s8+s16] =	stream.indirect_vreg.scatter @!p0 [tilespmem:s17], [sflag:$0x3], $0x80, v44, vm1, $0xb8;
	[tilespmem:$0xD780] =	vst v63  }
0x6e2: {  	s17 =	simm.s32 @!p0 $0xBF80  }
0x6e3: {  	[hbm4b:s2+s16] =	stream.indirect_vreg.scatter @!p0 [tilespmem:s17], [sflag:$0x3], $0x80, v43, vm1, $0xb8;
	[tilespmem:$0xD780] =	vst v63  }
0x6e4: {  	s17 =	simm.s32 @!p0 $0xC780  }
0x6e5: {  	[hbm4b:s7+s16] =	stream.indirect_vreg.scatter @!p0 [tilespmem:s17], [sflag:$0x3], $0x80, v43, vm1, $0xb8;
	[tilespmem:$0xD780] =	vst v63  }
0x6e6: {  	s17 =	simm.s32 @!p0 $0xCF80  }
0x6e7: {  	[hbm4b:s8+s16] =	stream.indirect_vreg.scatter @!p0 [tilespmem:s17], [sflag:$0x3], $0x80, v43, vm1, $0xb8;
	[tilespmem:$0xD780] =	vst v63  }
0x6e8: {  	p0 =	slt.u32 s21, $0x1A0  }
0x6e9: {  	v43 =	vld @!p0 [tilespmem:$0xD80];
	_ =	sdelay $0x4  }
0x6ea: {  	v44 =	vshrl.u32 @!p0 v43, $0x3  }
0x6eb: {  	v44 =	vmul.u32 @!p0 $0x30, v44  }
0x6ec: {  	v45 =	vlaneseq.u32 @!p0;
	v43 =	vand.u32 @!p0 $0x7, v43  }
0x6ed: {  	v46 =	vshrl.u32 @!p0 v45, $0x3;
	v43 =	vor.u32 @!p0 v43, v44;
	v44 =	vand.u32 @!p0 $0x7, v45  }
0x6ee: {  	v46 =	vmul.u32 @!p0 $0x8, v46;
	v47 =	vperm.xlane @!p0 v43, v44;
	_ =	sdelay $0x1  }
0x6ef: {  	v47 =	vadd.s32 @!p0 v46, v47;
	_ =	sdelay $0x1  }
0x6f0: {  	s16 =	simm.s32 @!p0 $0x0  }
0x6f1: {  	s16 =	simm.s32 @p0 $0x1;
	v45 =	vor.u32 @!p0 $0x8, v45  }
0x6f2: {  	vm1 =	vmmov @!p0 $0xffff;
	s17 =	simm.s32 @!p0 $0x1780;
	[smem:$0x7FC] =	sst s16;
	s16 =	simm.s32 @!p0 $0x0;
	v43 =	vperm.xlane @!p0 v43, v45  }
0x6f3: {  	[hbm4b:s2+s16] =	stream.indirect_vreg.scatter @!p0 [tilespmem:s17], [sflag:$0x2], $0x80, v47, vm1, $0xb8;
	[tilespmem:$0xD780] =	vst v63  }
0x6f4: {  	v43 =	vadd.s32 @!p0 v46, v43;
	s17 =	simm.s32 @!p0 $0x1F80  }
0x6f5: {  	[hbm4b:s7+s16] =	stream.indirect_vreg.scatter @!p0 [tilespmem:s17], [sflag:$0x2], $0x80, v47, vm1, $0xb8;
	[tilespmem:$0xD780] =	vst v63  }
0x6f6: {  	s17 =	simm.s32 @!p0 $0x2780  }
0x6f7: {  	[hbm4b:s8+s16] =	stream.indirect_vreg.scatter @!p0 [tilespmem:s17], [sflag:$0x2], $0x80, v47, vm1, $0xb8;
	[tilespmem:$0xD780] =	vst v63  }
0x6f8: {  	s17 =	simm.s32 @!p0 $0x2F80  }
0x6f9: {  	[hbm4b:s2+s16] =	stream.indirect_vreg.scatter @!p0 [tilespmem:s17], [sflag:$0x2], $0x80, v43, vm1, $0xb8;
	[tilespmem:$0xD780] =	vst v63  }
0x6fa: {  	s17 =	simm.s32 @!p0 $0x3780  }
0x6fb: {  	[hbm4b:s7+s16] =	stream.indirect_vreg.scatter @!p0 [tilespmem:s17], [sflag:$0x2], $0x80, v43, vm1, $0xb8;
	[tilespmem:$0xD780] =	vst v63  }
0x6fc: {  	s17 =	simm.s32 @!p0 $0x3F80  }
0x6fd: {  	[hbm4b:s8+s16] =	stream.indirect_vreg.scatter @!p0 [tilespmem:s17], [sflag:$0x2], $0x80, v43, vm1, $0xb8;
	[tilespmem:$0xD780] =	vst v63  }
0x6fe: {  	v43 =	vld @!p0 [tilespmem:$0xD90];
	_ =	sdelay $0x4  }
0x6ff: {  	v47 =	vshrl.u32 @!p0 v43, $0x3  }
0x700: {  	v47 =	vmul.u32 @!p0 $0x30, v47  }
0x701: {  	v43 =	vand.u32 @!p0 $0x7, v43  }
0x702: {  	v43 =	vor.u32 @!p0 v43, v47  }
0x703: {  	v44 =	vperm.xlane @!p0 v43, v44;
	_ =	sdelay $0x1  }
0x704: {  	v44 =	vadd.s32 @!p0 v46, v44;
	_ =	sdelay $0x3  }
0x705: {  	s17 =	simm.s32 @!p0 $0x4780;
	v43 =	vperm.xlane @!p0 v43, v45  }
0x706: {  	[hbm4b:s2+s16] =	stream.indirect_vreg.scatter @!p0 [tilespmem:s17], [sflag:$0x2], $0x80, v44, vm1, $0xb8;
	[tilespmem:$0xD780] =	vst v63  }
0x707: {  	v43 =	vadd.s32 @!p0 v46, v43;
	s17 =	simm.s32 @!p0 $0x4F80  }
0x708: {  	[hbm4b:s7+s16] =	stream.indirect_vreg.scatter @!p0 [tilespmem:s17], [sflag:$0x2], $0x80, v44, vm1, $0xb8;
	[tilespmem:$0xD780] =	vst v63  }
0x709: {  	s17 =	simm.s32 @!p0 $0x5780  }
0x70a: {  	[hbm4b:s8+s16] =	stream.indirect_vreg.scatter @!p0 [tilespmem:s17], [sflag:$0x2], $0x80, v44, vm1, $0xb8;
	[tilespmem:$0xD780] =	vst v63  }
0x70b: {  	s17 =	simm.s32 @!p0 $0x5F80  }
0x70c: {  	[hbm4b:s2+s16] =	stream.indirect_vreg.scatter @!p0 [tilespmem:s17], [sflag:$0x2], $0x80, v43, vm1, $0xb8;
	[tilespmem:$0xD780] =	vst v63  }
0x70d: {  	s17 =	simm.s32 @!p0 $0x6780  }
0x70e: {  	[hbm4b:s7+s16] =	stream.indirect_vreg.scatter @!p0 [tilespmem:s17], [sflag:$0x2], $0x80, v43, vm1, $0xb8;
	[tilespmem:$0xD780] =	vst v63  }
0x70f: {  	s17 =	simm.s32 @!p0 $0x6F80  }
0x710: {  	[hbm4b:s8+s16] =	stream.indirect_vreg.scatter @!p0 [tilespmem:s17], [sflag:$0x2], $0x80, v43, vm1, $0xb8;
	[tilespmem:$0xD780] =	vst v63  }
0x711: {  	p0 =	slt.u32 s15, $0x1A0  }
0x712: {  	v43 =	vld @!p0 [tilespmem:$0x1580];
	_ =	sdelay $0x4  }
0x713: {  	v44 =	vshrl.u32 @!p0 v43, $0x3  }
0x714: {  	v44 =	vmul.u32 @!p0 $0x30, v44  }
0x715: {  	v45 =	vlaneseq.u32 @!p0;
	v43 =	vand.u32 @!p0 $0x7, v43  }
0x716: {  	v46 =	vshrl.u32 @!p0 v45, $0x3;
	v43 =	vor.u32 @!p0 v43, v44;
	v44 =	vand.u32 @!p0 $0x7, v45  }
0x717: {  	v46 =	vmul.u32 @!p0 $0x8, v46;
	v47 =	vperm.xlane @!p0 v43, v44;
	_ =	sdelay $0x1  }
0x718: {  	v47 =	vadd.s32 @!p0 v46, v47;
	_ =	sdelay $0x1  }
0x719: {  	s16 =	simm.s32 @!p0 $0x0  }
0x71a: {  	s16 =	simm.s32 @p0 $0x1;
	v45 =	vor.u32 @!p0 $0x8, v45  }
0x71b: {  	vm1 =	vmmov @!p0 $0xffff;
	s17 =	simm.s32 @!p0 $0x7780;
	[smem:$0x7FD] =	sst s16;
	s16 =	simm.s32 @!p0 $0x0;
	v43 =	vperm.xlane @!p0 v43, v45  }
0x71c: {  	[hbm4b:s2+s16] =	stream.indirect_vreg.scatter @!p0 [tilespmem:s17], [sflag:$0x3], $0x80, v47, vm1, $0xb8;
	[tilespmem:$0xD780] =	vst v63  }
0x71d: {  	v43 =	vadd.s32 @!p0 v46, v43;
	s17 =	simm.s32 @!p0 $0x7F80  }
0x71e: {  	[hbm4b:s7+s16] =	stream.indirect_vreg.scatter @!p0 [tilespmem:s17], [sflag:$0x3], $0x80, v47, vm1, $0xb8;
	[tilespmem:$0xD780] =	vst v63  }
0x71f: {  	s17 =	simm.s32 @!p0 $0x8780  }
0x720: {  	[hbm4b:s8+s16] =	stream.indirect_vreg.scatter @!p0 [tilespmem:s17], [sflag:$0x3], $0x80, v47, vm1, $0xb8;
	[tilespmem:$0xD780] =	vst v63  }
0x721: {  	s17 =	simm.s32 @!p0 $0x8F80  }
0x722: {  	[hbm4b:s2+s16] =	stream.indirect_vreg.scatter @!p0 [tilespmem:s17], [sflag:$0x3], $0x80, v43, vm1, $0xb8;
	[tilespmem:$0xD780] =	vst v63  }
0x723: {  	s17 =	simm.s32 @!p0 $0x9780  }
0x724: {  	[hbm4b:s7+s16] =	stream.indirect_vreg.scatter @!p0 [tilespmem:s17], [sflag:$0x3], $0x80, v43, vm1, $0xb8;
	[tilespmem:$0xD780] =	vst v63  }
0x725: {  	s17 =	simm.s32 @!p0 $0x9F80  }
0x726: {  	[hbm4b:s8+s16] =	stream.indirect_vreg.scatter @!p0 [tilespmem:s17], [sflag:$0x3], $0x80, v43, vm1, $0xb8;
	[tilespmem:$0xD780] =	vst v63  }
0x727: {  	v43 =	vld @!p0 [tilespmem:$0x1590];
	_ =	sdelay $0x4  }
0x728: {  	v47 =	vshrl.u32 @!p0 v43, $0x3  }
0x729: {  	v47 =	vmul.u32 @!p0 $0x30, v47  }
0x72a: {  	v43 =	vand.u32 @!p0 $0x7, v43  }
0x72b: {  	v43 =	vor.u32 @!p0 v43, v47  }
0x72c: {  	v44 =	vperm.xlane @!p0 v43, v44;
	_ =	sdelay $0x1  }
0x72d: {  	v44 =	vadd.s32 @!p0 v46, v44;
	_ =	sdelay $0x3  }
0x72e: {  	s17 =	simm.s32 @!p0 $0xA780;
	v43 =	vperm.xlane @!p0 v43, v45  }
0x72f: {  	[hbm4b:s2+s16] =	stream.indirect_vreg.scatter @!p0 [tilespmem:s17], [sflag:$0x3], $0x80, v44, vm1, $0xb8;
	[tilespmem:$0xD780] =	vst v63  }
0x730: {  	v43 =	vadd.s32 @!p0 v46, v43;
	s17 =	simm.s32 @!p0 $0xAF80  }
0x731: {  	[hbm4b:s7+s16] =	stream.indirect_vreg.scatter @!p0 [tilespmem:s17], [sflag:$0x3], $0x80, v44, vm1, $0xb8;
	[tilespmem:$0xD780] =	vst v63  }
0x732: {  	s17 =	simm.s32 @!p0 $0xB780  }
0x733: {  	[hbm4b:s8+s16] =	stream.indirect_vreg.scatter @!p0 [tilespmem:s17], [sflag:$0x3], $0x80, v44, vm1, $0xb8;
	[tilespmem:$0xD780] =	vst v63  }
0x734: {  	s17 =	simm.s32 @!p0 $0xBF80  }
0x735: {  	[hbm4b:s2+s16] =	stream.indirect_vreg.scatter @!p0 [tilespmem:s17], [sflag:$0x3], $0x80, v43, vm1, $0xb8;
	[tilespmem:$0xD780] =	vst v63  }
0x736: {  	s17 =	simm.s32 @!p0 $0xC780  }
0x737: {  	[hbm4b:s7+s16] =	stream.indirect_vreg.scatter @!p0 [tilespmem:s17], [sflag:$0x3], $0x80, v43, vm1, $0xb8;
	[tilespmem:$0xD780] =	vst v63  }
0x738: {  	p6 =	slt.u32 s21, $0x1C0;
	s17 =	simm.s32 @!p0 $0xCF80  }
0x739: {  	[hbm4b:s8+s16] =	stream.indirect_vreg.scatter @!p0 [tilespmem:s17], [sflag:$0x3], $0x80, v43, vm1, $0xb8;
	[tilespmem:$0xD780] =	vst v63  }
0x73a: {  	v43 =	vld @!p6 [tilespmem:$0xE00];
	_ =	sdelay $0x4  }
0x73b: {  	v44 =	vshrl.u32 @!p6 v43, $0x3  }
0x73c: {  	v44 =	vmul.u32 @!p6 $0x30, v44  }
0x73d: {  	v45 =	vlaneseq.u32 @!p6;
	v43 =	vand.u32 @!p6 $0x7, v43  }
0x73e: {  	v46 =	vshrl.u32 @!p6 v45, $0x3;
	v43 =	vor.u32 @!p6 v43, v44;
	v44 =	vand.u32 @!p6 $0x7, v45  }
0x73f: {  	v46 =	vmul.u32 @!p6 $0x8, v46;
	v47 =	vperm.xlane @!p6 v43, v44;
	_ =	sdelay $0x1  }
0x740: {  	v47 =	vadd.s32 @!p6 v46, v47;
	_ =	sdelay $0x2  }
0x741: {  	v45 =	vor.u32 @!p6 $0x8, v45  }
0x742: {  	vm1 =	vmmov @!p6 $0xffff;
	s16 =	simm.s32 @!p6 $0x0;
	s17 =	simm.s32 @!p6 $0x1780;
	v43 =	vperm.xlane @!p6 v43, v45  }
0x743: {  	[hbm4b:s2+s16] =	stream.indirect_vreg.scatter @!p6 [tilespmem:s17], [sflag:$0x2], $0x80, v47, vm1, $0xb8;
	[tilespmem:$0xD780] =	vst v63  }
0x744: {  	v43 =	vadd.s32 @!p6 v46, v43;
	s17 =	simm.s32 @!p6 $0x1F80  }
0x745: {  	[hbm4b:s7+s16] =	stream.indirect_vreg.scatter @!p6 [tilespmem:s17], [sflag:$0x2], $0x80, v47, vm1, $0xb8;
	[tilespmem:$0xD780] =	vst v63  }
0x746: {  	s17 =	simm.s32 @!p6 $0x2780  }
0x747: {  	[hbm4b:s8+s16] =	stream.indirect_vreg.scatter @!p6 [tilespmem:s17], [sflag:$0x2], $0x80, v47, vm1, $0xb8;
	[tilespmem:$0xD780] =	vst v63  }
0x748: {  	s17 =	simm.s32 @!p6 $0x2F80  }
0x749: {  	[hbm4b:s2+s16] =	stream.indirect_vreg.scatter @!p6 [tilespmem:s17], [sflag:$0x2], $0x80, v43, vm1, $0xb8;
	[tilespmem:$0xD780] =	vst v63  }
0x74a: {  	s17 =	simm.s32 @!p6 $0x3780  }
0x74b: {  	[hbm4b:s7+s16] =	stream.indirect_vreg.scatter @!p6 [tilespmem:s17], [sflag:$0x2], $0x80, v43, vm1, $0xb8;
	[tilespmem:$0xD780] =	vst v63  }
0x74c: {  	s17 =	simm.s32 @!p6 $0x3F80  }
0x74d: {  	[hbm4b:s8+s16] =	stream.indirect_vreg.scatter @!p6 [tilespmem:s17], [sflag:$0x2], $0x80, v43, vm1, $0xb8;
	[tilespmem:$0xD780] =	vst v63  }
0x74e: {  	v43 =	vld @!p6 [tilespmem:$0xE10];
	_ =	sdelay $0x4  }
0x74f: {  	v47 =	vshrl.u32 @!p6 v43, $0x3  }
0x750: {  	v47 =	vmul.u32 @!p6 $0x30, v47  }
0x751: {  	v43 =	vand.u32 @!p6 $0x7, v43  }
0x752: {  	v43 =	vor.u32 @!p6 v43, v47  }
0x753: {  	v44 =	vperm.xlane @!p6 v43, v44;
	_ =	sdelay $0x1  }
0x754: {  	v44 =	vadd.s32 @!p6 v46, v44;
	_ =	sdelay $0x3  }
0x755: {  	s17 =	simm.s32 @!p6 $0x4780;
	v43 =	vperm.xlane @!p6 v43, v45  }
0x756: {  	[hbm4b:s2+s16] =	stream.indirect_vreg.scatter @!p6 [tilespmem:s17], [sflag:$0x2], $0x80, v44, vm1, $0xb8;
	[tilespmem:$0xD780] =	vst v63  }
0x757: {  	v43 =	vadd.s32 @!p6 v46, v43;
	s17 =	simm.s32 @!p6 $0x4F80  }
0x758: {  	[hbm4b:s7+s16] =	stream.indirect_vreg.scatter @!p6 [tilespmem:s17], [sflag:$0x2], $0x80, v44, vm1, $0xb8;
	[tilespmem:$0xD780] =	vst v63  }
0x759: {  	s17 =	simm.s32 @!p6 $0x5780  }
0x75a: {  	[hbm4b:s8+s16] =	stream.indirect_vreg.scatter @!p6 [tilespmem:s17], [sflag:$0x2], $0x80, v44, vm1, $0xb8;
	[tilespmem:$0xD780] =	vst v63  }
0x75b: {  	s17 =	simm.s32 @!p6 $0x5F80  }
0x75c: {  	[hbm4b:s2+s16] =	stream.indirect_vreg.scatter @!p6 [tilespmem:s17], [sflag:$0x2], $0x80, v43, vm1, $0xb8;
	[tilespmem:$0xD780] =	vst v63  }
0x75d: {  	s17 =	simm.s32 @!p6 $0x6780  }
0x75e: {  	[hbm4b:s7+s16] =	stream.indirect_vreg.scatter @!p6 [tilespmem:s17], [sflag:$0x2], $0x80, v43, vm1, $0xb8;
	[tilespmem:$0xD780] =	vst v63  }
0x75f: {  	p5 =	slt.u32 s15, $0x1C0;
	s17 =	simm.s32 @!p6 $0x6F80  }
0x760: {  	[hbm4b:s8+s16] =	stream.indirect_vreg.scatter @!p6 [tilespmem:s17], [sflag:$0x2], $0x80, v43, vm1, $0xb8;
	[tilespmem:$0xD780] =	vst v63  }
0x761: {  	v43 =	vld @!p5 [tilespmem:$0x1600];
	_ =	sdelay $0x4  }
0x762: {  	v44 =	vshrl.u32 @!p5 v43, $0x3  }
0x763: {  	v44 =	vmul.u32 @!p5 $0x30, v44  }
0x764: {  	v45 =	vlaneseq.u32 @!p5;
	v43 =	vand.u32 @!p5 $0x7, v43  }
0x765: {  	v46 =	vshrl.u32 @!p5 v45, $0x3;
	v43 =	vor.u32 @!p5 v43, v44;
	v44 =	vand.u32 @!p5 $0x7, v45  }
0x766: {  	v46 =	vmul.u32 @!p5 $0x8, v46;
	v47 =	vperm.xlane @!p5 v43, v44;
	_ =	sdelay $0x1  }
0x767: {  	v47 =	vadd.s32 @!p5 v46, v47;
	_ =	sdelay $0x2  }
0x768: {  	v45 =	vor.u32 @!p5 $0x8, v45  }
0x769: {  	vm1 =	vmmov @!p5 $0xffff;
	s16 =	simm.s32 @!p5 $0x0;
	s17 =	simm.s32 @!p5 $0x7780;
	v43 =	vperm.xlane @!p5 v43, v45  }
0x76a: {  	[hbm4b:s2+s16] =	stream.indirect_vreg.scatter @!p5 [tilespmem:s17], [sflag:$0x3], $0x80, v47, vm1, $0xb8;
	[tilespmem:$0xD780] =	vst v63  }
0x76b: {  	v43 =	vadd.s32 @!p5 v46, v43;
	s17 =	simm.s32 @!p5 $0x7F80  }
0x76c: {  	[hbm4b:s7+s16] =	stream.indirect_vreg.scatter @!p5 [tilespmem:s17], [sflag:$0x3], $0x80, v47, vm1, $0xb8;
	[tilespmem:$0xD780] =	vst v63  }
0x76d: {  	s17 =	simm.s32 @!p5 $0x8780  }
0x76e: {  	[hbm4b:s8+s16] =	stream.indirect_vreg.scatter @!p5 [tilespmem:s17], [sflag:$0x3], $0x80, v47, vm1, $0xb8;
	[tilespmem:$0xD780] =	vst v63  }
0x76f: {  	s17 =	simm.s32 @!p5 $0x8F80  }
0x770: {  	[hbm4b:s2+s16] =	stream.indirect_vreg.scatter @!p5 [tilespmem:s17], [sflag:$0x3], $0x80, v43, vm1, $0xb8;
	[tilespmem:$0xD780] =	vst v63  }
0x771: {  	s17 =	simm.s32 @!p5 $0x9780  }
0x772: {  	[hbm4b:s7+s16] =	stream.indirect_vreg.scatter @!p5 [tilespmem:s17], [sflag:$0x3], $0x80, v43, vm1, $0xb8;
	[tilespmem:$0xD780] =	vst v63  }
0x773: {  	s17 =	simm.s32 @!p5 $0x9F80  }
0x774: {  	[hbm4b:s8+s16] =	stream.indirect_vreg.scatter @!p5 [tilespmem:s17], [sflag:$0x3], $0x80, v43, vm1, $0xb8;
	[tilespmem:$0xD780] =	vst v63  }
0x775: {  	v43 =	vld @!p5 [tilespmem:$0x1610];
	_ =	sdelay $0x4  }
0x776: {  	v47 =	vshrl.u32 @!p5 v43, $0x3  }
0x777: {  	v47 =	vmul.u32 @!p5 $0x30, v47  }
0x778: {  	v43 =	vand.u32 @!p5 $0x7, v43  }
0x779: {  	v43 =	vor.u32 @!p5 v43, v47  }
0x77a: {  	v44 =	vperm.xlane @!p5 v43, v44;
	_ =	sdelay $0x1  }
0x77b: {  	v44 =	vadd.s32 @!p5 v46, v44;
	_ =	sdelay $0x3  }
0x77c: {  	s17 =	simm.s32 @!p5 $0xA780;
	v43 =	vperm.xlane @!p5 v43, v45  }
0x77d: {  	[hbm4b:s2+s16] =	stream.indirect_vreg.scatter @!p5 [tilespmem:s17], [sflag:$0x3], $0x80, v44, vm1, $0xb8;
	[tilespmem:$0xD780] =	vst v63  }
0x77e: {  	v43 =	vadd.s32 @!p5 v46, v43;
	s17 =	simm.s32 @!p5 $0xAF80  }
0x77f: {  	[hbm4b:s7+s16] =	stream.indirect_vreg.scatter @!p5 [tilespmem:s17], [sflag:$0x3], $0x80, v44, vm1, $0xb8;
	[tilespmem:$0xD780] =	vst v63  }
0x780: {  	s17 =	simm.s32 @!p5 $0xB780  }
0x781: {  	[hbm4b:s8+s16] =	stream.indirect_vreg.scatter @!p5 [tilespmem:s17], [sflag:$0x3], $0x80, v44, vm1, $0xb8;
	[tilespmem:$0xD780] =	vst v63  }
0x782: {  	s17 =	simm.s32 @!p5 $0xBF80  }
0x783: {  	[hbm4b:s2+s16] =	stream.indirect_vreg.scatter @!p5 [tilespmem:s17], [sflag:$0x3], $0x80, v43, vm1, $0xb8;
	[tilespmem:$0xD780] =	vst v63  }
0x784: {  	s17 =	simm.s32 @!p5 $0xC780  }
0x785: {  	[hbm4b:s7+s16] =	stream.indirect_vreg.scatter @!p5 [tilespmem:s17], [sflag:$0x3], $0x80, v43, vm1, $0xb8;
	[tilespmem:$0xD780] =	vst v63  }
0x786: {  	p4 =	slt.u32 s21, $0x1E0;
	s17 =	simm.s32 @!p5 $0xCF80  }
0x787: {  	[hbm4b:s8+s16] =	stream.indirect_vreg.scatter @!p5 [tilespmem:s17], [sflag:$0x3], $0x80, v43, vm1, $0xb8;
	[tilespmem:$0xD780] =	vst v63  }
0x788: {  	v43 =	vld @!p4 [tilespmem:$0xE80];
	_ =	sdelay $0x4  }
0x789: {  	v44 =	vshrl.u32 @!p4 v43, $0x3  }
0x78a: {  	v44 =	vmul.u32 @!p4 $0x30, v44  }
0x78b: {  	v45 =	vlaneseq.u32 @!p4;
	v43 =	vand.u32 @!p4 $0x7, v43  }
0x78c: {  	v46 =	vshrl.u32 @!p4 v45, $0x3;
	v43 =	vor.u32 @!p4 v43, v44;
	v44 =	vand.u32 @!p4 $0x7, v45  }
0x78d: {  	v46 =	vmul.u32 @!p4 $0x8, v46;
	v47 =	vperm.xlane @!p4 v43, v44;
	_ =	sdelay $0x1  }
0x78e: {  	v47 =	vadd.s32 @!p4 v46, v47;
	_ =	sdelay $0x2  }
0x78f: {  	v45 =	vor.u32 @!p4 $0x8, v45  }
0x790: {  	vm1 =	vmmov @!p4 $0xffff;
	s16 =	simm.s32 @!p4 $0x0;
	s17 =	simm.s32 @!p4 $0x1780;
	v43 =	vperm.xlane @!p4 v43, v45  }
0x791: {  	[hbm4b:s2+s16] =	stream.indirect_vreg.scatter @!p4 [tilespmem:s17], [sflag:$0x2], $0x80, v47, vm1, $0xb8;
	[tilespmem:$0xD780] =	vst v63  }
0x792: {  	v43 =	vadd.s32 @!p4 v46, v43;
	s17 =	simm.s32 @!p4 $0x1F80  }
0x793: {  	[hbm4b:s7+s16] =	stream.indirect_vreg.scatter @!p4 [tilespmem:s17], [sflag:$0x2], $0x80, v47, vm1, $0xb8;
	[tilespmem:$0xD780] =	vst v63  }
0x794: {  	s17 =	simm.s32 @!p4 $0x2780  }
0x795: {  	[hbm4b:s8+s16] =	stream.indirect_vreg.scatter @!p4 [tilespmem:s17], [sflag:$0x2], $0x80, v47, vm1, $0xb8;
	[tilespmem:$0xD780] =	vst v63  }
0x796: {  	s17 =	simm.s32 @!p4 $0x2F80  }
0x797: {  	[hbm4b:s2+s16] =	stream.indirect_vreg.scatter @!p4 [tilespmem:s17], [sflag:$0x2], $0x80, v43, vm1, $0xb8;
	[tilespmem:$0xD780] =	vst v63  }
0x798: {  	s17 =	simm.s32 @!p4 $0x3780  }
0x799: {  	[hbm4b:s7+s16] =	stream.indirect_vreg.scatter @!p4 [tilespmem:s17], [sflag:$0x2], $0x80, v43, vm1, $0xb8;
	[tilespmem:$0xD780] =	vst v63  }
0x79a: {  	s17 =	simm.s32 @!p4 $0x3F80  }
0x79b: {  	[hbm4b:s8+s16] =	stream.indirect_vreg.scatter @!p4 [tilespmem:s17], [sflag:$0x2], $0x80, v43, vm1, $0xb8;
	[tilespmem:$0xD780] =	vst v63  }
0x79c: {  	v43 =	vld @!p4 [tilespmem:$0xE90];
	_ =	sdelay $0x4  }
0x79d: {  	v47 =	vshrl.u32 @!p4 v43, $0x3  }
0x79e: {  	v47 =	vmul.u32 @!p4 $0x30, v47  }
0x79f: {  	v43 =	vand.u32 @!p4 $0x7, v43  }
0x7a0: {  	v43 =	vor.u32 @!p4 v43, v47  }
0x7a1: {  	v44 =	vperm.xlane @!p4 v43, v44;
	_ =	sdelay $0x1  }
0x7a2: {  	v44 =	vadd.s32 @!p4 v46, v44;
	_ =	sdelay $0x3  }
0x7a3: {  	s17 =	simm.s32 @!p4 $0x4780;
	v43 =	vperm.xlane @!p4 v43, v45  }
0x7a4: {  	[hbm4b:s2+s16] =	stream.indirect_vreg.scatter @!p4 [tilespmem:s17], [sflag:$0x2], $0x80, v44, vm1, $0xb8;
	[tilespmem:$0xD780] =	vst v63  }
0x7a5: {  	v43 =	vadd.s32 @!p4 v46, v43;
	s17 =	simm.s32 @!p4 $0x4F80  }
0x7a6: {  	[hbm4b:s7+s16] =	stream.indirect_vreg.scatter @!p4 [tilespmem:s17], [sflag:$0x2], $0x80, v44, vm1, $0xb8;
	[tilespmem:$0xD780] =	vst v63  }
0x7a7: {  	s17 =	simm.s32 @!p4 $0x5780  }
0x7a8: {  	[hbm4b:s8+s16] =	stream.indirect_vreg.scatter @!p4 [tilespmem:s17], [sflag:$0x2], $0x80, v44, vm1, $0xb8;
	[tilespmem:$0xD780] =	vst v63  }
0x7a9: {  	s17 =	simm.s32 @!p4 $0x5F80  }
0x7aa: {  	[hbm4b:s2+s16] =	stream.indirect_vreg.scatter @!p4 [tilespmem:s17], [sflag:$0x2], $0x80, v43, vm1, $0xb8;
	[tilespmem:$0xD780] =	vst v63  }
0x7ab: {  	s17 =	simm.s32 @!p4 $0x6780  }
0x7ac: {  	[hbm4b:s7+s16] =	stream.indirect_vreg.scatter @!p4 [tilespmem:s17], [sflag:$0x2], $0x80, v43, vm1, $0xb8;
	[tilespmem:$0xD780] =	vst v63  }
0x7ad: {  	p2 =	slt.u32 s15, $0x1E0;
	s17 =	simm.s32 @!p4 $0x6F80  }
0x7ae: {  	[hbm4b:s8+s16] =	stream.indirect_vreg.scatter @!p4 [tilespmem:s17], [sflag:$0x2], $0x80, v43, vm1, $0xb8;
	[tilespmem:$0xD780] =	vst v63  }
0x7af: {  	v43 =	vld @!p2 [tilespmem:$0x1680];
	_ =	sdelay $0x4  }
0x7b0: {  	v44 =	vshrl.u32 @!p2 v43, $0x3  }
0x7b1: {  	v44 =	vmul.u32 @!p2 $0x30, v44  }
0x7b2: {  	v45 =	vlaneseq.u32 @!p2;
	v43 =	vand.u32 @!p2 $0x7, v43  }
0x7b3: {  	v46 =	vshrl.u32 @!p2 v45, $0x3;
	v43 =	vor.u32 @!p2 v43, v44;
	v44 =	vand.u32 @!p2 $0x7, v45  }
0x7b4: {  	v46 =	vmul.u32 @!p2 $0x8, v46;
	v47 =	vperm.xlane @!p2 v43, v44;
	_ =	sdelay $0x1  }
0x7b5: {  	v47 =	vadd.s32 @!p2 v46, v47;
	_ =	sdelay $0x2  }
0x7b6: {  	v45 =	vor.u32 @!p2 $0x8, v45  }
0x7b7: {  	vm1 =	vmmov @!p2 $0xffff;
	s16 =	simm.s32 @!p2 $0x0;
	s17 =	simm.s32 @!p2 $0x7780;
	v43 =	vperm.xlane @!p2 v43, v45  }
0x7b8: {  	[hbm4b:s2+s16] =	stream.indirect_vreg.scatter @!p2 [tilespmem:s17], [sflag:$0x3], $0x80, v47, vm1, $0xb8;
	[tilespmem:$0xD780] =	vst v63  }
0x7b9: {  	v43 =	vadd.s32 @!p2 v46, v43;
	s17 =	simm.s32 @!p2 $0x7F80  }
0x7ba: {  	[hbm4b:s7+s16] =	stream.indirect_vreg.scatter @!p2 [tilespmem:s17], [sflag:$0x3], $0x80, v47, vm1, $0xb8;
	[tilespmem:$0xD780] =	vst v63  }
0x7bb: {  	s17 =	simm.s32 @!p2 $0x8780  }
0x7bc: {  	[hbm4b:s8+s16] =	stream.indirect_vreg.scatter @!p2 [tilespmem:s17], [sflag:$0x3], $0x80, v47, vm1, $0xb8;
	[tilespmem:$0xD780] =	vst v63  }
0x7bd: {  	s17 =	simm.s32 @!p2 $0x8F80  }
0x7be: {  	[hbm4b:s2+s16] =	stream.indirect_vreg.scatter @!p2 [tilespmem:s17], [sflag:$0x3], $0x80, v43, vm1, $0xb8;
	[tilespmem:$0xD780] =	vst v63  }
0x7bf: {  	s17 =	simm.s32 @!p2 $0x9780  }
0x7c0: {  	[hbm4b:s7+s16] =	stream.indirect_vreg.scatter @!p2 [tilespmem:s17], [sflag:$0x3], $0x80, v43, vm1, $0xb8;
	[tilespmem:$0xD780] =	vst v63  }
0x7c1: {  	s17 =	simm.s32 @!p2 $0x9F80  }
0x7c2: {  	[hbm4b:s8+s16] =	stream.indirect_vreg.scatter @!p2 [tilespmem:s17], [sflag:$0x3], $0x80, v43, vm1, $0xb8;
	[tilespmem:$0xD780] =	vst v63  }
0x7c3: {  	v43 =	vld @!p2 [tilespmem:$0x1690];
	_ =	sdelay $0x4  }
0x7c4: {  	v47 =	vshrl.u32 @!p2 v43, $0x3  }
0x7c5: {  	v47 =	vmul.u32 @!p2 $0x30, v47  }
0x7c6: {  	v43 =	vand.u32 @!p2 $0x7, v43  }
0x7c7: {  	v43 =	vor.u32 @!p2 v43, v47  }
0x7c8: {  	v44 =	vperm.xlane @!p2 v43, v44;
	_ =	sdelay $0x1  }
0x7c9: {  	v44 =	vadd.s32 @!p2 v46, v44;
	_ =	sdelay $0x3  }
0x7ca: {  	s17 =	simm.s32 @!p2 $0xA780;
	v43 =	vperm.xlane @!p2 v43, v45  }
0x7cb: {  	[hbm4b:s2+s16] =	stream.indirect_vreg.scatter @!p2 [tilespmem:s17], [sflag:$0x3], $0x80, v44, vm1, $0xb8;
	[tilespmem:$0xD780] =	vst v63  }
0x7cc: {  	v43 =	vadd.s32 @!p2 v46, v43;
	s17 =	simm.s32 @!p2 $0xAF80  }
0x7cd: {  	[hbm4b:s7+s16] =	stream.indirect_vreg.scatter @!p2 [tilespmem:s17], [sflag:$0x3], $0x80, v44, vm1, $0xb8;
	[tilespmem:$0xD780] =	vst v63  }
0x7ce: {  	s17 =	simm.s32 @!p2 $0xB780  }
0x7cf: {  	[hbm4b:s8+s16] =	stream.indirect_vreg.scatter @!p2 [tilespmem:s17], [sflag:$0x3], $0x80, v44, vm1, $0xb8;
	[tilespmem:$0xD780] =	vst v63  }
0x7d0: {  	s17 =	simm.s32 @!p2 $0xBF80  }
0x7d1: {  	[hbm4b:s2+s16] =	stream.indirect_vreg.scatter @!p2 [tilespmem:s17], [sflag:$0x3], $0x80, v43, vm1, $0xb8;
	[tilespmem:$0xD780] =	vst v63  }
0x7d2: {  	s17 =	simm.s32 @!p2 $0xC780  }
0x7d3: {  	[hbm4b:s7+s16] =	stream.indirect_vreg.scatter @!p2 [tilespmem:s17], [sflag:$0x3], $0x80, v43, vm1, $0xb8;
	[tilespmem:$0xD780] =	vst v63  }
0x7d4: {  	p1 =	slt.u32 s21, $0x200;
	s17 =	simm.s32 @!p2 $0xCF80  }
0x7d5: {  	[hbm4b:s8+s16] =	stream.indirect_vreg.scatter @!p2 [tilespmem:s17], [sflag:$0x3], $0x80, v43, vm1, $0xb8;
	[tilespmem:$0xD780] =	vst v63  }
0x7d6: {  	v43 =	vld @!p1 [tilespmem:$0xF00];
	_ =	sdelay $0x4  }
0x7d7: {  	v44 =	vshrl.u32 @!p1 v43, $0x3  }
0x7d8: {  	v44 =	vmul.u32 @!p1 $0x30, v44  }
0x7d9: {  	v45 =	vlaneseq.u32 @!p1;
	v43 =	vand.u32 @!p1 $0x7, v43  }
0x7da: {  	v46 =	vshrl.u32 @!p1 v45, $0x3;
	v43 =	vor.u32 @!p1 v43, v44;
	v44 =	vand.u32 @!p1 $0x7, v45  }
0x7db: {  	v46 =	vmul.u32 @!p1 $0x8, v46;
	v47 =	vperm.xlane @!p1 v43, v44;
	_ =	sdelay $0x1  }
0x7dc: {  	v47 =	vadd.s32 @!p1 v46, v47;
	_ =	sdelay $0x2  }
0x7dd: {  	v45 =	vor.u32 @!p1 $0x8, v45  }
0x7de: {  	s14 =	simm.s32 @!p1 $0x0;
	vm1 =	vmmov @!p1 $0xffff;
	s16 =	simm.s32 @!p1 $0x1780;
	v43 =	vperm.xlane @!p1 v43, v45  }
0x7df: {  	[hbm4b:s2+s14] =	stream.indirect_vreg.scatter @!p1 [tilespmem:s16], [sflag:$0x2], $0x80, v47, vm1, $0xb8;
	[tilespmem:$0xD780] =	vst v63  }
0x7e0: {  	v43 =	vadd.s32 @!p1 v46, v43;
	s16 =	simm.s32 @!p1 $0x1F80  }
0x7e1: {  	[hbm4b:s7+s14] =	stream.indirect_vreg.scatter @!p1 [tilespmem:s16], [sflag:$0x2], $0x80, v47, vm1, $0xb8;
	[tilespmem:$0xD780] =	vst v63  }
0x7e2: {  	s16 =	simm.s32 @!p1 $0x2780  }
0x7e3: {  	[hbm4b:s8+s14] =	stream.indirect_vreg.scatter @!p1 [tilespmem:s16], [sflag:$0x2], $0x80, v47, vm1, $0xb8;
	[tilespmem:$0xD780] =	vst v63  }
0x7e4: {  	s16 =	simm.s32 @!p1 $0x2F80  }
0x7e5: {  	[hbm4b:s2+s14] =	stream.indirect_vreg.scatter @!p1 [tilespmem:s16], [sflag:$0x2], $0x80, v43, vm1, $0xb8;
	[tilespmem:$0xD780] =	vst v63  }
0x7e6: {  	s16 =	simm.s32 @!p1 $0x3780  }
0x7e7: {  	[hbm4b:s7+s14] =	stream.indirect_vreg.scatter @!p1 [tilespmem:s16], [sflag:$0x2], $0x80, v43, vm1, $0xb8;
	[tilespmem:$0xD780] =	vst v63  }
0x7e8: {  	s16 =	simm.s32 @!p1 $0x3F80  }
0x7e9: {  	[hbm4b:s8+s14] =	stream.indirect_vreg.scatter @!p1 [tilespmem:s16], [sflag:$0x2], $0x80, v43, vm1, $0xb8;
	[tilespmem:$0xD780] =	vst v63  }
0x7ea: {  	v43 =	vld @!p1 [tilespmem:$0xF10];
	_ =	sdelay $0x4  }
0x7eb: {  	v47 =	vshrl.u32 @!p1 v43, $0x3  }
0x7ec: {  	v47 =	vmul.u32 @!p1 $0x30, v47  }
0x7ed: {  	v43 =	vand.u32 @!p1 $0x7, v43  }
0x7ee: {  	v43 =	vor.u32 @!p1 v43, v47  }
0x7ef: {  	v44 =	vperm.xlane @!p1 v43, v44;
	_ =	sdelay $0x1  }
0x7f0: {  	v44 =	vadd.s32 @!p1 v46, v44;
	_ =	sdelay $0x3  }
0x7f1: {  	s16 =	simm.s32 @!p1 $0x4780;
	v43 =	vperm.xlane @!p1 v43, v45  }
0x7f2: {  	[hbm4b:s2+s14] =	stream.indirect_vreg.scatter @!p1 [tilespmem:s16], [sflag:$0x2], $0x80, v44, vm1, $0xb8;
	[tilespmem:$0xD780] =	vst v63  }
0x7f3: {  	v43 =	vadd.s32 @!p1 v46, v43;
	s16 =	simm.s32 @!p1 $0x4F80  }
0x7f4: {  	[hbm4b:s7+s14] =	stream.indirect_vreg.scatter @!p1 [tilespmem:s16], [sflag:$0x2], $0x80, v44, vm1, $0xb8;
	[tilespmem:$0xD780] =	vst v63  }
0x7f5: {  	s16 =	simm.s32 @!p1 $0x5780  }
0x7f6: {  	[hbm4b:s8+s14] =	stream.indirect_vreg.scatter @!p1 [tilespmem:s16], [sflag:$0x2], $0x80, v44, vm1, $0xb8;
	[tilespmem:$0xD780] =	vst v63  }
0x7f7: {  	s16 =	simm.s32 @!p1 $0x5F80  }
0x7f8: {  	[hbm4b:s2+s14] =	stream.indirect_vreg.scatter @!p1 [tilespmem:s16], [sflag:$0x2], $0x80, v43, vm1, $0xb8;
	[tilespmem:$0xD780] =	vst v63  }
0x7f9: {  	s16 =	simm.s32 @!p1 $0x6780  }
0x7fa: {  	[hbm4b:s7+s14] =	stream.indirect_vreg.scatter @!p1 [tilespmem:s16], [sflag:$0x2], $0x80, v43, vm1, $0xb8;
	[tilespmem:$0xD780] =	vst v63  }
0x7fb: {  	p0 =	slt.u32 s15, $0x200;
	s16 =	simm.s32 @!p1 $0x6F80  }
0x7fc: {  	[hbm4b:s8+s14] =	stream.indirect_vreg.scatter @!p1 [tilespmem:s16], [sflag:$0x2], $0x80, v43, vm1, $0xb8;
	[tilespmem:$0xD780] =	vst v63  }
0x7fd: {  	v43 =	vld @!p0 [tilespmem:$0x1700];
	_ =	sdelay $0x4  }
0x7fe: {  	v44 =	vshrl.u32 @!p0 v43, $0x3  }
0x7ff: {  	v44 =	vmul.u32 @!p0 $0x30, v44  }
0x800: {  	v45 =	vlaneseq.u32 @!p0;
	v43 =	vand.u32 @!p0 $0x7, v43  }
0x801: {  	v46 =	vshrl.u32 @!p0 v45, $0x3;
	v43 =	vor.u32 @!p0 v43, v44;
	v44 =	vand.u32 @!p0 $0x7, v45  }
0x802: {  	v46 =	vmul.u32 @!p0 $0x8, v46;
	v47 =	vperm.xlane @!p0 v43, v44;
	_ =	sdelay $0x1  }
0x803: {  	v47 =	vadd.s32 @!p0 v46, v47;
	_ =	sdelay $0x2  }
0x804: {  	v45 =	vor.u32 @!p0 $0x8, v45  }
0x805: {  	s15 =	simm.s32 @!p0 $0x7780;
	vm1 =	vmmov @!p0 $0xffff;
	s14 =	simm.s32 @!p0 $0x0;
	v43 =	vperm.xlane @!p0 v43, v45  }
0x806: {  	[hbm4b:s2+s14] =	stream.indirect_vreg.scatter @!p0 [tilespmem:s15], [sflag:$0x3], $0x80, v47, vm1, $0xb8;
	[tilespmem:$0xD780] =	vst v63  }
0x807: {  	v43 =	vadd.s32 @!p0 v46, v43;
	s15 =	simm.s32 @!p0 $0x7F80  }
0x808: {  	[hbm4b:s7+s14] =	stream.indirect_vreg.scatter @!p0 [tilespmem:s15], [sflag:$0x3], $0x80, v47, vm1, $0xb8;
	[tilespmem:$0xD780] =	vst v63  }
0x809: {  	s15 =	simm.s32 @!p0 $0x8780  }
0x80a: {  	[hbm4b:s8+s14] =	stream.indirect_vreg.scatter @!p0 [tilespmem:s15], [sflag:$0x3], $0x80, v47, vm1, $0xb8;
	[tilespmem:$0xD780] =	vst v63  }
0x80b: {  	s15 =	simm.s32 @!p0 $0x8F80  }
0x80c: {  	[hbm4b:s2+s14] =	stream.indirect_vreg.scatter @!p0 [tilespmem:s15], [sflag:$0x3], $0x80, v43, vm1, $0xb8;
	[tilespmem:$0xD780] =	vst v63  }
0x80d: {  	s15 =	simm.s32 @!p0 $0x9780  }
0x80e: {  	[hbm4b:s7+s14] =	stream.indirect_vreg.scatter @!p0 [tilespmem:s15], [sflag:$0x3], $0x80, v43, vm1, $0xb8;
	[tilespmem:$0xD780] =	vst v63  }
0x80f: {  	s15 =	simm.s32 @!p0 $0x9F80  }
0x810: {  	[hbm4b:s8+s14] =	stream.indirect_vreg.scatter @!p0 [tilespmem:s15], [sflag:$0x3], $0x80, v43, vm1, $0xb8;
	[tilespmem:$0xD780] =	vst v63  }
0x811: {  	v43 =	vld @!p0 [tilespmem:$0x1710];
	_ =	sdelay $0x4  }
0x812: {  	v47 =	vshrl.u32 @!p0 v43, $0x3  }
0x813: {  	v47 =	vmul.u32 @!p0 $0x30, v47  }
0x814: {  	v43 =	vand.u32 @!p0 $0x7, v43  }
0x815: {  	v43 =	vor.u32 @!p0 v43, v47  }
0x816: {  	v44 =	vperm.xlane @!p0 v43, v44;
	_ =	sdelay $0x1  }
0x817: {  	v44 =	vadd.s32 @!p0 v46, v44;
	_ =	sdelay $0x3  }
0x818: {  	s15 =	simm.s32 @!p0 $0xA780;
	v43 =	vperm.xlane @!p0 v43, v45  }
0x819: {  	[hbm4b:s2+s14] =	stream.indirect_vreg.scatter @!p0 [tilespmem:s15], [sflag:$0x3], $0x80, v44, vm1, $0xb8;
	[tilespmem:$0xD780] =	vst v63  }
0x81a: {  	v43 =	vadd.s32 @!p0 v46, v43;
	s15 =	simm.s32 @!p0 $0xAF80  }
0x81b: {  	[hbm4b:s7+s14] =	stream.indirect_vreg.scatter @!p0 [tilespmem:s15], [sflag:$0x3], $0x80, v44, vm1, $0xb8;
	[tilespmem:$0xD780] =	vst v63  }
0x81c: {  	s15 =	simm.s32 @!p0 $0xB780  }
0x81d: {  	[hbm4b:s8+s14] =	stream.indirect_vreg.scatter @!p0 [tilespmem:s15], [sflag:$0x3], $0x80, v44, vm1, $0xb8;
	[tilespmem:$0xD780] =	vst v63  }
0x81e: {  	s15 =	simm.s32 @!p0 $0xBF80  }
0x81f: {  	[hbm4b:s2+s14] =	stream.indirect_vreg.scatter @!p0 [tilespmem:s15], [sflag:$0x3], $0x80, v43, vm1, $0xb8;
	[tilespmem:$0xD780] =	vst v63  }
0x820: {  	s15 =	simm.s32 @!p0 $0xC780  }
0x821: {  	[hbm4b:s7+s14] =	stream.indirect_vreg.scatter @!p0 [tilespmem:s15], [sflag:$0x3], $0x80, v43, vm1, $0xb8;
	[tilespmem:$0xD780] =	vst v63  }
0x822: {  	s15 =	simm.s32 @!p0 $0xCF80  }
0x823: {  	[hbm4b:s8+s14] =	stream.indirect_vreg.scatter @!p0 [tilespmem:s15], [sflag:$0x3], $0x80, v43, vm1, $0xb8;
	[tilespmem:$0xD780] =	vst v63  }
0x824: {  	s14 =	simm.s32 @!p3 $0x2  }
0x825: {  	_ =	swait.ge @!p3 [sflag:s14], $0x6000  }
0x826: {  	s22 =	sld [smem:$0x7E5];
	_ =	sdelay $0x1  }
0x827: {  	[sflag:s14] =	ssyncset.done @!p3 $0x0  }
0x828: {  	[sflag:s14] =	ssyncadd.s32 @!p3 $0xFFFFA000;
	p3 =	seq.s32 s22, $0x1  }
0x829: {  	s14 =	simm.s32 @!p3 $0x3  }
0x82a: {  	_ =	swait.ge @!p3 [sflag:s14], $0x6000  }
0x82b: {  	s23 =	sld [smem:$0x7E6];
	_ =	sdelay $0x1  }
0x82c: {  	[sflag:s14] =	ssyncset.done @!p3 $0x0  }
0x82d: {  	[sflag:s14] =	ssyncadd.s32 @!p3 $0xFFFFA000;
	p3 =	seq.s32 s23, $0x1  }
0x82e: {  	s14 =	simm.s32 @!p3 $0x2  }
0x82f: {  	_ =	swait.ge @!p3 [sflag:s14], $0x6000  }
0x830: {  	s24 =	sld [smem:$0x7E7];
	_ =	sdelay $0x1  }
0x831: {  	[sflag:s14] =	ssyncset.done @!p3 $0x0  }
0x832: {  	[sflag:s14] =	ssyncadd.s32 @!p3 $0xFFFFA000;
	p3 =	seq.s32 s24, $0x1  }
0x833: {  	s14 =	simm.s32 @!p3 $0x3  }
0x834: {  	_ =	swait.ge @!p3 [sflag:s14], $0x6000  }
0x835: {  	s25 =	sld [smem:$0x7E8];
	_ =	sdelay $0x1  }
0x836: {  	[sflag:s14] =	ssyncset.done @!p3 $0x0  }
0x837: {  	[sflag:s14] =	ssyncadd.s32 @!p3 $0xFFFFA000;
	p3 =	seq.s32 s25, $0x1  }
0x838: {  	s14 =	simm.s32 @!p3 $0x2  }
0x839: {  	_ =	swait.ge @!p3 [sflag:s14], $0x6000  }
0x83a: {  	s26 =	sld [smem:$0x7E9];
	_ =	sdelay $0x1  }
0x83b: {  	[sflag:s14] =	ssyncset.done @!p3 $0x0  }
0x83c: {  	[sflag:s14] =	ssyncadd.s32 @!p3 $0xFFFFA000;
	p3 =	seq.s32 s26, $0x1  }
0x83d: {  	s14 =	simm.s32 @!p3 $0x3  }
0x83e: {  	_ =	swait.ge @!p3 [sflag:s14], $0x6000  }
0x83f: {  	s28 =	sld [smem:$0x7EA];
	_ =	sdelay $0x1  }
0x840: {  	[sflag:s14] =	ssyncset.done @!p3 $0x0  }
0x841: {  	[sflag:s14] =	ssyncadd.s32 @!p3 $0xFFFFA000;
	p3 =	seq.s32 s28, $0x1  }
0x842: {  	s14 =	simm.s32 @!p3 $0x2  }
0x843: {  	_ =	swait.ge @!p3 [sflag:s14], $0x6000  }
0x844: {  	s29 =	sld [smem:$0x7EB];
	_ =	sdelay $0x1  }
0x845: {  	[sflag:s14] =	ssyncset.done @!p3 $0x0  }
0x846: {  	[sflag:s14] =	ssyncadd.s32 @!p3 $0xFFFFA000;
	p3 =	seq.s32 s29, $0x1  }
0x847: {  	s14 =	simm.s32 @!p3 $0x3  }
0x848: {  	_ =	swait.ge @!p3 [sflag:s14], $0x6000  }
0x849: {  	s30 =	sld [smem:$0x7EC];
	_ =	sdelay $0x1  }
0x84a: {  	[sflag:s14] =	ssyncset.done @!p3 $0x0  }
0x84b: {  	[sflag:s14] =	ssyncadd.s32 @!p3 $0xFFFFA000;
	p3 =	seq.s32 s30, $0x1  }
0x84c: {  	s14 =	simm.s32 @!p3 $0x2  }
0x84d: {  	_ =	swait.ge @!p3 [sflag:s14], $0x6000  }
0x84e: {  	s31 =	sld [smem:$0x7ED];
	_ =	sdelay $0x1  }
0x84f: {  	[sflag:s14] =	ssyncset.done @!p3 $0x0  }
0x850: {  	[sflag:s14] =	ssyncadd.s32 @!p3 $0xFFFFA000;
	p3 =	seq.s32 s31, $0x1  }
0x851: {  	s14 =	simm.s32 @!p3 $0x3  }
0x852: {  	_ =	swait.ge @!p3 [sflag:s14], $0x6000  }
0x853: {  	s15 =	sld [smem:$0x7EE];
	_ =	sdelay $0x1  }
0x854: {  	[sflag:s14] =	ssyncset.done @!p3 $0x0  }
0x855: {  	[sflag:s14] =	ssyncadd.s32 @!p3 $0xFFFFA000;
	p3 =	seq.s32 s15, $0x1  }
0x856: {  	s14 =	simm.s32 @!p3 $0x2  }
0x857: {  	_ =	swait.ge @!p3 [sflag:s14], $0x6000  }
0x858: {  	s16 =	sld [smem:$0x7EF];
	_ =	sdelay $0x1  }
0x859: {  	[sflag:s14] =	ssyncset.done @!p3 $0x0  }
0x85a: {  	[sflag:s14] =	ssyncadd.s32 @!p3 $0xFFFFA000;
	p3 =	seq.s32 s16, $0x1  }
0x85b: {  	s14 =	simm.s32 @!p3 $0x3  }
0x85c: {  	_ =	swait.ge @!p3 [sflag:s14], $0x6000  }
0x85d: {  	s17 =	sld [smem:$0x7F0];
	_ =	sdelay $0x1  }
0x85e: {  	[sflag:s14] =	ssyncset.done @!p3 $0x0  }
0x85f: {  	[sflag:s14] =	ssyncadd.s32 @!p3 $0xFFFFA000;
	p3 =	seq.s32 s17, $0x1  }
0x860: {  	s14 =	simm.s32 @!p3 $0x2  }
0x861: {  	_ =	swait.ge @!p3 [sflag:s14], $0x6000  }
0x862: {  	s18 =	sld [smem:$0x7F1];
	_ =	sdelay $0x1  }
0x863: {  	[sflag:s14] =	ssyncset.done @!p3 $0x0  }
0x864: {  	[sflag:s14] =	ssyncadd.s32 @!p3 $0xFFFFA000;
	p3 =	seq.s32 s18, $0x1  }
0x865: {  	s14 =	simm.s32 @!p3 $0x3  }
0x866: {  	_ =	swait.ge @!p3 [sflag:s14], $0x6000  }
0x867: {  	s19 =	sld [smem:$0x7F2];
	_ =	sdelay $0x1  }
0x868: {  	[sflag:s14] =	ssyncset.done @!p3 $0x0  }
0x869: {  	[sflag:s14] =	ssyncadd.s32 @!p3 $0xFFFFA000;
	p3 =	seq.s32 s19, $0x1  }
0x86a: {  	s14 =	simm.s32 @!p3 $0x2  }
0x86b: {  	_ =	swait.ge @!p3 [sflag:s14], $0x6000  }
0x86c: {  	s20 =	sld [smem:$0x7F3];
	_ =	sdelay $0x1  }
0x86d: {  	[sflag:s14] =	ssyncset.done @!p3 $0x0  }
0x86e: {  	[sflag:s14] =	ssyncadd.s32 @!p3 $0xFFFFA000;
	p3 =	seq.s32 s20, $0x1  }
0x86f: {  	s14 =	simm.s32 @!p3 $0x3  }
0x870: {  	_ =	swait.ge @!p3 [sflag:s14], $0x6000  }
0x871: {  	s21 =	sld [smem:$0x7F4];
	_ =	sdelay $0x1  }
0x872: {  	[sflag:s14] =	ssyncset.done @!p3 $0x0  }
0x873: {  	[sflag:s14] =	ssyncadd.s32 @!p3 $0xFFFFA000;
	p3 =	seq.s32 s21, $0x1  }
0x874: {  	s14 =	simm.s32 @!p3 $0x2  }
0x875: {  	_ =	swait.ge @!p3 [sflag:s14], $0x6000  }
0x876: {  	s22 =	sld [smem:$0x7F5];
	_ =	sdelay $0x1  }
0x877: {  	[sflag:s14] =	ssyncset.done @!p3 $0x0  }
0x878: {  	[sflag:s14] =	ssyncadd.s32 @!p3 $0xFFFFA000;
	p3 =	seq.s32 s22, $0x1  }
0x879: {  	s14 =	simm.s32 @!p3 $0x3  }
0x87a: {  	_ =	swait.ge @!p3 [sflag:s14], $0x6000  }
0x87b: {  	s23 =	sld [smem:$0x7F6];
	_ =	sdelay $0x1  }
0x87c: {  	[sflag:s14] =	ssyncset.done @!p3 $0x0  }
0x87d: {  	[sflag:s14] =	ssyncadd.s32 @!p3 $0xFFFFA000;
	p3 =	seq.s32 s23, $0x1  }
0x87e: {  	s14 =	simm.s32 @!p3 $0x2  }
0x87f: {  	_ =	swait.ge @!p3 [sflag:s14], $0x6000  }
0x880: {  	s24 =	sld [smem:$0x7F7];
	_ =	sdelay $0x1  }
0x881: {  	[sflag:s14] =	ssyncset.done @!p3 $0x0  }
0x882: {  	[sflag:s14] =	ssyncadd.s32 @!p3 $0xFFFFA000;
	p3 =	seq.s32 s24, $0x1  }
0x883: {  	s14 =	simm.s32 @!p3 $0x3  }
0x884: {  	_ =	swait.ge @!p3 [sflag:s14], $0x6000  }
0x885: {  	s25 =	sld [smem:$0x7F8];
	_ =	sdelay $0x1  }
0x886: {  	[sflag:s14] =	ssyncset.done @!p3 $0x0  }
0x887: {  	[sflag:s14] =	ssyncadd.s32 @!p3 $0xFFFFA000;
	p3 =	seq.s32 s25, $0x1  }
0x888: {  	s14 =	simm.s32 @!p3 $0x2  }
0x889: {  	_ =	swait.ge @!p3 [sflag:s14], $0x6000  }
0x88a: {  	s26 =	sld [smem:$0x7F9];
	_ =	sdelay $0x1  }
0x88b: {  	[sflag:s14] =	ssyncset.done @!p3 $0x0  }
0x88c: {  	[sflag:s14] =	ssyncadd.s32 @!p3 $0xFFFFA000;
	p3 =	seq.s32 s26, $0x1  }
0x88d: {  	s14 =	simm.s32 @!p3 $0x3  }
0x88e: {  	_ =	swait.ge @!p3 [sflag:s14], $0x6000  }
0x88f: {  	s28 =	sld [smem:$0x7FA];
	_ =	sdelay $0x1  }
0x890: {  	[sflag:s14] =	ssyncset.done @!p3 $0x0  }
0x891: {  	[sflag:s14] =	ssyncadd.s32 @!p3 $0xFFFFA000;
	p3 =	seq.s32 s28, $0x1  }
0x892: {  	s14 =	simm.s32 @!p3 $0x2  }
0x893: {  	_ =	swait.ge @!p3 [sflag:s14], $0x6000  }
0x894: {  	s29 =	sld [smem:$0x7FB];
	_ =	sdelay $0x1  }
0x895: {  	[sflag:s14] =	ssyncset.done @!p3 $0x0  }
0x896: {  	[sflag:s14] =	ssyncadd.s32 @!p3 $0xFFFFA000;
	p3 =	seq.s32 s29, $0x1  }
0x897: {  	s14 =	simm.s32 @!p3 $0x3  }
0x898: {  	_ =	swait.ge @!p3 [sflag:s14], $0x6000  }
0x899: {  	s30 =	sld [smem:$0x7FC];
	_ =	sdelay $0x1  }
0x89a: {  	[sflag:s14] =	ssyncset.done @!p3 $0x0  }
0x89b: {  	[sflag:s14] =	ssyncadd.s32 @!p3 $0xFFFFA000;
	p3 =	seq.s32 s30, $0x1  }
0x89c: {  	s14 =	simm.s32 @!p3 $0x2  }
0x89d: {  	_ =	swait.ge @!p3 [sflag:s14], $0x6000  }
0x89e: {  	s31 =	sld [smem:$0x7FD];
	_ =	sdelay $0x1  }
0x89f: {  	[sflag:s14] =	ssyncset.done @!p3 $0x0  }
0x8a0: {  	[sflag:s14] =	ssyncadd.s32 @!p3 $0xFFFFA000;
	p3 =	seq.s32 s31, $0x1  }
0x8a1: {  	s14 =	simm.s32 @!p3 $0x3  }
0x8a2: {  	_ =	swait.ge @!p3 [sflag:s14], $0x6000  }
0x8a3: {  	[sflag:s14] =	ssyncset.done @!p3 $0x0  }
0x8a4: {  	[sflag:s14] =	ssyncadd.s32 @!p3 $0xFFFFA000;
	s14 =	simm.s32 @!p6 $0x2  }
0x8a5: {  	_ =	swait.ge @!p6 [sflag:s14], $0x6000  }
0x8a6: {  	[sflag:s14] =	ssyncset.done @!p6 $0x0  }
0x8a7: {  	[sflag:s14] =	ssyncadd.s32 @!p6 $0xFFFFA000;
	s14 =	simm.s32 @!p5 $0x3  }
0x8a8: {  	_ =	swait.ge @!p5 [sflag:s14], $0x6000  }
0x8a9: {  	[sflag:s14] =	ssyncset.done @!p5 $0x0  }
0x8aa: {  	[sflag:s14] =	ssyncadd.s32 @!p5 $0xFFFFA000;
	s14 =	simm.s32 @!p4 $0x2  }
0x8ab: {  	_ =	swait.ge @!p4 [sflag:s14], $0x6000  }
0x8ac: {  	[sflag:s14] =	ssyncset.done @!p4 $0x0  }
0x8ad: {  	[sflag:s14] =	ssyncadd.s32 @!p4 $0xFFFFA000;
	s14 =	simm.s32 @!p2 $0x3  }
0x8ae: {  	_ =	swait.ge @!p2 [sflag:s14], $0x6000  }
0x8af: {  	[sflag:s14] =	ssyncset.done @!p2 $0x0  }
0x8b0: {  	[sflag:s14] =	ssyncadd.s32 @!p2 $0xFFFFA000;
	s14 =	simm.s32 @!p1 $0x2  }
0x8b1: {  	_ =	swait.ge @!p1 [sflag:s14], $0x6000  }
0x8b2: {  	s9 =	sadd.s32 $0xFFFFFFFF, s9;
	[sflag:s14] =	ssyncset.done @!p1 $0x0  }
0x8b3: {  	[sflag:s14] =	ssyncadd.s32 @!p1 $0xFFFFA000;
	p1 =	sne.s32 s9, $0x0  }
.Ltmp0:
0x8b4: {  	_ = 	snop;
	(pc) =	sbr.rel @p1 .LBB2_1-.Ltmp0, $4  }
0x8b5: {  	s14 =	simm.s32 @!p0 $0x3  }
0x8b6: {  	_ =	swait.ge @!p0 [sflag:s14], $0x6000  }
0x8b7: {  	[sflag:s14] =	ssyncset.done @!p0 $0x0  }
0x8b8: {  	[sflag:s14] =	ssyncadd.s32 @!p0 $0xFFFFA000  }
0x8b9: {  	_ =	sfence.sel $0x180000  }
0x8ba: {  	[bflag:$0x0] =	sbarrier.arrive $0xFFFF  }
0x8bb: {  	p0 =	sne.s32 s1, $0x0;
	_ =	strace $0x90000047  }
0x8bc: {  	s0 =	sadd.s32 @!p0 $0x100000, s0;
	[bflag:$0x2] =	sbarrier.arrive $0xFFFF  }
0x8bd: {  	[sflag:s0] =	ssyncadd.tile.s32 @!p0 $0x1;
	_ =	shalt  }
.Lfunc_end2:
_tile_overlayer_lowered:
.L_overlay_start_2:
0x8be: {  	(tag) =	ssettag $0x2  }
0x8bf: {  	s0 =	rddreg [dreg:$0x0];
	s2 =	stileid.u32  }
0x8c0: {  	s1 =	rddreg [dreg:$0x1];
	p0 =	sne.s32 s2, $0x0  }
0x8c1: {  	s3 =	rddreg [dreg:$0x2];
	[bflag:$0x3] =	sbarrier.arrive $0xFFFF;
	s2 =	simm.s32 @!p0 $0x1C04  }
0x8c2: {  	[timem:s3], [sflag:s2] =	dma.local @!p0 [hbm:s0], s1  }
0x8c3: {  	s0 =	simm.s32 @!p0 $0x4  }
0x8c4: {  	_ =	swait.ge @!p0 [sflag:s0], s1  }
0x8c5: {  	s1 =	ssub.s32 @!p0 $0x0, s1;
	[sflag:s0] =	ssyncset.done @!p0 $0x0  }
0x8c6: {  	[sflag:s0] =	ssyncadd.s32 @!p0 s1  }
0x8c7: {  	[bflag:$0x3] =	sbarrier.arrive $0xFFFF  }
0x8c8: {  	_ =	shalt  }

</sc_bundles>
